<compile_context>
chip_gen: v7x
topology: tpu7x:2x2x1
jax: 0.10.2.dev20260603
libtpu: 0.0.44.dev20260713+nightly
codegen_flags: <defaults>
</compile_context>

<pallas_src>
import functools

import jax
import jax.numpy as jnp
import numpy as np
from jax import lax
from jax.experimental import pallas as pl
from jax.experimental.pallas import tpu as pltpu
from jax.experimental.pallas import tpu_sc as plsc

_B, _H, _W = 64, 512, 512
_HW = _H * _W
_SENSORS = 4096
_NTILES = 32
_ROWS = _H // _NTILES
_REGION = _ROWS * _W
_CHUNK = 128
_NCHUNK = 2
_P = _CHUNK * _NCHUNK
_G = 2
_NSTEP = _B // _G


def _threefry2x32(k1, k2, x0, x1):
    def rotl(x, d):
        return (x << np.uint32(d)) | (x >> np.uint32(32 - d))

    ks = [k1, k2, k1 ^ k2 ^ np.uint32(0x1BD11BDA)]
    rots = [(13, 15, 26, 6), (17, 29, 16, 24)]
    x = [x0 + ks[0], x1 + ks[1]]
    for i in range(5):
        for r in rots[i % 2]:
            x[0] = x[0] + x[1]
            x[1] = rotl(x[1], r) ^ x[0]
        x[0] = x[0] + ks[(i + 1) % 3]
        x[1] = x[1] + ks[(i + 2) % 3] + np.uint32(i + 1)
    return x[0], x[1]


def _np_permutation(seed, n):
    k = (np.uint32(np.int64(seed) >> 32), np.uint32(np.int64(seed) & 0xFFFFFFFF))
    x = np.arange(n, dtype=np.int32)
    num_rounds = int(np.ceil(3 * np.log(max(1, n)) / np.log(2**32 - 1)))
    for _ in range(num_rounds):
        b1, b2 = _threefry2x32(k[0], k[1], np.zeros(2, np.uint32),
                               np.arange(2, dtype=np.uint32))
        k, sub = (b1[0], b2[0]), (b1[1], b2[1])
        s1, s2 = _threefry2x32(sub[0], sub[1], np.zeros(n, np.uint32),
                               np.arange(n, dtype=np.uint32))
        x = x[np.argsort(s1 ^ s2, kind="stable")]
    return x


@functools.lru_cache(maxsize=None)
def _sensor_constants():
    dim_inds = _np_permutation(42, _HW)[:_SENSORS].astype(np.int64)

    d0 = (dim_inds // _W).astype(np.int32)
    d1 = (dim_inds % _W).astype(np.int32)
    idx_out = np.stack(
        [
            np.repeat(np.arange(_B, dtype=np.int32), _SENSORS),
            np.zeros(_B * _SENSORS, np.int32),
            np.tile(d0, _B),
            np.tile(d1, _B),
        ],
        axis=1,
    )

    loc_j = np.zeros((_NTILES, _NCHUNK, _CHUNK), np.int32)
    loc_k = np.zeros((_NTILES, _NCHUNK, _CHUNK), np.int32)
    pad_j = np.zeros((_NTILES, _NCHUNK, _CHUNK), np.int32)
    pad_k = np.zeros((_NTILES, _NCHUNK, _CHUNK), np.int32)
    for t in range(_NTILES):
        mine = dim_inds[dim_inds // _REGION == t]
        c = len(mine)
        assert 0 < c <= _P
        jj = np.full(_P, _ROWS, np.int32)
        kk = (np.arange(_P) % 16).astype(np.int32)
        gj = np.zeros(_P, np.int32)
        gk = (np.arange(_P) % 16).astype(np.int32)
        jj[:c] = (mine // _W) % _ROWS
        kk[:c] = mine % _W
        gj[:c] = jj[:c]
        gk[:c] = kk[:c]
        loc_j[t] = gj.reshape(_NCHUNK, _CHUNK)
        loc_k[t] = gk.reshape(_NCHUNK, _CHUNK)
        pad_j[t] = jj.reshape(_NCHUNK, _CHUNK)
        pad_k[t] = kk.reshape(_NCHUNK, _CHUNK)
    return idx_out, loc_j, loc_k, pad_j, pad_k


def _sc_body(data_hbm, lj_hbm, lk_hbm, sj_hbm, sk_hbm, zblk_hbm, out_hbm,
             lj_v, lk_v, sj_v, sk_v,
             rg0_v, rg1_v, blk0_v, blk1_v, rsem0, rsem1, wsem0, wsem1):
    wid = lax.axis_index("s") * 2 + lax.axis_index("c")
    h0 = wid * _ROWS
    pltpu.sync_copy(lj_hbm.at[wid], lj_v)
    pltpu.sync_copy(lk_hbm.at[wid], lk_v)
    pltpu.sync_copy(sj_hbm.at[wid], sj_v)
    pltpu.sync_copy(sk_hbm.at[wid], sk_v)
    for blk_v in (blk0_v, blk1_v):
        for g in range(_G):
            pltpu.sync_copy(zblk_hbm, blk_v.at[g])

    zero16 = jnp.zeros((16,), jnp.float32)
    rows = [jnp.full((16,), g, jnp.int32) for g in range(_G)]
    bufs = ((rg0_v, blk0_v, rsem0, wsem0), (rg1_v, blk1_v, rsem1, wsem1))

    def _read(rg_v, b0, sem):
        return pltpu.make_async_copy(
            data_hbm.at[pl.ds(b0, _G), pl.ds(h0, _ROWS), :], rg_v, sem)

    def _write(blk_v, b0, sem):
        return pltpu.make_async_copy(
            blk_v.at[:, pl.ds(0, _ROWS), :],
            out_hbm.at[pl.ds(b0, _G), pl.ds(h0, _ROWS), :], sem)

    for half, (rg_v, _, rsem, _) in enumerate(bufs):
        _read(rg_v, half * _G, rsem).start()

    def pair_body(m, carry):
        for half, (rg_v, blk_v, rsem, wsem) in enumerate(bufs):
            b0 = (2 * m + half) * _G

            @pl.when(m >= 1)
            def _():
                _write(blk_v, b0, wsem).wait()
                for g in range(_G):
                    for c in range(_NCHUNK):
                        for k in range(_CHUNK // 16):
                            sl = pl.ds(k * 16, 16)
                            plsc.store_scatter(
                                blk_v, [rows[g], sj_v[c, sl], sk_v[c, sl]],
                                zero16)

            _read(rg_v, b0, rsem).wait()
            for g in range(_G):
                for c in range(_NCHUNK):
                    for k in range(_CHUNK // 16):
                        sl = pl.ds(k * 16, 16)
                        v = plsc.load_gather(
                            rg_v, [rows[g], lj_v[c, sl], lk_v[c, sl]])
                        plsc.store_scatter(
                            blk_v, [rows[g], sj_v[c, sl], sk_v[c, sl]], v)

            _write(blk_v, b0, wsem).start()

            @pl.when(m <= (_NSTEP // 2 - 2))
            def _():
                _read(rg_v, b0 + 2 * _G, rsem).start()
        return carry

    lax.fori_loop(0, _NSTEP // 2, pair_body, 0)

    for half, (_, blk_v, _, wsem) in enumerate(bufs):
        b0 = (_NSTEP - 2 + half) * _G
        _write(blk_v, b0, wsem).wait()


@functools.lru_cache(maxsize=None)
def _sc_call():
    mesh = plsc.VectorSubcoreMesh(core_axis_name="c", subcore_axis_name="s")
    return pl.kernel(
        _sc_body,
        mesh=mesh,
        compiler_params=pltpu.CompilerParams(needs_layout_passes=False),
        out_type=jax.ShapeDtypeStruct((_B, _H, _W), jnp.float32),
        scratch_types=[
            pltpu.VMEM((_NCHUNK, _CHUNK), jnp.int32),
            pltpu.VMEM((_NCHUNK, _CHUNK), jnp.int32),
            pltpu.VMEM((_NCHUNK, _CHUNK), jnp.int32),
            pltpu.VMEM((_NCHUNK, _CHUNK), jnp.int32),
            pltpu.VMEM((_G, _ROWS, _W), jnp.float32),
            pltpu.VMEM((_G, _ROWS, _W), jnp.float32),
            pltpu.VMEM((_G, _ROWS + 1, _W), jnp.float32),
            pltpu.VMEM((_G, _ROWS + 1, _W), jnp.float32),
            pltpu.SemaphoreType.DMA,
            pltpu.SemaphoreType.DMA,
            pltpu.SemaphoreType.DMA,
            pltpu.SemaphoreType.DMA,
        ],
    )


def kernel(data_batch):
    idx_out, loc_j, loc_k, pad_j, pad_k = _sensor_constants()
    data3 = data_batch.reshape(_B, _H, _W)
    values3 = _sc_call()(
        data3,
        jnp.asarray(loc_j),
        jnp.asarray(loc_k),
        jnp.asarray(pad_j),
        jnp.asarray(pad_k),
        jnp.zeros((_ROWS + 1, _W), jnp.float32),
    )
    values = values3.reshape(_B, 1, _H, _W)
    return (values, jnp.asarray(idx_out))

# --- scband reference (transcript-rebuilt; emitter-appended) ---
"""Pipeline reference for scband-darcy-pressure-random-70772471104008 (READ-ONLY COPY).

The authoritative reference and input builder live on the scoring server;
editing this copy changes nothing except your own understanding.
"""

import jax, jax.numpy as jnp
import numpy as np

SENSORS = 4096

def setup_inputs(seed: int = 0) -> dict:
    key = jax.random.key(seed)
    data_batch = jax.random.normal(key, (64, 1, 512, 512), dtype=jnp.float32)
    return {"data_batch": data_batch}

def reference(data_batch):
    B, C, H, W = data_batch.shape
    pkey = jax.random.key(42)
    dim_inds = jax.random.permutation(pkey, H * W)[:SENSORS]
    dim_inds = jnp.tile(dim_inds, B)
    dim0_inds = (dim_inds // W).astype(jnp.int32)
    dim1_inds = (dim_inds % W).astype(jnp.int32)
    batch_inds = jnp.repeat(jnp.arange(B, dtype=jnp.int32), SENSORS)
    channel_inds = jnp.zeros((SENSORS * B,), dtype=jnp.int32)
    indices = jnp.stack([batch_inds, channel_inds, dim0_inds, dim1_inds], axis=1)
    gathered = data_batch[batch_inds, channel_inds, dim0_inds, dim1_inds]
    values = jnp.zeros_like(data_batch).at[batch_inds, channel_inds, dim0_inds, dim1_inds].set(gathered)
    return (values, indices)

if __name__ == "__main__":
    import jax
    _d = setup_inputs()
    print(jax.jit(kernel)(*tuple(_d.values())))

</pallas_src>

<mosaic_0001>
#map = affine_map<(d0, d1) -> (0, 0, 0)>
#map1 = affine_map<(d0, d1) -> (0, 0)>
module attributes {stable_mosaic.version = 14 : i64} {
  func.func @_sc_body(%arg0: i32, %arg1: i32, %arg2: memref<64x512x512xf32, #tpu.memory_space<hbm>>, %arg3: memref<32x2x128xi32, #tpu.memory_space<hbm>>, %arg4: memref<32x2x128xi32, #tpu.memory_space<hbm>>, %arg5: memref<32x2x128xi32, #tpu.memory_space<hbm>>, %arg6: memref<32x2x128xi32, #tpu.memory_space<hbm>>, %arg7: memref<17x512xf32, #tpu.memory_space<hbm>>, %arg8: memref<64x512x512xf32, #tpu.memory_space<hbm>>, %arg9: memref<2x128xi32, #tpu.memory_space<vmem>>, %arg10: memref<2x128xi32, #tpu.memory_space<vmem>>, %arg11: memref<2x128xi32, #tpu.memory_space<vmem>>, %arg12: memref<2x128xi32, #tpu.memory_space<vmem>>, %arg13: memref<2x16x512xf32, #tpu.memory_space<vmem>>, %arg14: memref<2x16x512xf32, #tpu.memory_space<vmem>>, %arg15: memref<2x17x512xf32, #tpu.memory_space<vmem>>, %arg16: memref<2x17x512xf32, #tpu.memory_space<vmem>>, %arg17: memref<!tpu.dma_semaphore, #tpu.memory_space<semaphore_mem>>, %arg18: memref<!tpu.dma_semaphore, #tpu.memory_space<semaphore_mem>>, %arg19: memref<!tpu.dma_semaphore, #tpu.memory_space<semaphore_mem>>, %arg20: memref<!tpu.dma_semaphore, #tpu.memory_space<semaphore_mem>>) attributes {dimension_semantics = [#tpu.dimension_semantics<core_parallel>, #tpu.dimension_semantics<subcore_parallel>], iteration_bounds = array<i64: 2, 16>, scalar_prefetch = 0 : i64, scratch_operands = 12 : i64, tpu.core_type = #tpu.core_type<sc_vector_subcore>, window_params = [{transform_indices = #map}, {transform_indices = #map}, {transform_indices = #map}, {transform_indices = #map}, {transform_indices = #map}, {transform_indices = #map1}, {transform_indices = #map}]} {
    %mul3A = arith.constant 2 : i32
    %mul3A_0 = arith.muli %arg1, %mul3A : i32
    %add3A = arith.addi %mul3A_0, %arg0 : i32
    %mul3A_1 = arith.constant 16 : i32
    %mul3A_2 = arith.muli %add3A, %mul3A_1 : i32
    "tpu.region"() ({
      %run_scoped3A_54 = tpu.sem_alloc : memref<!tpu.dma_semaphore, #tpu.memory_space<semaphore_mem>>
      %dma_start3A_55 = arith.constant 0 : i32
      %dma_start3A_56 = arith.constant 0 : i32
      %dma_start3A_57 = tpu.memref_slice %arg3[%add3A, %dma_start3A_55, %dma_start3A_56] : memref<32x2x128xi32, #tpu.memory_space<hbm>> -> memref<1x2x128xi32, #tpu.memory_space<hbm>>
      %dma_start3A_58 = tpu.memref_squeeze %dma_start3A_57 : memref<1x2x128xi32, #tpu.memory_space<hbm>> -> memref<2x128xi32, #tpu.memory_space<hbm>>
      %dma_start3A_59 = arith.constant 0 : i32
      %dma_start3A_60 = arith.constant 0 : i32
      %dma_start3A_61 = tpu.memref_slice %arg3[%add3A, %dma_start3A_59, %dma_start3A_60] : memref<32x2x128xi32, #tpu.memory_space<hbm>> -> memref<1x2x128xi32, #tpu.memory_space<hbm>>
      %dma_start3A_62 = tpu.memref_squeeze %dma_start3A_61 : memref<1x2x128xi32, #tpu.memory_space<hbm>> -> memref<2x128xi32, #tpu.memory_space<hbm>>
      tpu.enqueue_dma source(%dma_start3A_62 : memref<2x128xi32, #tpu.memory_space<hbm>>) target(%arg9 : memref<2x128xi32, #tpu.memory_space<vmem>>) target_semaphore(%run_scoped3A_54 : memref<!tpu.dma_semaphore, #tpu.memory_space<semaphore_mem>>)
      %dma_wait3A_63 = arith.constant 0 : i32
      %dma_wait3A_64 = arith.constant 0 : i32
      %dma_wait3A_65 = tpu.memref_slice %arg3[%add3A, %dma_wait3A_63, %dma_wait3A_64] : memref<32x2x128xi32, #tpu.memory_space<hbm>> -> memref<1x2x128xi32, #tpu.memory_space<hbm>>
      %dma_wait3A_66 = tpu.memref_squeeze %dma_wait3A_65 : memref<1x2x128xi32, #tpu.memory_space<hbm>> -> memref<2x128xi32, #tpu.memory_space<hbm>>
      %dma_wait3A_67 = arith.constant 0 : i32
      %dma_wait3A_68 = arith.constant 0 : i32
      %dma_wait3A_69 = tpu.memref_slice %arg3[%add3A, %dma_wait3A_67, %dma_wait3A_68] : memref<32x2x128xi32, #tpu.memory_space<hbm>> -> memref<1x2x128xi32, #tpu.memory_space<hbm>>
      %dma_wait3A_70 = tpu.memref_squeeze %dma_wait3A_69 : memref<1x2x128xi32, #tpu.memory_space<hbm>> -> memref<2x128xi32, #tpu.memory_space<hbm>>
      tpu.wait_dma2 semaphore(%run_scoped3A_54 : memref<!tpu.dma_semaphore, #tpu.memory_space<semaphore_mem>>) src(%dma_wait3A_70 : memref<2x128xi32, #tpu.memory_space<hbm>>) dst(%arg9 : memref<2x128xi32, #tpu.memory_space<vmem>>)
      tpu.yield
    }) : () -> ()
    "tpu.region"() ({
      %run_scoped3A_54 = tpu.sem_alloc : memref<!tpu.dma_semaphore, #tpu.memory_space<semaphore_mem>>
      %dma_start3A_55 = arith.constant 0 : i32
      %dma_start3A_56 = arith.constant 0 : i32
      %dma_start3A_57 = tpu.memref_slice %arg4[%add3A, %dma_start3A_55, %dma_start3A_56] : memref<32x2x128xi32, #tpu.memory_space<hbm>> -> memref<1x2x128xi32, #tpu.memory_space<hbm>>
      %dma_start3A_58 = tpu.memref_squeeze %dma_start3A_57 : memref<1x2x128xi32, #tpu.memory_space<hbm>> -> memref<2x128xi32, #tpu.memory_space<hbm>>
      %dma_start3A_59 = arith.constant 0 : i32
      %dma_start3A_60 = arith.constant 0 : i32
      %dma_start3A_61 = tpu.memref_slice %arg4[%add3A, %dma_start3A_59, %dma_start3A_60] : memref<32x2x128xi32, #tpu.memory_space<hbm>> -> memref<1x2x128xi32, #tpu.memory_space<hbm>>
      %dma_start3A_62 = tpu.memref_squeeze %dma_start3A_61 : memref<1x2x128xi32, #tpu.memory_space<hbm>> -> memref<2x128xi32, #tpu.memory_space<hbm>>
      tpu.enqueue_dma source(%dma_start3A_62 : memref<2x128xi32, #tpu.memory_space<hbm>>) target(%arg10 : memref<2x128xi32, #tpu.memory_space<vmem>>) target_semaphore(%run_scoped3A_54 : memref<!tpu.dma_semaphore, #tpu.memory_space<semaphore_mem>>)
      %dma_wait3A_63 = arith.constant 0 : i32
      %dma_wait3A_64 = arith.constant 0 : i32
      %dma_wait3A_65 = tpu.memref_slice %arg4[%add3A, %dma_wait3A_63, %dma_wait3A_64] : memref<32x2x128xi32, #tpu.memory_space<hbm>> -> memref<1x2x128xi32, #tpu.memory_space<hbm>>
      %dma_wait3A_66 = tpu.memref_squeeze %dma_wait3A_65 : memref<1x2x128xi32, #tpu.memory_space<hbm>> -> memref<2x128xi32, #tpu.memory_space<hbm>>
      %dma_wait3A_67 = arith.constant 0 : i32
      %dma_wait3A_68 = arith.constant 0 : i32
      %dma_wait3A_69 = tpu.memref_slice %arg4[%add3A, %dma_wait3A_67, %dma_wait3A_68] : memref<32x2x128xi32, #tpu.memory_space<hbm>> -> memref<1x2x128xi32, #tpu.memory_space<hbm>>
      %dma_wait3A_70 = tpu.memref_squeeze %dma_wait3A_69 : memref<1x2x128xi32, #tpu.memory_space<hbm>> -> memref<2x128xi32, #tpu.memory_space<hbm>>
      tpu.wait_dma2 semaphore(%run_scoped3A_54 : memref<!tpu.dma_semaphore, #tpu.memory_space<semaphore_mem>>) src(%dma_wait3A_70 : memref<2x128xi32, #tpu.memory_space<hbm>>) dst(%arg10 : memref<2x128xi32, #tpu.memory_space<vmem>>)
      tpu.yield
    }) : () -> ()
    "tpu.region"() ({
      %run_scoped3A_54 = tpu.sem_alloc : memref<!tpu.dma_semaphore, #tpu.memory_space<semaphore_mem>>
      %dma_start3A_55 = arith.constant 0 : i32
      %dma_start3A_56 = arith.constant 0 : i32
      %dma_start3A_57 = tpu.memref_slice %arg5[%add3A, %dma_start3A_55, %dma_start3A_56] : memref<32x2x128xi32, #tpu.memory_space<hbm>> -> memref<1x2x128xi32, #tpu.memory_space<hbm>>
      %dma_start3A_58 = tpu.memref_squeeze %dma_start3A_57 : memref<1x2x128xi32, #tpu.memory_space<hbm>> -> memref<2x128xi32, #tpu.memory_space<hbm>>
      %dma_start3A_59 = arith.constant 0 : i32
      %dma_start3A_60 = arith.constant 0 : i32
      %dma_start3A_61 = tpu.memref_slice %arg5[%add3A, %dma_start3A_59, %dma_start3A_60] : memref<32x2x128xi32, #tpu.memory_space<hbm>> -> memref<1x2x128xi32, #tpu.memory_space<hbm>>
      %dma_start3A_62 = tpu.memref_squeeze %dma_start3A_61 : memref<1x2x128xi32, #tpu.memory_space<hbm>> -> memref<2x128xi32, #tpu.memory_space<hbm>>
      tpu.enqueue_dma source(%dma_start3A_62 : memref<2x128xi32, #tpu.memory_space<hbm>>) target(%arg11 : memref<2x128xi32, #tpu.memory_space<vmem>>) target_semaphore(%run_scoped3A_54 : memref<!tpu.dma_semaphore, #tpu.memory_space<semaphore_mem>>)
      %dma_wait3A_63 = arith.constant 0 : i32
      %dma_wait3A_64 = arith.constant 0 : i32
      %dma_wait3A_65 = tpu.memref_slice %arg5[%add3A, %dma_wait3A_63, %dma_wait3A_64] : memref<32x2x128xi32, #tpu.memory_space<hbm>> -> memref<1x2x128xi32, #tpu.memory_space<hbm>>
      %dma_wait3A_66 = tpu.memref_squeeze %dma_wait3A_65 : memref<1x2x128xi32, #tpu.memory_space<hbm>> -> memref<2x128xi32, #tpu.memory_space<hbm>>
      %dma_wait3A_67 = arith.constant 0 : i32
      %dma_wait3A_68 = arith.constant 0 : i32
      %dma_wait3A_69 = tpu.memref_slice %arg5[%add3A, %dma_wait3A_67, %dma_wait3A_68] : memref<32x2x128xi32, #tpu.memory_space<hbm>> -> memref<1x2x128xi32, #tpu.memory_space<hbm>>
      %dma_wait3A_70 = tpu.memref_squeeze %dma_wait3A_69 : memref<1x2x128xi32, #tpu.memory_space<hbm>> -> memref<2x128xi32, #tpu.memory_space<hbm>>
      tpu.wait_dma2 semaphore(%run_scoped3A_54 : memref<!tpu.dma_semaphore, #tpu.memory_space<semaphore_mem>>) src(%dma_wait3A_70 : memref<2x128xi32, #tpu.memory_space<hbm>>) dst(%arg11 : memref<2x128xi32, #tpu.memory_space<vmem>>)
      tpu.yield
    }) : () -> ()
    "tpu.region"() ({
      %run_scoped3A_54 = tpu.sem_alloc : memref<!tpu.dma_semaphore, #tpu.memory_space<semaphore_mem>>
      %dma_start3A_55 = arith.constant 0 : i32
      %dma_start3A_56 = arith.constant 0 : i32
      %dma_start3A_57 = tpu.memref_slice %arg6[%add3A, %dma_start3A_55, %dma_start3A_56] : memref<32x2x128xi32, #tpu.memory_space<hbm>> -> memref<1x2x128xi32, #tpu.memory_space<hbm>>
      %dma_start3A_58 = tpu.memref_squeeze %dma_start3A_57 : memref<1x2x128xi32, #tpu.memory_space<hbm>> -> memref<2x128xi32, #tpu.memory_space<hbm>>
      %dma_start3A_59 = arith.constant 0 : i32
      %dma_start3A_60 = arith.constant 0 : i32
      %dma_start3A_61 = tpu.memref_slice %arg6[%add3A, %dma_start3A_59, %dma_start3A_60] : memref<32x2x128xi32, #tpu.memory_space<hbm>> -> memref<1x2x128xi32, #tpu.memory_space<hbm>>
      %dma_start3A_62 = tpu.memref_squeeze %dma_start3A_61 : memref<1x2x128xi32, #tpu.memory_space<hbm>> -> memref<2x128xi32, #tpu.memory_space<hbm>>
      tpu.enqueue_dma source(%dma_start3A_62 : memref<2x128xi32, #tpu.memory_space<hbm>>) target(%arg12 : memref<2x128xi32, #tpu.memory_space<vmem>>) target_semaphore(%run_scoped3A_54 : memref<!tpu.dma_semaphore, #tpu.memory_space<semaphore_mem>>)
      %dma_wait3A_63 = arith.constant 0 : i32
      %dma_wait3A_64 = arith.constant 0 : i32
      %dma_wait3A_65 = tpu.memref_slice %arg6[%add3A, %dma_wait3A_63, %dma_wait3A_64] : memref<32x2x128xi32, #tpu.memory_space<hbm>> -> memref<1x2x128xi32, #tpu.memory_space<hbm>>
      %dma_wait3A_66 = tpu.memref_squeeze %dma_wait3A_65 : memref<1x2x128xi32, #tpu.memory_space<hbm>> -> memref<2x128xi32, #tpu.memory_space<hbm>>
      %dma_wait3A_67 = arith.constant 0 : i32
      %dma_wait3A_68 = arith.constant 0 : i32
      %dma_wait3A_69 = tpu.memref_slice %arg6[%add3A, %dma_wait3A_67, %dma_wait3A_68] : memref<32x2x128xi32, #tpu.memory_space<hbm>> -> memref<1x2x128xi32, #tpu.memory_space<hbm>>
      %dma_wait3A_70 = tpu.memref_squeeze %dma_wait3A_69 : memref<1x2x128xi32, #tpu.memory_space<hbm>> -> memref<2x128xi32, #tpu.memory_space<hbm>>
      tpu.wait_dma2 semaphore(%run_scoped3A_54 : memref<!tpu.dma_semaphore, #tpu.memory_space<semaphore_mem>>) src(%dma_wait3A_70 : memref<2x128xi32, #tpu.memory_space<hbm>>) dst(%arg12 : memref<2x128xi32, #tpu.memory_space<vmem>>)
      tpu.yield
    }) : () -> ()
    %run_scoped3A = arith.constant 0 : i32
    "tpu.region"() ({
      %run_scoped3A_54 = tpu.sem_alloc : memref<!tpu.dma_semaphore, #tpu.memory_space<semaphore_mem>>
      %dma_start3A_55 = arith.constant 0 : i32
      %dma_start3A_56 = arith.constant 0 : i32
      %dma_start3A_57 = tpu.memref_slice %arg15[%run_scoped3A, %dma_start3A_55, %dma_start3A_56] : memref<2x17x512xf32, #tpu.memory_space<vmem>> -> memref<1x17x512xf32, #tpu.memory_space<vmem>>
      %dma_start3A_58 = tpu.memref_squeeze %dma_start3A_57 : memref<1x17x512xf32, #tpu.memory_space<vmem>> -> memref<17x512xf32, #tpu.memory_space<vmem>>
      %dma_start3A_59 = arith.constant 0 : i32
      %dma_start3A_60 = arith.constant 0 : i32
      %dma_start3A_61 = tpu.memref_slice %arg15[%run_scoped3A, %dma_start3A_59, %dma_start3A_60] : memref<2x17x512xf32, #tpu.memory_space<vmem>> -> memref<1x17x512xf32, #tpu.memory_space<vmem>>
      %dma_start3A_62 = tpu.memref_squeeze %dma_start3A_61 : memref<1x17x512xf32, #tpu.memory_space<vmem>> -> memref<17x512xf32, #tpu.memory_space<vmem>>
      tpu.enqueue_dma source(%arg7 : memref<17x512xf32, #tpu.memory_space<hbm>>) target(%dma_start3A_62 : memref<17x512xf32, #tpu.memory_space<vmem>>) target_semaphore(%run_scoped3A_54 : memref<!tpu.dma_semaphore, #tpu.memory_space<semaphore_mem>>)
      %dma_wait3A_63 = arith.constant 0 : i32
      %dma_wait3A_64 = arith.constant 0 : i32
      %dma_wait3A_65 = tpu.memref_slice %arg15[%run_scoped3A, %dma_wait3A_63, %dma_wait3A_64] : memref<2x17x512xf32, #tpu.memory_space<vmem>> -> memref<1x17x512xf32, #tpu.memory_space<vmem>>
      %dma_wait3A_66 = tpu.memref_squeeze %dma_wait3A_65 : memref<1x17x512xf32, #tpu.memory_space<vmem>> -> memref<17x512xf32, #tpu.memory_space<vmem>>
      %dma_wait3A_67 = arith.constant 0 : i32
      %dma_wait3A_68 = arith.constant 0 : i32
      %dma_wait3A_69 = tpu.memref_slice %arg15[%run_scoped3A, %dma_wait3A_67, %dma_wait3A_68] : memref<2x17x512xf32, #tpu.memory_space<vmem>> -> memref<1x17x512xf32, #tpu.memory_space<vmem>>
      %dma_wait3A_70 = tpu.memref_squeeze %dma_wait3A_69 : memref<1x17x512xf32, #tpu.memory_space<vmem>> -> memref<17x512xf32, #tpu.memory_space<vmem>>
      tpu.wait_dma2 semaphore(%run_scoped3A_54 : memref<!tpu.dma_semaphore, #tpu.memory_space<semaphore_mem>>) src(%arg7 : memref<17x512xf32, #tpu.memory_space<hbm>>) dst(%dma_wait3A_70 : memref<17x512xf32, #tpu.memory_space<vmem>>)
      tpu.yield
    }) : () -> ()
    %run_scoped3A_3 = arith.constant 1 : i32
    "tpu.region"() ({
      %run_scoped3A_54 = tpu.sem_alloc : memref<!tpu.dma_semaphore, #tpu.memory_space<semaphore_mem>>
      %dma_start3A_55 = arith.constant 0 : i32
      %dma_start3A_56 = arith.constant 0 : i32
      %dma_start3A_57 = tpu.memref_slice %arg15[%run_scoped3A_3, %dma_start3A_55, %dma_start3A_56] : memref<2x17x512xf32, #tpu.memory_space<vmem>> -> memref<1x17x512xf32, #tpu.memory_space<vmem>>
      %dma_start3A_58 = tpu.memref_squeeze %dma_start3A_57 : memref<1x17x512xf32, #tpu.memory_space<vmem>> -> memref<17x512xf32, #tpu.memory_space<vmem>>
      %dma_start3A_59 = arith.constant 0 : i32
      %dma_start3A_60 = arith.constant 0 : i32
      %dma_start3A_61 = tpu.memref_slice %arg15[%run_scoped3A_3, %dma_start3A_59, %dma_start3A_60] : memref<2x17x512xf32, #tpu.memory_space<vmem>> -> memref<1x17x512xf32, #tpu.memory_space<vmem>>
      %dma_start3A_62 = tpu.memref_squeeze %dma_start3A_61 : memref<1x17x512xf32, #tpu.memory_space<vmem>> -> memref<17x512xf32, #tpu.memory_space<vmem>>
      tpu.enqueue_dma source(%arg7 : memref<17x512xf32, #tpu.memory_space<hbm>>) target(%dma_start3A_62 : memref<17x512xf32, #tpu.memory_space<vmem>>) target_semaphore(%run_scoped3A_54 : memref<!tpu.dma_semaphore, #tpu.memory_space<semaphore_mem>>)
      %dma_wait3A_63 = arith.constant 0 : i32
      %dma_wait3A_64 = arith.constant 0 : i32
      %dma_wait3A_65 = tpu.memref_slice %arg15[%run_scoped3A_3, %dma_wait3A_63, %dma_wait3A_64] : memref<2x17x512xf32, #tpu.memory_space<vmem>> -> memref<1x17x512xf32, #tpu.memory_space<vmem>>
      %dma_wait3A_66 = tpu.memref_squeeze %dma_wait3A_65 : memref<1x17x512xf32, #tpu.memory_space<vmem>> -> memref<17x512xf32, #tpu.memory_space<vmem>>
      %dma_wait3A_67 = arith.constant 0 : i32
      %dma_wait3A_68 = arith.constant 0 : i32
      %dma_wait3A_69 = tpu.memref_slice %arg15[%run_scoped3A_3, %dma_wait3A_67, %dma_wait3A_68] : memref<2x17x512xf32, #tpu.memory_space<vmem>> -> memref<1x17x512xf32, #tpu.memory_space<vmem>>
      %dma_wait3A_70 = tpu.memref_squeeze %dma_wait3A_69 : memref<1x17x512xf32, #tpu.memory_space<vmem>> -> memref<17x512xf32, #tpu.memory_space<vmem>>
      tpu.wait_dma2 semaphore(%run_scoped3A_54 : memref<!tpu.dma_semaphore, #tpu.memory_space<semaphore_mem>>) src(%arg7 : memref<17x512xf32, #tpu.memory_space<hbm>>) dst(%dma_wait3A_70 : memref<17x512xf32, #tpu.memory_space<vmem>>)
      tpu.yield
    }) : () -> ()
    %run_scoped3A_4 = arith.constant 0 : i32
    "tpu.region"() ({
      %run_scoped3A_54 = tpu.sem_alloc : memref<!tpu.dma_semaphore, #tpu.memory_space<semaphore_mem>>
      %dma_start3A_55 = arith.constant 0 : i32
      %dma_start3A_56 = arith.constant 0 : i32
      %dma_start3A_57 = tpu.memref_slice %arg16[%run_scoped3A_4, %dma_start3A_55, %dma_start3A_56] : memref<2x17x512xf32, #tpu.memory_space<vmem>> -> memref<1x17x512xf32, #tpu.memory_space<vmem>>
      %dma_start3A_58 = tpu.memref_squeeze %dma_start3A_57 : memref<1x17x512xf32, #tpu.memory_space<vmem>> -> memref<17x512xf32, #tpu.memory_space<vmem>>
      %dma_start3A_59 = arith.constant 0 : i32
      %dma_start3A_60 = arith.constant 0 : i32
      %dma_start3A_61 = tpu.memref_slice %arg16[%run_scoped3A_4, %dma_start3A_59, %dma_start3A_60] : memref<2x17x512xf32, #tpu.memory_space<vmem>> -> memref<1x17x512xf32, #tpu.memory_space<vmem>>
      %dma_start3A_62 = tpu.memref_squeeze %dma_start3A_61 : memref<1x17x512xf32, #tpu.memory_space<vmem>> -> memref<17x512xf32, #tpu.memory_space<vmem>>
      tpu.enqueue_dma source(%arg7 : memref<17x512xf32, #tpu.memory_space<hbm>>) target(%dma_start3A_62 : memref<17x512xf32, #tpu.memory_space<vmem>>) target_semaphore(%run_scoped3A_54 : memref<!tpu.dma_semaphore, #tpu.memory_space<semaphore_mem>>)
      %dma_wait3A_63 = arith.constant 0 : i32
      %dma_wait3A_64 = arith.constant 0 : i32
      %dma_wait3A_65 = tpu.memref_slice %arg16[%run_scoped3A_4, %dma_wait3A_63, %dma_wait3A_64] : memref<2x17x512xf32, #tpu.memory_space<vmem>> -> memref<1x17x512xf32, #tpu.memory_space<vmem>>
      %dma_wait3A_66 = tpu.memref_squeeze %dma_wait3A_65 : memref<1x17x512xf32, #tpu.memory_space<vmem>> -> memref<17x512xf32, #tpu.memory_space<vmem>>
      %dma_wait3A_67 = arith.constant 0 : i32
      %dma_wait3A_68 = arith.constant 0 : i32
      %dma_wait3A_69 = tpu.memref_slice %arg16[%run_scoped3A_4, %dma_wait3A_67, %dma_wait3A_68] : memref<2x17x512xf32, #tpu.memory_space<vmem>> -> memref<1x17x512xf32, #tpu.memory_space<vmem>>
      %dma_wait3A_70 = tpu.memref_squeeze %dma_wait3A_69 : memref<1x17x512xf32, #tpu.memory_space<vmem>> -> memref<17x512xf32, #tpu.memory_space<vmem>>
      tpu.wait_dma2 semaphore(%run_scoped3A_54 : memref<!tpu.dma_semaphore, #tpu.memory_space<semaphore_mem>>) src(%arg7 : memref<17x512xf32, #tpu.memory_space<hbm>>) dst(%dma_wait3A_70 : memref<17x512xf32, #tpu.memory_space<vmem>>)
      tpu.yield
    }) : () -> ()
    %run_scoped3A_5 = arith.constant 1 : i32
    "tpu.region"() ({
      %run_scoped3A_54 = tpu.sem_alloc : memref<!tpu.dma_semaphore, #tpu.memory_space<semaphore_mem>>
      %dma_start3A_55 = arith.constant 0 : i32
      %dma_start3A_56 = arith.constant 0 : i32
      %dma_start3A_57 = tpu.memref_slice %arg16[%run_scoped3A_5, %dma_start3A_55, %dma_start3A_56] : memref<2x17x512xf32, #tpu.memory_space<vmem>> -> memref<1x17x512xf32, #tpu.memory_space<vmem>>
      %dma_start3A_58 = tpu.memref_squeeze %dma_start3A_57 : memref<1x17x512xf32, #tpu.memory_space<vmem>> -> memref<17x512xf32, #tpu.memory_space<vmem>>
      %dma_start3A_59 = arith.constant 0 : i32
      %dma_start3A_60 = arith.constant 0 : i32
      %dma_start3A_61 = tpu.memref_slice %arg16[%run_scoped3A_5, %dma_start3A_59, %dma_start3A_60] : memref<2x17x512xf32, #tpu.memory_space<vmem>> -> memref<1x17x512xf32, #tpu.memory_space<vmem>>
      %dma_start3A_62 = tpu.memref_squeeze %dma_start3A_61 : memref<1x17x512xf32, #tpu.memory_space<vmem>> -> memref<17x512xf32, #tpu.memory_space<vmem>>
      tpu.enqueue_dma source(%arg7 : memref<17x512xf32, #tpu.memory_space<hbm>>) target(%dma_start3A_62 : memref<17x512xf32, #tpu.memory_space<vmem>>) target_semaphore(%run_scoped3A_54 : memref<!tpu.dma_semaphore, #tpu.memory_space<semaphore_mem>>)
      %dma_wait3A_63 = arith.constant 0 : i32
      %dma_wait3A_64 = arith.constant 0 : i32
      %dma_wait3A_65 = tpu.memref_slice %arg16[%run_scoped3A_5, %dma_wait3A_63, %dma_wait3A_64] : memref<2x17x512xf32, #tpu.memory_space<vmem>> -> memref<1x17x512xf32, #tpu.memory_space<vmem>>
      %dma_wait3A_66 = tpu.memref_squeeze %dma_wait3A_65 : memref<1x17x512xf32, #tpu.memory_space<vmem>> -> memref<17x512xf32, #tpu.memory_space<vmem>>
      %dma_wait3A_67 = arith.constant 0 : i32
      %dma_wait3A_68 = arith.constant 0 : i32
      %dma_wait3A_69 = tpu.memref_slice %arg16[%run_scoped3A_5, %dma_wait3A_67, %dma_wait3A_68] : memref<2x17x512xf32, #tpu.memory_space<vmem>> -> memref<1x17x512xf32, #tpu.memory_space<vmem>>
      %dma_wait3A_70 = tpu.memref_squeeze %dma_wait3A_69 : memref<1x17x512xf32, #tpu.memory_space<vmem>> -> memref<17x512xf32, #tpu.memory_space<vmem>>
      tpu.wait_dma2 semaphore(%run_scoped3A_54 : memref<!tpu.dma_semaphore, #tpu.memory_space<semaphore_mem>>) src(%arg7 : memref<17x512xf32, #tpu.memory_space<hbm>>) dst(%dma_wait3A_70 : memref<17x512xf32, #tpu.memory_space<vmem>>)
      tpu.yield
    }) : () -> ()
    %broadcast_in_dim3A = arith.constant 0.000000e+00 : f32
    %broadcast_in_dim3A_6 = vector.broadcast %broadcast_in_dim3A : f32 to vector<16xf32>
    %broadcast_in_dim3A_7 = arith.constant 0 : i32
    %broadcast_in_dim3A_8 = vector.broadcast %broadcast_in_dim3A_7 : i32 to vector<16xi32>
    %broadcast_in_dim3A_9 = arith.constant 1 : i32
    %broadcast_in_dim3A_10 = vector.broadcast %broadcast_in_dim3A_9 : i32 to vector<16xi32>
    %dma_start3A = arith.constant 0 : i32
    %dma_start3A_11 = arith.constant 0 : i32
    %dma_start3A_12 = tpu.memref_slice %arg2[%dma_start3A, %mul3A_2, %dma_start3A_11] : memref<64x512x512xf32, #tpu.memory_space<hbm>> -> memref<2x16x512xf32, #tpu.memory_space<hbm>>
    %dma_start3A_13 = arith.constant 0 : i32
    %dma_start3A_14 = arith.constant 0 : i32
    %dma_start3A_15 = tpu.memref_slice %arg2[%dma_start3A_13, %mul3A_2, %dma_start3A_14] : memref<64x512x512xf32, #tpu.memory_space<hbm>> -> memref<2x16x512xf32, #tpu.memory_space<hbm>>
    tpu.enqueue_dma source(%dma_start3A_15 : memref<2x16x512xf32, #tpu.memory_space<hbm>>) target(%arg13 : memref<2x16x512xf32, #tpu.memory_space<vmem>>) target_semaphore(%arg17 : memref<!tpu.dma_semaphore, #tpu.memory_space<semaphore_mem>>)
    %dma_start3A_16 = arith.constant 2 : i32
    %dma_start3A_17 = arith.constant 0 : i32
    %dma_start3A_18 = tpu.memref_slice %arg2[%dma_start3A_16, %mul3A_2, %dma_start3A_17] : memref<64x512x512xf32, #tpu.memory_space<hbm>> -> memref<2x16x512xf32, #tpu.memory_space<hbm>>
    %dma_start3A_19 = arith.constant 2 : i32
    %dma_start3A_20 = arith.constant 0 : i32
    %dma_start3A_21 = tpu.memref_slice %arg2[%dma_start3A_19, %mul3A_2, %dma_start3A_20] : memref<64x512x512xf32, #tpu.memory_space<hbm>> -> memref<2x16x512xf32, #tpu.memory_space<hbm>>
    tpu.enqueue_dma source(%dma_start3A_21 : memref<2x16x512xf32, #tpu.memory_space<hbm>>) target(%arg14 : memref<2x16x512xf32, #tpu.memory_space<vmem>>) target_semaphore(%arg18 : memref<!tpu.dma_semaphore, #tpu.memory_space<semaphore_mem>>)
    %scan3A = arith.constant 0 : i32
    %scan3A_22 = arith.constant 0 : i32
    %scan3A_23 = arith.constant 16 : i32
    %scan3A_24 = arith.addi %scan3A_22, %scan3A_23 : i32
    %scan3A_25 = arith.constant 1 : i32
    scf.for %scan3A_54 = %scan3A_22 to %scan3A_24 step %scan3A_25  : i32 {
      %mul3A_55 = arith.constant 2 : i32
      %mul3A_56 = arith.muli %mul3A_55, %scan3A_54 : i32
      %add3A_57 = arith.constant 0 : i32
      %add3A_58 = arith.addi %mul3A_56, %add3A_57 : i32
      %mul3A_59 = arith.constant 2 : i32
      %mul3A_60 = arith.muli %add3A_58, %mul3A_59 : i32
      %ge3A = arith.constant 1 : i32
      %ge3A_61 = arith.cmpi sge, %scan3A_54, %ge3A : i32
      %convert_element_type3A = arith.extui %ge3A_61 : i1 to i32
      %cond3A = arith.constant 0 : i32
      %cond3A_62 = arith.cmpi ne, %convert_element_type3A, %cond3A : i32
      scf.if %cond3A_62 {
        %dma_wait3A_1201 = arith.constant 0 : i32
        %dma_wait3A_1202 = arith.constant 0 : i32
        %dma_wait3A_1203 = arith.constant 0 : i32
        %dma_wait3A_1204 = tpu.memref_slice %arg15[%dma_wait3A_1201, %dma_wait3A_1202, %dma_wait3A_1203] : memref<2x17x512xf32, #tpu.memory_space<vmem>> -> memref<2x16x512xf32, #tpu.memory_space<vmem>>
        %dma_wait3A_1205 = arith.constant 0 : i32
        %dma_wait3A_1206 = tpu.memref_slice %arg8[%mul3A_60, %mul3A_2, %dma_wait3A_1205] : memref<64x512x512xf32, #tpu.memory_space<hbm>> -> memref<2x16x512xf32, #tpu.memory_space<hbm>>
        %dma_wait3A_1207 = arith.constant 0 : i32
        %dma_wait3A_1208 = tpu.memref_slice %arg8[%mul3A_60, %mul3A_2, %dma_wait3A_1207] : memref<64x512x512xf32, #tpu.memory_space<hbm>> -> memref<2x16x512xf32, #tpu.memory_space<hbm>>
        %dma_wait3A_1209 = arith.constant 0 : i32
        %dma_wait3A_1210 = arith.constant 0 : i32
        %dma_wait3A_1211 = arith.constant 0 : i32
        %dma_wait3A_1212 = tpu.memref_slice %arg15[%dma_wait3A_1209, %dma_wait3A_1210, %dma_wait3A_1211] : memref<2x17x512xf32, #tpu.memory_space<vmem>> -> memref<2x16x512xf32, #tpu.memory_space<vmem>>
        tpu.wait_dma2 semaphore(%arg19 : memref<!tpu.dma_semaphore, #tpu.memory_space<semaphore_mem>>) src(%dma_wait3A_1212 : memref<2x16x512xf32, #tpu.memory_space<vmem>>) dst(%dma_wait3A_1208 : memref<2x16x512xf32, #tpu.memory_space<hbm>>)
        %get3A_1213 = arith.constant 0 : i32
        %get3A_1214 = arith.index_cast %get3A_1213 : i32 to index
        %get3A_1215 = arith.constant 0 : index
        %get3A_1216 = tpu.vector_load %arg11[%get3A_1214, %get3A_1215] {strides = array<i32>} : memref<2x128xi32, #tpu.memory_space<vmem>>, vector<16xi32>,
        %get3A_1217 = arith.constant 0 : i32
        %get3A_1218 = arith.index_cast %get3A_1217 : i32 to index
        %get3A_1219 = arith.constant 0 : index
        %get3A_1220 = tpu.vector_load %arg12[%get3A_1218, %get3A_1219] {strides = array<i32>} : memref<2x128xi32, #tpu.memory_space<vmem>>, vector<16xi32>,
        tpu.vector_store_idx %arg15[%broadcast_in_dim3A_8, %get3A_1216, %get3A_1220], %broadcast_in_dim3A_6 : memref<2x17x512xf32, #tpu.memory_space<vmem>>[vector<16xi32>, vector<16xi32>, vector<16xi32>], vector<16xf32>,
        %get3A_1221 = arith.constant 0 : i32
        %get3A_1222 = arith.index_cast %get3A_1221 : i32 to index
        %get3A_1223 = arith.constant 16 : index
        %get3A_1224 = tpu.vector_load %arg11[%get3A_1222, %get3A_1223] {strides = array<i32>} : memref<2x128xi32, #tpu.memory_space<vmem>>, vector<16xi32>,
        %get3A_1225 = arith.constant 0 : i32
        %get3A_1226 = arith.index_cast %get3A_1225 : i32 to index
        %get3A_1227 = arith.constant 16 : index
        %get3A_1228 = tpu.vector_load %arg12[%get3A_1226, %get3A_1227] {strides = array<i32>} : memref<2x128xi32, #tpu.memory_space<vmem>>, vector<16xi32>,
        tpu.vector_store_idx %arg15[%broadcast_in_dim3A_8, %get3A_1224, %get3A_1228], %broadcast_in_dim3A_6 : memref<2x17x512xf32, #tpu.memory_space<vmem>>[vector<16xi32>, vector<16xi32>, vector<16xi32>], vector<16xf32>,
        %get3A_1229 = arith.constant 0 : i32
        %get3A_1230 = arith.index_cast %get3A_1229 : i32 to index
        %get3A_1231 = arith.constant 32 : index
        %get3A_1232 = tpu.vector_load %arg11[%get3A_1230, %get3A_1231] {strides = array<i32>} : memref<2x128xi32, #tpu.memory_space<vmem>>, vector<16xi32>,
        %get3A_1233 = arith.constant 0 : i32
        %get3A_1234 = arith.index_cast %get3A_1233 : i32 to index
        %get3A_1235 = arith.constant 32 : index
        %get3A_1236 = tpu.vector_load %arg12[%get3A_1234, %get3A_1235] {strides = array<i32>} : memref<2x128xi32, #tpu.memory_space<vmem>>, vector<16xi32>,
        tpu.vector_store_idx %arg15[%broadcast_in_dim3A_8, %get3A_1232, %get3A_1236], %broadcast_in_dim3A_6 : memref<2x17x512xf32, #tpu.memory_space<vmem>>[vector<16xi32>, vector<16xi32>, vector<16xi32>], vector<16xf32>,
        %get3A_1237 = arith.constant 0 : i32
        %get3A_1238 = arith.index_cast %get3A_1237 : i32 to index
        %get3A_1239 = arith.constant 48 : index
        %get3A_1240 = tpu.vector_load %arg11[%get3A_1238, %get3A_1239] {strides = array<i32>} : memref<2x128xi32, #tpu.memory_space<vmem>>, vector<16xi32>,
        %get3A_1241 = arith.constant 0 : i32
        %get3A_1242 = arith.index_cast %get3A_1241 : i32 to index
        %get3A_1243 = arith.constant 48 : index
        %get3A_1244 = tpu.vector_load %arg12[%get3A_1242, %get3A_1243] {strides = array<i32>} : memref<2x128xi32, #tpu.memory_space<vmem>>, vector<16xi32>,
        tpu.vector_store_idx %arg15[%broadcast_in_dim3A_8, %get3A_1240, %get3A_1244], %broadcast_in_dim3A_6 : memref<2x17x512xf32, #tpu.memory_space<vmem>>[vector<16xi32>, vector<16xi32>, vector<16xi32>], vector<16xf32>,
        %get3A_1245 = arith.constant 0 : i32
        %get3A_1246 = arith.index_cast %get3A_1245 : i32 to index
        %get3A_1247 = arith.constant 64 : index
        %get3A_1248 = tpu.vector_load %arg11[%get3A_1246, %get3A_1247] {strides = array<i32>} : memref<2x128xi32, #tpu.memory_space<vmem>>, vector<16xi32>,
        %get3A_1249 = arith.constant 0 : i32
        %get3A_1250 = arith.index_cast %get3A_1249 : i32 to index
        %get3A_1251 = arith.constant 64 : index
        %get3A_1252 = tpu.vector_load %arg12[%get3A_1250, %get3A_1251] {strides = array<i32>} : memref<2x128xi32, #tpu.memory_space<vmem>>, vector<16xi32>,
        tpu.vector_store_idx %arg15[%broadcast_in_dim3A_8, %get3A_1248, %get3A_1252], %broadcast_in_dim3A_6 : memref<2x17x512xf32, #tpu.memory_space<vmem>>[vector<16xi32>, vector<16xi32>, vector<16xi32>], vector<16xf32>,
        %get3A_1253 = arith.constant 0 : i32
        %get3A_1254 = arith.index_cast %get3A_1253 : i32 to index
        %get3A_1255 = arith.constant 80 : index
        %get3A_1256 = tpu.vector_load %arg11[%get3A_1254, %get3A_1255] {strides = array<i32>} : memref<2x128xi32, #tpu.memory_space<vmem>>, vector<16xi32>,
        %get3A_1257 = arith.constant 0 : i32
        %get3A_1258 = arith.index_cast %get3A_1257 : i32 to index
        %get3A_1259 = arith.constant 80 : index
        %get3A_1260 = tpu.vector_load %arg12[%get3A_1258, %get3A_1259] {strides = array<i32>} : memref<2x128xi32, #tpu.memory_space<vmem>>, vector<16xi32>,
        tpu.vector_store_idx %arg15[%broadcast_in_dim3A_8, %get3A_1256, %get3A_1260], %broadcast_in_dim3A_6 : memref<2x17x512xf32, #tpu.memory_space<vmem>>[vector<16xi32>, vector<16xi32>, vector<16xi32>], vector<16xf32>,
        %get3A_1261 = arith.constant 0 : i32
        %get3A_1262 = arith.index_cast %get3A_1261 : i32 to index
        %get3A_1263 = arith.constant 96 : index
        %get3A_1264 = tpu.vector_load %arg11[%get3A_1262, %get3A_1263] {strides = array<i32>} : memref<2x128xi32, #tpu.memory_space<vmem>>, vector<16xi32>,
        %get3A_1265 = arith.constant 0 : i32
        %get3A_1266 = arith.index_cast %get3A_1265 : i32 to index
        %get3A_1267 = arith.constant 96 : index
        %get3A_1268 = tpu.vector_load %arg12[%get3A_1266, %get3A_1267] {strides = array<i32>} : memref<2x128xi32, #tpu.memory_space<vmem>>, vector<16xi32>,
        tpu.vector_store_idx %arg15[%broadcast_in_dim3A_8, %get3A_1264, %get3A_1268], %broadcast_in_dim3A_6 : memref<2x17x512xf32, #tpu.memory_space<vmem>>[vector<16xi32>, vector<16xi32>, vector<16xi32>], vector<16xf32>,
        %get3A_1269 = arith.constant 0 : i32
        %get3A_1270 = arith.index_cast %get3A_1269 : i32 to index
        %get3A_1271 = arith.constant 112 : index
        %get3A_1272 = tpu.vector_load %arg11[%get3A_1270, %get3A_1271] {strides = array<i32>} : memref<2x128xi32, #tpu.memory_space<vmem>>, vector<16xi32>,
        %get3A_1273 = arith.constant 0 : i32
        %get3A_1274 = arith.index_cast %get3A_1273 : i32 to index
        %get3A_1275 = arith.constant 112 : index
        %get3A_1276 = tpu.vector_load %arg12[%get3A_1274, %get3A_1275] {strides = array<i32>} : memref<2x128xi32, #tpu.memory_space<vmem>>, vector<16xi32>,
        tpu.vector_store_idx %arg15[%broadcast_in_dim3A_8, %get3A_1272, %get3A_1276], %broadcast_in_dim3A_6 : memref<2x17x512xf32, #tpu.memory_space<vmem>>[vector<16xi32>, vector<16xi32>, vector<16xi32>], vector<16xf32>,
        %get3A_1277 = arith.constant 1 : i32
        %get3A_1278 = arith.index_cast %get3A_1277 : i32 to index
        %get3A_1279 = arith.constant 0 : index
        %get3A_1280 = tpu.vector_load %arg11[%get3A_1278, %get3A_1279] {strides = array<i32>} : memref<2x128xi32, #tpu.memory_space<vmem>>, vector<16xi32>,
        %get3A_1281 = arith.constant 1 : i32
        %get3A_1282 = arith.index_cast %get3A_1281 : i32 to index
        %get3A_1283 = arith.constant 0 : index
        %get3A_1284 = tpu.vector_load %arg12[%get3A_1282, %get3A_1283] {strides = array<i32>} : memref<2x128xi32, #tpu.memory_space<vmem>>, vector<16xi32>,
        tpu.vector_store_idx %arg15[%broadcast_in_dim3A_8, %get3A_1280, %get3A_1284], %broadcast_in_dim3A_6 : memref<2x17x512xf32, #tpu.memory_space<vmem>>[vector<16xi32>, vector<16xi32>, vector<16xi32>], vector<16xf32>,
        %get3A_1285 = arith.constant 1 : i32
        %get3A_1286 = arith.index_cast %get3A_1285 : i32 to index
        %get3A_1287 = arith.constant 16 : index
        %get3A_1288 = tpu.vector_load %arg11[%get3A_1286, %get3A_1287] {strides = array<i32>} : memref<2x128xi32, #tpu.memory_space<vmem>>, vector<16xi32>,
        %get3A_1289 = arith.constant 1 : i32
        %get3A_1290 = arith.index_cast %get3A_1289 : i32 to index
        %get3A_1291 = arith.constant 16 : index
        %get3A_1292 = tpu.vector_load %arg12[%get3A_1290, %get3A_1291] {strides = array<i32>} : memref<2x128xi32, #tpu.memory_space<vmem>>, vector<16xi32>,
        tpu.vector_store_idx %arg15[%broadcast_in_dim3A_8, %get3A_1288, %get3A_1292], %broadcast_in_dim3A_6 : memref<2x17x512xf32, #tpu.memory_space<vmem>>[vector<16xi32>, vector<16xi32>, vector<16xi32>], vector<16xf32>,
        %get3A_1293 = arith.constant 1 : i32
        %get3A_1294 = arith.index_cast %get3A_1293 : i32 to index
        %get3A_1295 = arith.constant 32 : index
        %get3A_1296 = tpu.vector_load %arg11[%get3A_1294, %get3A_1295] {strides = array<i32>} : memref<2x128xi32, #tpu.memory_space<vmem>>, vector<16xi32>,
        %get3A_1297 = arith.constant 1 : i32
        %get3A_1298 = arith.index_cast %get3A_1297 : i32 to index
        %get3A_1299 = arith.constant 32 : index
        %get3A_1300 = tpu.vector_load %arg12[%get3A_1298, %get3A_1299] {strides = array<i32>} : memref<2x128xi32, #tpu.memory_space<vmem>>, vector<16xi32>,
        tpu.vector_store_idx %arg15[%broadcast_in_dim3A_8, %get3A_1296, %get3A_1300], %broadcast_in_dim3A_6 : memref<2x17x512xf32, #tpu.memory_space<vmem>>[vector<16xi32>, vector<16xi32>, vector<16xi32>], vector<16xf32>,
        %get3A_1301 = arith.constant 1 : i32
        %get3A_1302 = arith.index_cast %get3A_1301 : i32 to index
        %get3A_1303 = arith.constant 48 : index
        %get3A_1304 = tpu.vector_load %arg11[%get3A_1302, %get3A_1303] {strides = array<i32>} : memref<2x128xi32, #tpu.memory_space<vmem>>, vector<16xi32>,
        %get3A_1305 = arith.constant 1 : i32
        %get3A_1306 = arith.index_cast %get3A_1305 : i32 to index
        %get3A_1307 = arith.constant 48 : index
        %get3A_1308 = tpu.vector_load %arg12[%get3A_1306, %get3A_1307] {strides = array<i32>} : memref<2x128xi32, #tpu.memory_space<vmem>>, vector<16xi32>,
        tpu.vector_store_idx %arg15[%broadcast_in_dim3A_8, %get3A_1304, %get3A_1308], %broadcast_in_dim3A_6 : memref<2x17x512xf32, #tpu.memory_space<vmem>>[vector<16xi32>, vector<16xi32>, vector<16xi32>], vector<16xf32>,
        %get3A_1309 = arith.constant 1 : i32
        %get3A_1310 = arith.index_cast %get3A_1309 : i32 to index
        %get3A_1311 = arith.constant 64 : index
        %get3A_1312 = tpu.vector_load %arg11[%get3A_1310, %get3A_1311] {strides = array<i32>} : memref<2x128xi32, #tpu.memory_space<vmem>>, vector<16xi32>,
        %get3A_1313 = arith.constant 1 : i32
        %get3A_1314 = arith.index_cast %get3A_1313 : i32 to index
        %get3A_1315 = arith.constant 64 : index
        %get3A_1316 = tpu.vector_load %arg12[%get3A_1314, %get3A_1315] {strides = array<i32>} : memref<2x128xi32, #tpu.memory_space<vmem>>, vector<16xi32>,
        tpu.vector_store_idx %arg15[%broadcast_in_dim3A_8, %get3A_1312, %get3A_1316], %broadcast_in_dim3A_6 : memref<2x17x512xf32, #tpu.memory_space<vmem>>[vector<16xi32>, vector<16xi32>, vector<16xi32>], vector<16xf32>,
        %get3A_1317 = arith.constant 1 : i32
        %get3A_1318 = arith.index_cast %get3A_1317 : i32 to index
        %get3A_1319 = arith.constant 80 : index
        %get3A_1320 = tpu.vector_load %arg11[%get3A_1318, %get3A_1319] {strides = array<i32>} : memref<2x128xi32, #tpu.memory_space<vmem>>, vector<16xi32>,
        %get3A_1321 = arith.constant 1 : i32
        %get3A_1322 = arith.index_cast %get3A_1321 : i32 to index
        %get3A_1323 = arith.constant 80 : index
        %get3A_1324 = tpu.vector_load %arg12[%get3A_1322, %get3A_1323] {strides = array<i32>} : memref<2x128xi32, #tpu.memory_space<vmem>>, vector<16xi32>,
        tpu.vector_store_idx %arg15[%broadcast_in_dim3A_8, %get3A_1320, %get3A_1324], %broadcast_in_dim3A_6 : memref<2x17x512xf32, #tpu.memory_space<vmem>>[vector<16xi32>, vector<16xi32>, vector<16xi32>], vector<16xf32>,
        %get3A_1325 = arith.constant 1 : i32
        %get3A_1326 = arith.index_cast %get3A_1325 : i32 to index
        %get3A_1327 = arith.constant 96 : index
        %get3A_1328 = tpu.vector_load %arg11[%get3A_1326, %get3A_1327] {strides = array<i32>} : memref<2x128xi32, #tpu.memory_space<vmem>>, vector<16xi32>,
        %get3A_1329 = arith.constant 1 : i32
        %get3A_1330 = arith.index_cast %get3A_1329 : i32 to index
        %get3A_1331 = arith.constant 96 : index
        %get3A_1332 = tpu.vector_load %arg12[%get3A_1330, %get3A_1331] {strides = array<i32>} : memref<2x128xi32, #tpu.memory_space<vmem>>, vector<16xi32>,
        tpu.vector_store_idx %arg15[%broadcast_in_dim3A_8, %get3A_1328, %get3A_1332], %broadcast_in_dim3A_6 : memref<2x17x512xf32, #tpu.memory_space<vmem>>[vector<16xi32>, vector<16xi32>, vector<16xi32>], vector<16xf32>,
        %get3A_1333 = arith.constant 1 : i32
        %get3A_1334 = arith.index_cast %get3A_1333 : i32 to index
        %get3A_1335 = arith.constant 112 : index
        %get3A_1336 = tpu.vector_load %arg11[%get3A_1334, %get3A_1335] {strides = array<i32>} : memref<2x128xi32, #tpu.memory_space<vmem>>, vector<16xi32>,
        %get3A_1337 = arith.constant 1 : i32
        %get3A_1338 = arith.index_cast %get3A_1337 : i32 to index
        %get3A_1339 = arith.constant 112 : index
        %get3A_1340 = tpu.vector_load %arg12[%get3A_1338, %get3A_1339] {strides = array<i32>} : memref<2x128xi32, #tpu.memory_space<vmem>>, vector<16xi32>,
        tpu.vector_store_idx %arg15[%broadcast_in_dim3A_8, %get3A_1336, %get3A_1340], %broadcast_in_dim3A_6 : memref<2x17x512xf32, #tpu.memory_space<vmem>>[vector<16xi32>, vector<16xi32>, vector<16xi32>], vector<16xf32>,
        %get3A_1341 = arith.constant 0 : i32
        %get3A_1342 = arith.index_cast %get3A_1341 : i32 to index
        %get3A_1343 = arith.constant 0 : index
        %get3A_1344 = tpu.vector_load %arg11[%get3A_1342, %get3A_1343] {strides = array<i32>} : memref<2x128xi32, #tpu.memory_space<vmem>>, vector<16xi32>,
        %get3A_1345 = arith.constant 0 : i32
        %get3A_1346 = arith.index_cast %get3A_1345 : i32 to index
        %get3A_1347 = arith.constant 0 : index
        %get3A_1348 = tpu.vector_load %arg12[%get3A_1346, %get3A_1347] {strides = array<i32>} : memref<2x128xi32, #tpu.memory_space<vmem>>, vector<16xi32>,
        tpu.vector_store_idx %arg15[%broadcast_in_dim3A_10, %get3A_1344, %get3A_1348], %broadcast_in_dim3A_6 : memref<2x17x512xf32, #tpu.memory_space<vmem>>[vector<16xi32>, vector<16xi32>, vector<16xi32>], vector<16xf32>,
        %get3A_1349 = arith.constant 0 : i32
        %get3A_1350 = arith.index_cast %get3A_1349 : i32 to index
        %get3A_1351 = arith.constant 16 : index
        %get3A_1352 = tpu.vector_load %arg11[%get3A_1350, %get3A_1351] {strides = array<i32>} : memref<2x128xi32, #tpu.memory_space<vmem>>, vector<16xi32>,
        %get3A_1353 = arith.constant 0 : i32
        %get3A_1354 = arith.index_cast %get3A_1353 : i32 to index
        %get3A_1355 = arith.constant 16 : index
        %get3A_1356 = tpu.vector_load %arg12[%get3A_1354, %get3A_1355] {strides = array<i32>} : memref<2x128xi32, #tpu.memory_space<vmem>>, vector<16xi32>,
        tpu.vector_store_idx %arg15[%broadcast_in_dim3A_10, %get3A_1352, %get3A_1356], %broadcast_in_dim3A_6 : memref<2x17x512xf32, #tpu.memory_space<vmem>>[vector<16xi32>, vector<16xi32>, vector<16xi32>], vector<16xf32>,
        %get3A_1357 = arith.constant 0 : i32
        %get3A_1358 = arith.index_cast %get3A_1357 : i32 to index
        %get3A_1359 = arith.constant 32 : index
        %get3A_1360 = tpu.vector_load %arg11[%get3A_1358, %get3A_1359] {strides = array<i32>} : memref<2x128xi32, #tpu.memory_space<vmem>>, vector<16xi32>,
        %get3A_1361 = arith.constant 0 : i32
        %get3A_1362 = arith.index_cast %get3A_1361 : i32 to index
        %get3A_1363 = arith.constant 32 : index
        %get3A_1364 = tpu.vector_load %arg12[%get3A_1362, %get3A_1363] {strides = array<i32>} : memref<2x128xi32, #tpu.memory_space<vmem>>, vector<16xi32>,
        tpu.vector_store_idx %arg15[%broadcast_in_dim3A_10, %get3A_1360, %get3A_1364], %broadcast_in_dim3A_6 : memref<2x17x512xf32, #tpu.memory_space<vmem>>[vector<16xi32>, vector<16xi32>, vector<16xi32>], vector<16xf32>,
        %get3A_1365 = arith.constant 0 : i32
        %get3A_1366 = arith.index_cast %get3A_1365 : i32 to index
        %get3A_1367 = arith.constant 48 : index
        %get3A_1368 = tpu.vector_load %arg11[%get3A_1366, %get3A_1367] {strides = array<i32>} : memref<2x128xi32, #tpu.memory_space<vmem>>, vector<16xi32>,
        %get3A_1369 = arith.constant 0 : i32
        %get3A_1370 = arith.index_cast %get3A_1369 : i32 to index
        %get3A_1371 = arith.constant 48 : index
        %get3A_1372 = tpu.vector_load %arg12[%get3A_1370, %get3A_1371] {strides = array<i32>} : memref<2x128xi32, #tpu.memory_space<vmem>>, vector<16xi32>,
        tpu.vector_store_idx %arg15[%broadcast_in_dim3A_10, %get3A_1368, %get3A_1372], %broadcast_in_dim3A_6 : memref<2x17x512xf32, #tpu.memory_space<vmem>>[vector<16xi32>, vector<16xi32>, vector<16xi32>], vector<16xf32>,
        %get3A_1373 = arith.constant 0 : i32
        %get3A_1374 = arith.index_cast %get3A_1373 : i32 to index
        %get3A_1375 = arith.constant 64 : index
        %get3A_1376 = tpu.vector_load %arg11[%get3A_1374, %get3A_1375] {strides = array<i32>} : memref<2x128xi32, #tpu.memory_space<vmem>>, vector<16xi32>,
        %get3A_1377 = arith.constant 0 : i32
        %get3A_1378 = arith.index_cast %get3A_1377 : i32 to index
        %get3A_1379 = arith.constant 64 : index
        %get3A_1380 = tpu.vector_load %arg12[%get3A_1378, %get3A_1379] {strides = array<i32>} : memref<2x128xi32, #tpu.memory_space<vmem>>, vector<16xi32>,
        tpu.vector_store_idx %arg15[%broadcast_in_dim3A_10, %get3A_1376, %get3A_1380], %broadcast_in_dim3A_6 : memref<2x17x512xf32, #tpu.memory_space<vmem>>[vector<16xi32>, vector<16xi32>, vector<16xi32>], vector<16xf32>,
        %get3A_1381 = arith.constant 0 : i32
        %get3A_1382 = arith.index_cast %get3A_1381 : i32 to index
        %get3A_1383 = arith.constant 80 : index
        %get3A_1384 = tpu.vector_load %arg11[%get3A_1382, %get3A_1383] {strides = array<i32>} : memref<2x128xi32, #tpu.memory_space<vmem>>, vector<16xi32>,
        %get3A_1385 = arith.constant 0 : i32
        %get3A_1386 = arith.index_cast %get3A_1385 : i32 to index
        %get3A_1387 = arith.constant 80 : index
        %get3A_1388 = tpu.vector_load %arg12[%get3A_1386, %get3A_1387] {strides = array<i32>} : memref<2x128xi32, #tpu.memory_space<vmem>>, vector<16xi32>,
        tpu.vector_store_idx %arg15[%broadcast_in_dim3A_10, %get3A_1384, %get3A_1388], %broadcast_in_dim3A_6 : memref<2x17x512xf32, #tpu.memory_space<vmem>>[vector<16xi32>, vector<16xi32>, vector<16xi32>], vector<16xf32>,
        %get3A_1389 = arith.constant 0 : i32
        %get3A_1390 = arith.index_cast %get3A_1389 : i32 to index
        %get3A_1391 = arith.constant 96 : index
        %get3A_1392 = tpu.vector_load %arg11[%get3A_1390, %get3A_1391] {strides = array<i32>} : memref<2x128xi32, #tpu.memory_space<vmem>>, vector<16xi32>,
        %get3A_1393 = arith.constant 0 : i32
        %get3A_1394 = arith.index_cast %get3A_1393 : i32 to index
        %get3A_1395 = arith.constant 96 : index
        %get3A_1396 = tpu.vector_load %arg12[%get3A_1394, %get3A_1395] {strides = array<i32>} : memref<2x128xi32, #tpu.memory_space<vmem>>, vector<16xi32>,
        tpu.vector_store_idx %arg15[%broadcast_in_dim3A_10, %get3A_1392, %get3A_1396], %broadcast_in_dim3A_6 : memref<2x17x512xf32, #tpu.memory_space<vmem>>[vector<16xi32>, vector<16xi32>, vector<16xi32>], vector<16xf32>,
        %get3A_1397 = arith.constant 0 : i32
        %get3A_1398 = arith.index_cast %get3A_1397 : i32 to index
        %get3A_1399 = arith.constant 112 : index
        %get3A_1400 = tpu.vector_load %arg11[%get3A_1398, %get3A_1399] {strides = array<i32>} : memref<2x128xi32, #tpu.memory_space<vmem>>, vector<16xi32>,
        %get3A_1401 = arith.constant 0 : i32
        %get3A_1402 = arith.index_cast %get3A_1401 : i32 to index
        %get3A_1403 = arith.constant 112 : index
        %get3A_1404 = tpu.vector_load %arg12[%get3A_1402, %get3A_1403] {strides = array<i32>} : memref<2x128xi32, #tpu.memory_space<vmem>>, vector<16xi32>,
        tpu.vector_store_idx %arg15[%broadcast_in_dim3A_10, %get3A_1400, %get3A_1404], %broadcast_in_dim3A_6 : memref<2x17x512xf32, #tpu.memory_space<vmem>>[vector<16xi32>, vector<16xi32>, vector<16xi32>], vector<16xf32>,
        %get3A_1405 = arith.constant 1 : i32
        %get3A_1406 = arith.index_cast %get3A_1405 : i32 to index
        %get3A_1407 = arith.constant 0 : index
        %get3A_1408 = tpu.vector_load %arg11[%get3A_1406, %get3A_1407] {strides = array<i32>} : memref<2x128xi32, #tpu.memory_space<vmem>>, vector<16xi32>,
        %get3A_1409 = arith.constant 1 : i32
        %get3A_1410 = arith.index_cast %get3A_1409 : i32 to index
        %get3A_1411 = arith.constant 0 : index
        %get3A_1412 = tpu.vector_load %arg12[%get3A_1410, %get3A_1411] {strides = array<i32>} : memref<2x128xi32, #tpu.memory_space<vmem>>, vector<16xi32>,
        tpu.vector_store_idx %arg15[%broadcast_in_dim3A_10, %get3A_1408, %get3A_1412], %broadcast_in_dim3A_6 : memref<2x17x512xf32, #tpu.memory_space<vmem>>[vector<16xi32>, vector<16xi32>, vector<16xi32>], vector<16xf32>,
        %get3A_1413 = arith.constant 1 : i32
        %get3A_1414 = arith.index_cast %get3A_1413 : i32 to index
        %get3A_1415 = arith.constant 16 : index
        %get3A_1416 = tpu.vector_load %arg11[%get3A_1414, %get3A_1415] {strides = array<i32>} : memref<2x128xi32, #tpu.memory_space<vmem>>, vector<16xi32>,
        %get3A_1417 = arith.constant 1 : i32
        %get3A_1418 = arith.index_cast %get3A_1417 : i32 to index
        %get3A_1419 = arith.constant 16 : index
        %get3A_1420 = tpu.vector_load %arg12[%get3A_1418, %get3A_1419] {strides = array<i32>} : memref<2x128xi32, #tpu.memory_space<vmem>>, vector<16xi32>,
        tpu.vector_store_idx %arg15[%broadcast_in_dim3A_10, %get3A_1416, %get3A_1420], %broadcast_in_dim3A_6 : memref<2x17x512xf32, #tpu.memory_space<vmem>>[vector<16xi32>, vector<16xi32>, vector<16xi32>], vector<16xf32>,
        %get3A_1421 = arith.constant 1 : i32
        %get3A_1422 = arith.index_cast %get3A_1421 : i32 to index
        %get3A_1423 = arith.constant 32 : index
        %get3A_1424 = tpu.vector_load %arg11[%get3A_1422, %get3A_1423] {strides = array<i32>} : memref<2x128xi32, #tpu.memory_space<vmem>>, vector<16xi32>,
        %get3A_1425 = arith.constant 1 : i32
        %get3A_1426 = arith.index_cast %get3A_1425 : i32 to index
        %get3A_1427 = arith.constant 32 : index
        %get3A_1428 = tpu.vector_load %arg12[%get3A_1426, %get3A_1427] {strides = array<i32>} : memref<2x128xi32, #tpu.memory_space<vmem>>, vector<16xi32>,
        tpu.vector_store_idx %arg15[%broadcast_in_dim3A_10, %get3A_1424, %get3A_1428], %broadcast_in_dim3A_6 : memref<2x17x512xf32, #tpu.memory_space<vmem>>[vector<16xi32>, vector<16xi32>, vector<16xi32>], vector<16xf32>,
        %get3A_1429 = arith.constant 1 : i32
        %get3A_1430 = arith.index_cast %get3A_1429 : i32 to index
        %get3A_1431 = arith.constant 48 : index
        %get3A_1432 = tpu.vector_load %arg11[%get3A_1430, %get3A_1431] {strides = array<i32>} : memref<2x128xi32, #tpu.memory_space<vmem>>, vector<16xi32>,
        %get3A_1433 = arith.constant 1 : i32
        %get3A_1434 = arith.index_cast %get3A_1433 : i32 to index
        %get3A_1435 = arith.constant 48 : index
        %get3A_1436 = tpu.vector_load %arg12[%get3A_1434, %get3A_1435] {strides = array<i32>} : memref<2x128xi32, #tpu.memory_space<vmem>>, vector<16xi32>,
        tpu.vector_store_idx %arg15[%broadcast_in_dim3A_10, %get3A_1432, %get3A_1436], %broadcast_in_dim3A_6 : memref<2x17x512xf32, #tpu.memory_space<vmem>>[vector<16xi32>, vector<16xi32>, vector<16xi32>], vector<16xf32>,
        %get3A_1437 = arith.constant 1 : i32
        %get3A_1438 = arith.index_cast %get3A_1437 : i32 to index
        %get3A_1439 = arith.constant 64 : index
        %get3A_1440 = tpu.vector_load %arg11[%get3A_1438, %get3A_1439] {strides = array<i32>} : memref<2x128xi32, #tpu.memory_space<vmem>>, vector<16xi32>,
        %get3A_1441 = arith.constant 1 : i32
        %get3A_1442 = arith.index_cast %get3A_1441 : i32 to index
        %get3A_1443 = arith.constant 64 : index
        %get3A_1444 = tpu.vector_load %arg12[%get3A_1442, %get3A_1443] {strides = array<i32>} : memref<2x128xi32, #tpu.memory_space<vmem>>, vector<16xi32>,
        tpu.vector_store_idx %arg15[%broadcast_in_dim3A_10, %get3A_1440, %get3A_1444], %broadcast_in_dim3A_6 : memref<2x17x512xf32, #tpu.memory_space<vmem>>[vector<16xi32>, vector<16xi32>, vector<16xi32>], vector<16xf32>,
        %get3A_1445 = arith.constant 1 : i32
        %get3A_1446 = arith.index_cast %get3A_1445 : i32 to index
        %get3A_1447 = arith.constant 80 : index
        %get3A_1448 = tpu.vector_load %arg11[%get3A_1446, %get3A_1447] {strides = array<i32>} : memref<2x128xi32, #tpu.memory_space<vmem>>, vector<16xi32>,
        %get3A_1449 = arith.constant 1 : i32
        %get3A_1450 = arith.index_cast %get3A_1449 : i32 to index
        %get3A_1451 = arith.constant 80 : index
        %get3A_1452 = tpu.vector_load %arg12[%get3A_1450, %get3A_1451] {strides = array<i32>} : memref<2x128xi32, #tpu.memory_space<vmem>>, vector<16xi32>,
        tpu.vector_store_idx %arg15[%broadcast_in_dim3A_10, %get3A_1448, %get3A_1452], %broadcast_in_dim3A_6 : memref<2x17x512xf32, #tpu.memory_space<vmem>>[vector<16xi32>, vector<16xi32>, vector<16xi32>], vector<16xf32>,
        %get3A_1453 = arith.constant 1 : i32
        %get3A_1454 = arith.index_cast %get3A_1453 : i32 to index
        %get3A_1455 = arith.constant 96 : index
        %get3A_1456 = tpu.vector_load %arg11[%get3A_1454, %get3A_1455] {strides = array<i32>} : memref<2x128xi32, #tpu.memory_space<vmem>>, vector<16xi32>,
        %get3A_1457 = arith.constant 1 : i32
        %get3A_1458 = arith.index_cast %get3A_1457 : i32 to index
        %get3A_1459 = arith.constant 96 : index
        %get3A_1460 = tpu.vector_load %arg12[%get3A_1458, %get3A_1459] {strides = array<i32>} : memref<2x128xi32, #tpu.memory_space<vmem>>, vector<16xi32>,
        tpu.vector_store_idx %arg15[%broadcast_in_dim3A_10, %get3A_1456, %get3A_1460], %broadcast_in_dim3A_6 : memref<2x17x512xf32, #tpu.memory_space<vmem>>[vector<16xi32>, vector<16xi32>, vector<16xi32>], vector<16xf32>,
        %get3A_1461 = arith.constant 1 : i32
        %get3A_1462 = arith.index_cast %get3A_1461 : i32 to index
        %get3A_1463 = arith.constant 112 : index
        %get3A_1464 = tpu.vector_load %arg11[%get3A_1462, %get3A_1463] {strides = array<i32>} : memref<2x128xi32, #tpu.memory_space<vmem>>, vector<16xi32>,
        %get3A_1465 = arith.constant 1 : i32
        %get3A_1466 = arith.index_cast %get3A_1465 : i32 to index
        %get3A_1467 = arith.constant 112 : index
        %get3A_1468 = tpu.vector_load %arg12[%get3A_1466, %get3A_1467] {strides = array<i32>} : memref<2x128xi32, #tpu.memory_space<vmem>>, vector<16xi32>,
        tpu.vector_store_idx %arg15[%broadcast_in_dim3A_10, %get3A_1464, %get3A_1468], %broadcast_in_dim3A_6 : memref<2x17x512xf32, #tpu.memory_space<vmem>>[vector<16xi32>, vector<16xi32>, vector<16xi32>], vector<16xf32>,
      } else {
      }
      %dma_wait3A_63 = arith.constant 0 : i32
      %dma_wait3A_64 = tpu.memref_slice %arg2[%mul3A_60, %mul3A_2, %dma_wait3A_63] : memref<64x512x512xf32, #tpu.memory_space<hbm>> -> memref<2x16x512xf32, #tpu.memory_space<hbm>>
      %dma_wait3A_65 = arith.constant 0 : i32
      %dma_wait3A_66 = tpu.memref_slice %arg2[%mul3A_60, %mul3A_2, %dma_wait3A_65] : memref<64x512x512xf32, #tpu.memory_space<hbm>> -> memref<2x16x512xf32, #tpu.memory_space<hbm>>
      tpu.wait_dma2 semaphore(%arg17 : memref<!tpu.dma_semaphore, #tpu.memory_space<semaphore_mem>>) src(%dma_wait3A_66 : memref<2x16x512xf32, #tpu.memory_space<hbm>>) dst(%arg13 : memref<2x16x512xf32, #tpu.memory_space<vmem>>)
      %get3A = arith.constant 0 : i32
      %get3A_67 = arith.index_cast %get3A : i32 to index
      %get3A_68 = arith.constant 0 : index
      %get3A_69 = tpu.vector_load %arg9[%get3A_67, %get3A_68] {strides = array<i32>} : memref<2x128xi32, #tpu.memory_space<vmem>>, vector<16xi32>,
      %get3A_70 = arith.constant 0 : i32
      %get3A_71 = arith.index_cast %get3A_70 : i32 to index
      %get3A_72 = arith.constant 0 : index
      %get3A_73 = tpu.vector_load %arg10[%get3A_71, %get3A_72] {strides = array<i32>} : memref<2x128xi32, #tpu.memory_space<vmem>>, vector<16xi32>,
      %gather3A = tpu.vector_load_idx %arg13[%broadcast_in_dim3A_8, %get3A_69, %get3A_73] : memref<2x16x512xf32, #tpu.memory_space<vmem>>[vector<16xi32>, vector<16xi32>, vector<16xi32>], vector<16xf32>,
      %get3A_74 = arith.constant 0 : i32
      %get3A_75 = arith.index_cast %get3A_74 : i32 to index
      %get3A_76 = arith.constant 0 : index
      %get3A_77 = tpu.vector_load %arg11[%get3A_75, %get3A_76] {strides = array<i32>} : memref<2x128xi32, #tpu.memory_space<vmem>>, vector<16xi32>,
      %get3A_78 = arith.constant 0 : i32
      %get3A_79 = arith.index_cast %get3A_78 : i32 to index
      %get3A_80 = arith.constant 0 : index
      %get3A_81 = tpu.vector_load %arg12[%get3A_79, %get3A_80] {strides = array<i32>} : memref<2x128xi32, #tpu.memory_space<vmem>>, vector<16xi32>,
      tpu.vector_store_idx %arg15[%broadcast_in_dim3A_8, %get3A_77, %get3A_81], %gather3A : memref<2x17x512xf32, #tpu.memory_space<vmem>>[vector<16xi32>, vector<16xi32>, vector<16xi32>], vector<16xf32>,
      %get3A_82 = arith.constant 0 : i32
      %get3A_83 = arith.index_cast %get3A_82 : i32 to index
      %get3A_84 = arith.constant 16 : index
      %get3A_85 = tpu.vector_load %arg9[%get3A_83, %get3A_84] {strides = array<i32>} : memref<2x128xi32, #tpu.memory_space<vmem>>, vector<16xi32>,
      %get3A_86 = arith.constant 0 : i32
      %get3A_87 = arith.index_cast %get3A_86 : i32 to index
      %get3A_88 = arith.constant 16 : index
      %get3A_89 = tpu.vector_load %arg10[%get3A_87, %get3A_88] {strides = array<i32>} : memref<2x128xi32, #tpu.memory_space<vmem>>, vector<16xi32>,
      %gather3A_90 = tpu.vector_load_idx %arg13[%broadcast_in_dim3A_8, %get3A_85, %get3A_89] : memref<2x16x512xf32, #tpu.memory_space<vmem>>[vector<16xi32>, vector<16xi32>, vector<16xi32>], vector<16xf32>,
      %get3A_91 = arith.constant 0 : i32
      %get3A_92 = arith.index_cast %get3A_91 : i32 to index
      %get3A_93 = arith.constant 16 : index
      %get3A_94 = tpu.vector_load %arg11[%get3A_92, %get3A_93] {strides = array<i32>} : memref<2x128xi32, #tpu.memory_space<vmem>>, vector<16xi32>,
      %get3A_95 = arith.constant 0 : i32
      %get3A_96 = arith.index_cast %get3A_95 : i32 to index
      %get3A_97 = arith.constant 16 : index
      %get3A_98 = tpu.vector_load %arg12[%get3A_96, %get3A_97] {strides = array<i32>} : memref<2x128xi32, #tpu.memory_space<vmem>>, vector<16xi32>,
      tpu.vector_store_idx %arg15[%broadcast_in_dim3A_8, %get3A_94, %get3A_98], %gather3A_90 : memref<2x17x512xf32, #tpu.memory_space<vmem>>[vector<16xi32>, vector<16xi32>, vector<16xi32>], vector<16xf32>,
      %get3A_99 = arith.constant 0 : i32
      %get3A_100 = arith.index_cast %get3A_99 : i32 to index
      %get3A_101 = arith.constant 32 : index
      %get3A_102 = tpu.vector_load %arg9[%get3A_100, %get3A_101] {strides = array<i32>} : memref<2x128xi32, #tpu.memory_space<vmem>>, vector<16xi32>,
      %get3A_103 = arith.constant 0 : i32
      %get3A_104 = arith.index_cast %get3A_103 : i32 to index
      %get3A_105 = arith.constant 32 : index
      %get3A_106 = tpu.vector_load %arg10[%get3A_104, %get3A_105] {strides = array<i32>} : memref<2x128xi32, #tpu.memory_space<vmem>>, vector<16xi32>,
      %gather3A_107 = tpu.vector_load_idx %arg13[%broadcast_in_dim3A_8, %get3A_102, %get3A_106] : memref<2x16x512xf32, #tpu.memory_space<vmem>>[vector<16xi32>, vector<16xi32>, vector<16xi32>], vector<16xf32>,
      %get3A_108 = arith.constant 0 : i32
      %get3A_109 = arith.index_cast %get3A_108 : i32 to index
      %get3A_110 = arith.constant 32 : index
      %get3A_111 = tpu.vector_load %arg11[%get3A_109, %get3A_110] {strides = array<i32>} : memref<2x128xi32, #tpu.memory_space<vmem>>, vector<16xi32>,
      %get3A_112 = arith.constant 0 : i32
      %get3A_113 = arith.index_cast %get3A_112 : i32 to index
      %get3A_114 = arith.constant 32 : index
      %get3A_115 = tpu.vector_load %arg12[%get3A_113, %get3A_114] {strides = array<i32>} : memref<2x128xi32, #tpu.memory_space<vmem>>, vector<16xi32>,
      tpu.vector_store_idx %arg15[%broadcast_in_dim3A_8, %get3A_111, %get3A_115], %gather3A_107 : memref<2x17x512xf32, #tpu.memory_space<vmem>>[vector<16xi32>, vector<16xi32>, vector<16xi32>], vector<16xf32>,
      %get3A_116 = arith.constant 0 : i32
      %get3A_117 = arith.index_cast %get3A_116 : i32 to index
      %get3A_118 = arith.constant 48 : index
      %get3A_119 = tpu.vector_load %arg9[%get3A_117, %get3A_118] {strides = array<i32>} : memref<2x128xi32, #tpu.memory_space<vmem>>, vector<16xi32>,
      %get3A_120 = arith.constant 0 : i32
      %get3A_121 = arith.index_cast %get3A_120 : i32 to index
      %get3A_122 = arith.constant 48 : index
      %get3A_123 = tpu.vector_load %arg10[%get3A_121, %get3A_122] {strides = array<i32>} : memref<2x128xi32, #tpu.memory_space<vmem>>, vector<16xi32>,
      %gather3A_124 = tpu.vector_load_idx %arg13[%broadcast_in_dim3A_8, %get3A_119, %get3A_123] : memref<2x16x512xf32, #tpu.memory_space<vmem>>[vector<16xi32>, vector<16xi32>, vector<16xi32>], vector<16xf32>,
      %get3A_125 = arith.constant 0 : i32
      %get3A_126 = arith.index_cast %get3A_125 : i32 to index
      %get3A_127 = arith.constant 48 : index
      %get3A_128 = tpu.vector_load %arg11[%get3A_126, %get3A_127] {strides = array<i32>} : memref<2x128xi32, #tpu.memory_space<vmem>>, vector<16xi32>,
      %get3A_129 = arith.constant 0 : i32
      %get3A_130 = arith.index_cast %get3A_129 : i32 to index
      %get3A_131 = arith.constant 48 : index
      %get3A_132 = tpu.vector_load %arg12[%get3A_130, %get3A_131] {strides = array<i32>} : memref<2x128xi32, #tpu.memory_space<vmem>>, vector<16xi32>,
      tpu.vector_store_idx %arg15[%broadcast_in_dim3A_8, %get3A_128, %get3A_132], %gather3A_124 : memref<2x17x512xf32, #tpu.memory_space<vmem>>[vector<16xi32>, vector<16xi32>, vector<16xi32>], vector<16xf32>,
      %get3A_133 = arith.constant 0 : i32
      %get3A_134 = arith.index_cast %get3A_133 : i32 to index
      %get3A_135 = arith.constant 64 : index
      %get3A_136 = tpu.vector_load %arg9[%get3A_134, %get3A_135] {strides = array<i32>} : memref<2x128xi32, #tpu.memory_space<vmem>>, vector<16xi32>,
      %get3A_137 = arith.constant 0 : i32
      %get3A_138 = arith.index_cast %get3A_137 : i32 to index
      %get3A_139 = arith.constant 64 : index
      %get3A_140 = tpu.vector_load %arg10[%get3A_138, %get3A_139] {strides = array<i32>} : memref<2x128xi32, #tpu.memory_space<vmem>>, vector<16xi32>,
      %gather3A_141 = tpu.vector_load_idx %arg13[%broadcast_in_dim3A_8, %get3A_136, %get3A_140] : memref<2x16x512xf32, #tpu.memory_space<vmem>>[vector<16xi32>, vector<16xi32>, vector<16xi32>], vector<16xf32>,
      %get3A_142 = arith.constant 0 : i32
      %get3A_143 = arith.index_cast %get3A_142 : i32 to index
      %get3A_144 = arith.constant 64 : index
      %get3A_145 = tpu.vector_load %arg11[%get3A_143, %get3A_144] {strides = array<i32>} : memref<2x128xi32, #tpu.memory_space<vmem>>, vector<16xi32>,
      %get3A_146 = arith.constant 0 : i32
      %get3A_147 = arith.index_cast %get3A_146 : i32 to index
      %get3A_148 = arith.constant 64 : index
      %get3A_149 = tpu.vector_load %arg12[%get3A_147, %get3A_148] {strides = array<i32>} : memref<2x128xi32, #tpu.memory_space<vmem>>, vector<16xi32>,
      tpu.vector_store_idx %arg15[%broadcast_in_dim3A_8, %get3A_145, %get3A_149], %gather3A_141 : memref<2x17x512xf32, #tpu.memory_space<vmem>>[vector<16xi32>, vector<16xi32>, vector<16xi32>], vector<16xf32>,
      %get3A_150 = arith.constant 0 : i32
      %get3A_151 = arith.index_cast %get3A_150 : i32 to index
      %get3A_152 = arith.constant 80 : index
      %get3A_153 = tpu.vector_load %arg9[%get3A_151, %get3A_152] {strides = array<i32>} : memref<2x128xi32, #tpu.memory_space<vmem>>, vector<16xi32>,
      %get3A_154 = arith.constant 0 : i32
      %get3A_155 = arith.index_cast %get3A_154 : i32 to index
      %get3A_156 = arith.constant 80 : index
      %get3A_157 = tpu.vector_load %arg10[%get3A_155, %get3A_156] {strides = array<i32>} : memref<2x128xi32, #tpu.memory_space<vmem>>, vector<16xi32>,
      %gather3A_158 = tpu.vector_load_idx %arg13[%broadcast_in_dim3A_8, %get3A_153, %get3A_157] : memref<2x16x512xf32, #tpu.memory_space<vmem>>[vector<16xi32>, vector<16xi32>, vector<16xi32>], vector<16xf32>,
      %get3A_159 = arith.constant 0 : i32
      %get3A_160 = arith.index_cast %get3A_159 : i32 to index
      %get3A_161 = arith.constant 80 : index
      %get3A_162 = tpu.vector_load %arg11[%get3A_160, %get3A_161] {strides = array<i32>} : memref<2x128xi32, #tpu.memory_space<vmem>>, vector<16xi32>,
      %get3A_163 = arith.constant 0 : i32
      %get3A_164 = arith.index_cast %get3A_163 : i32 to index
      %get3A_165 = arith.constant 80 : index
      %get3A_166 = tpu.vector_load %arg12[%get3A_164, %get3A_165] {strides = array<i32>} : memref<2x128xi32, #tpu.memory_space<vmem>>, vector<16xi32>,
      tpu.vector_store_idx %arg15[%broadcast_in_dim3A_8, %get3A_162, %get3A_166], %gather3A_158 : memref<2x17x512xf32, #tpu.memory_space<vmem>>[vector<16xi32>, vector<16xi32>, vector<16xi32>], vector<16xf32>,
      %get3A_167 = arith.constant 0 : i32
      %get3A_168 = arith.index_cast %get3A_167 : i32 to index
      %get3A_169 = arith.constant 96 : index
      %get3A_170 = tpu.vector_load %arg9[%get3A_168, %get3A_169] {strides = array<i32>} : memref<2x128xi32, #tpu.memory_space<vmem>>, vector<16xi32>,
      %get3A_171 = arith.constant 0 : i32
      %get3A_172 = arith.index_cast %get3A_171 : i32 to index
      %get3A_173 = arith.constant 96 : index
      %get3A_174 = tpu.vector_load %arg10[%get3A_172, %get3A_173] {strides = array<i32>} : memref<2x128xi32, #tpu.memory_space<vmem>>, vector<16xi32>,
      %gather3A_175 = tpu.vector_load_idx %arg13[%broadcast_in_dim3A_8, %get3A_170, %get3A_174] : memref<2x16x512xf32, #tpu.memory_space<vmem>>[vector<16xi32>, vector<16xi32>, vector<16xi32>], vector<16xf32>,
      %get3A_176 = arith.constant 0 : i32
      %get3A_177 = arith.index_cast %get3A_176 : i32 to index
      %get3A_178 = arith.constant 96 : index
      %get3A_179 = tpu.vector_load %arg11[%get3A_177, %get3A_178] {strides = array<i32>} : memref<2x128xi32, #tpu.memory_space<vmem>>, vector<16xi32>,
      %get3A_180 = arith.constant 0 : i32
      %get3A_181 = arith.index_cast %get3A_180 : i32 to index
      %get3A_182 = arith.constant 96 : index
      %get3A_183 = tpu.vector_load %arg12[%get3A_181, %get3A_182] {strides = array<i32>} : memref<2x128xi32, #tpu.memory_space<vmem>>, vector<16xi32>,
      tpu.vector_store_idx %arg15[%broadcast_in_dim3A_8, %get3A_179, %get3A_183], %gather3A_175 : memref<2x17x512xf32, #tpu.memory_space<vmem>>[vector<16xi32>, vector<16xi32>, vector<16xi32>], vector<16xf32>,
      %get3A_184 = arith.constant 0 : i32
      %get3A_185 = arith.index_cast %get3A_184 : i32 to index
      %get3A_186 = arith.constant 112 : index
      %get3A_187 = tpu.vector_load %arg9[%get3A_185, %get3A_186] {strides = array<i32>} : memref<2x128xi32, #tpu.memory_space<vmem>>, vector<16xi32>,
      %get3A_188 = arith.constant 0 : i32
      %get3A_189 = arith.index_cast %get3A_188 : i32 to index
      %get3A_190 = arith.constant 112 : index
      %get3A_191 = tpu.vector_load %arg10[%get3A_189, %get3A_190] {strides = array<i32>} : memref<2x128xi32, #tpu.memory_space<vmem>>, vector<16xi32>,
      %gather3A_192 = tpu.vector_load_idx %arg13[%broadcast_in_dim3A_8, %get3A_187, %get3A_191] : memref<2x16x512xf32, #tpu.memory_space<vmem>>[vector<16xi32>, vector<16xi32>, vector<16xi32>], vector<16xf32>,
      %get3A_193 = arith.constant 0 : i32
      %get3A_194 = arith.index_cast %get3A_193 : i32 to index
      %get3A_195 = arith.constant 112 : index
      %get3A_196 = tpu.vector_load %arg11[%get3A_194, %get3A_195] {strides = array<i32>} : memref<2x128xi32, #tpu.memory_space<vmem>>, vector<16xi32>,
      %get3A_197 = arith.constant 0 : i32
      %get3A_198 = arith.index_cast %get3A_197 : i32 to index
      %get3A_199 = arith.constant 112 : index
      %get3A_200 = tpu.vector_load %arg12[%get3A_198, %get3A_199] {strides = array<i32>} : memref<2x128xi32, #tpu.memory_space<vmem>>, vector<16xi32>,
      tpu.vector_store_idx %arg15[%broadcast_in_dim3A_8, %get3A_196, %get3A_200], %gather3A_192 : memref<2x17x512xf32, #tpu.memory_space<vmem>>[vector<16xi32>, vector<16xi32>, vector<16xi32>], vector<16xf32>,
      %get3A_201 = arith.constant 1 : i32
      %get3A_202 = arith.index_cast %get3A_201 : i32 to index
      %get3A_203 = arith.constant 0 : index
      %get3A_204 = tpu.vector_load %arg9[%get3A_202, %get3A_203] {strides = array<i32>} : memref<2x128xi32, #tpu.memory_space<vmem>>, vector<16xi32>,
      %get3A_205 = arith.constant 1 : i32
      %get3A_206 = arith.index_cast %get3A_205 : i32 to index
      %get3A_207 = arith.constant 0 : index
      %get3A_208 = tpu.vector_load %arg10[%get3A_206, %get3A_207] {strides = array<i32>} : memref<2x128xi32, #tpu.memory_space<vmem>>, vector<16xi32>,
      %gather3A_209 = tpu.vector_load_idx %arg13[%broadcast_in_dim3A_8, %get3A_204, %get3A_208] : memref<2x16x512xf32, #tpu.memory_space<vmem>>[vector<16xi32>, vector<16xi32>, vector<16xi32>], vector<16xf32>,
      %get3A_210 = arith.constant 1 : i32
      %get3A_211 = arith.index_cast %get3A_210 : i32 to index
      %get3A_212 = arith.constant 0 : index
      %get3A_213 = tpu.vector_load %arg11[%get3A_211, %get3A_212] {strides = array<i32>} : memref<2x128xi32, #tpu.memory_space<vmem>>, vector<16xi32>,
      %get3A_214 = arith.constant 1 : i32
      %get3A_215 = arith.index_cast %get3A_214 : i32 to index
      %get3A_216 = arith.constant 0 : index
      %get3A_217 = tpu.vector_load %arg12[%get3A_215, %get3A_216] {strides = array<i32>} : memref<2x128xi32, #tpu.memory_space<vmem>>, vector<16xi32>,
      tpu.vector_store_idx %arg15[%broadcast_in_dim3A_8, %get3A_213, %get3A_217], %gather3A_209 : memref<2x17x512xf32, #tpu.memory_space<vmem>>[vector<16xi32>, vector<16xi32>, vector<16xi32>], vector<16xf32>,
      %get3A_218 = arith.constant 1 : i32
      %get3A_219 = arith.index_cast %get3A_218 : i32 to index
      %get3A_220 = arith.constant 16 : index
      %get3A_221 = tpu.vector_load %arg9[%get3A_219, %get3A_220] {strides = array<i32>} : memref<2x128xi32, #tpu.memory_space<vmem>>, vector<16xi32>,
      %get3A_222 = arith.constant 1 : i32
      %get3A_223 = arith.index_cast %get3A_222 : i32 to index
      %get3A_224 = arith.constant 16 : index
      %get3A_225 = tpu.vector_load %arg10[%get3A_223, %get3A_224] {strides = array<i32>} : memref<2x128xi32, #tpu.memory_space<vmem>>, vector<16xi32>,
      %gather3A_226 = tpu.vector_load_idx %arg13[%broadcast_in_dim3A_8, %get3A_221, %get3A_225] : memref<2x16x512xf32, #tpu.memory_space<vmem>>[vector<16xi32>, vector<16xi32>, vector<16xi32>], vector<16xf32>,
      %get3A_227 = arith.constant 1 : i32
      %get3A_228 = arith.index_cast %get3A_227 : i32 to index
      %get3A_229 = arith.constant 16 : index
      %get3A_230 = tpu.vector_load %arg11[%get3A_228, %get3A_229] {strides = array<i32>} : memref<2x128xi32, #tpu.memory_space<vmem>>, vector<16xi32>,
      %get3A_231 = arith.constant 1 : i32
      %get3A_232 = arith.index_cast %get3A_231 : i32 to index
      %get3A_233 = arith.constant 16 : index
      %get3A_234 = tpu.vector_load %arg12[%get3A_232, %get3A_233] {strides = array<i32>} : memref<2x128xi32, #tpu.memory_space<vmem>>, vector<16xi32>,
      tpu.vector_store_idx %arg15[%broadcast_in_dim3A_8, %get3A_230, %get3A_234], %gather3A_226 : memref<2x17x512xf32, #tpu.memory_space<vmem>>[vector<16xi32>, vector<16xi32>, vector<16xi32>], vector<16xf32>,
      %get3A_235 = arith.constant 1 : i32
      %get3A_236 = arith.index_cast %get3A_235 : i32 to index
      %get3A_237 = arith.constant 32 : index
      %get3A_238 = tpu.vector_load %arg9[%get3A_236, %get3A_237] {strides = array<i32>} : memref<2x128xi32, #tpu.memory_space<vmem>>, vector<16xi32>,
      %get3A_239 = arith.constant 1 : i32
      %get3A_240 = arith.index_cast %get3A_239 : i32 to index
      %get3A_241 = arith.constant 32 : index
      %get3A_242 = tpu.vector_load %arg10[%get3A_240, %get3A_241] {strides = array<i32>} : memref<2x128xi32, #tpu.memory_space<vmem>>, vector<16xi32>,
      %gather3A_243 = tpu.vector_load_idx %arg13[%broadcast_in_dim3A_8, %get3A_238, %get3A_242] : memref<2x16x512xf32, #tpu.memory_space<vmem>>[vector<16xi32>, vector<16xi32>, vector<16xi32>], vector<16xf32>,
      %get3A_244 = arith.constant 1 : i32
      %get3A_245 = arith.index_cast %get3A_244 : i32 to index
      %get3A_246 = arith.constant 32 : index
      %get3A_247 = tpu.vector_load %arg11[%get3A_245, %get3A_246] {strides = array<i32>} : memref<2x128xi32, #tpu.memory_space<vmem>>, vector<16xi32>,
      %get3A_248 = arith.constant 1 : i32
      %get3A_249 = arith.index_cast %get3A_248 : i32 to index
      %get3A_250 = arith.constant 32 : index
      %get3A_251 = tpu.vector_load %arg12[%get3A_249, %get3A_250] {strides = array<i32>} : memref<2x128xi32, #tpu.memory_space<vmem>>, vector<16xi32>,
      tpu.vector_store_idx %arg15[%broadcast_in_dim3A_8, %get3A_247, %get3A_251], %gather3A_243 : memref<2x17x512xf32, #tpu.memory_space<vmem>>[vector<16xi32>, vector<16xi32>, vector<16xi32>], vector<16xf32>,
      %get3A_252 = arith.constant 1 : i32
      %get3A_253 = arith.index_cast %get3A_252 : i32 to index
      %get3A_254 = arith.constant 48 : index
      %get3A_255 = tpu.vector_load %arg9[%get3A_253, %get3A_254] {strides = array<i32>} : memref<2x128xi32, #tpu.memory_space<vmem>>, vector<16xi32>,
      %get3A_256 = arith.constant 1 : i32
      %get3A_257 = arith.index_cast %get3A_256 : i32 to index
      %get3A_258 = arith.constant 48 : index
      %get3A_259 = tpu.vector_load %arg10[%get3A_257, %get3A_258] {strides = array<i32>} : memref<2x128xi32, #tpu.memory_space<vmem>>, vector<16xi32>,
      %gather3A_260 = tpu.vector_load_idx %arg13[%broadcast_in_dim3A_8, %get3A_255, %get3A_259] : memref<2x16x512xf32, #tpu.memory_space<vmem>>[vector<16xi32>, vector<16xi32>, vector<16xi32>], vector<16xf32>,
      %get3A_261 = arith.constant 1 : i32
      %get3A_262 = arith.index_cast %get3A_261 : i32 to index
      %get3A_263 = arith.constant 48 : index
      %get3A_264 = tpu.vector_load %arg11[%get3A_262, %get3A_263] {strides = array<i32>} : memref<2x128xi32, #tpu.memory_space<vmem>>, vector<16xi32>,
      %get3A_265 = arith.constant 1 : i32
      %get3A_266 = arith.index_cast %get3A_265 : i32 to index
      %get3A_267 = arith.constant 48 : index
      %get3A_268 = tpu.vector_load %arg12[%get3A_266, %get3A_267] {strides = array<i32>} : memref<2x128xi32, #tpu.memory_space<vmem>>, vector<16xi32>,
      tpu.vector_store_idx %arg15[%broadcast_in_dim3A_8, %get3A_264, %get3A_268], %gather3A_260 : memref<2x17x512xf32, #tpu.memory_space<vmem>>[vector<16xi32>, vector<16xi32>, vector<16xi32>], vector<16xf32>,
      %get3A_269 = arith.constant 1 : i32
      %get3A_270 = arith.index_cast %get3A_269 : i32 to index
      %get3A_271 = arith.constant 64 : index
      %get3A_272 = tpu.vector_load %arg9[%get3A_270, %get3A_271] {strides = array<i32>} : memref<2x128xi32, #tpu.memory_space<vmem>>, vector<16xi32>,
      %get3A_273 = arith.constant 1 : i32
      %get3A_274 = arith.index_cast %get3A_273 : i32 to index
      %get3A_275 = arith.constant 64 : index
      %get3A_276 = tpu.vector_load %arg10[%get3A_274, %get3A_275] {strides = array<i32>} : memref<2x128xi32, #tpu.memory_space<vmem>>, vector<16xi32>,
      %gather3A_277 = tpu.vector_load_idx %arg13[%broadcast_in_dim3A_8, %get3A_272, %get3A_276] : memref<2x16x512xf32, #tpu.memory_space<vmem>>[vector<16xi32>, vector<16xi32>, vector<16xi32>], vector<16xf32>,
      %get3A_278 = arith.constant 1 : i32
      %get3A_279 = arith.index_cast %get3A_278 : i32 to index
      %get3A_280 = arith.constant 64 : index
      %get3A_281 = tpu.vector_load %arg11[%get3A_279, %get3A_280] {strides = array<i32>} : memref<2x128xi32, #tpu.memory_space<vmem>>, vector<16xi32>,
      %get3A_282 = arith.constant 1 : i32
      %get3A_283 = arith.index_cast %get3A_282 : i32 to index
      %get3A_284 = arith.constant 64 : index
      %get3A_285 = tpu.vector_load %arg12[%get3A_283, %get3A_284] {strides = array<i32>} : memref<2x128xi32, #tpu.memory_space<vmem>>, vector<16xi32>,
      tpu.vector_store_idx %arg15[%broadcast_in_dim3A_8, %get3A_281, %get3A_285], %gather3A_277 : memref<2x17x512xf32, #tpu.memory_space<vmem>>[vector<16xi32>, vector<16xi32>, vector<16xi32>], vector<16xf32>,
      %get3A_286 = arith.constant 1 : i32
      %get3A_287 = arith.index_cast %get3A_286 : i32 to index
      %get3A_288 = arith.constant 80 : index
      %get3A_289 = tpu.vector_load %arg9[%get3A_287, %get3A_288] {strides = array<i32>} : memref<2x128xi32, #tpu.memory_space<vmem>>, vector<16xi32>,
      %get3A_290 = arith.constant 1 : i32
      %get3A_291 = arith.index_cast %get3A_290 : i32 to index
      %get3A_292 = arith.constant 80 : index
      %get3A_293 = tpu.vector_load %arg10[%get3A_291, %get3A_292] {strides = array<i32>} : memref<2x128xi32, #tpu.memory_space<vmem>>, vector<16xi32>,
      %gather3A_294 = tpu.vector_load_idx %arg13[%broadcast_in_dim3A_8, %get3A_289, %get3A_293] : memref<2x16x512xf32, #tpu.memory_space<vmem>>[vector<16xi32>, vector<16xi32>, vector<16xi32>], vector<16xf32>,
      %get3A_295 = arith.constant 1 : i32
      %get3A_296 = arith.index_cast %get3A_295 : i32 to index
      %get3A_297 = arith.constant 80 : index
      %get3A_298 = tpu.vector_load %arg11[%get3A_296, %get3A_297] {strides = array<i32>} : memref<2x128xi32, #tpu.memory_space<vmem>>, vector<16xi32>,
      %get3A_299 = arith.constant 1 : i32
      %get3A_300 = arith.index_cast %get3A_299 : i32 to index
      %get3A_301 = arith.constant 80 : index
      %get3A_302 = tpu.vector_load %arg12[%get3A_300, %get3A_301] {strides = array<i32>} : memref<2x128xi32, #tpu.memory_space<vmem>>, vector<16xi32>,
      tpu.vector_store_idx %arg15[%broadcast_in_dim3A_8, %get3A_298, %get3A_302], %gather3A_294 : memref<2x17x512xf32, #tpu.memory_space<vmem>>[vector<16xi32>, vector<16xi32>, vector<16xi32>], vector<16xf32>,
      %get3A_303 = arith.constant 1 : i32
      %get3A_304 = arith.index_cast %get3A_303 : i32 to index
      %get3A_305 = arith.constant 96 : index
      %get3A_306 = tpu.vector_load %arg9[%get3A_304, %get3A_305] {strides = array<i32>} : memref<2x128xi32, #tpu.memory_space<vmem>>, vector<16xi32>,
      %get3A_307 = arith.constant 1 : i32
      %get3A_308 = arith.index_cast %get3A_307 : i32 to index
      %get3A_309 = arith.constant 96 : index
      %get3A_310 = tpu.vector_load %arg10[%get3A_308, %get3A_309] {strides = array<i32>} : memref<2x128xi32, #tpu.memory_space<vmem>>, vector<16xi32>,
      %gather3A_311 = tpu.vector_load_idx %arg13[%broadcast_in_dim3A_8, %get3A_306, %get3A_310] : memref<2x16x512xf32, #tpu.memory_space<vmem>>[vector<16xi32>, vector<16xi32>, vector<16xi32>], vector<16xf32>,
      %get3A_312 = arith.constant 1 : i32
      %get3A_313 = arith.index_cast %get3A_312 : i32 to index
      %get3A_314 = arith.constant 96 : index
      %get3A_315 = tpu.vector_load %arg11[%get3A_313, %get3A_314] {strides = array<i32>} : memref<2x128xi32, #tpu.memory_space<vmem>>, vector<16xi32>,
      %get3A_316 = arith.constant 1 : i32
      %get3A_317 = arith.index_cast %get3A_316 : i32 to index
      %get3A_318 = arith.constant 96 : index
      %get3A_319 = tpu.vector_load %arg12[%get3A_317, %get3A_318] {strides = array<i32>} : memref<2x128xi32, #tpu.memory_space<vmem>>, vector<16xi32>,
      tpu.vector_store_idx %arg15[%broadcast_in_dim3A_8, %get3A_315, %get3A_319], %gather3A_311 : memref<2x17x512xf32, #tpu.memory_space<vmem>>[vector<16xi32>, vector<16xi32>, vector<16xi32>], vector<16xf32>,
      %get3A_320 = arith.constant 1 : i32
      %get3A_321 = arith.index_cast %get3A_320 : i32 to index
      %get3A_322 = arith.constant 112 : index
      %get3A_323 = tpu.vector_load %arg9[%get3A_321, %get3A_322] {strides = array<i32>} : memref<2x128xi32, #tpu.memory_space<vmem>>, vector<16xi32>,
      %get3A_324 = arith.constant 1 : i32
      %get3A_325 = arith.index_cast %get3A_324 : i32 to index
      %get3A_326 = arith.constant 112 : index
      %get3A_327 = tpu.vector_load %arg10[%get3A_325, %get3A_326] {strides = array<i32>} : memref<2x128xi32, #tpu.memory_space<vmem>>, vector<16xi32>,
      %gather3A_328 = tpu.vector_load_idx %arg13[%broadcast_in_dim3A_8, %get3A_323, %get3A_327] : memref<2x16x512xf32, #tpu.memory_space<vmem>>[vector<16xi32>, vector<16xi32>, vector<16xi32>], vector<16xf32>,
      %get3A_329 = arith.constant 1 : i32
      %get3A_330 = arith.index_cast %get3A_329 : i32 to index
      %get3A_331 = arith.constant 112 : index
      %get3A_332 = tpu.vector_load %arg11[%get3A_330, %get3A_331] {strides = array<i32>} : memref<2x128xi32, #tpu.memory_space<vmem>>, vector<16xi32>,
      %get3A_333 = arith.constant 1 : i32
      %get3A_334 = arith.index_cast %get3A_333 : i32 to index
      %get3A_335 = arith.constant 112 : index
      %get3A_336 = tpu.vector_load %arg12[%get3A_334, %get3A_335] {strides = array<i32>} : memref<2x128xi32, #tpu.memory_space<vmem>>, vector<16xi32>,
      tpu.vector_store_idx %arg15[%broadcast_in_dim3A_8, %get3A_332, %get3A_336], %gather3A_328 : memref<2x17x512xf32, #tpu.memory_space<vmem>>[vector<16xi32>, vector<16xi32>, vector<16xi32>], vector<16xf32>,
      %get3A_337 = arith.constant 0 : i32
      %get3A_338 = arith.index_cast %get3A_337 : i32 to index
      %get3A_339 = arith.constant 0 : index
      %get3A_340 = tpu.vector_load %arg9[%get3A_338, %get3A_339] {strides = array<i32>} : memref<2x128xi32, #tpu.memory_space<vmem>>, vector<16xi32>,
      %get3A_341 = arith.constant 0 : i32
      %get3A_342 = arith.index_cast %get3A_341 : i32 to index
      %get3A_343 = arith.constant 0 : index
      %get3A_344 = tpu.vector_load %arg10[%get3A_342, %get3A_343] {strides = array<i32>} : memref<2x128xi32, #tpu.memory_space<vmem>>, vector<16xi32>,
      %gather3A_345 = tpu.vector_load_idx %arg13[%broadcast_in_dim3A_10, %get3A_340, %get3A_344] : memref<2x16x512xf32, #tpu.memory_space<vmem>>[vector<16xi32>, vector<16xi32>, vector<16xi32>], vector<16xf32>,
      %get3A_346 = arith.constant 0 : i32
      %get3A_347 = arith.index_cast %get3A_346 : i32 to index
      %get3A_348 = arith.constant 0 : index
      %get3A_349 = tpu.vector_load %arg11[%get3A_347, %get3A_348] {strides = array<i32>} : memref<2x128xi32, #tpu.memory_space<vmem>>, vector<16xi32>,
      %get3A_350 = arith.constant 0 : i32
      %get3A_351 = arith.index_cast %get3A_350 : i32 to index
      %get3A_352 = arith.constant 0 : index
      %get3A_353 = tpu.vector_load %arg12[%get3A_351, %get3A_352] {strides = array<i32>} : memref<2x128xi32, #tpu.memory_space<vmem>>, vector<16xi32>,
      tpu.vector_store_idx %arg15[%broadcast_in_dim3A_10, %get3A_349, %get3A_353], %gather3A_345 : memref<2x17x512xf32, #tpu.memory_space<vmem>>[vector<16xi32>, vector<16xi32>, vector<16xi32>], vector<16xf32>,
      %get3A_354 = arith.constant 0 : i32
      %get3A_355 = arith.index_cast %get3A_354 : i32 to index
      %get3A_356 = arith.constant 16 : index
      %get3A_357 = tpu.vector_load %arg9[%get3A_355, %get3A_356] {strides = array<i32>} : memref<2x128xi32, #tpu.memory_space<vmem>>, vector<16xi32>,
      %get3A_358 = arith.constant 0 : i32
      %get3A_359 = arith.index_cast %get3A_358 : i32 to index
      %get3A_360 = arith.constant 16 : index
      %get3A_361 = tpu.vector_load %arg10[%get3A_359, %get3A_360] {strides = array<i32>} : memref<2x128xi32, #tpu.memory_space<vmem>>, vector<16xi32>,
      %gather3A_362 = tpu.vector_load_idx %arg13[%broadcast_in_dim3A_10, %get3A_357, %get3A_361] : memref<2x16x512xf32, #tpu.memory_space<vmem>>[vector<16xi32>, vector<16xi32>, vector<16xi32>], vector<16xf32>,
      %get3A_363 = arith.constant 0 : i32
      %get3A_364 = arith.index_cast %get3A_363 : i32 to index
      %get3A_365 = arith.constant 16 : index
      %get3A_366 = tpu.vector_load %arg11[%get3A_364, %get3A_365] {strides = array<i32>} : memref<2x128xi32, #tpu.memory_space<vmem>>, vector<16xi32>,
      %get3A_367 = arith.constant 0 : i32
      %get3A_368 = arith.index_cast %get3A_367 : i32 to index
      %get3A_369 = arith.constant 16 : index
      %get3A_370 = tpu.vector_load %arg12[%get3A_368, %get3A_369] {strides = array<i32>} : memref<2x128xi32, #tpu.memory_space<vmem>>, vector<16xi32>,
      tpu.vector_store_idx %arg15[%broadcast_in_dim3A_10, %get3A_366, %get3A_370], %gather3A_362 : memref<2x17x512xf32, #tpu.memory_space<vmem>>[vector<16xi32>, vector<16xi32>, vector<16xi32>], vector<16xf32>,
      %get3A_371 = arith.constant 0 : i32
      %get3A_372 = arith.index_cast %get3A_371 : i32 to index
      %get3A_373 = arith.constant 32 : index
      %get3A_374 = tpu.vector_load %arg9[%get3A_372, %get3A_373] {strides = array<i32>} : memref<2x128xi32, #tpu.memory_space<vmem>>, vector<16xi32>,
      %get3A_375 = arith.constant 0 : i32
      %get3A_376 = arith.index_cast %get3A_375 : i32 to index
      %get3A_377 = arith.constant 32 : index
      %get3A_378 = tpu.vector_load %arg10[%get3A_376, %get3A_377] {strides = array<i32>} : memref<2x128xi32, #tpu.memory_space<vmem>>, vector<16xi32>,
      %gather3A_379 = tpu.vector_load_idx %arg13[%broadcast_in_dim3A_10, %get3A_374, %get3A_378] : memref<2x16x512xf32, #tpu.memory_space<vmem>>[vector<16xi32>, vector<16xi32>, vector<16xi32>], vector<16xf32>,
      %get3A_380 = arith.constant 0 : i32
      %get3A_381 = arith.index_cast %get3A_380 : i32 to index
      %get3A_382 = arith.constant 32 : index
      %get3A_383 = tpu.vector_load %arg11[%get3A_381, %get3A_382] {strides = array<i32>} : memref<2x128xi32, #tpu.memory_space<vmem>>, vector<16xi32>,
      %get3A_384 = arith.constant 0 : i32
      %get3A_385 = arith.index_cast %get3A_384 : i32 to index
      %get3A_386 = arith.constant 32 : index
      %get3A_387 = tpu.vector_load %arg12[%get3A_385, %get3A_386] {strides = array<i32>} : memref<2x128xi32, #tpu.memory_space<vmem>>, vector<16xi32>,
      tpu.vector_store_idx %arg15[%broadcast_in_dim3A_10, %get3A_383, %get3A_387], %gather3A_379 : memref<2x17x512xf32, #tpu.memory_space<vmem>>[vector<16xi32>, vector<16xi32>, vector<16xi32>], vector<16xf32>,
      %get3A_388 = arith.constant 0 : i32
      %get3A_389 = arith.index_cast %get3A_388 : i32 to index
      %get3A_390 = arith.constant 48 : index
      %get3A_391 = tpu.vector_load %arg9[%get3A_389, %get3A_390] {strides = array<i32>} : memref<2x128xi32, #tpu.memory_space<vmem>>, vector<16xi32>,
      %get3A_392 = arith.constant 0 : i32
      %get3A_393 = arith.index_cast %get3A_392 : i32 to index
      %get3A_394 = arith.constant 48 : index
      %get3A_395 = tpu.vector_load %arg10[%get3A_393, %get3A_394] {strides = array<i32>} : memref<2x128xi32, #tpu.memory_space<vmem>>, vector<16xi32>,
      %gather3A_396 = tpu.vector_load_idx %arg13[%broadcast_in_dim3A_10, %get3A_391, %get3A_395] : memref<2x16x512xf32, #tpu.memory_space<vmem>>[vector<16xi32>, vector<16xi32>, vector<16xi32>], vector<16xf32>,
      %get3A_397 = arith.constant 0 : i32
      %get3A_398 = arith.index_cast %get3A_397 : i32 to index
      %get3A_399 = arith.constant 48 : index
      %get3A_400 = tpu.vector_load %arg11[%get3A_398, %get3A_399] {strides = array<i32>} : memref<2x128xi32, #tpu.memory_space<vmem>>, vector<16xi32>,
      %get3A_401 = arith.constant 0 : i32
      %get3A_402 = arith.index_cast %get3A_401 : i32 to index
      %get3A_403 = arith.constant 48 : index
      %get3A_404 = tpu.vector_load %arg12[%get3A_402, %get3A_403] {strides = array<i32>} : memref<2x128xi32, #tpu.memory_space<vmem>>, vector<16xi32>,
      tpu.vector_store_idx %arg15[%broadcast_in_dim3A_10, %get3A_400, %get3A_404], %gather3A_396 : memref<2x17x512xf32, #tpu.memory_space<vmem>>[vector<16xi32>, vector<16xi32>, vector<16xi32>], vector<16xf32>,
      %get3A_405 = arith.constant 0 : i32
      %get3A_406 = arith.index_cast %get3A_405 : i32 to index
      %get3A_407 = arith.constant 64 : index
      %get3A_408 = tpu.vector_load %arg9[%get3A_406, %get3A_407] {strides = array<i32>} : memref<2x128xi32, #tpu.memory_space<vmem>>, vector<16xi32>,
      %get3A_409 = arith.constant 0 : i32
      %get3A_410 = arith.index_cast %get3A_409 : i32 to index
      %get3A_411 = arith.constant 64 : index
      %get3A_412 = tpu.vector_load %arg10[%get3A_410, %get3A_411] {strides = array<i32>} : memref<2x128xi32, #tpu.memory_space<vmem>>, vector<16xi32>,
      %gather3A_413 = tpu.vector_load_idx %arg13[%broadcast_in_dim3A_10, %get3A_408, %get3A_412] : memref<2x16x512xf32, #tpu.memory_space<vmem>>[vector<16xi32>, vector<16xi32>, vector<16xi32>], vector<16xf32>,
      %get3A_414 = arith.constant 0 : i32
      %get3A_415 = arith.index_cast %get3A_414 : i32 to index
      %get3A_416 = arith.constant 64 : index
      %get3A_417 = tpu.vector_load %arg11[%get3A_415, %get3A_416] {strides = array<i32>} : memref<2x128xi32, #tpu.memory_space<vmem>>, vector<16xi32>,
      %get3A_418 = arith.constant 0 : i32
      %get3A_419 = arith.index_cast %get3A_418 : i32 to index
      %get3A_420 = arith.constant 64 : index
      %get3A_421 = tpu.vector_load %arg12[%get3A_419, %get3A_420] {strides = array<i32>} : memref<2x128xi32, #tpu.memory_space<vmem>>, vector<16xi32>,
      tpu.vector_store_idx %arg15[%broadcast_in_dim3A_10, %get3A_417, %get3A_421], %gather3A_413 : memref<2x17x512xf32, #tpu.memory_space<vmem>>[vector<16xi32>, vector<16xi32>, vector<16xi32>], vector<16xf32>,
      %get3A_422 = arith.constant 0 : i32
      %get3A_423 = arith.index_cast %get3A_422 : i32 to index
      %get3A_424 = arith.constant 80 : index
      %get3A_425 = tpu.vector_load %arg9[%get3A_423, %get3A_424] {strides = array<i32>} : memref<2x128xi32, #tpu.memory_space<vmem>>, vector<16xi32>,
      %get3A_426 = arith.constant 0 : i32
      %get3A_427 = arith.index_cast %get3A_426 : i32 to index
      %get3A_428 = arith.constant 80 : index
      %get3A_429 = tpu.vector_load %arg10[%get3A_427, %get3A_428] {strides = array<i32>} : memref<2x128xi32, #tpu.memory_space<vmem>>, vector<16xi32>,
      %gather3A_430 = tpu.vector_load_idx %arg13[%broadcast_in_dim3A_10, %get3A_425, %get3A_429] : memref<2x16x512xf32, #tpu.memory_space<vmem>>[vector<16xi32>, vector<16xi32>, vector<16xi32>], vector<16xf32>,
      %get3A_431 = arith.constant 0 : i32
      %get3A_432 = arith.index_cast %get3A_431 : i32 to index
      %get3A_433 = arith.constant 80 : index
      %get3A_434 = tpu.vector_load %arg11[%get3A_432, %get3A_433] {strides = array<i32>} : memref<2x128xi32, #tpu.memory_space<vmem>>, vector<16xi32>,
      %get3A_435 = arith.constant 0 : i32
      %get3A_436 = arith.index_cast %get3A_435 : i32 to index
      %get3A_437 = arith.constant 80 : index
      %get3A_438 = tpu.vector_load %arg12[%get3A_436, %get3A_437] {strides = array<i32>} : memref<2x128xi32, #tpu.memory_space<vmem>>, vector<16xi32>,
      tpu.vector_store_idx %arg15[%broadcast_in_dim3A_10, %get3A_434, %get3A_438], %gather3A_430 : memref<2x17x512xf32, #tpu.memory_space<vmem>>[vector<16xi32>, vector<16xi32>, vector<16xi32>], vector<16xf32>,
      %get3A_439 = arith.constant 0 : i32
      %get3A_440 = arith.index_cast %get3A_439 : i32 to index
      %get3A_441 = arith.constant 96 : index
      %get3A_442 = tpu.vector_load %arg9[%get3A_440, %get3A_441] {strides = array<i32>} : memref<2x128xi32, #tpu.memory_space<vmem>>, vector<16xi32>,
      %get3A_443 = arith.constant 0 : i32
      %get3A_444 = arith.index_cast %get3A_443 : i32 to index
      %get3A_445 = arith.constant 96 : index
      %get3A_446 = tpu.vector_load %arg10[%get3A_444, %get3A_445] {strides = array<i32>} : memref<2x128xi32, #tpu.memory_space<vmem>>, vector<16xi32>,
      %gather3A_447 = tpu.vector_load_idx %arg13[%broadcast_in_dim3A_10, %get3A_442, %get3A_446] : memref<2x16x512xf32, #tpu.memory_space<vmem>>[vector<16xi32>, vector<16xi32>, vector<16xi32>], vector<16xf32>,
      %get3A_448 = arith.constant 0 : i32
      %get3A_449 = arith.index_cast %get3A_448 : i32 to index
      %get3A_450 = arith.constant 96 : index
      %get3A_451 = tpu.vector_load %arg11[%get3A_449, %get3A_450] {strides = array<i32>} : memref<2x128xi32, #tpu.memory_space<vmem>>, vector<16xi32>,
      %get3A_452 = arith.constant 0 : i32
      %get3A_453 = arith.index_cast %get3A_452 : i32 to index
      %get3A_454 = arith.constant 96 : index
      %get3A_455 = tpu.vector_load %arg12[%get3A_453, %get3A_454] {strides = array<i32>} : memref<2x128xi32, #tpu.memory_space<vmem>>, vector<16xi32>,
      tpu.vector_store_idx %arg15[%broadcast_in_dim3A_10, %get3A_451, %get3A_455], %gather3A_447 : memref<2x17x512xf32, #tpu.memory_space<vmem>>[vector<16xi32>, vector<16xi32>, vector<16xi32>], vector<16xf32>,
      %get3A_456 = arith.constant 0 : i32
      %get3A_457 = arith.index_cast %get3A_456 : i32 to index
      %get3A_458 = arith.constant 112 : index
      %get3A_459 = tpu.vector_load %arg9[%get3A_457, %get3A_458] {strides = array<i32>} : memref<2x128xi32, #tpu.memory_space<vmem>>, vector<16xi32>,
      %get3A_460 = arith.constant 0 : i32
      %get3A_461 = arith.index_cast %get3A_460 : i32 to index
      %get3A_462 = arith.constant 112 : index
      %get3A_463 = tpu.vector_load %arg10[%get3A_461, %get3A_462] {strides = array<i32>} : memref<2x128xi32, #tpu.memory_space<vmem>>, vector<16xi32>,
      %gather3A_464 = tpu.vector_load_idx %arg13[%broadcast_in_dim3A_10, %get3A_459, %get3A_463] : memref<2x16x512xf32, #tpu.memory_space<vmem>>[vector<16xi32>, vector<16xi32>, vector<16xi32>], vector<16xf32>,
      %get3A_465 = arith.constant 0 : i32
      %get3A_466 = arith.index_cast %get3A_465 : i32 to index
      %get3A_467 = arith.constant 112 : index
      %get3A_468 = tpu.vector_load %arg11[%get3A_466, %get3A_467] {strides = array<i32>} : memref<2x128xi32, #tpu.memory_space<vmem>>, vector<16xi32>,
      %get3A_469 = arith.constant 0 : i32
      %get3A_470 = arith.index_cast %get3A_469 : i32 to index
      %get3A_471 = arith.constant 112 : index
      %get3A_472 = tpu.vector_load %arg12[%get3A_470, %get3A_471] {strides = array<i32>} : memref<2x128xi32, #tpu.memory_space<vmem>>, vector<16xi32>,
      tpu.vector_store_idx %arg15[%broadcast_in_dim3A_10, %get3A_468, %get3A_472], %gather3A_464 : memref<2x17x512xf32, #tpu.memory_space<vmem>>[vector<16xi32>, vector<16xi32>, vector<16xi32>], vector<16xf32>,
      %get3A_473 = arith.constant 1 : i32
      %get3A_474 = arith.index_cast %get3A_473 : i32 to index
      %get3A_475 = arith.constant 0 : index
      %get3A_476 = tpu.vector_load %arg9[%get3A_474, %get3A_475] {strides = array<i32>} : memref<2x128xi32, #tpu.memory_space<vmem>>, vector<16xi32>,
      %get3A_477 = arith.constant 1 : i32
      %get3A_478 = arith.index_cast %get3A_477 : i32 to index
      %get3A_479 = arith.constant 0 : index
      %get3A_480 = tpu.vector_load %arg10[%get3A_478, %get3A_479] {strides = array<i32>} : memref<2x128xi32, #tpu.memory_space<vmem>>, vector<16xi32>,
      %gather3A_481 = tpu.vector_load_idx %arg13[%broadcast_in_dim3A_10, %get3A_476, %get3A_480] : memref<2x16x512xf32, #tpu.memory_space<vmem>>[vector<16xi32>, vector<16xi32>, vector<16xi32>], vector<16xf32>,
      %get3A_482 = arith.constant 1 : i32
      %get3A_483 = arith.index_cast %get3A_482 : i32 to index
      %get3A_484 = arith.constant 0 : index
      %get3A_485 = tpu.vector_load %arg11[%get3A_483, %get3A_484] {strides = array<i32>} : memref<2x128xi32, #tpu.memory_space<vmem>>, vector<16xi32>,
      %get3A_486 = arith.constant 1 : i32
      %get3A_487 = arith.index_cast %get3A_486 : i32 to index
      %get3A_488 = arith.constant 0 : index
      %get3A_489 = tpu.vector_load %arg12[%get3A_487, %get3A_488] {strides = array<i32>} : memref<2x128xi32, #tpu.memory_space<vmem>>, vector<16xi32>,
      tpu.vector_store_idx %arg15[%broadcast_in_dim3A_10, %get3A_485, %get3A_489], %gather3A_481 : memref<2x17x512xf32, #tpu.memory_space<vmem>>[vector<16xi32>, vector<16xi32>, vector<16xi32>], vector<16xf32>,
      %get3A_490 = arith.constant 1 : i32
      %get3A_491 = arith.index_cast %get3A_490 : i32 to index
      %get3A_492 = arith.constant 16 : index
      %get3A_493 = tpu.vector_load %arg9[%get3A_491, %get3A_492] {strides = array<i32>} : memref<2x128xi32, #tpu.memory_space<vmem>>, vector<16xi32>,
      %get3A_494 = arith.constant 1 : i32
      %get3A_495 = arith.index_cast %get3A_494 : i32 to index
      %get3A_496 = arith.constant 16 : index
      %get3A_497 = tpu.vector_load %arg10[%get3A_495, %get3A_496] {strides = array<i32>} : memref<2x128xi32, #tpu.memory_space<vmem>>, vector<16xi32>,
      %gather3A_498 = tpu.vector_load_idx %arg13[%broadcast_in_dim3A_10, %get3A_493, %get3A_497] : memref<2x16x512xf32, #tpu.memory_space<vmem>>[vector<16xi32>, vector<16xi32>, vector<16xi32>], vector<16xf32>,
      %get3A_499 = arith.constant 1 : i32
      %get3A_500 = arith.index_cast %get3A_499 : i32 to index
      %get3A_501 = arith.constant 16 : index
      %get3A_502 = tpu.vector_load %arg11[%get3A_500, %get3A_501] {strides = array<i32>} : memref<2x128xi32, #tpu.memory_space<vmem>>, vector<16xi32>,
      %get3A_503 = arith.constant 1 : i32
      %get3A_504 = arith.index_cast %get3A_503 : i32 to index
      %get3A_505 = arith.constant 16 : index
      %get3A_506 = tpu.vector_load %arg12[%get3A_504, %get3A_505] {strides = array<i32>} : memref<2x128xi32, #tpu.memory_space<vmem>>, vector<16xi32>,
      tpu.vector_store_idx %arg15[%broadcast_in_dim3A_10, %get3A_502, %get3A_506], %gather3A_498 : memref<2x17x512xf32, #tpu.memory_space<vmem>>[vector<16xi32>, vector<16xi32>, vector<16xi32>], vector<16xf32>,
      %get3A_507 = arith.constant 1 : i32
      %get3A_508 = arith.index_cast %get3A_507 : i32 to index
      %get3A_509 = arith.constant 32 : index
      %get3A_510 = tpu.vector_load %arg9[%get3A_508, %get3A_509] {strides = array<i32>} : memref<2x128xi32, #tpu.memory_space<vmem>>, vector<16xi32>,
      %get3A_511 = arith.constant 1 : i32
      %get3A_512 = arith.index_cast %get3A_511 : i32 to index
      %get3A_513 = arith.constant 32 : index
      %get3A_514 = tpu.vector_load %arg10[%get3A_512, %get3A_513] {strides = array<i32>} : memref<2x128xi32, #tpu.memory_space<vmem>>, vector<16xi32>,
      %gather3A_515 = tpu.vector_load_idx %arg13[%broadcast_in_dim3A_10, %get3A_510, %get3A_514] : memref<2x16x512xf32, #tpu.memory_space<vmem>>[vector<16xi32>, vector<16xi32>, vector<16xi32>], vector<16xf32>,
      %get3A_516 = arith.constant 1 : i32
      %get3A_517 = arith.index_cast %get3A_516 : i32 to index
      %get3A_518 = arith.constant 32 : index
      %get3A_519 = tpu.vector_load %arg11[%get3A_517, %get3A_518] {strides = array<i32>} : memref<2x128xi32, #tpu.memory_space<vmem>>, vector<16xi32>,
      %get3A_520 = arith.constant 1 : i32
      %get3A_521 = arith.index_cast %get3A_520 : i32 to index
      %get3A_522 = arith.constant 32 : index
      %get3A_523 = tpu.vector_load %arg12[%get3A_521, %get3A_522] {strides = array<i32>} : memref<2x128xi32, #tpu.memory_space<vmem>>, vector<16xi32>,
      tpu.vector_store_idx %arg15[%broadcast_in_dim3A_10, %get3A_519, %get3A_523], %gather3A_515 : memref<2x17x512xf32, #tpu.memory_space<vmem>>[vector<16xi32>, vector<16xi32>, vector<16xi32>], vector<16xf32>,
      %get3A_524 = arith.constant 1 : i32
      %get3A_525 = arith.index_cast %get3A_524 : i32 to index
      %get3A_526 = arith.constant 48 : index
      %get3A_527 = tpu.vector_load %arg9[%get3A_525, %get3A_526] {strides = array<i32>} : memref<2x128xi32, #tpu.memory_space<vmem>>, vector<16xi32>,
      %get3A_528 = arith.constant 1 : i32
      %get3A_529 = arith.index_cast %get3A_528 : i32 to index
      %get3A_530 = arith.constant 48 : index
      %get3A_531 = tpu.vector_load %arg10[%get3A_529, %get3A_530] {strides = array<i32>} : memref<2x128xi32, #tpu.memory_space<vmem>>, vector<16xi32>,
      %gather3A_532 = tpu.vector_load_idx %arg13[%broadcast_in_dim3A_10, %get3A_527, %get3A_531] : memref<2x16x512xf32, #tpu.memory_space<vmem>>[vector<16xi32>, vector<16xi32>, vector<16xi32>], vector<16xf32>,
      %get3A_533 = arith.constant 1 : i32
      %get3A_534 = arith.index_cast %get3A_533 : i32 to index
      %get3A_535 = arith.constant 48 : index
      %get3A_536 = tpu.vector_load %arg11[%get3A_534, %get3A_535] {strides = array<i32>} : memref<2x128xi32, #tpu.memory_space<vmem>>, vector<16xi32>,
      %get3A_537 = arith.constant 1 : i32
      %get3A_538 = arith.index_cast %get3A_537 : i32 to index
      %get3A_539 = arith.constant 48 : index
      %get3A_540 = tpu.vector_load %arg12[%get3A_538, %get3A_539] {strides = array<i32>} : memref<2x128xi32, #tpu.memory_space<vmem>>, vector<16xi32>,
      tpu.vector_store_idx %arg15[%broadcast_in_dim3A_10, %get3A_536, %get3A_540], %gather3A_532 : memref<2x17x512xf32, #tpu.memory_space<vmem>>[vector<16xi32>, vector<16xi32>, vector<16xi32>], vector<16xf32>,
      %get3A_541 = arith.constant 1 : i32
      %get3A_542 = arith.index_cast %get3A_541 : i32 to index
      %get3A_543 = arith.constant 64 : index
      %get3A_544 = tpu.vector_load %arg9[%get3A_542, %get3A_543] {strides = array<i32>} : memref<2x128xi32, #tpu.memory_space<vmem>>, vector<16xi32>,
      %get3A_545 = arith.constant 1 : i32
      %get3A_546 = arith.index_cast %get3A_545 : i32 to index
      %get3A_547 = arith.constant 64 : index
      %get3A_548 = tpu.vector_load %arg10[%get3A_546, %get3A_547] {strides = array<i32>} : memref<2x128xi32, #tpu.memory_space<vmem>>, vector<16xi32>,
      %gather3A_549 = tpu.vector_load_idx %arg13[%broadcast_in_dim3A_10, %get3A_544, %get3A_548] : memref<2x16x512xf32, #tpu.memory_space<vmem>>[vector<16xi32>, vector<16xi32>, vector<16xi32>], vector<16xf32>,
      %get3A_550 = arith.constant 1 : i32
      %get3A_551 = arith.index_cast %get3A_550 : i32 to index
      %get3A_552 = arith.constant 64 : index
      %get3A_553 = tpu.vector_load %arg11[%get3A_551, %get3A_552] {strides = array<i32>} : memref<2x128xi32, #tpu.memory_space<vmem>>, vector<16xi32>,
      %get3A_554 = arith.constant 1 : i32
      %get3A_555 = arith.index_cast %get3A_554 : i32 to index
      %get3A_556 = arith.constant 64 : index
      %get3A_557 = tpu.vector_load %arg12[%get3A_555, %get3A_556] {strides = array<i32>} : memref<2x128xi32, #tpu.memory_space<vmem>>, vector<16xi32>,
      tpu.vector_store_idx %arg15[%broadcast_in_dim3A_10, %get3A_553, %get3A_557], %gather3A_549 : memref<2x17x512xf32, #tpu.memory_space<vmem>>[vector<16xi32>, vector<16xi32>, vector<16xi32>], vector<16xf32>,
      %get3A_558 = arith.constant 1 : i32
      %get3A_559 = arith.index_cast %get3A_558 : i32 to index
      %get3A_560 = arith.constant 80 : index
      %get3A_561 = tpu.vector_load %arg9[%get3A_559, %get3A_560] {strides = array<i32>} : memref<2x128xi32, #tpu.memory_space<vmem>>, vector<16xi32>,
      %get3A_562 = arith.constant 1 : i32
      %get3A_563 = arith.index_cast %get3A_562 : i32 to index
      %get3A_564 = arith.constant 80 : index
      %get3A_565 = tpu.vector_load %arg10[%get3A_563, %get3A_564] {strides = array<i32>} : memref<2x128xi32, #tpu.memory_space<vmem>>, vector<16xi32>,
      %gather3A_566 = tpu.vector_load_idx %arg13[%broadcast_in_dim3A_10, %get3A_561, %get3A_565] : memref<2x16x512xf32, #tpu.memory_space<vmem>>[vector<16xi32>, vector<16xi32>, vector<16xi32>], vector<16xf32>,
      %get3A_567 = arith.constant 1 : i32
      %get3A_568 = arith.index_cast %get3A_567 : i32 to index
      %get3A_569 = arith.constant 80 : index
      %get3A_570 = tpu.vector_load %arg11[%get3A_568, %get3A_569] {strides = array<i32>} : memref<2x128xi32, #tpu.memory_space<vmem>>, vector<16xi32>,
      %get3A_571 = arith.constant 1 : i32
      %get3A_572 = arith.index_cast %get3A_571 : i32 to index
      %get3A_573 = arith.constant 80 : index
      %get3A_574 = tpu.vector_load %arg12[%get3A_572, %get3A_573] {strides = array<i32>} : memref<2x128xi32, #tpu.memory_space<vmem>>, vector<16xi32>,
      tpu.vector_store_idx %arg15[%broadcast_in_dim3A_10, %get3A_570, %get3A_574], %gather3A_566 : memref<2x17x512xf32, #tpu.memory_space<vmem>>[vector<16xi32>, vector<16xi32>, vector<16xi32>], vector<16xf32>,
      %get3A_575 = arith.constant 1 : i32
      %get3A_576 = arith.index_cast %get3A_575 : i32 to index
      %get3A_577 = arith.constant 96 : index
      %get3A_578 = tpu.vector_load %arg9[%get3A_576, %get3A_577] {strides = array<i32>} : memref<2x128xi32, #tpu.memory_space<vmem>>, vector<16xi32>,
      %get3A_579 = arith.constant 1 : i32
      %get3A_580 = arith.index_cast %get3A_579 : i32 to index
      %get3A_581 = arith.constant 96 : index
      %get3A_582 = tpu.vector_load %arg10[%get3A_580, %get3A_581] {strides = array<i32>} : memref<2x128xi32, #tpu.memory_space<vmem>>, vector<16xi32>,
      %gather3A_583 = tpu.vector_load_idx %arg13[%broadcast_in_dim3A_10, %get3A_578, %get3A_582] : memref<2x16x512xf32, #tpu.memory_space<vmem>>[vector<16xi32>, vector<16xi32>, vector<16xi32>], vector<16xf32>,
      %get3A_584 = arith.constant 1 : i32
      %get3A_585 = arith.index_cast %get3A_584 : i32 to index
      %get3A_586 = arith.constant 96 : index
      %get3A_587 = tpu.vector_load %arg11[%get3A_585, %get3A_586] {strides = array<i32>} : memref<2x128xi32, #tpu.memory_space<vmem>>, vector<16xi32>,
      %get3A_588 = arith.constant 1 : i32
      %get3A_589 = arith.index_cast %get3A_588 : i32 to index
      %get3A_590 = arith.constant 96 : index
      %get3A_591 = tpu.vector_load %arg12[%get3A_589, %get3A_590] {strides = array<i32>} : memref<2x128xi32, #tpu.memory_space<vmem>>, vector<16xi32>,
      tpu.vector_store_idx %arg15[%broadcast_in_dim3A_10, %get3A_587, %get3A_591], %gather3A_583 : memref<2x17x512xf32, #tpu.memory_space<vmem>>[vector<16xi32>, vector<16xi32>, vector<16xi32>], vector<16xf32>,
      %get3A_592 = arith.constant 1 : i32
      %get3A_593 = arith.index_cast %get3A_592 : i32 to index
      %get3A_594 = arith.constant 112 : index
      %get3A_595 = tpu.vector_load %arg9[%get3A_593, %get3A_594] {strides = array<i32>} : memref<2x128xi32, #tpu.memory_space<vmem>>, vector<16xi32>,
      %get3A_596 = arith.constant 1 : i32
      %get3A_597 = arith.index_cast %get3A_596 : i32 to index
      %get3A_598 = arith.constant 112 : index
      %get3A_599 = tpu.vector_load %arg10[%get3A_597, %get3A_598] {strides = array<i32>} : memref<2x128xi32, #tpu.memory_space<vmem>>, vector<16xi32>,
      %gather3A_600 = tpu.vector_load_idx %arg13[%broadcast_in_dim3A_10, %get3A_595, %get3A_599] : memref<2x16x512xf32, #tpu.memory_space<vmem>>[vector<16xi32>, vector<16xi32>, vector<16xi32>], vector<16xf32>,
      %get3A_601 = arith.constant 1 : i32
      %get3A_602 = arith.index_cast %get3A_601 : i32 to index
      %get3A_603 = arith.constant 112 : index
      %get3A_604 = tpu.vector_load %arg11[%get3A_602, %get3A_603] {strides = array<i32>} : memref<2x128xi32, #tpu.memory_space<vmem>>, vector<16xi32>,
      %get3A_605 = arith.constant 1 : i32
      %get3A_606 = arith.index_cast %get3A_605 : i32 to index
      %get3A_607 = arith.constant 112 : index
      %get3A_608 = tpu.vector_load %arg12[%get3A_606, %get3A_607] {strides = array<i32>} : memref<2x128xi32, #tpu.memory_space<vmem>>, vector<16xi32>,
      tpu.vector_store_idx %arg15[%broadcast_in_dim3A_10, %get3A_604, %get3A_608], %gather3A_600 : memref<2x17x512xf32, #tpu.memory_space<vmem>>[vector<16xi32>, vector<16xi32>, vector<16xi32>], vector<16xf32>,
      %dma_start3A_609 = arith.constant 0 : i32
      %dma_start3A_610 = arith.constant 0 : i32
      %dma_start3A_611 = arith.constant 0 : i32
      %dma_start3A_612 = tpu.memref_slice %arg15[%dma_start3A_609, %dma_start3A_610, %dma_start3A_611] : memref<2x17x512xf32, #tpu.memory_space<vmem>> -> memref<2x16x512xf32, #tpu.memory_space<vmem>>
      %dma_start3A_613 = arith.constant 0 : i32
      %dma_start3A_614 = tpu.memref_slice %arg8[%mul3A_60, %mul3A_2, %dma_start3A_613] : memref<64x512x512xf32, #tpu.memory_space<hbm>> -> memref<2x16x512xf32, #tpu.memory_space<hbm>>
      %dma_start3A_615 = arith.constant 0 : i32
      %dma_start3A_616 = tpu.memref_slice %arg8[%mul3A_60, %mul3A_2, %dma_start3A_615] : memref<64x512x512xf32, #tpu.memory_space<hbm>> -> memref<2x16x512xf32, #tpu.memory_space<hbm>>
      %dma_start3A_617 = arith.constant 0 : i32
      %dma_start3A_618 = arith.constant 0 : i32
      %dma_start3A_619 = arith.constant 0 : i32
      %dma_start3A_620 = tpu.memref_slice %arg15[%dma_start3A_617, %dma_start3A_618, %dma_start3A_619] : memref<2x17x512xf32, #tpu.memory_space<vmem>> -> memref<2x16x512xf32, #tpu.memory_space<vmem>>
      tpu.enqueue_dma source(%dma_start3A_620 : memref<2x16x512xf32, #tpu.memory_space<vmem>>) target(%dma_start3A_616 : memref<2x16x512xf32, #tpu.memory_space<hbm>>) target_semaphore(%arg19 : memref<!tpu.dma_semaphore, #tpu.memory_space<semaphore_mem>>)
      %le3A = arith.constant 14 : i32
      %le3A_621 = arith.cmpi sle, %scan3A_54, %le3A : i32
      %convert_element_type3A_622 = arith.extui %le3A_621 : i1 to i32
      %cond3A_623 = arith.constant 0 : i32
      %cond3A_624 = arith.cmpi ne, %convert_element_type3A_622, %cond3A_623 : i32
      scf.if %cond3A_624 {
        %add3A_1201 = arith.constant 4 : i32
        %add3A_1202 = arith.addi %mul3A_60, %add3A_1201 : i32
        %dma_start3A_1203 = arith.constant 0 : i32
        %dma_start3A_1204 = tpu.memref_slice %arg2[%add3A_1202, %mul3A_2, %dma_start3A_1203] : memref<64x512x512xf32, #tpu.memory_space<hbm>> -> memref<2x16x512xf32, #tpu.memory_space<hbm>>
        %dma_start3A_1205 = arith.constant 0 : i32
        %dma_start3A_1206 = tpu.memref_slice %arg2[%add3A_1202, %mul3A_2, %dma_start3A_1205] : memref<64x512x512xf32, #tpu.memory_space<hbm>> -> memref<2x16x512xf32, #tpu.memory_space<hbm>>
        tpu.enqueue_dma source(%dma_start3A_1206 : memref<2x16x512xf32, #tpu.memory_space<hbm>>) target(%arg13 : memref<2x16x512xf32, #tpu.memory_space<vmem>>) target_semaphore(%arg17 : memref<!tpu.dma_semaphore, #tpu.memory_space<semaphore_mem>>)
      } else {
      }
      %mul3A_625 = arith.constant 2 : i32
      %mul3A_626 = arith.muli %mul3A_625, %scan3A_54 : i32
      %add3A_627 = arith.constant 1 : i32
      %add3A_628 = arith.addi %mul3A_626, %add3A_627 : i32
      %mul3A_629 = arith.constant 2 : i32
      %mul3A_630 = arith.muli %add3A_628, %mul3A_629 : i32
      %ge3A_631 = arith.constant 1 : i32
      %ge3A_632 = arith.cmpi sge, %scan3A_54, %ge3A_631 : i32
      %convert_element_type3A_633 = arith.extui %ge3A_632 : i1 to i32
      %cond3A_634 = arith.constant 0 : i32
      %cond3A_635 = arith.cmpi ne, %convert_element_type3A_633, %cond3A_634 : i32
      scf.if %cond3A_635 {
        %dma_wait3A_1201 = arith.constant 0 : i32
        %dma_wait3A_1202 = arith.constant 0 : i32
        %dma_wait3A_1203 = arith.constant 0 : i32
        %dma_wait3A_1204 = tpu.memref_slice %arg16[%dma_wait3A_1201, %dma_wait3A_1202, %dma_wait3A_1203] : memref<2x17x512xf32, #tpu.memory_space<vmem>> -> memref<2x16x512xf32, #tpu.memory_space<vmem>>
        %dma_wait3A_1205 = arith.constant 0 : i32
        %dma_wait3A_1206 = tpu.memref_slice %arg8[%mul3A_630, %mul3A_2, %dma_wait3A_1205] : memref<64x512x512xf32, #tpu.memory_space<hbm>> -> memref<2x16x512xf32, #tpu.memory_space<hbm>>
        %dma_wait3A_1207 = arith.constant 0 : i32
        %dma_wait3A_1208 = tpu.memref_slice %arg8[%mul3A_630, %mul3A_2, %dma_wait3A_1207] : memref<64x512x512xf32, #tpu.memory_space<hbm>> -> memref<2x16x512xf32, #tpu.memory_space<hbm>>
        %dma_wait3A_1209 = arith.constant 0 : i32
        %dma_wait3A_1210 = arith.constant 0 : i32
        %dma_wait3A_1211 = arith.constant 0 : i32
        %dma_wait3A_1212 = tpu.memref_slice %arg16[%dma_wait3A_1209, %dma_wait3A_1210, %dma_wait3A_1211] : memref<2x17x512xf32, #tpu.memory_space<vmem>> -> memref<2x16x512xf32, #tpu.memory_space<vmem>>
        tpu.wait_dma2 semaphore(%arg20 : memref<!tpu.dma_semaphore, #tpu.memory_space<semaphore_mem>>) src(%dma_wait3A_1212 : memref<2x16x512xf32, #tpu.memory_space<vmem>>) dst(%dma_wait3A_1208 : memref<2x16x512xf32, #tpu.memory_space<hbm>>)
        %get3A_1213 = arith.constant 0 : i32
        %get3A_1214 = arith.index_cast %get3A_1213 : i32 to index
        %get3A_1215 = arith.constant 0 : index
        %get3A_1216 = tpu.vector_load %arg11[%get3A_1214, %get3A_1215] {strides = array<i32>} : memref<2x128xi32, #tpu.memory_space<vmem>>, vector<16xi32>,
        %get3A_1217 = arith.constant 0 : i32
        %get3A_1218 = arith.index_cast %get3A_1217 : i32 to index
        %get3A_1219 = arith.constant 0 : index
        %get3A_1220 = tpu.vector_load %arg12[%get3A_1218, %get3A_1219] {strides = array<i32>} : memref<2x128xi32, #tpu.memory_space<vmem>>, vector<16xi32>,
        tpu.vector_store_idx %arg16[%broadcast_in_dim3A_8, %get3A_1216, %get3A_1220], %broadcast_in_dim3A_6 : memref<2x17x512xf32, #tpu.memory_space<vmem>>[vector<16xi32>, vector<16xi32>, vector<16xi32>], vector<16xf32>,
        %get3A_1221 = arith.constant 0 : i32
        %get3A_1222 = arith.index_cast %get3A_1221 : i32 to index
        %get3A_1223 = arith.constant 16 : index
        %get3A_1224 = tpu.vector_load %arg11[%get3A_1222, %get3A_1223] {strides = array<i32>} : memref<2x128xi32, #tpu.memory_space<vmem>>, vector<16xi32>,
        %get3A_1225 = arith.constant 0 : i32
        %get3A_1226 = arith.index_cast %get3A_1225 : i32 to index
        %get3A_1227 = arith.constant 16 : index
        %get3A_1228 = tpu.vector_load %arg12[%get3A_1226, %get3A_1227] {strides = array<i32>} : memref<2x128xi32, #tpu.memory_space<vmem>>, vector<16xi32>,
        tpu.vector_store_idx %arg16[%broadcast_in_dim3A_8, %get3A_1224, %get3A_1228], %broadcast_in_dim3A_6 : memref<2x17x512xf32, #tpu.memory_space<vmem>>[vector<16xi32>, vector<16xi32>, vector<16xi32>], vector<16xf32>,
        %get3A_1229 = arith.constant 0 : i32
        %get3A_1230 = arith.index_cast %get3A_1229 : i32 to index
        %get3A_1231 = arith.constant 32 : index
        %get3A_1232 = tpu.vector_load %arg11[%get3A_1230, %get3A_1231] {strides = array<i32>} : memref<2x128xi32, #tpu.memory_space<vmem>>, vector<16xi32>,
        %get3A_1233 = arith.constant 0 : i32
        %get3A_1234 = arith.index_cast %get3A_1233 : i32 to index
        %get3A_1235 = arith.constant 32 : index
        %get3A_1236 = tpu.vector_load %arg12[%get3A_1234, %get3A_1235] {strides = array<i32>} : memref<2x128xi32, #tpu.memory_space<vmem>>, vector<16xi32>,
        tpu.vector_store_idx %arg16[%broadcast_in_dim3A_8, %get3A_1232, %get3A_1236], %broadcast_in_dim3A_6 : memref<2x17x512xf32, #tpu.memory_space<vmem>>[vector<16xi32>, vector<16xi32>, vector<16xi32>], vector<16xf32>,
        %get3A_1237 = arith.constant 0 : i32
        %get3A_1238 = arith.index_cast %get3A_1237 : i32 to index
        %get3A_1239 = arith.constant 48 : index
        %get3A_1240 = tpu.vector_load %arg11[%get3A_1238, %get3A_1239] {strides = array<i32>} : memref<2x128xi32, #tpu.memory_space<vmem>>, vector<16xi32>,
        %get3A_1241 = arith.constant 0 : i32
        %get3A_1242 = arith.index_cast %get3A_1241 : i32 to index
        %get3A_1243 = arith.constant 48 : index
        %get3A_1244 = tpu.vector_load %arg12[%get3A_1242, %get3A_1243] {strides = array<i32>} : memref<2x128xi32, #tpu.memory_space<vmem>>, vector<16xi32>,
        tpu.vector_store_idx %arg16[%broadcast_in_dim3A_8, %get3A_1240, %get3A_1244], %broadcast_in_dim3A_6 : memref<2x17x512xf32, #tpu.memory_space<vmem>>[vector<16xi32>, vector<16xi32>, vector<16xi32>], vector<16xf32>,
        %get3A_1245 = arith.constant 0 : i32
        %get3A_1246 = arith.index_cast %get3A_1245 : i32 to index
        %get3A_1247 = arith.constant 64 : index
        %get3A_1248 = tpu.vector_load %arg11[%get3A_1246, %get3A_1247] {strides = array<i32>} : memref<2x128xi32, #tpu.memory_space<vmem>>, vector<16xi32>,
        %get3A_1249 = arith.constant 0 : i32
        %get3A_1250 = arith.index_cast %get3A_1249 : i32 to index
        %get3A_1251 = arith.constant 64 : index
        %get3A_1252 = tpu.vector_load %arg12[%get3A_1250, %get3A_1251] {strides = array<i32>} : memref<2x128xi32, #tpu.memory_space<vmem>>, vector<16xi32>,
        tpu.vector_store_idx %arg16[%broadcast_in_dim3A_8, %get3A_1248, %get3A_1252], %broadcast_in_dim3A_6 : memref<2x17x512xf32, #tpu.memory_space<vmem>>[vector<16xi32>, vector<16xi32>, vector<16xi32>], vector<16xf32>,
        %get3A_1253 = arith.constant 0 : i32
        %get3A_1254 = arith.index_cast %get3A_1253 : i32 to index
        %get3A_1255 = arith.constant 80 : index
        %get3A_1256 = tpu.vector_load %arg11[%get3A_1254, %get3A_1255] {strides = array<i32>} : memref<2x128xi32, #tpu.memory_space<vmem>>, vector<16xi32>,
        %get3A_1257 = arith.constant 0 : i32
        %get3A_1258 = arith.index_cast %get3A_1257 : i32 to index
        %get3A_1259 = arith.constant 80 : index
        %get3A_1260 = tpu.vector_load %arg12[%get3A_1258, %get3A_1259] {strides = array<i32>} : memref<2x128xi32, #tpu.memory_space<vmem>>, vector<16xi32>,
        tpu.vector_store_idx %arg16[%broadcast_in_dim3A_8, %get3A_1256, %get3A_1260], %broadcast_in_dim3A_6 : memref<2x17x512xf32, #tpu.memory_space<vmem>>[vector<16xi32>, vector<16xi32>, vector<16xi32>], vector<16xf32>,
        %get3A_1261 = arith.constant 0 : i32
        %get3A_1262 = arith.index_cast %get3A_1261 : i32 to index
        %get3A_1263 = arith.constant 96 : index
        %get3A_1264 = tpu.vector_load %arg11[%get3A_1262, %get3A_1263] {strides = array<i32>} : memref<2x128xi32, #tpu.memory_space<vmem>>, vector<16xi32>,
        %get3A_1265 = arith.constant 0 : i32
        %get3A_1266 = arith.index_cast %get3A_1265 : i32 to index
        %get3A_1267 = arith.constant 96 : index
        %get3A_1268 = tpu.vector_load %arg12[%get3A_1266, %get3A_1267] {strides = array<i32>} : memref<2x128xi32, #tpu.memory_space<vmem>>, vector<16xi32>,
        tpu.vector_store_idx %arg16[%broadcast_in_dim3A_8, %get3A_1264, %get3A_1268], %broadcast_in_dim3A_6 : memref<2x17x512xf32, #tpu.memory_space<vmem>>[vector<16xi32>, vector<16xi32>, vector<16xi32>], vector<16xf32>,
        %get3A_1269 = arith.constant 0 : i32
        %get3A_1270 = arith.index_cast %get3A_1269 : i32 to index
        %get3A_1271 = arith.constant 112 : index
        %get3A_1272 = tpu.vector_load %arg11[%get3A_1270, %get3A_1271] {strides = array<i32>} : memref<2x128xi32, #tpu.memory_space<vmem>>, vector<16xi32>,
        %get3A_1273 = arith.constant 0 : i32
        %get3A_1274 = arith.index_cast %get3A_1273 : i32 to index
        %get3A_1275 = arith.constant 112 : index
        %get3A_1276 = tpu.vector_load %arg12[%get3A_1274, %get3A_1275] {strides = array<i32>} : memref<2x128xi32, #tpu.memory_space<vmem>>, vector<16xi32>,
        tpu.vector_store_idx %arg16[%broadcast_in_dim3A_8, %get3A_1272, %get3A_1276], %broadcast_in_dim3A_6 : memref<2x17x512xf32, #tpu.memory_space<vmem>>[vector<16xi32>, vector<16xi32>, vector<16xi32>], vector<16xf32>,
        %get3A_1277 = arith.constant 1 : i32
        %get3A_1278 = arith.index_cast %get3A_1277 : i32 to index
        %get3A_1279 = arith.constant 0 : index
        %get3A_1280 = tpu.vector_load %arg11[%get3A_1278, %get3A_1279] {strides = array<i32>} : memref<2x128xi32, #tpu.memory_space<vmem>>, vector<16xi32>,
        %get3A_1281 = arith.constant 1 : i32
        %get3A_1282 = arith.index_cast %get3A_1281 : i32 to index
        %get3A_1283 = arith.constant 0 : index
        %get3A_1284 = tpu.vector_load %arg12[%get3A_1282, %get3A_1283] {strides = array<i32>} : memref<2x128xi32, #tpu.memory_space<vmem>>, vector<16xi32>,
        tpu.vector_store_idx %arg16[%broadcast_in_dim3A_8, %get3A_1280, %get3A_1284], %broadcast_in_dim3A_6 : memref<2x17x512xf32, #tpu.memory_space<vmem>>[vector<16xi32>, vector<16xi32>, vector<16xi32>], vector<16xf32>,
        %get3A_1285 = arith.constant 1 : i32
        %get3A_1286 = arith.index_cast %get3A_1285 : i32 to index
        %get3A_1287 = arith.constant 16 : index
        %get3A_1288 = tpu.vector_load %arg11[%get3A_1286, %get3A_1287] {strides = array<i32>} : memref<2x128xi32, #tpu.memory_space<vmem>>, vector<16xi32>,
        %get3A_1289 = arith.constant 1 : i32
        %get3A_1290 = arith.index_cast %get3A_1289 : i32 to index
        %get3A_1291 = arith.constant 16 : index
        %get3A_1292 = tpu.vector_load %arg12[%get3A_1290, %get3A_1291] {strides = array<i32>} : memref<2x128xi32, #tpu.memory_space<vmem>>, vector<16xi32>,
        tpu.vector_store_idx %arg16[%broadcast_in_dim3A_8, %get3A_1288, %get3A_1292], %broadcast_in_dim3A_6 : memref<2x17x512xf32, #tpu.memory_space<vmem>>[vector<16xi32>, vector<16xi32>, vector<16xi32>], vector<16xf32>,
        %get3A_1293 = arith.constant 1 : i32
        %get3A_1294 = arith.index_cast %get3A_1293 : i32 to index
        %get3A_1295 = arith.constant 32 : index
        %get3A_1296 = tpu.vector_load %arg11[%get3A_1294, %get3A_1295] {strides = array<i32>} : memref<2x128xi32, #tpu.memory_space<vmem>>, vector<16xi32>,
        %get3A_1297 = arith.constant 1 : i32
        %get3A_1298 = arith.index_cast %get3A_1297 : i32 to index
        %get3A_1299 = arith.constant 32 : index
        %get3A_1300 = tpu.vector_load %arg12[%get3A_1298, %get3A_1299] {strides = array<i32>} : memref<2x128xi32, #tpu.memory_space<vmem>>, vector<16xi32>,
        tpu.vector_store_idx %arg16[%broadcast_in_dim3A_8, %get3A_1296, %get3A_1300], %broadcast_in_dim3A_6 : memref<2x17x512xf32, #tpu.memory_space<vmem>>[vector<16xi32>, vector<16xi32>, vector<16xi32>], vector<16xf32>,
        %get3A_1301 = arith.constant 1 : i32
        %get3A_1302 = arith.index_cast %get3A_1301 : i32 to index
        %get3A_1303 = arith.constant 48 : index
        %get3A_1304 = tpu.vector_load %arg11[%get3A_1302, %get3A_1303] {strides = array<i32>} : memref<2x128xi32, #tpu.memory_space<vmem>>, vector<16xi32>,
        %get3A_1305 = arith.constant 1 : i32
        %get3A_1306 = arith.index_cast %get3A_1305 : i32 to index
        %get3A_1307 = arith.constant 48 : index
        %get3A_1308 = tpu.vector_load %arg12[%get3A_1306, %get3A_1307] {strides = array<i32>} : memref<2x128xi32, #tpu.memory_space<vmem>>, vector<16xi32>,
        tpu.vector_store_idx %arg16[%broadcast_in_dim3A_8, %get3A_1304, %get3A_1308], %broadcast_in_dim3A_6 : memref<2x17x512xf32, #tpu.memory_space<vmem>>[vector<16xi32>, vector<16xi32>, vector<16xi32>], vector<16xf32>,
        %get3A_1309 = arith.constant 1 : i32
        %get3A_1310 = arith.index_cast %get3A_1309 : i32 to index
        %get3A_1311 = arith.constant 64 : index
        %get3A_1312 = tpu.vector_load %arg11[%get3A_1310, %get3A_1311] {strides = array<i32>} : memref<2x128xi32, #tpu.memory_space<vmem>>, vector<16xi32>,
        %get3A_1313 = arith.constant 1 : i32
        %get3A_1314 = arith.index_cast %get3A_1313 : i32 to index
        %get3A_1315 = arith.constant 64 : index
        %get3A_1316 = tpu.vector_load %arg12[%get3A_1314, %get3A_1315] {strides = array<i32>} : memref<2x128xi32, #tpu.memory_space<vmem>>, vector<16xi32>,
        tpu.vector_store_idx %arg16[%broadcast_in_dim3A_8, %get3A_1312, %get3A_1316], %broadcast_in_dim3A_6 : memref<2x17x512xf32, #tpu.memory_space<vmem>>[vector<16xi32>, vector<16xi32>, vector<16xi32>], vector<16xf32>,
        %get3A_1317 = arith.constant 1 : i32
        %get3A_1318 = arith.index_cast %get3A_1317 : i32 to index
        %get3A_1319 = arith.constant 80 : index
        %get3A_1320 = tpu.vector_load %arg11[%get3A_1318, %get3A_1319] {strides = array<i32>} : memref<2x128xi32, #tpu.memory_space<vmem>>, vector<16xi32>,
        %get3A_1321 = arith.constant 1 : i32
        %get3A_1322 = arith.index_cast %get3A_1321 : i32 to index
        %get3A_1323 = arith.constant 80 : index
        %get3A_1324 = tpu.vector_load %arg12[%get3A_1322, %get3A_1323] {strides = array<i32>} : memref<2x128xi32, #tpu.memory_space<vmem>>, vector<16xi32>,
        tpu.vector_store_idx %arg16[%broadcast_in_dim3A_8, %get3A_1320, %get3A_1324], %broadcast_in_dim3A_6 : memref<2x17x512xf32, #tpu.memory_space<vmem>>[vector<16xi32>, vector<16xi32>, vector<16xi32>], vector<16xf32>,
        %get3A_1325 = arith.constant 1 : i32
        %get3A_1326 = arith.index_cast %get3A_1325 : i32 to index
        %get3A_1327 = arith.constant 96 : index
        %get3A_1328 = tpu.vector_load %arg11[%get3A_1326, %get3A_1327] {strides = array<i32>} : memref<2x128xi32, #tpu.memory_space<vmem>>, vector<16xi32>,
        %get3A_1329 = arith.constant 1 : i32
        %get3A_1330 = arith.index_cast %get3A_1329 : i32 to index
        %get3A_1331 = arith.constant 96 : index
        %get3A_1332 = tpu.vector_load %arg12[%get3A_1330, %get3A_1331] {strides = array<i32>} : memref<2x128xi32, #tpu.memory_space<vmem>>, vector<16xi32>,
        tpu.vector_store_idx %arg16[%broadcast_in_dim3A_8, %get3A_1328, %get3A_1332], %broadcast_in_dim3A_6 : memref<2x17x512xf32, #tpu.memory_space<vmem>>[vector<16xi32>, vector<16xi32>, vector<16xi32>], vector<16xf32>,
        %get3A_1333 = arith.constant 1 : i32
        %get3A_1334 = arith.index_cast %get3A_1333 : i32 to index
        %get3A_1335 = arith.constant 112 : index
        %get3A_1336 = tpu.vector_load %arg11[%get3A_1334, %get3A_1335] {strides = array<i32>} : memref<2x128xi32, #tpu.memory_space<vmem>>, vector<16xi32>,
        %get3A_1337 = arith.constant 1 : i32
        %get3A_1338 = arith.index_cast %get3A_1337 : i32 to index
        %get3A_1339 = arith.constant 112 : index
        %get3A_1340 = tpu.vector_load %arg12[%get3A_1338, %get3A_1339] {strides = array<i32>} : memref<2x128xi32, #tpu.memory_space<vmem>>, vector<16xi32>,
        tpu.vector_store_idx %arg16[%broadcast_in_dim3A_8, %get3A_1336, %get3A_1340], %broadcast_in_dim3A_6 : memref<2x17x512xf32, #tpu.memory_space<vmem>>[vector<16xi32>, vector<16xi32>, vector<16xi32>], vector<16xf32>,
        %get3A_1341 = arith.constant 0 : i32
        %get3A_1342 = arith.index_cast %get3A_1341 : i32 to index
        %get3A_1343 = arith.constant 0 : index
        %get3A_1344 = tpu.vector_load %arg11[%get3A_1342, %get3A_1343] {strides = array<i32>} : memref<2x128xi32, #tpu.memory_space<vmem>>, vector<16xi32>,
        %get3A_1345 = arith.constant 0 : i32
        %get3A_1346 = arith.index_cast %get3A_1345 : i32 to index
        %get3A_1347 = arith.constant 0 : index
        %get3A_1348 = tpu.vector_load %arg12[%get3A_1346, %get3A_1347] {strides = array<i32>} : memref<2x128xi32, #tpu.memory_space<vmem>>, vector<16xi32>,
        tpu.vector_store_idx %arg16[%broadcast_in_dim3A_10, %get3A_1344, %get3A_1348], %broadcast_in_dim3A_6 : memref<2x17x512xf32, #tpu.memory_space<vmem>>[vector<16xi32>, vector<16xi32>, vector<16xi32>], vector<16xf32>,
        %get3A_1349 = arith.constant 0 : i32
        %get3A_1350 = arith.index_cast %get3A_1349 : i32 to index
        %get3A_1351 = arith.constant 16 : index
        %get3A_1352 = tpu.vector_load %arg11[%get3A_1350, %get3A_1351] {strides = array<i32>} : memref<2x128xi32, #tpu.memory_space<vmem>>, vector<16xi32>,
        %get3A_1353 = arith.constant 0 : i32
        %get3A_1354 = arith.index_cast %get3A_1353 : i32 to index
        %get3A_1355 = arith.constant 16 : index
        %get3A_1356 = tpu.vector_load %arg12[%get3A_1354, %get3A_1355] {strides = array<i32>} : memref<2x128xi32, #tpu.memory_space<vmem>>, vector<16xi32>,
        tpu.vector_store_idx %arg16[%broadcast_in_dim3A_10, %get3A_1352, %get3A_1356], %broadcast_in_dim3A_6 : memref<2x17x512xf32, #tpu.memory_space<vmem>>[vector<16xi32>, vector<16xi32>, vector<16xi32>], vector<16xf32>,
        %get3A_1357 = arith.constant 0 : i32
        %get3A_1358 = arith.index_cast %get3A_1357 : i32 to index
        %get3A_1359 = arith.constant 32 : index
        %get3A_1360 = tpu.vector_load %arg11[%get3A_1358, %get3A_1359] {strides = array<i32>} : memref<2x128xi32, #tpu.memory_space<vmem>>, vector<16xi32>,
        %get3A_1361 = arith.constant 0 : i32
        %get3A_1362 = arith.index_cast %get3A_1361 : i32 to index
        %get3A_1363 = arith.constant 32 : index
        %get3A_1364 = tpu.vector_load %arg12[%get3A_1362, %get3A_1363] {strides = array<i32>} : memref<2x128xi32, #tpu.memory_space<vmem>>, vector<16xi32>,
        tpu.vector_store_idx %arg16[%broadcast_in_dim3A_10, %get3A_1360, %get3A_1364], %broadcast_in_dim3A_6 : memref<2x17x512xf32, #tpu.memory_space<vmem>>[vector<16xi32>, vector<16xi32>, vector<16xi32>], vector<16xf32>,
        %get3A_1365 = arith.constant 0 : i32
        %get3A_1366 = arith.index_cast %get3A_1365 : i32 to index
        %get3A_1367 = arith.constant 48 : index
        %get3A_1368 = tpu.vector_load %arg11[%get3A_1366, %get3A_1367] {strides = array<i32>} : memref<2x128xi32, #tpu.memory_space<vmem>>, vector<16xi32>,
        %get3A_1369 = arith.constant 0 : i32
        %get3A_1370 = arith.index_cast %get3A_1369 : i32 to index
        %get3A_1371 = arith.constant 48 : index
        %get3A_1372 = tpu.vector_load %arg12[%get3A_1370, %get3A_1371] {strides = array<i32>} : memref<2x128xi32, #tpu.memory_space<vmem>>, vector<16xi32>,
        tpu.vector_store_idx %arg16[%broadcast_in_dim3A_10, %get3A_1368, %get3A_1372], %broadcast_in_dim3A_6 : memref<2x17x512xf32, #tpu.memory_space<vmem>>[vector<16xi32>, vector<16xi32>, vector<16xi32>], vector<16xf32>,
        %get3A_1373 = arith.constant 0 : i32
        %get3A_1374 = arith.index_cast %get3A_1373 : i32 to index
        %get3A_1375 = arith.constant 64 : index
        %get3A_1376 = tpu.vector_load %arg11[%get3A_1374, %get3A_1375] {strides = array<i32>} : memref<2x128xi32, #tpu.memory_space<vmem>>, vector<16xi32>,
        %get3A_1377 = arith.constant 0 : i32
        %get3A_1378 = arith.index_cast %get3A_1377 : i32 to index
        %get3A_1379 = arith.constant 64 : index
        %get3A_1380 = tpu.vector_load %arg12[%get3A_1378, %get3A_1379] {strides = array<i32>} : memref<2x128xi32, #tpu.memory_space<vmem>>, vector<16xi32>,
        tpu.vector_store_idx %arg16[%broadcast_in_dim3A_10, %get3A_1376, %get3A_1380], %broadcast_in_dim3A_6 : memref<2x17x512xf32, #tpu.memory_space<vmem>>[vector<16xi32>, vector<16xi32>, vector<16xi32>], vector<16xf32>,
        %get3A_1381 = arith.constant 0 : i32
        %get3A_1382 = arith.index_cast %get3A_1381 : i32 to index
        %get3A_1383 = arith.constant 80 : index
        %get3A_1384 = tpu.vector_load %arg11[%get3A_1382, %get3A_1383] {strides = array<i32>} : memref<2x128xi32, #tpu.memory_space<vmem>>, vector<16xi32>,
        %get3A_1385 = arith.constant 0 : i32
        %get3A_1386 = arith.index_cast %get3A_1385 : i32 to index
        %get3A_1387 = arith.constant 80 : index
        %get3A_1388 = tpu.vector_load %arg12[%get3A_1386, %get3A_1387] {strides = array<i32>} : memref<2x128xi32, #tpu.memory_space<vmem>>, vector<16xi32>,
        tpu.vector_store_idx %arg16[%broadcast_in_dim3A_10, %get3A_1384, %get3A_1388], %broadcast_in_dim3A_6 : memref<2x17x512xf32, #tpu.memory_space<vmem>>[vector<16xi32>, vector<16xi32>, vector<16xi32>], vector<16xf32>,
        %get3A_1389 = arith.constant 0 : i32
        %get3A_1390 = arith.index_cast %get3A_1389 : i32 to index
        %get3A_1391 = arith.constant 96 : index
        %get3A_1392 = tpu.vector_load %arg11[%get3A_1390, %get3A_1391] {strides = array<i32>} : memref<2x128xi32, #tpu.memory_space<vmem>>, vector<16xi32>,
        %get3A_1393 = arith.constant 0 : i32
        %get3A_1394 = arith.index_cast %get3A_1393 : i32 to index
        %get3A_1395 = arith.constant 96 : index
        %get3A_1396 = tpu.vector_load %arg12[%get3A_1394, %get3A_1395] {strides = array<i32>} : memref<2x128xi32, #tpu.memory_space<vmem>>, vector<16xi32>,
        tpu.vector_store_idx %arg16[%broadcast_in_dim3A_10, %get3A_1392, %get3A_1396], %broadcast_in_dim3A_6 : memref<2x17x512xf32, #tpu.memory_space<vmem>>[vector<16xi32>, vector<16xi32>, vector<16xi32>], vector<16xf32>,
        %get3A_1397 = arith.constant 0 : i32
        %get3A_1398 = arith.index_cast %get3A_1397 : i32 to index
        %get3A_1399 = arith.constant 112 : index
        %get3A_1400 = tpu.vector_load %arg11[%get3A_1398, %get3A_1399] {strides = array<i32>} : memref<2x128xi32, #tpu.memory_space<vmem>>, vector<16xi32>,
        %get3A_1401 = arith.constant 0 : i32
        %get3A_1402 = arith.index_cast %get3A_1401 : i32 to index
        %get3A_1403 = arith.constant 112 : index
        %get3A_1404 = tpu.vector_load %arg12[%get3A_1402, %get3A_1403] {strides = array<i32>} : memref<2x128xi32, #tpu.memory_space<vmem>>, vector<16xi32>,
        tpu.vector_store_idx %arg16[%broadcast_in_dim3A_10, %get3A_1400, %get3A_1404], %broadcast_in_dim3A_6 : memref<2x17x512xf32, #tpu.memory_space<vmem>>[vector<16xi32>, vector<16xi32>, vector<16xi32>], vector<16xf32>,
        %get3A_1405 = arith.constant 1 : i32
        %get3A_1406 = arith.index_cast %get3A_1405 : i32 to index
        %get3A_1407 = arith.constant 0 : index
        %get3A_1408 = tpu.vector_load %arg11[%get3A_1406, %get3A_1407] {strides = array<i32>} : memref<2x128xi32, #tpu.memory_space<vmem>>, vector<16xi32>,
        %get3A_1409 = arith.constant 1 : i32
        %get3A_1410 = arith.index_cast %get3A_1409 : i32 to index
        %get3A_1411 = arith.constant 0 : index
        %get3A_1412 = tpu.vector_load %arg12[%get3A_1410, %get3A_1411] {strides = array<i32>} : memref<2x128xi32, #tpu.memory_space<vmem>>, vector<16xi32>,
        tpu.vector_store_idx %arg16[%broadcast_in_dim3A_10, %get3A_1408, %get3A_1412], %broadcast_in_dim3A_6 : memref<2x17x512xf32, #tpu.memory_space<vmem>>[vector<16xi32>, vector<16xi32>, vector<16xi32>], vector<16xf32>,
        %get3A_1413 = arith.constant 1 : i32
        %get3A_1414 = arith.index_cast %get3A_1413 : i32 to index
        %get3A_1415 = arith.constant 16 : index
        %get3A_1416 = tpu.vector_load %arg11[%get3A_1414, %get3A_1415] {strides = array<i32>} : memref<2x128xi32, #tpu.memory_space<vmem>>, vector<16xi32>,
        %get3A_1417 = arith.constant 1 : i32
        %get3A_1418 = arith.index_cast %get3A_1417 : i32 to index
        %get3A_1419 = arith.constant 16 : index
        %get3A_1420 = tpu.vector_load %arg12[%get3A_1418, %get3A_1419] {strides = array<i32>} : memref<2x128xi32, #tpu.memory_space<vmem>>, vector<16xi32>,
        tpu.vector_store_idx %arg16[%broadcast_in_dim3A_10, %get3A_1416, %get3A_1420], %broadcast_in_dim3A_6 : memref<2x17x512xf32, #tpu.memory_space<vmem>>[vector<16xi32>, vector<16xi32>, vector<16xi32>], vector<16xf32>,
        %get3A_1421 = arith.constant 1 : i32
        %get3A_1422 = arith.index_cast %get3A_1421 : i32 to index
        %get3A_1423 = arith.constant 32 : index
        %get3A_1424 = tpu.vector_load %arg11[%get3A_1422, %get3A_1423] {strides = array<i32>} : memref<2x128xi32, #tpu.memory_space<vmem>>, vector<16xi32>,
        %get3A_1425 = arith.constant 1 : i32
        %get3A_1426 = arith.index_cast %get3A_1425 : i32 to index
        %get3A_1427 = arith.constant 32 : index
        %get3A_1428 = tpu.vector_load %arg12[%get3A_1426, %get3A_1427] {strides = array<i32>} : memref<2x128xi32, #tpu.memory_space<vmem>>, vector<16xi32>,
        tpu.vector_store_idx %arg16[%broadcast_in_dim3A_10, %get3A_1424, %get3A_1428], %broadcast_in_dim3A_6 : memref<2x17x512xf32, #tpu.memory_space<vmem>>[vector<16xi32>, vector<16xi32>, vector<16xi32>], vector<16xf32>,
        %get3A_1429 = arith.constant 1 : i32
        %get3A_1430 = arith.index_cast %get3A_1429 : i32 to index
        %get3A_1431 = arith.constant 48 : index
        %get3A_1432 = tpu.vector_load %arg11[%get3A_1430, %get3A_1431] {strides = array<i32>} : memref<2x128xi32, #tpu.memory_space<vmem>>, vector<16xi32>,
        %get3A_1433 = arith.constant 1 : i32
        %get3A_1434 = arith.index_cast %get3A_1433 : i32 to index
        %get3A_1435 = arith.constant 48 : index
        %get3A_1436 = tpu.vector_load %arg12[%get3A_1434, %get3A_1435] {strides = array<i32>} : memref<2x128xi32, #tpu.memory_space<vmem>>, vector<16xi32>,
        tpu.vector_store_idx %arg16[%broadcast_in_dim3A_10, %get3A_1432, %get3A_1436], %broadcast_in_dim3A_6 : memref<2x17x512xf32, #tpu.memory_space<vmem>>[vector<16xi32>, vector<16xi32>, vector<16xi32>], vector<16xf32>,
        %get3A_1437 = arith.constant 1 : i32
        %get3A_1438 = arith.index_cast %get3A_1437 : i32 to index
        %get3A_1439 = arith.constant 64 : index
        %get3A_1440 = tpu.vector_load %arg11[%get3A_1438, %get3A_1439] {strides = array<i32>} : memref<2x128xi32, #tpu.memory_space<vmem>>, vector<16xi32>,
        %get3A_1441 = arith.constant 1 : i32
        %get3A_1442 = arith.index_cast %get3A_1441 : i32 to index
        %get3A_1443 = arith.constant 64 : index
        %get3A_1444 = tpu.vector_load %arg12[%get3A_1442, %get3A_1443] {strides = array<i32>} : memref<2x128xi32, #tpu.memory_space<vmem>>, vector<16xi32>,
        tpu.vector_store_idx %arg16[%broadcast_in_dim3A_10, %get3A_1440, %get3A_1444], %broadcast_in_dim3A_6 : memref<2x17x512xf32, #tpu.memory_space<vmem>>[vector<16xi32>, vector<16xi32>, vector<16xi32>], vector<16xf32>,
        %get3A_1445 = arith.constant 1 : i32
        %get3A_1446 = arith.index_cast %get3A_1445 : i32 to index
        %get3A_1447 = arith.constant 80 : index
        %get3A_1448 = tpu.vector_load %arg11[%get3A_1446, %get3A_1447] {strides = array<i32>} : memref<2x128xi32, #tpu.memory_space<vmem>>, vector<16xi32>,
        %get3A_1449 = arith.constant 1 : i32
        %get3A_1450 = arith.index_cast %get3A_1449 : i32 to index
        %get3A_1451 = arith.constant 80 : index
        %get3A_1452 = tpu.vector_load %arg12[%get3A_1450, %get3A_1451] {strides = array<i32>} : memref<2x128xi32, #tpu.memory_space<vmem>>, vector<16xi32>,
        tpu.vector_store_idx %arg16[%broadcast_in_dim3A_10, %get3A_1448, %get3A_1452], %broadcast_in_dim3A_6 : memref<2x17x512xf32, #tpu.memory_space<vmem>>[vector<16xi32>, vector<16xi32>, vector<16xi32>], vector<16xf32>,
        %get3A_1453 = arith.constant 1 : i32
        %get3A_1454 = arith.index_cast %get3A_1453 : i32 to index
        %get3A_1455 = arith.constant 96 : index
        %get3A_1456 = tpu.vector_load %arg11[%get3A_1454, %get3A_1455] {strides = array<i32>} : memref<2x128xi32, #tpu.memory_space<vmem>>, vector<16xi32>,
        %get3A_1457 = arith.constant 1 : i32
        %get3A_1458 = arith.index_cast %get3A_1457 : i32 to index
        %get3A_1459 = arith.constant 96 : index
        %get3A_1460 = tpu.vector_load %arg12[%get3A_1458, %get3A_1459] {strides = array<i32>} : memref<2x128xi32, #tpu.memory_space<vmem>>, vector<16xi32>,
        tpu.vector_store_idx %arg16[%broadcast_in_dim3A_10, %get3A_1456, %get3A_1460], %broadcast_in_dim3A_6 : memref<2x17x512xf32, #tpu.memory_space<vmem>>[vector<16xi32>, vector<16xi32>, vector<16xi32>], vector<16xf32>,
        %get3A_1461 = arith.constant 1 : i32
        %get3A_1462 = arith.index_cast %get3A_1461 : i32 to index
        %get3A_1463 = arith.constant 112 : index
        %get3A_1464 = tpu.vector_load %arg11[%get3A_1462, %get3A_1463] {strides = array<i32>} : memref<2x128xi32, #tpu.memory_space<vmem>>, vector<16xi32>,
        %get3A_1465 = arith.constant 1 : i32
        %get3A_1466 = arith.index_cast %get3A_1465 : i32 to index
        %get3A_1467 = arith.constant 112 : index
        %get3A_1468 = tpu.vector_load %arg12[%get3A_1466, %get3A_1467] {strides = array<i32>} : memref<2x128xi32, #tpu.memory_space<vmem>>, vector<16xi32>,
        tpu.vector_store_idx %arg16[%broadcast_in_dim3A_10, %get3A_1464, %get3A_1468], %broadcast_in_dim3A_6 : memref<2x17x512xf32, #tpu.memory_space<vmem>>[vector<16xi32>, vector<16xi32>, vector<16xi32>], vector<16xf32>,
      } else {
      }
      %dma_wait3A_636 = arith.constant 0 : i32
      %dma_wait3A_637 = tpu.memref_slice %arg2[%mul3A_630, %mul3A_2, %dma_wait3A_636] : memref<64x512x512xf32, #tpu.memory_space<hbm>> -> memref<2x16x512xf32, #tpu.memory_space<hbm>>
      %dma_wait3A_638 = arith.constant 0 : i32
      %dma_wait3A_639 = tpu.memref_slice %arg2[%mul3A_630, %mul3A_2, %dma_wait3A_638] : memref<64x512x512xf32, #tpu.memory_space<hbm>> -> memref<2x16x512xf32, #tpu.memory_space<hbm>>
      tpu.wait_dma2 semaphore(%arg18 : memref<!tpu.dma_semaphore, #tpu.memory_space<semaphore_mem>>) src(%dma_wait3A_639 : memref<2x16x512xf32, #tpu.memory_space<hbm>>) dst(%arg14 : memref<2x16x512xf32, #tpu.memory_space<vmem>>)
      %get3A_640 = arith.constant 0 : i32
      %get3A_641 = arith.index_cast %get3A_640 : i32 to index
      %get3A_642 = arith.constant 0 : index
      %get3A_643 = tpu.vector_load %arg9[%get3A_641, %get3A_642] {strides = array<i32>} : memref<2x128xi32, #tpu.memory_space<vmem>>, vector<16xi32>,
      %get3A_644 = arith.constant 0 : i32
      %get3A_645 = arith.index_cast %get3A_644 : i32 to index
      %get3A_646 = arith.constant 0 : index
      %get3A_647 = tpu.vector_load %arg10[%get3A_645, %get3A_646] {strides = array<i32>} : memref<2x128xi32, #tpu.memory_space<vmem>>, vector<16xi32>,
      %gather3A_648 = tpu.vector_load_idx %arg14[%broadcast_in_dim3A_8, %get3A_643, %get3A_647] : memref<2x16x512xf32, #tpu.memory_space<vmem>>[vector<16xi32>, vector<16xi32>, vector<16xi32>], vector<16xf32>,
      %get3A_649 = arith.constant 0 : i32
      %get3A_650 = arith.index_cast %get3A_649 : i32 to index
      %get3A_651 = arith.constant 0 : index
      %get3A_652 = tpu.vector_load %arg11[%get3A_650, %get3A_651] {strides = array<i32>} : memref<2x128xi32, #tpu.memory_space<vmem>>, vector<16xi32>,
      %get3A_653 = arith.constant 0 : i32
      %get3A_654 = arith.index_cast %get3A_653 : i32 to index
      %get3A_655 = arith.constant 0 : index
      %get3A_656 = tpu.vector_load %arg12[%get3A_654, %get3A_655] {strides = array<i32>} : memref<2x128xi32, #tpu.memory_space<vmem>>, vector<16xi32>,
      tpu.vector_store_idx %arg16[%broadcast_in_dim3A_8, %get3A_652, %get3A_656], %gather3A_648 : memref<2x17x512xf32, #tpu.memory_space<vmem>>[vector<16xi32>, vector<16xi32>, vector<16xi32>], vector<16xf32>,
      %get3A_657 = arith.constant 0 : i32
      %get3A_658 = arith.index_cast %get3A_657 : i32 to index
      %get3A_659 = arith.constant 16 : index
      %get3A_660 = tpu.vector_load %arg9[%get3A_658, %get3A_659] {strides = array<i32>} : memref<2x128xi32, #tpu.memory_space<vmem>>, vector<16xi32>,
      %get3A_661 = arith.constant 0 : i32
      %get3A_662 = arith.index_cast %get3A_661 : i32 to index
      %get3A_663 = arith.constant 16 : index
      %get3A_664 = tpu.vector_load %arg10[%get3A_662, %get3A_663] {strides = array<i32>} : memref<2x128xi32, #tpu.memory_space<vmem>>, vector<16xi32>,
      %gather3A_665 = tpu.vector_load_idx %arg14[%broadcast_in_dim3A_8, %get3A_660, %get3A_664] : memref<2x16x512xf32, #tpu.memory_space<vmem>>[vector<16xi32>, vector<16xi32>, vector<16xi32>], vector<16xf32>,
      %get3A_666 = arith.constant 0 : i32
      %get3A_667 = arith.index_cast %get3A_666 : i32 to index
      %get3A_668 = arith.constant 16 : index
      %get3A_669 = tpu.vector_load %arg11[%get3A_667, %get3A_668] {strides = array<i32>} : memref<2x128xi32, #tpu.memory_space<vmem>>, vector<16xi32>,
      %get3A_670 = arith.constant 0 : i32
      %get3A_671 = arith.index_cast %get3A_670 : i32 to index
      %get3A_672 = arith.constant 16 : index
      %get3A_673 = tpu.vector_load %arg12[%get3A_671, %get3A_672] {strides = array<i32>} : memref<2x128xi32, #tpu.memory_space<vmem>>, vector<16xi32>,
      tpu.vector_store_idx %arg16[%broadcast_in_dim3A_8, %get3A_669, %get3A_673], %gather3A_665 : memref<2x17x512xf32, #tpu.memory_space<vmem>>[vector<16xi32>, vector<16xi32>, vector<16xi32>], vector<16xf32>,
      %get3A_674 = arith.constant 0 : i32
      %get3A_675 = arith.index_cast %get3A_674 : i32 to index
      %get3A_676 = arith.constant 32 : index
      %get3A_677 = tpu.vector_load %arg9[%get3A_675, %get3A_676] {strides = array<i32>} : memref<2x128xi32, #tpu.memory_space<vmem>>, vector<16xi32>,
      %get3A_678 = arith.constant 0 : i32
      %get3A_679 = arith.index_cast %get3A_678 : i32 to index
      %get3A_680 = arith.constant 32 : index
      %get3A_681 = tpu.vector_load %arg10[%get3A_679, %get3A_680] {strides = array<i32>} : memref<2x128xi32, #tpu.memory_space<vmem>>, vector<16xi32>,
      %gather3A_682 = tpu.vector_load_idx %arg14[%broadcast_in_dim3A_8, %get3A_677, %get3A_681] : memref<2x16x512xf32, #tpu.memory_space<vmem>>[vector<16xi32>, vector<16xi32>, vector<16xi32>], vector<16xf32>,
      %get3A_683 = arith.constant 0 : i32
      %get3A_684 = arith.index_cast %get3A_683 : i32 to index
      %get3A_685 = arith.constant 32 : index
      %get3A_686 = tpu.vector_load %arg11[%get3A_684, %get3A_685] {strides = array<i32>} : memref<2x128xi32, #tpu.memory_space<vmem>>, vector<16xi32>,
      %get3A_687 = arith.constant 0 : i32
      %get3A_688 = arith.index_cast %get3A_687 : i32 to index
      %get3A_689 = arith.constant 32 : index
      %get3A_690 = tpu.vector_load %arg12[%get3A_688, %get3A_689] {strides = array<i32>} : memref<2x128xi32, #tpu.memory_space<vmem>>, vector<16xi32>,
      tpu.vector_store_idx %arg16[%broadcast_in_dim3A_8, %get3A_686, %get3A_690], %gather3A_682 : memref<2x17x512xf32, #tpu.memory_space<vmem>>[vector<16xi32>, vector<16xi32>, vector<16xi32>], vector<16xf32>,
      %get3A_691 = arith.constant 0 : i32
      %get3A_692 = arith.index_cast %get3A_691 : i32 to index
      %get3A_693 = arith.constant 48 : index
      %get3A_694 = tpu.vector_load %arg9[%get3A_692, %get3A_693] {strides = array<i32>} : memref<2x128xi32, #tpu.memory_space<vmem>>, vector<16xi32>,
      %get3A_695 = arith.constant 0 : i32
      %get3A_696 = arith.index_cast %get3A_695 : i32 to index
      %get3A_697 = arith.constant 48 : index
      %get3A_698 = tpu.vector_load %arg10[%get3A_696, %get3A_697] {strides = array<i32>} : memref<2x128xi32, #tpu.memory_space<vmem>>, vector<16xi32>,
      %gather3A_699 = tpu.vector_load_idx %arg14[%broadcast_in_dim3A_8, %get3A_694, %get3A_698] : memref<2x16x512xf32, #tpu.memory_space<vmem>>[vector<16xi32>, vector<16xi32>, vector<16xi32>], vector<16xf32>,
      %get3A_700 = arith.constant 0 : i32
      %get3A_701 = arith.index_cast %get3A_700 : i32 to index
      %get3A_702 = arith.constant 48 : index
      %get3A_703 = tpu.vector_load %arg11[%get3A_701, %get3A_702] {strides = array<i32>} : memref<2x128xi32, #tpu.memory_space<vmem>>, vector<16xi32>,
      %get3A_704 = arith.constant 0 : i32
      %get3A_705 = arith.index_cast %get3A_704 : i32 to index
      %get3A_706 = arith.constant 48 : index
      %get3A_707 = tpu.vector_load %arg12[%get3A_705, %get3A_706] {strides = array<i32>} : memref<2x128xi32, #tpu.memory_space<vmem>>, vector<16xi32>,
      tpu.vector_store_idx %arg16[%broadcast_in_dim3A_8, %get3A_703, %get3A_707], %gather3A_699 : memref<2x17x512xf32, #tpu.memory_space<vmem>>[vector<16xi32>, vector<16xi32>, vector<16xi32>], vector<16xf32>,
      %get3A_708 = arith.constant 0 : i32
      %get3A_709 = arith.index_cast %get3A_708 : i32 to index
      %get3A_710 = arith.constant 64 : index
      %get3A_711 = tpu.vector_load %arg9[%get3A_709, %get3A_710] {strides = array<i32>} : memref<2x128xi32, #tpu.memory_space<vmem>>, vector<16xi32>,
      %get3A_712 = arith.constant 0 : i32
      %get3A_713 = arith.index_cast %get3A_712 : i32 to index
      %get3A_714 = arith.constant 64 : index
      %get3A_715 = tpu.vector_load %arg10[%get3A_713, %get3A_714] {strides = array<i32>} : memref<2x128xi32, #tpu.memory_space<vmem>>, vector<16xi32>,
      %gather3A_716 = tpu.vector_load_idx %arg14[%broadcast_in_dim3A_8, %get3A_711, %get3A_715] : memref<2x16x512xf32, #tpu.memory_space<vmem>>[vector<16xi32>, vector<16xi32>, vector<16xi32>], vector<16xf32>,
      %get3A_717 = arith.constant 0 : i32
      %get3A_718 = arith.index_cast %get3A_717 : i32 to index
      %get3A_719 = arith.constant 64 : index
      %get3A_720 = tpu.vector_load %arg11[%get3A_718, %get3A_719] {strides = array<i32>} : memref<2x128xi32, #tpu.memory_space<vmem>>, vector<16xi32>,
      %get3A_721 = arith.constant 0 : i32
      %get3A_722 = arith.index_cast %get3A_721 : i32 to index
      %get3A_723 = arith.constant 64 : index
      %get3A_724 = tpu.vector_load %arg12[%get3A_722, %get3A_723] {strides = array<i32>} : memref<2x128xi32, #tpu.memory_space<vmem>>, vector<16xi32>,
      tpu.vector_store_idx %arg16[%broadcast_in_dim3A_8, %get3A_720, %get3A_724], %gather3A_716 : memref<2x17x512xf32, #tpu.memory_space<vmem>>[vector<16xi32>, vector<16xi32>, vector<16xi32>], vector<16xf32>,
      %get3A_725 = arith.constant 0 : i32
      %get3A_726 = arith.index_cast %get3A_725 : i32 to index
      %get3A_727 = arith.constant 80 : index
      %get3A_728 = tpu.vector_load %arg9[%get3A_726, %get3A_727] {strides = array<i32>} : memref<2x128xi32, #tpu.memory_space<vmem>>, vector<16xi32>,
      %get3A_729 = arith.constant 0 : i32
      %get3A_730 = arith.index_cast %get3A_729 : i32 to index
      %get3A_731 = arith.constant 80 : index
      %get3A_732 = tpu.vector_load %arg10[%get3A_730, %get3A_731] {strides = array<i32>} : memref<2x128xi32, #tpu.memory_space<vmem>>, vector<16xi32>,
      %gather3A_733 = tpu.vector_load_idx %arg14[%broadcast_in_dim3A_8, %get3A_728, %get3A_732] : memref<2x16x512xf32, #tpu.memory_space<vmem>>[vector<16xi32>, vector<16xi32>, vector<16xi32>], vector<16xf32>,
      %get3A_734 = arith.constant 0 : i32
      %get3A_735 = arith.index_cast %get3A_734 : i32 to index
      %get3A_736 = arith.constant 80 : index
      %get3A_737 = tpu.vector_load %arg11[%get3A_735, %get3A_736] {strides = array<i32>} : memref<2x128xi32, #tpu.memory_space<vmem>>, vector<16xi32>,
      %get3A_738 = arith.constant 0 : i32
      %get3A_739 = arith.index_cast %get3A_738 : i32 to index
      %get3A_740 = arith.constant 80 : index
      %get3A_741 = tpu.vector_load %arg12[%get3A_739, %get3A_740] {strides = array<i32>} : memref<2x128xi32, #tpu.memory_space<vmem>>, vector<16xi32>,
      tpu.vector_store_idx %arg16[%broadcast_in_dim3A_8, %get3A_737, %get3A_741], %gather3A_733 : memref<2x17x512xf32, #tpu.memory_space<vmem>>[vector<16xi32>, vector<16xi32>, vector<16xi32>], vector<16xf32>,
      %get3A_742 = arith.constant 0 : i32
      %get3A_743 = arith.index_cast %get3A_742 : i32 to index
      %get3A_744 = arith.constant 96 : index
      %get3A_745 = tpu.vector_load %arg9[%get3A_743, %get3A_744] {strides = array<i32>} : memref<2x128xi32, #tpu.memory_space<vmem>>, vector<16xi32>,
      %get3A_746 = arith.constant 0 : i32
      %get3A_747 = arith.index_cast %get3A_746 : i32 to index
      %get3A_748 = arith.constant 96 : index
      %get3A_749 = tpu.vector_load %arg10[%get3A_747, %get3A_748] {strides = array<i32>} : memref<2x128xi32, #tpu.memory_space<vmem>>, vector<16xi32>,
      %gather3A_750 = tpu.vector_load_idx %arg14[%broadcast_in_dim3A_8, %get3A_745, %get3A_749] : memref<2x16x512xf32, #tpu.memory_space<vmem>>[vector<16xi32>, vector<16xi32>, vector<16xi32>], vector<16xf32>,
      %get3A_751 = arith.constant 0 : i32
      %get3A_752 = arith.index_cast %get3A_751 : i32 to index
      %get3A_753 = arith.constant 96 : index
      %get3A_754 = tpu.vector_load %arg11[%get3A_752, %get3A_753] {strides = array<i32>} : memref<2x128xi32, #tpu.memory_space<vmem>>, vector<16xi32>,
      %get3A_755 = arith.constant 0 : i32
      %get3A_756 = arith.index_cast %get3A_755 : i32 to index
      %get3A_757 = arith.constant 96 : index
      %get3A_758 = tpu.vector_load %arg12[%get3A_756, %get3A_757] {strides = array<i32>} : memref<2x128xi32, #tpu.memory_space<vmem>>, vector<16xi32>,
      tpu.vector_store_idx %arg16[%broadcast_in_dim3A_8, %get3A_754, %get3A_758], %gather3A_750 : memref<2x17x512xf32, #tpu.memory_space<vmem>>[vector<16xi32>, vector<16xi32>, vector<16xi32>], vector<16xf32>,
      %get3A_759 = arith.constant 0 : i32
      %get3A_760 = arith.index_cast %get3A_759 : i32 to index
      %get3A_761 = arith.constant 112 : index
      %get3A_762 = tpu.vector_load %arg9[%get3A_760, %get3A_761] {strides = array<i32>} : memref<2x128xi32, #tpu.memory_space<vmem>>, vector<16xi32>,
      %get3A_763 = arith.constant 0 : i32
      %get3A_764 = arith.index_cast %get3A_763 : i32 to index
      %get3A_765 = arith.constant 112 : index
      %get3A_766 = tpu.vector_load %arg10[%get3A_764, %get3A_765] {strides = array<i32>} : memref<2x128xi32, #tpu.memory_space<vmem>>, vector<16xi32>,
      %gather3A_767 = tpu.vector_load_idx %arg14[%broadcast_in_dim3A_8, %get3A_762, %get3A_766] : memref<2x16x512xf32, #tpu.memory_space<vmem>>[vector<16xi32>, vector<16xi32>, vector<16xi32>], vector<16xf32>,
      %get3A_768 = arith.constant 0 : i32
      %get3A_769 = arith.index_cast %get3A_768 : i32 to index
      %get3A_770 = arith.constant 112 : index
      %get3A_771 = tpu.vector_load %arg11[%get3A_769, %get3A_770] {strides = array<i32>} : memref<2x128xi32, #tpu.memory_space<vmem>>, vector<16xi32>,
      %get3A_772 = arith.constant 0 : i32
      %get3A_773 = arith.index_cast %get3A_772 : i32 to index
      %get3A_774 = arith.constant 112 : index
      %get3A_775 = tpu.vector_load %arg12[%get3A_773, %get3A_774] {strides = array<i32>} : memref<2x128xi32, #tpu.memory_space<vmem>>, vector<16xi32>,
      tpu.vector_store_idx %arg16[%broadcast_in_dim3A_8, %get3A_771, %get3A_775], %gather3A_767 : memref<2x17x512xf32, #tpu.memory_space<vmem>>[vector<16xi32>, vector<16xi32>, vector<16xi32>], vector<16xf32>,
      %get3A_776 = arith.constant 1 : i32
      %get3A_777 = arith.index_cast %get3A_776 : i32 to index
      %get3A_778 = arith.constant 0 : index
      %get3A_779 = tpu.vector_load %arg9[%get3A_777, %get3A_778] {strides = array<i32>} : memref<2x128xi32, #tpu.memory_space<vmem>>, vector<16xi32>,
      %get3A_780 = arith.constant 1 : i32
      %get3A_781 = arith.index_cast %get3A_780 : i32 to index
      %get3A_782 = arith.constant 0 : index
      %get3A_783 = tpu.vector_load %arg10[%get3A_781, %get3A_782] {strides = array<i32>} : memref<2x128xi32, #tpu.memory_space<vmem>>, vector<16xi32>,
      %gather3A_784 = tpu.vector_load_idx %arg14[%broadcast_in_dim3A_8, %get3A_779, %get3A_783] : memref<2x16x512xf32, #tpu.memory_space<vmem>>[vector<16xi32>, vector<16xi32>, vector<16xi32>], vector<16xf32>,
      %get3A_785 = arith.constant 1 : i32
      %get3A_786 = arith.index_cast %get3A_785 : i32 to index
      %get3A_787 = arith.constant 0 : index
      %get3A_788 = tpu.vector_load %arg11[%get3A_786, %get3A_787] {strides = array<i32>} : memref<2x128xi32, #tpu.memory_space<vmem>>, vector<16xi32>,
      %get3A_789 = arith.constant 1 : i32
      %get3A_790 = arith.index_cast %get3A_789 : i32 to index
      %get3A_791 = arith.constant 0 : index
      %get3A_792 = tpu.vector_load %arg12[%get3A_790, %get3A_791] {strides = array<i32>} : memref<2x128xi32, #tpu.memory_space<vmem>>, vector<16xi32>,
      tpu.vector_store_idx %arg16[%broadcast_in_dim3A_8, %get3A_788, %get3A_792], %gather3A_784 : memref<2x17x512xf32, #tpu.memory_space<vmem>>[vector<16xi32>, vector<16xi32>, vector<16xi32>], vector<16xf32>,
      %get3A_793 = arith.constant 1 : i32
      %get3A_794 = arith.index_cast %get3A_793 : i32 to index
      %get3A_795 = arith.constant 16 : index
      %get3A_796 = tpu.vector_load %arg9[%get3A_794, %get3A_795] {strides = array<i32>} : memref<2x128xi32, #tpu.memory_space<vmem>>, vector<16xi32>,
      %get3A_797 = arith.constant 1 : i32
      %get3A_798 = arith.index_cast %get3A_797 : i32 to index
      %get3A_799 = arith.constant 16 : index
      %get3A_800 = tpu.vector_load %arg10[%get3A_798, %get3A_799] {strides = array<i32>} : memref<2x128xi32, #tpu.memory_space<vmem>>, vector<16xi32>,
      %gather3A_801 = tpu.vector_load_idx %arg14[%broadcast_in_dim3A_8, %get3A_796, %get3A_800] : memref<2x16x512xf32, #tpu.memory_space<vmem>>[vector<16xi32>, vector<16xi32>, vector<16xi32>], vector<16xf32>,
      %get3A_802 = arith.constant 1 : i32
      %get3A_803 = arith.index_cast %get3A_802 : i32 to index
      %get3A_804 = arith.constant 16 : index
      %get3A_805 = tpu.vector_load %arg11[%get3A_803, %get3A_804] {strides = array<i32>} : memref<2x128xi32, #tpu.memory_space<vmem>>, vector<16xi32>,
      %get3A_806 = arith.constant 1 : i32
      %get3A_807 = arith.index_cast %get3A_806 : i32 to index
      %get3A_808 = arith.constant 16 : index
      %get3A_809 = tpu.vector_load %arg12[%get3A_807, %get3A_808] {strides = array<i32>} : memref<2x128xi32, #tpu.memory_space<vmem>>, vector<16xi32>,
      tpu.vector_store_idx %arg16[%broadcast_in_dim3A_8, %get3A_805, %get3A_809], %gather3A_801 : memref<2x17x512xf32, #tpu.memory_space<vmem>>[vector<16xi32>, vector<16xi32>, vector<16xi32>], vector<16xf32>,
      %get3A_810 = arith.constant 1 : i32
      %get3A_811 = arith.index_cast %get3A_810 : i32 to index
      %get3A_812 = arith.constant 32 : index
      %get3A_813 = tpu.vector_load %arg9[%get3A_811, %get3A_812] {strides = array<i32>} : memref<2x128xi32, #tpu.memory_space<vmem>>, vector<16xi32>,
      %get3A_814 = arith.constant 1 : i32
      %get3A_815 = arith.index_cast %get3A_814 : i32 to index
      %get3A_816 = arith.constant 32 : index
      %get3A_817 = tpu.vector_load %arg10[%get3A_815, %get3A_816] {strides = array<i32>} : memref<2x128xi32, #tpu.memory_space<vmem>>, vector<16xi32>,
      %gather3A_818 = tpu.vector_load_idx %arg14[%broadcast_in_dim3A_8, %get3A_813, %get3A_817] : memref<2x16x512xf32, #tpu.memory_space<vmem>>[vector<16xi32>, vector<16xi32>, vector<16xi32>], vector<16xf32>,
      %get3A_819 = arith.constant 1 : i32
      %get3A_820 = arith.index_cast %get3A_819 : i32 to index
      %get3A_821 = arith.constant 32 : index
      %get3A_822 = tpu.vector_load %arg11[%get3A_820, %get3A_821] {strides = array<i32>} : memref<2x128xi32, #tpu.memory_space<vmem>>, vector<16xi32>,
      %get3A_823 = arith.constant 1 : i32
      %get3A_824 = arith.index_cast %get3A_823 : i32 to index
      %get3A_825 = arith.constant 32 : index
      %get3A_826 = tpu.vector_load %arg12[%get3A_824, %get3A_825] {strides = array<i32>} : memref<2x128xi32, #tpu.memory_space<vmem>>, vector<16xi32>,
      tpu.vector_store_idx %arg16[%broadcast_in_dim3A_8, %get3A_822, %get3A_826], %gather3A_818 : memref<2x17x512xf32, #tpu.memory_space<vmem>>[vector<16xi32>, vector<16xi32>, vector<16xi32>], vector<16xf32>,
      %get3A_827 = arith.constant 1 : i32
      %get3A_828 = arith.index_cast %get3A_827 : i32 to index
      %get3A_829 = arith.constant 48 : index
      %get3A_830 = tpu.vector_load %arg9[%get3A_828, %get3A_829] {strides = array<i32>} : memref<2x128xi32, #tpu.memory_space<vmem>>, vector<16xi32>,
      %get3A_831 = arith.constant 1 : i32
      %get3A_832 = arith.index_cast %get3A_831 : i32 to index
      %get3A_833 = arith.constant 48 : index
      %get3A_834 = tpu.vector_load %arg10[%get3A_832, %get3A_833] {strides = array<i32>} : memref<2x128xi32, #tpu.memory_space<vmem>>, vector<16xi32>,
      %gather3A_835 = tpu.vector_load_idx %arg14[%broadcast_in_dim3A_8, %get3A_830, %get3A_834] : memref<2x16x512xf32, #tpu.memory_space<vmem>>[vector<16xi32>, vector<16xi32>, vector<16xi32>], vector<16xf32>,
      %get3A_836 = arith.constant 1 : i32
      %get3A_837 = arith.index_cast %get3A_836 : i32 to index
      %get3A_838 = arith.constant 48 : index
      %get3A_839 = tpu.vector_load %arg11[%get3A_837, %get3A_838] {strides = array<i32>} : memref<2x128xi32, #tpu.memory_space<vmem>>, vector<16xi32>,
      %get3A_840 = arith.constant 1 : i32
      %get3A_841 = arith.index_cast %get3A_840 : i32 to index
      %get3A_842 = arith.constant 48 : index
      %get3A_843 = tpu.vector_load %arg12[%get3A_841, %get3A_842] {strides = array<i32>} : memref<2x128xi32, #tpu.memory_space<vmem>>, vector<16xi32>,
      tpu.vector_store_idx %arg16[%broadcast_in_dim3A_8, %get3A_839, %get3A_843], %gather3A_835 : memref<2x17x512xf32, #tpu.memory_space<vmem>>[vector<16xi32>, vector<16xi32>, vector<16xi32>], vector<16xf32>,
      %get3A_844 = arith.constant 1 : i32
      %get3A_845 = arith.index_cast %get3A_844 : i32 to index
      %get3A_846 = arith.constant 64 : index
      %get3A_847 = tpu.vector_load %arg9[%get3A_845, %get3A_846] {strides = array<i32>} : memref<2x128xi32, #tpu.memory_space<vmem>>, vector<16xi32>,
      %get3A_848 = arith.constant 1 : i32
      %get3A_849 = arith.index_cast %get3A_848 : i32 to index
      %get3A_850 = arith.constant 64 : index
      %get3A_851 = tpu.vector_load %arg10[%get3A_849, %get3A_850] {strides = array<i32>} : memref<2x128xi32, #tpu.memory_space<vmem>>, vector<16xi32>,
      %gather3A_852 = tpu.vector_load_idx %arg14[%broadcast_in_dim3A_8, %get3A_847, %get3A_851] : memref<2x16x512xf32, #tpu.memory_space<vmem>>[vector<16xi32>, vector<16xi32>, vector<16xi32>], vector<16xf32>,
      %get3A_853 = arith.constant 1 : i32
      %get3A_854 = arith.index_cast %get3A_853 : i32 to index
      %get3A_855 = arith.constant 64 : index
      %get3A_856 = tpu.vector_load %arg11[%get3A_854, %get3A_855] {strides = array<i32>} : memref<2x128xi32, #tpu.memory_space<vmem>>, vector<16xi32>,
      %get3A_857 = arith.constant 1 : i32
      %get3A_858 = arith.index_cast %get3A_857 : i32 to index
      %get3A_859 = arith.constant 64 : index
      %get3A_860 = tpu.vector_load %arg12[%get3A_858, %get3A_859] {strides = array<i32>} : memref<2x128xi32, #tpu.memory_space<vmem>>, vector<16xi32>,
      tpu.vector_store_idx %arg16[%broadcast_in_dim3A_8, %get3A_856, %get3A_860], %gather3A_852 : memref<2x17x512xf32, #tpu.memory_space<vmem>>[vector<16xi32>, vector<16xi32>, vector<16xi32>], vector<16xf32>,
      %get3A_861 = arith.constant 1 : i32
      %get3A_862 = arith.index_cast %get3A_861 : i32 to index
      %get3A_863 = arith.constant 80 : index
      %get3A_864 = tpu.vector_load %arg9[%get3A_862, %get3A_863] {strides = array<i32>} : memref<2x128xi32, #tpu.memory_space<vmem>>, vector<16xi32>,
      %get3A_865 = arith.constant 1 : i32
      %get3A_866 = arith.index_cast %get3A_865 : i32 to index
      %get3A_867 = arith.constant 80 : index
      %get3A_868 = tpu.vector_load %arg10[%get3A_866, %get3A_867] {strides = array<i32>} : memref<2x128xi32, #tpu.memory_space<vmem>>, vector<16xi32>,
      %gather3A_869 = tpu.vector_load_idx %arg14[%broadcast_in_dim3A_8, %get3A_864, %get3A_868] : memref<2x16x512xf32, #tpu.memory_space<vmem>>[vector<16xi32>, vector<16xi32>, vector<16xi32>], vector<16xf32>,
      %get3A_870 = arith.constant 1 : i32
      %get3A_871 = arith.index_cast %get3A_870 : i32 to index
      %get3A_872 = arith.constant 80 : index
      %get3A_873 = tpu.vector_load %arg11[%get3A_871, %get3A_872] {strides = array<i32>} : memref<2x128xi32, #tpu.memory_space<vmem>>, vector<16xi32>,
      %get3A_874 = arith.constant 1 : i32
      %get3A_875 = arith.index_cast %get3A_874 : i32 to index
      %get3A_876 = arith.constant 80 : index
      %get3A_877 = tpu.vector_load %arg12[%get3A_875, %get3A_876] {strides = array<i32>} : memref<2x128xi32, #tpu.memory_space<vmem>>, vector<16xi32>,
      tpu.vector_store_idx %arg16[%broadcast_in_dim3A_8, %get3A_873, %get3A_877], %gather3A_869 : memref<2x17x512xf32, #tpu.memory_space<vmem>>[vector<16xi32>, vector<16xi32>, vector<16xi32>], vector<16xf32>,
      %get3A_878 = arith.constant 1 : i32
      %get3A_879 = arith.index_cast %get3A_878 : i32 to index
      %get3A_880 = arith.constant 96 : index
      %get3A_881 = tpu.vector_load %arg9[%get3A_879, %get3A_880] {strides = array<i32>} : memref<2x128xi32, #tpu.memory_space<vmem>>, vector<16xi32>,
      %get3A_882 = arith.constant 1 : i32
      %get3A_883 = arith.index_cast %get3A_882 : i32 to index
      %get3A_884 = arith.constant 96 : index
      %get3A_885 = tpu.vector_load %arg10[%get3A_883, %get3A_884] {strides = array<i32>} : memref<2x128xi32, #tpu.memory_space<vmem>>, vector<16xi32>,
      %gather3A_886 = tpu.vector_load_idx %arg14[%broadcast_in_dim3A_8, %get3A_881, %get3A_885] : memref<2x16x512xf32, #tpu.memory_space<vmem>>[vector<16xi32>, vector<16xi32>, vector<16xi32>], vector<16xf32>,
      %get3A_887 = arith.constant 1 : i32
      %get3A_888 = arith.index_cast %get3A_887 : i32 to index
      %get3A_889 = arith.constant 96 : index
      %get3A_890 = tpu.vector_load %arg11[%get3A_888, %get3A_889] {strides = array<i32>} : memref<2x128xi32, #tpu.memory_space<vmem>>, vector<16xi32>,
      %get3A_891 = arith.constant 1 : i32
      %get3A_892 = arith.index_cast %get3A_891 : i32 to index
      %get3A_893 = arith.constant 96 : index
      %get3A_894 = tpu.vector_load %arg12[%get3A_892, %get3A_893] {strides = array<i32>} : memref<2x128xi32, #tpu.memory_space<vmem>>, vector<16xi32>,
      tpu.vector_store_idx %arg16[%broadcast_in_dim3A_8, %get3A_890, %get3A_894], %gather3A_886 : memref<2x17x512xf32, #tpu.memory_space<vmem>>[vector<16xi32>, vector<16xi32>, vector<16xi32>], vector<16xf32>,
      %get3A_895 = arith.constant 1 : i32
      %get3A_896 = arith.index_cast %get3A_895 : i32 to index
      %get3A_897 = arith.constant 112 : index
      %get3A_898 = tpu.vector_load %arg9[%get3A_896, %get3A_897] {strides = array<i32>} : memref<2x128xi32, #tpu.memory_space<vmem>>, vector<16xi32>,
      %get3A_899 = arith.constant 1 : i32
      %get3A_900 = arith.index_cast %get3A_899 : i32 to index
      %get3A_901 = arith.constant 112 : index
      %get3A_902 = tpu.vector_load %arg10[%get3A_900, %get3A_901] {strides = array<i32>} : memref<2x128xi32, #tpu.memory_space<vmem>>, vector<16xi32>,
      %gather3A_903 = tpu.vector_load_idx %arg14[%broadcast_in_dim3A_8, %get3A_898, %get3A_902] : memref<2x16x512xf32, #tpu.memory_space<vmem>>[vector<16xi32>, vector<16xi32>, vector<16xi32>], vector<16xf32>,
      %get3A_904 = arith.constant 1 : i32
      %get3A_905 = arith.index_cast %get3A_904 : i32 to index
      %get3A_906 = arith.constant 112 : index
      %get3A_907 = tpu.vector_load %arg11[%get3A_905, %get3A_906] {strides = array<i32>} : memref<2x128xi32, #tpu.memory_space<vmem>>, vector<16xi32>,
      %get3A_908 = arith.constant 1 : i32
      %get3A_909 = arith.index_cast %get3A_908 : i32 to index
      %get3A_910 = arith.constant 112 : index
      %get3A_911 = tpu.vector_load %arg12[%get3A_909, %get3A_910] {strides = array<i32>} : memref<2x128xi32, #tpu.memory_space<vmem>>, vector<16xi32>,
      tpu.vector_store_idx %arg16[%broadcast_in_dim3A_8, %get3A_907, %get3A_911], %gather3A_903 : memref<2x17x512xf32, #tpu.memory_space<vmem>>[vector<16xi32>, vector<16xi32>, vector<16xi32>], vector<16xf32>,
      %get3A_912 = arith.constant 0 : i32
      %get3A_913 = arith.index_cast %get3A_912 : i32 to index
      %get3A_914 = arith.constant 0 : index
      %get3A_915 = tpu.vector_load %arg9[%get3A_913, %get3A_914] {strides = array<i32>} : memref<2x128xi32, #tpu.memory_space<vmem>>, vector<16xi32>,
      %get3A_916 = arith.constant 0 : i32
      %get3A_917 = arith.index_cast %get3A_916 : i32 to index
      %get3A_918 = arith.constant 0 : index
      %get3A_919 = tpu.vector_load %arg10[%get3A_917, %get3A_918] {strides = array<i32>} : memref<2x128xi32, #tpu.memory_space<vmem>>, vector<16xi32>,
      %gather3A_920 = tpu.vector_load_idx %arg14[%broadcast_in_dim3A_10, %get3A_915, %get3A_919] : memref<2x16x512xf32, #tpu.memory_space<vmem>>[vector<16xi32>, vector<16xi32>, vector<16xi32>], vector<16xf32>,
      %get3A_921 = arith.constant 0 : i32
      %get3A_922 = arith.index_cast %get3A_921 : i32 to index
      %get3A_923 = arith.constant 0 : index
      %get3A_924 = tpu.vector_load %arg11[%get3A_922, %get3A_923] {strides = array<i32>} : memref<2x128xi32, #tpu.memory_space<vmem>>, vector<16xi32>,
      %get3A_925 = arith.constant 0 : i32
      %get3A_926 = arith.index_cast %get3A_925 : i32 to index
      %get3A_927 = arith.constant 0 : index
      %get3A_928 = tpu.vector_load %arg12[%get3A_926, %get3A_927] {strides = array<i32>} : memref<2x128xi32, #tpu.memory_space<vmem>>, vector<16xi32>,
      tpu.vector_store_idx %arg16[%broadcast_in_dim3A_10, %get3A_924, %get3A_928], %gather3A_920 : memref<2x17x512xf32, #tpu.memory_space<vmem>>[vector<16xi32>, vector<16xi32>, vector<16xi32>], vector<16xf32>,
      %get3A_929 = arith.constant 0 : i32
      %get3A_930 = arith.index_cast %get3A_929 : i32 to index
      %get3A_931 = arith.constant 16 : index
      %get3A_932 = tpu.vector_load %arg9[%get3A_930, %get3A_931] {strides = array<i32>} : memref<2x128xi32, #tpu.memory_space<vmem>>, vector<16xi32>,
      %get3A_933 = arith.constant 0 : i32
      %get3A_934 = arith.index_cast %get3A_933 : i32 to index
      %get3A_935 = arith.constant 16 : index
      %get3A_936 = tpu.vector_load %arg10[%get3A_934, %get3A_935] {strides = array<i32>} : memref<2x128xi32, #tpu.memory_space<vmem>>, vector<16xi32>,
      %gather3A_937 = tpu.vector_load_idx %arg14[%broadcast_in_dim3A_10, %get3A_932, %get3A_936] : memref<2x16x512xf32, #tpu.memory_space<vmem>>[vector<16xi32>, vector<16xi32>, vector<16xi32>], vector<16xf32>,
      %get3A_938 = arith.constant 0 : i32
      %get3A_939 = arith.index_cast %get3A_938 : i32 to index
      %get3A_940 = arith.constant 16 : index
      %get3A_941 = tpu.vector_load %arg11[%get3A_939, %get3A_940] {strides = array<i32>} : memref<2x128xi32, #tpu.memory_space<vmem>>, vector<16xi32>,
      %get3A_942 = arith.constant 0 : i32
      %get3A_943 = arith.index_cast %get3A_942 : i32 to index
      %get3A_944 = arith.constant 16 : index
      %get3A_945 = tpu.vector_load %arg12[%get3A_943, %get3A_944] {strides = array<i32>} : memref<2x128xi32, #tpu.memory_space<vmem>>, vector<16xi32>,
      tpu.vector_store_idx %arg16[%broadcast_in_dim3A_10, %get3A_941, %get3A_945], %gather3A_937 : memref<2x17x512xf32, #tpu.memory_space<vmem>>[vector<16xi32>, vector<16xi32>, vector<16xi32>], vector<16xf32>,
      %get3A_946 = arith.constant 0 : i32
      %get3A_947 = arith.index_cast %get3A_946 : i32 to index
      %get3A_948 = arith.constant 32 : index
      %get3A_949 = tpu.vector_load %arg9[%get3A_947, %get3A_948] {strides = array<i32>} : memref<2x128xi32, #tpu.memory_space<vmem>>, vector<16xi32>,
      %get3A_950 = arith.constant 0 : i32
      %get3A_951 = arith.index_cast %get3A_950 : i32 to index
      %get3A_952 = arith.constant 32 : index
      %get3A_953 = tpu.vector_load %arg10[%get3A_951, %get3A_952] {strides = array<i32>} : memref<2x128xi32, #tpu.memory_space<vmem>>, vector<16xi32>,
      %gather3A_954 = tpu.vector_load_idx %arg14[%broadcast_in_dim3A_10, %get3A_949, %get3A_953] : memref<2x16x512xf32, #tpu.memory_space<vmem>>[vector<16xi32>, vector<16xi32>, vector<16xi32>], vector<16xf32>,
      %get3A_955 = arith.constant 0 : i32
      %get3A_956 = arith.index_cast %get3A_955 : i32 to index
      %get3A_957 = arith.constant 32 : index
      %get3A_958 = tpu.vector_load %arg11[%get3A_956, %get3A_957] {strides = array<i32>} : memref<2x128xi32, #tpu.memory_space<vmem>>, vector<16xi32>,
      %get3A_959 = arith.constant 0 : i32
      %get3A_960 = arith.index_cast %get3A_959 : i32 to index
      %get3A_961 = arith.constant 32 : index
      %get3A_962 = tpu.vector_load %arg12[%get3A_960, %get3A_961] {strides = array<i32>} : memref<2x128xi32, #tpu.memory_space<vmem>>, vector<16xi32>,
      tpu.vector_store_idx %arg16[%broadcast_in_dim3A_10, %get3A_958, %get3A_962], %gather3A_954 : memref<2x17x512xf32, #tpu.memory_space<vmem>>[vector<16xi32>, vector<16xi32>, vector<16xi32>], vector<16xf32>,
      %get3A_963 = arith.constant 0 : i32
      %get3A_964 = arith.index_cast %get3A_963 : i32 to index
      %get3A_965 = arith.constant 48 : index
      %get3A_966 = tpu.vector_load %arg9[%get3A_964, %get3A_965] {strides = array<i32>} : memref<2x128xi32, #tpu.memory_space<vmem>>, vector<16xi32>,
      %get3A_967 = arith.constant 0 : i32
      %get3A_968 = arith.index_cast %get3A_967 : i32 to index
      %get3A_969 = arith.constant 48 : index
      %get3A_970 = tpu.vector_load %arg10[%get3A_968, %get3A_969] {strides = array<i32>} : memref<2x128xi32, #tpu.memory_space<vmem>>, vector<16xi32>,
      %gather3A_971 = tpu.vector_load_idx %arg14[%broadcast_in_dim3A_10, %get3A_966, %get3A_970] : memref<2x16x512xf32, #tpu.memory_space<vmem>>[vector<16xi32>, vector<16xi32>, vector<16xi32>], vector<16xf32>,
      %get3A_972 = arith.constant 0 : i32
      %get3A_973 = arith.index_cast %get3A_972 : i32 to index
      %get3A_974 = arith.constant 48 : index
      %get3A_975 = tpu.vector_load %arg11[%get3A_973, %get3A_974] {strides = array<i32>} : memref<2x128xi32, #tpu.memory_space<vmem>>, vector<16xi32>,
      %get3A_976 = arith.constant 0 : i32
      %get3A_977 = arith.index_cast %get3A_976 : i32 to index
      %get3A_978 = arith.constant 48 : index
      %get3A_979 = tpu.vector_load %arg12[%get3A_977, %get3A_978] {strides = array<i32>} : memref<2x128xi32, #tpu.memory_space<vmem>>, vector<16xi32>,
      tpu.vector_store_idx %arg16[%broadcast_in_dim3A_10, %get3A_975, %get3A_979], %gather3A_971 : memref<2x17x512xf32, #tpu.memory_space<vmem>>[vector<16xi32>, vector<16xi32>, vector<16xi32>], vector<16xf32>,
      %get3A_980 = arith.constant 0 : i32
      %get3A_981 = arith.index_cast %get3A_980 : i32 to index
      %get3A_982 = arith.constant 64 : index
      %get3A_983 = tpu.vector_load %arg9[%get3A_981, %get3A_982] {strides = array<i32>} : memref<2x128xi32, #tpu.memory_space<vmem>>, vector<16xi32>,
      %get3A_984 = arith.constant 0 : i32
      %get3A_985 = arith.index_cast %get3A_984 : i32 to index
      %get3A_986 = arith.constant 64 : index
      %get3A_987 = tpu.vector_load %arg10[%get3A_985, %get3A_986] {strides = array<i32>} : memref<2x128xi32, #tpu.memory_space<vmem>>, vector<16xi32>,
      %gather3A_988 = tpu.vector_load_idx %arg14[%broadcast_in_dim3A_10, %get3A_983, %get3A_987] : memref<2x16x512xf32, #tpu.memory_space<vmem>>[vector<16xi32>, vector<16xi32>, vector<16xi32>], vector<16xf32>,
      %get3A_989 = arith.constant 0 : i32
      %get3A_990 = arith.index_cast %get3A_989 : i32 to index
      %get3A_991 = arith.constant 64 : index
      %get3A_992 = tpu.vector_load %arg11[%get3A_990, %get3A_991] {strides = array<i32>} : memref<2x128xi32, #tpu.memory_space<vmem>>, vector<16xi32>,
      %get3A_993 = arith.constant 0 : i32
      %get3A_994 = arith.index_cast %get3A_993 : i32 to index
      %get3A_995 = arith.constant 64 : index
      %get3A_996 = tpu.vector_load %arg12[%get3A_994, %get3A_995] {strides = array<i32>} : memref<2x128xi32, #tpu.memory_space<vmem>>, vector<16xi32>,
      tpu.vector_store_idx %arg16[%broadcast_in_dim3A_10, %get3A_992, %get3A_996], %gather3A_988 : memref<2x17x512xf32, #tpu.memory_space<vmem>>[vector<16xi32>, vector<16xi32>, vector<16xi32>], vector<16xf32>,
      %get3A_997 = arith.constant 0 : i32
      %get3A_998 = arith.index_cast %get3A_997 : i32 to index
      %get3A_999 = arith.constant 80 : index
      %get3A_1000 = tpu.vector_load %arg9[%get3A_998, %get3A_999] {strides = array<i32>} : memref<2x128xi32, #tpu.memory_space<vmem>>, vector<16xi32>,
      %get3A_1001 = arith.constant 0 : i32
      %get3A_1002 = arith.index_cast %get3A_1001 : i32 to index
      %get3A_1003 = arith.constant 80 : index
      %get3A_1004 = tpu.vector_load %arg10[%get3A_1002, %get3A_1003] {strides = array<i32>} : memref<2x128xi32, #tpu.memory_space<vmem>>, vector<16xi32>,
      %gather3A_1005 = tpu.vector_load_idx %arg14[%broadcast_in_dim3A_10, %get3A_1000, %get3A_1004] : memref<2x16x512xf32, #tpu.memory_space<vmem>>[vector<16xi32>, vector<16xi32>, vector<16xi32>], vector<16xf32>,
      %get3A_1006 = arith.constant 0 : i32
      %get3A_1007 = arith.index_cast %get3A_1006 : i32 to index
      %get3A_1008 = arith.constant 80 : index
      %get3A_1009 = tpu.vector_load %arg11[%get3A_1007, %get3A_1008] {strides = array<i32>} : memref<2x128xi32, #tpu.memory_space<vmem>>, vector<16xi32>,
      %get3A_1010 = arith.constant 0 : i32
      %get3A_1011 = arith.index_cast %get3A_1010 : i32 to index
      %get3A_1012 = arith.constant 80 : index
      %get3A_1013 = tpu.vector_load %arg12[%get3A_1011, %get3A_1012] {strides = array<i32>} : memref<2x128xi32, #tpu.memory_space<vmem>>, vector<16xi32>,
      tpu.vector_store_idx %arg16[%broadcast_in_dim3A_10, %get3A_1009, %get3A_1013], %gather3A_1005 : memref<2x17x512xf32, #tpu.memory_space<vmem>>[vector<16xi32>, vector<16xi32>, vector<16xi32>], vector<16xf32>,
      %get3A_1014 = arith.constant 0 : i32
      %get3A_1015 = arith.index_cast %get3A_1014 : i32 to index
      %get3A_1016 = arith.constant 96 : index
      %get3A_1017 = tpu.vector_load %arg9[%get3A_1015, %get3A_1016] {strides = array<i32>} : memref<2x128xi32, #tpu.memory_space<vmem>>, vector<16xi32>,
      %get3A_1018 = arith.constant 0 : i32
      %get3A_1019 = arith.index_cast %get3A_1018 : i32 to index
      %get3A_1020 = arith.constant 96 : index
      %get3A_1021 = tpu.vector_load %arg10[%get3A_1019, %get3A_1020] {strides = array<i32>} : memref<2x128xi32, #tpu.memory_space<vmem>>, vector<16xi32>,
      %gather3A_1022 = tpu.vector_load_idx %arg14[%broadcast_in_dim3A_10, %get3A_1017, %get3A_1021] : memref<2x16x512xf32, #tpu.memory_space<vmem>>[vector<16xi32>, vector<16xi32>, vector<16xi32>], vector<16xf32>,
      %get3A_1023 = arith.constant 0 : i32
      %get3A_1024 = arith.index_cast %get3A_1023 : i32 to index
      %get3A_1025 = arith.constant 96 : index
      %get3A_1026 = tpu.vector_load %arg11[%get3A_1024, %get3A_1025] {strides = array<i32>} : memref<2x128xi32, #tpu.memory_space<vmem>>, vector<16xi32>,
      %get3A_1027 = arith.constant 0 : i32
      %get3A_1028 = arith.index_cast %get3A_1027 : i32 to index
      %get3A_1029 = arith.constant 96 : index
      %get3A_1030 = tpu.vector_load %arg12[%get3A_1028, %get3A_1029] {strides = array<i32>} : memref<2x128xi32, #tpu.memory_space<vmem>>, vector<16xi32>,
      tpu.vector_store_idx %arg16[%broadcast_in_dim3A_10, %get3A_1026, %get3A_1030], %gather3A_1022 : memref<2x17x512xf32, #tpu.memory_space<vmem>>[vector<16xi32>, vector<16xi32>, vector<16xi32>], vector<16xf32>,
      %get3A_1031 = arith.constant 0 : i32
      %get3A_1032 = arith.index_cast %get3A_1031 : i32 to index
      %get3A_1033 = arith.constant 112 : index
      %get3A_1034 = tpu.vector_load %arg9[%get3A_1032, %get3A_1033] {strides = array<i32>} : memref<2x128xi32, #tpu.memory_space<vmem>>, vector<16xi32>,
      %get3A_1035 = arith.constant 0 : i32
      %get3A_1036 = arith.index_cast %get3A_1035 : i32 to index
      %get3A_1037 = arith.constant 112 : index
      %get3A_1038 = tpu.vector_load %arg10[%get3A_1036, %get3A_1037] {strides = array<i32>} : memref<2x128xi32, #tpu.memory_space<vmem>>, vector<16xi32>,
      %gather3A_1039 = tpu.vector_load_idx %arg14[%broadcast_in_dim3A_10, %get3A_1034, %get3A_1038] : memref<2x16x512xf32, #tpu.memory_space<vmem>>[vector<16xi32>, vector<16xi32>, vector<16xi32>], vector<16xf32>,
      %get3A_1040 = arith.constant 0 : i32
      %get3A_1041 = arith.index_cast %get3A_1040 : i32 to index
      %get3A_1042 = arith.constant 112 : index
      %get3A_1043 = tpu.vector_load %arg11[%get3A_1041, %get3A_1042] {strides = array<i32>} : memref<2x128xi32, #tpu.memory_space<vmem>>, vector<16xi32>,
      %get3A_1044 = arith.constant 0 : i32
      %get3A_1045 = arith.index_cast %get3A_1044 : i32 to index
      %get3A_1046 = arith.constant 112 : index
      %get3A_1047 = tpu.vector_load %arg12[%get3A_1045, %get3A_1046] {strides = array<i32>} : memref<2x128xi32, #tpu.memory_space<vmem>>, vector<16xi32>,
      tpu.vector_store_idx %arg16[%broadcast_in_dim3A_10, %get3A_1043, %get3A_1047], %gather3A_1039 : memref<2x17x512xf32, #tpu.memory_space<vmem>>[vector<16xi32>, vector<16xi32>, vector<16xi32>], vector<16xf32>,
      %get3A_1048 = arith.constant 1 : i32
      %get3A_1049 = arith.index_cast %get3A_1048 : i32 to index
      %get3A_1050 = arith.constant 0 : index
      %get3A_1051 = tpu.vector_load %arg9[%get3A_1049, %get3A_1050] {strides = array<i32>} : memref<2x128xi32, #tpu.memory_space<vmem>>, vector<16xi32>,
      %get3A_1052 = arith.constant 1 : i32
      %get3A_1053 = arith.index_cast %get3A_1052 : i32 to index
      %get3A_1054 = arith.constant 0 : index
      %get3A_1055 = tpu.vector_load %arg10[%get3A_1053, %get3A_1054] {strides = array<i32>} : memref<2x128xi32, #tpu.memory_space<vmem>>, vector<16xi32>,
      %gather3A_1056 = tpu.vector_load_idx %arg14[%broadcast_in_dim3A_10, %get3A_1051, %get3A_1055] : memref<2x16x512xf32, #tpu.memory_space<vmem>>[vector<16xi32>, vector<16xi32>, vector<16xi32>], vector<16xf32>,
      %get3A_1057 = arith.constant 1 : i32
      %get3A_1058 = arith.index_cast %get3A_1057 : i32 to index
      %get3A_1059 = arith.constant 0 : index
      %get3A_1060 = tpu.vector_load %arg11[%get3A_1058, %get3A_1059] {strides = array<i32>} : memref<2x128xi32, #tpu.memory_space<vmem>>, vector<16xi32>,
      %get3A_1061 = arith.constant 1 : i32
      %get3A_1062 = arith.index_cast %get3A_1061 : i32 to index
      %get3A_1063 = arith.constant 0 : index
      %get3A_1064 = tpu.vector_load %arg12[%get3A_1062, %get3A_1063] {strides = array<i32>} : memref<2x128xi32, #tpu.memory_space<vmem>>, vector<16xi32>,
      tpu.vector_store_idx %arg16[%broadcast_in_dim3A_10, %get3A_1060, %get3A_1064], %gather3A_1056 : memref<2x17x512xf32, #tpu.memory_space<vmem>>[vector<16xi32>, vector<16xi32>, vector<16xi32>], vector<16xf32>,
      %get3A_1065 = arith.constant 1 : i32
      %get3A_1066 = arith.index_cast %get3A_1065 : i32 to index
      %get3A_1067 = arith.constant 16 : index
      %get3A_1068 = tpu.vector_load %arg9[%get3A_1066, %get3A_1067] {strides = array<i32>} : memref<2x128xi32, #tpu.memory_space<vmem>>, vector<16xi32>,
      %get3A_1069 = arith.constant 1 : i32
      %get3A_1070 = arith.index_cast %get3A_1069 : i32 to index
      %get3A_1071 = arith.constant 16 : index
      %get3A_1072 = tpu.vector_load %arg10[%get3A_1070, %get3A_1071] {strides = array<i32>} : memref<2x128xi32, #tpu.memory_space<vmem>>, vector<16xi32>,
      %gather3A_1073 = tpu.vector_load_idx %arg14[%broadcast_in_dim3A_10, %get3A_1068, %get3A_1072] : memref<2x16x512xf32, #tpu.memory_space<vmem>>[vector<16xi32>, vector<16xi32>, vector<16xi32>], vector<16xf32>,
      %get3A_1074 = arith.constant 1 : i32
      %get3A_1075 = arith.index_cast %get3A_1074 : i32 to index
      %get3A_1076 = arith.constant 16 : index
      %get3A_1077 = tpu.vector_load %arg11[%get3A_1075, %get3A_1076] {strides = array<i32>} : memref<2x128xi32, #tpu.memory_space<vmem>>, vector<16xi32>,
      %get3A_1078 = arith.constant 1 : i32
      %get3A_1079 = arith.index_cast %get3A_1078 : i32 to index
      %get3A_1080 = arith.constant 16 : index
      %get3A_1081 = tpu.vector_load %arg12[%get3A_1079, %get3A_1080] {strides = array<i32>} : memref<2x128xi32, #tpu.memory_space<vmem>>, vector<16xi32>,
      tpu.vector_store_idx %arg16[%broadcast_in_dim3A_10, %get3A_1077, %get3A_1081], %gather3A_1073 : memref<2x17x512xf32, #tpu.memory_space<vmem>>[vector<16xi32>, vector<16xi32>, vector<16xi32>], vector<16xf32>,
      %get3A_1082 = arith.constant 1 : i32
      %get3A_1083 = arith.index_cast %get3A_1082 : i32 to index
      %get3A_1084 = arith.constant 32 : index
      %get3A_1085 = tpu.vector_load %arg9[%get3A_1083, %get3A_1084] {strides = array<i32>} : memref<2x128xi32, #tpu.memory_space<vmem>>, vector<16xi32>,
      %get3A_1086 = arith.constant 1 : i32
      %get3A_1087 = arith.index_cast %get3A_1086 : i32 to index
      %get3A_1088 = arith.constant 32 : index
      %get3A_1089 = tpu.vector_load %arg10[%get3A_1087, %get3A_1088] {strides = array<i32>} : memref<2x128xi32, #tpu.memory_space<vmem>>, vector<16xi32>,
      %gather3A_1090 = tpu.vector_load_idx %arg14[%broadcast_in_dim3A_10, %get3A_1085, %get3A_1089] : memref<2x16x512xf32, #tpu.memory_space<vmem>>[vector<16xi32>, vector<16xi32>, vector<16xi32>], vector<16xf32>,
      %get3A_1091 = arith.constant 1 : i32
      %get3A_1092 = arith.index_cast %get3A_1091 : i32 to index
      %get3A_1093 = arith.constant 32 : index
      %get3A_1094 = tpu.vector_load %arg11[%get3A_1092, %get3A_1093] {strides = array<i32>} : memref<2x128xi32, #tpu.memory_space<vmem>>, vector<16xi32>,
      %get3A_1095 = arith.constant 1 : i32
      %get3A_1096 = arith.index_cast %get3A_1095 : i32 to index
      %get3A_1097 = arith.constant 32 : index
      %get3A_1098 = tpu.vector_load %arg12[%get3A_1096, %get3A_1097] {strides = array<i32>} : memref<2x128xi32, #tpu.memory_space<vmem>>, vector<16xi32>,
      tpu.vector_store_idx %arg16[%broadcast_in_dim3A_10, %get3A_1094, %get3A_1098], %gather3A_1090 : memref<2x17x512xf32, #tpu.memory_space<vmem>>[vector<16xi32>, vector<16xi32>, vector<16xi32>], vector<16xf32>,
      %get3A_1099 = arith.constant 1 : i32
      %get3A_1100 = arith.index_cast %get3A_1099 : i32 to index
      %get3A_1101 = arith.constant 48 : index
      %get3A_1102 = tpu.vector_load %arg9[%get3A_1100, %get3A_1101] {strides = array<i32>} : memref<2x128xi32, #tpu.memory_space<vmem>>, vector<16xi32>,
      %get3A_1103 = arith.constant 1 : i32
      %get3A_1104 = arith.index_cast %get3A_1103 : i32 to index
      %get3A_1105 = arith.constant 48 : index
      %get3A_1106 = tpu.vector_load %arg10[%get3A_1104, %get3A_1105] {strides = array<i32>} : memref<2x128xi32, #tpu.memory_space<vmem>>, vector<16xi32>,
      %gather3A_1107 = tpu.vector_load_idx %arg14[%broadcast_in_dim3A_10, %get3A_1102, %get3A_1106] : memref<2x16x512xf32, #tpu.memory_space<vmem>>[vector<16xi32>, vector<16xi32>, vector<16xi32>], vector<16xf32>,
      %get3A_1108 = arith.constant 1 : i32
      %get3A_1109 = arith.index_cast %get3A_1108 : i32 to index
      %get3A_1110 = arith.constant 48 : index
      %get3A_1111 = tpu.vector_load %arg11[%get3A_1109, %get3A_1110] {strides = array<i32>} : memref<2x128xi32, #tpu.memory_space<vmem>>, vector<16xi32>,
      %get3A_1112 = arith.constant 1 : i32
      %get3A_1113 = arith.index_cast %get3A_1112 : i32 to index
      %get3A_1114 = arith.constant 48 : index
      %get3A_1115 = tpu.vector_load %arg12[%get3A_1113, %get3A_1114] {strides = array<i32>} : memref<2x128xi32, #tpu.memory_space<vmem>>, vector<16xi32>,
      tpu.vector_store_idx %arg16[%broadcast_in_dim3A_10, %get3A_1111, %get3A_1115], %gather3A_1107 : memref<2x17x512xf32, #tpu.memory_space<vmem>>[vector<16xi32>, vector<16xi32>, vector<16xi32>], vector<16xf32>,
      %get3A_1116 = arith.constant 1 : i32
      %get3A_1117 = arith.index_cast %get3A_1116 : i32 to index
      %get3A_1118 = arith.constant 64 : index
      %get3A_1119 = tpu.vector_load %arg9[%get3A_1117, %get3A_1118] {strides = array<i32>} : memref<2x128xi32, #tpu.memory_space<vmem>>, vector<16xi32>,
      %get3A_1120 = arith.constant 1 : i32
      %get3A_1121 = arith.index_cast %get3A_1120 : i32 to index
      %get3A_1122 = arith.constant 64 : index
      %get3A_1123 = tpu.vector_load %arg10[%get3A_1121, %get3A_1122] {strides = array<i32>} : memref<2x128xi32, #tpu.memory_space<vmem>>, vector<16xi32>,
      %gather3A_1124 = tpu.vector_load_idx %arg14[%broadcast_in_dim3A_10, %get3A_1119, %get3A_1123] : memref<2x16x512xf32, #tpu.memory_space<vmem>>[vector<16xi32>, vector<16xi32>, vector<16xi32>], vector<16xf32>,
      %get3A_1125 = arith.constant 1 : i32
      %get3A_1126 = arith.index_cast %get3A_1125 : i32 to index
      %get3A_1127 = arith.constant 64 : index
      %get3A_1128 = tpu.vector_load %arg11[%get3A_1126, %get3A_1127] {strides = array<i32>} : memref<2x128xi32, #tpu.memory_space<vmem>>, vector<16xi32>,
      %get3A_1129 = arith.constant 1 : i32
      %get3A_1130 = arith.index_cast %get3A_1129 : i32 to index
      %get3A_1131 = arith.constant 64 : index
      %get3A_1132 = tpu.vector_load %arg12[%get3A_1130, %get3A_1131] {strides = array<i32>} : memref<2x128xi32, #tpu.memory_space<vmem>>, vector<16xi32>,
      tpu.vector_store_idx %arg16[%broadcast_in_dim3A_10, %get3A_1128, %get3A_1132], %gather3A_1124 : memref<2x17x512xf32, #tpu.memory_space<vmem>>[vector<16xi32>, vector<16xi32>, vector<16xi32>], vector<16xf32>,
      %get3A_1133 = arith.constant 1 : i32
      %get3A_1134 = arith.index_cast %get3A_1133 : i32 to index
      %get3A_1135 = arith.constant 80 : index
      %get3A_1136 = tpu.vector_load %arg9[%get3A_1134, %get3A_1135] {strides = array<i32>} : memref<2x128xi32, #tpu.memory_space<vmem>>, vector<16xi32>,
      %get3A_1137 = arith.constant 1 : i32
      %get3A_1138 = arith.index_cast %get3A_1137 : i32 to index
      %get3A_1139 = arith.constant 80 : index
      %get3A_1140 = tpu.vector_load %arg10[%get3A_1138, %get3A_1139] {strides = array<i32>} : memref<2x128xi32, #tpu.memory_space<vmem>>, vector<16xi32>,
      %gather3A_1141 = tpu.vector_load_idx %arg14[%broadcast_in_dim3A_10, %get3A_1136, %get3A_1140] : memref<2x16x512xf32, #tpu.memory_space<vmem>>[vector<16xi32>, vector<16xi32>, vector<16xi32>], vector<16xf32>,
      %get3A_1142 = arith.constant 1 : i32
      %get3A_1143 = arith.index_cast %get3A_1142 : i32 to index
      %get3A_1144 = arith.constant 80 : index
      %get3A_1145 = tpu.vector_load %arg11[%get3A_1143, %get3A_1144] {strides = array<i32>} : memref<2x128xi32, #tpu.memory_space<vmem>>, vector<16xi32>,
      %get3A_1146 = arith.constant 1 : i32
      %get3A_1147 = arith.index_cast %get3A_1146 : i32 to index
      %get3A_1148 = arith.constant 80 : index
      %get3A_1149 = tpu.vector_load %arg12[%get3A_1147, %get3A_1148] {strides = array<i32>} : memref<2x128xi32, #tpu.memory_space<vmem>>, vector<16xi32>,
      tpu.vector_store_idx %arg16[%broadcast_in_dim3A_10, %get3A_1145, %get3A_1149], %gather3A_1141 : memref<2x17x512xf32, #tpu.memory_space<vmem>>[vector<16xi32>, vector<16xi32>, vector<16xi32>], vector<16xf32>,
      %get3A_1150 = arith.constant 1 : i32
      %get3A_1151 = arith.index_cast %get3A_1150 : i32 to index
      %get3A_1152 = arith.constant 96 : index
      %get3A_1153 = tpu.vector_load %arg9[%get3A_1151, %get3A_1152] {strides = array<i32>} : memref<2x128xi32, #tpu.memory_space<vmem>>, vector<16xi32>,
      %get3A_1154 = arith.constant 1 : i32
      %get3A_1155 = arith.index_cast %get3A_1154 : i32 to index
      %get3A_1156 = arith.constant 96 : index
      %get3A_1157 = tpu.vector_load %arg10[%get3A_1155, %get3A_1156] {strides = array<i32>} : memref<2x128xi32, #tpu.memory_space<vmem>>, vector<16xi32>,
      %gather3A_1158 = tpu.vector_load_idx %arg14[%broadcast_in_dim3A_10, %get3A_1153, %get3A_1157] : memref<2x16x512xf32, #tpu.memory_space<vmem>>[vector<16xi32>, vector<16xi32>, vector<16xi32>], vector<16xf32>,
      %get3A_1159 = arith.constant 1 : i32
      %get3A_1160 = arith.index_cast %get3A_1159 : i32 to index
      %get3A_1161 = arith.constant 96 : index
      %get3A_1162 = tpu.vector_load %arg11[%get3A_1160, %get3A_1161] {strides = array<i32>} : memref<2x128xi32, #tpu.memory_space<vmem>>, vector<16xi32>,
      %get3A_1163 = arith.constant 1 : i32
      %get3A_1164 = arith.index_cast %get3A_1163 : i32 to index
      %get3A_1165 = arith.constant 96 : index
      %get3A_1166 = tpu.vector_load %arg12[%get3A_1164, %get3A_1165] {strides = array<i32>} : memref<2x128xi32, #tpu.memory_space<vmem>>, vector<16xi32>,
      tpu.vector_store_idx %arg16[%broadcast_in_dim3A_10, %get3A_1162, %get3A_1166], %gather3A_1158 : memref<2x17x512xf32, #tpu.memory_space<vmem>>[vector<16xi32>, vector<16xi32>, vector<16xi32>], vector<16xf32>,
      %get3A_1167 = arith.constant 1 : i32
      %get3A_1168 = arith.index_cast %get3A_1167 : i32 to index
      %get3A_1169 = arith.constant 112 : index
      %get3A_1170 = tpu.vector_load %arg9[%get3A_1168, %get3A_1169] {strides = array<i32>} : memref<2x128xi32, #tpu.memory_space<vmem>>, vector<16xi32>,
      %get3A_1171 = arith.constant 1 : i32
      %get3A_1172 = arith.index_cast %get3A_1171 : i32 to index
      %get3A_1173 = arith.constant 112 : index
      %get3A_1174 = tpu.vector_load %arg10[%get3A_1172, %get3A_1173] {strides = array<i32>} : memref<2x128xi32, #tpu.memory_space<vmem>>, vector<16xi32>,
      %gather3A_1175 = tpu.vector_load_idx %arg14[%broadcast_in_dim3A_10, %get3A_1170, %get3A_1174] : memref<2x16x512xf32, #tpu.memory_space<vmem>>[vector<16xi32>, vector<16xi32>, vector<16xi32>], vector<16xf32>,
      %get3A_1176 = arith.constant 1 : i32
      %get3A_1177 = arith.index_cast %get3A_1176 : i32 to index
      %get3A_1178 = arith.constant 112 : index
      %get3A_1179 = tpu.vector_load %arg11[%get3A_1177, %get3A_1178] {strides = array<i32>} : memref<2x128xi32, #tpu.memory_space<vmem>>, vector<16xi32>,
      %get3A_1180 = arith.constant 1 : i32
      %get3A_1181 = arith.index_cast %get3A_1180 : i32 to index
      %get3A_1182 = arith.constant 112 : index
      %get3A_1183 = tpu.vector_load %arg12[%get3A_1181, %get3A_1182] {strides = array<i32>} : memref<2x128xi32, #tpu.memory_space<vmem>>, vector<16xi32>,
      tpu.vector_store_idx %arg16[%broadcast_in_dim3A_10, %get3A_1179, %get3A_1183], %gather3A_1175 : memref<2x17x512xf32, #tpu.memory_space<vmem>>[vector<16xi32>, vector<16xi32>, vector<16xi32>], vector<16xf32>,
      %dma_start3A_1184 = arith.constant 0 : i32
      %dma_start3A_1185 = arith.constant 0 : i32
      %dma_start3A_1186 = arith.constant 0 : i32
      %dma_start3A_1187 = tpu.memref_slice %arg16[%dma_start3A_1184, %dma_start3A_1185, %dma_start3A_1186] : memref<2x17x512xf32, #tpu.memory_space<vmem>> -> memref<2x16x512xf32, #tpu.memory_space<vmem>>
      %dma_start3A_1188 = arith.constant 0 : i32
      %dma_start3A_1189 = tpu.memref_slice %arg8[%mul3A_630, %mul3A_2, %dma_start3A_1188] : memref<64x512x512xf32, #tpu.memory_space<hbm>> -> memref<2x16x512xf32, #tpu.memory_space<hbm>>
      %dma_start3A_1190 = arith.constant 0 : i32
      %dma_start3A_1191 = tpu.memref_slice %arg8[%mul3A_630, %mul3A_2, %dma_start3A_1190] : memref<64x512x512xf32, #tpu.memory_space<hbm>> -> memref<2x16x512xf32, #tpu.memory_space<hbm>>
      %dma_start3A_1192 = arith.constant 0 : i32
      %dma_start3A_1193 = arith.constant 0 : i32
      %dma_start3A_1194 = arith.constant 0 : i32
      %dma_start3A_1195 = tpu.memref_slice %arg16[%dma_start3A_1192, %dma_start3A_1193, %dma_start3A_1194] : memref<2x17x512xf32, #tpu.memory_space<vmem>> -> memref<2x16x512xf32, #tpu.memory_space<vmem>>
      tpu.enqueue_dma source(%dma_start3A_1195 : memref<2x16x512xf32, #tpu.memory_space<vmem>>) target(%dma_start3A_1191 : memref<2x16x512xf32, #tpu.memory_space<hbm>>) target_semaphore(%arg20 : memref<!tpu.dma_semaphore, #tpu.memory_space<semaphore_mem>>)
      %le3A_1196 = arith.constant 14 : i32
      %le3A_1197 = arith.cmpi sle, %scan3A_54, %le3A_1196 : i32
      %convert_element_type3A_1198 = arith.extui %le3A_1197 : i1 to i32
      %cond3A_1199 = arith.constant 0 : i32
      %cond3A_1200 = arith.cmpi ne, %convert_element_type3A_1198, %cond3A_1199 : i32
      scf.if %cond3A_1200 {
        %add3A_1201 = arith.constant 4 : i32
        %add3A_1202 = arith.addi %mul3A_630, %add3A_1201 : i32
        %dma_start3A_1203 = arith.constant 0 : i32
        %dma_start3A_1204 = tpu.memref_slice %arg2[%add3A_1202, %mul3A_2, %dma_start3A_1203] : memref<64x512x512xf32, #tpu.memory_space<hbm>> -> memref<2x16x512xf32, #tpu.memory_space<hbm>>
        %dma_start3A_1205 = arith.constant 0 : i32
        %dma_start3A_1206 = tpu.memref_slice %arg2[%add3A_1202, %mul3A_2, %dma_start3A_1205] : memref<64x512x512xf32, #tpu.memory_space<hbm>> -> memref<2x16x512xf32, #tpu.memory_space<hbm>>
        tpu.enqueue_dma source(%dma_start3A_1206 : memref<2x16x512xf32, #tpu.memory_space<hbm>>) target(%arg14 : memref<2x16x512xf32, #tpu.memory_space<vmem>>) target_semaphore(%arg18 : memref<!tpu.dma_semaphore, #tpu.memory_space<semaphore_mem>>)
      } else {
      }
    }
    %scan3A_26 = arith.constant 16 : i32
    %dma_wait3A = arith.constant 0 : i32
    %dma_wait3A_27 = arith.constant 0 : i32
    %dma_wait3A_28 = arith.constant 0 : i32
    %dma_wait3A_29 = tpu.memref_slice %arg15[%dma_wait3A, %dma_wait3A_27, %dma_wait3A_28] : memref<2x17x512xf32, #tpu.memory_space<vmem>> -> memref<2x16x512xf32, #tpu.memory_space<vmem>>
    %dma_wait3A_30 = arith.constant 60 : i32
    %dma_wait3A_31 = arith.constant 0 : i32
    %dma_wait3A_32 = tpu.memref_slice %arg8[%dma_wait3A_30, %mul3A_2, %dma_wait3A_31] : memref<64x512x512xf32, #tpu.memory_space<hbm>> -> memref<2x16x512xf32, #tpu.memory_space<hbm>>
    %dma_wait3A_33 = arith.constant 60 : i32
    %dma_wait3A_34 = arith.constant 0 : i32
    %dma_wait3A_35 = tpu.memref_slice %arg8[%dma_wait3A_33, %mul3A_2, %dma_wait3A_34] : memref<64x512x512xf32, #tpu.memory_space<hbm>> -> memref<2x16x512xf32, #tpu.memory_space<hbm>>
    %dma_wait3A_36 = arith.constant 0 : i32
    %dma_wait3A_37 = arith.constant 0 : i32
    %dma_wait3A_38 = arith.constant 0 : i32
    %dma_wait3A_39 = tpu.memref_slice %arg15[%dma_wait3A_36, %dma_wait3A_37, %dma_wait3A_38] : memref<2x17x512xf32, #tpu.memory_space<vmem>> -> memref<2x16x512xf32, #tpu.memory_space<vmem>>
    tpu.wait_dma2 semaphore(%arg19 : memref<!tpu.dma_semaphore, #tpu.memory_space<semaphore_mem>>) src(%dma_wait3A_39 : memref<2x16x512xf32, #tpu.memory_space<vmem>>) dst(%dma_wait3A_35 : memref<2x16x512xf32, #tpu.memory_space<hbm>>)
    %dma_wait3A_40 = arith.constant 0 : i32
    %dma_wait3A_41 = arith.constant 0 : i32
    %dma_wait3A_42 = arith.constant 0 : i32
    %dma_wait3A_43 = tpu.memref_slice %arg16[%dma_wait3A_40, %dma_wait3A_41, %dma_wait3A_42] : memref<2x17x512xf32, #tpu.memory_space<vmem>> -> memref<2x16x512xf32, #tpu.memory_space<vmem>>
    %dma_wait3A_44 = arith.constant 62 : i32
    %dma_wait3A_45 = arith.constant 0 : i32
    %dma_wait3A_46 = tpu.memref_slice %arg8[%dma_wait3A_44, %mul3A_2, %dma_wait3A_45] : memref<64x512x512xf32, #tpu.memory_space<hbm>> -> memref<2x16x512xf32, #tpu.memory_space<hbm>>
    %dma_wait3A_47 = arith.constant 62 : i32
    %dma_wait3A_48 = arith.constant 0 : i32
    %dma_wait3A_49 = tpu.memref_slice %arg8[%dma_wait3A_47, %mul3A_2, %dma_wait3A_48] : memref<64x512x512xf32, #tpu.memory_space<hbm>> -> memref<2x16x512xf32, #tpu.memory_space<hbm>>
    %dma_wait3A_50 = arith.constant 0 : i32
    %dma_wait3A_51 = arith.constant 0 : i32
    %dma_wait3A_52 = arith.constant 0 : i32
    %dma_wait3A_53 = tpu.memref_slice %arg16[%dma_wait3A_50, %dma_wait3A_51, %dma_wait3A_52] : memref<2x17x512xf32, #tpu.memory_space<vmem>> -> memref<2x16x512xf32, #tpu.memory_space<vmem>>
    tpu.wait_dma2 semaphore(%arg20 : memref<!tpu.dma_semaphore, #tpu.memory_space<semaphore_mem>>) src(%dma_wait3A_53 : memref<2x16x512xf32, #tpu.memory_space<vmem>>) dst(%dma_wait3A_49 : memref<2x16x512xf32, #tpu.memory_space<hbm>>)
    return
  }
}

</mosaic_0001>

<sc_bundles>
// kernel: kernel.3.cloned.1.call-start
scs
__scs_entry_jumppad:
0x0: {  	(pc) =	sbr.rel $0x88, $3  }
0x1: {  	(tag) =	ssettag $0x0;
	lr =	simm.s32 $0x1  }
0x2: {  	[smem:$0x3FA0] =	sst lr;
	_ =	strace $0xD0000000  }
0x3: {  	_ = 	snop  }
0x4: {  	_ = 	snop  }
0x5: {  	_ = 	snop  }
0x6: {  	_ = 	snop  }
0x7: {  	_ = 	snop  }
__scs_overlays_trampoline_lowered:
0x8: {  	[smem:$0x3FAF] =	sst s0  }
0x9: {  	[smem:$0x3FB0] =	sst s1  }
0xa: {  	[smem:$0x3FB1] =	sst s2  }
0xb: {  	[smem:$0x3FB2] =	sst s3  }
0xc: {  	[smem:$0x3FB3] =	sst s4  }
0xd: {  	[smem:$0x3FB4] =	sst s5  }
0xe: {  	[smem:$0x3FB5] =	sst s6  }
0xf: {  	[smem:$0x3FB6] =	sst s7  }
0x10: {  	[smem:$0x3FB7] =	sst s8  }
0x11: {  	[smem:$0x3FB8] =	sst s9;
	s0 =	simm.s32 @!p0 $0x0  }
0x12: {  	s1 =	sld [smem:$0x3F9E];
	s0 =	simm.s32 @p0 $0x1  }
0x13: {  	[smem:$0x3FB9] =	sst s0;
	s0 =	simm.s32 @!p1 $0x0  }
0x14: {  	s2 =	sld [smem:$0x3F9D];
	s0 =	simm.s32 @p1 $0x1  }
0x15: {  	[smem:$0x3FBA] =	sst s0;
	s0 =	simm.s32 @!p2 $0x0  }
0x16: {  	s3 =	sld [smem:$0x3FDB];
	s0 =	simm.s32 @p2 $0x1  }
0x17: {  	s4 =	simm.s32 $0x1BF5;
	[smem:$0x3FBC] =	sst s0  }
0x18: {  	s0 =	sld [smem:$0x3F9F];
	_ =	swait.ge [sflag:s4], $0x0  }
0x19: {  	s7 =	sld [smem:$0x3FA0]  }
0x1a: {  	s8 =	sadd.s32 $0xFFFFE003, lr  }
0x1b: {  	s9 =	sadd.s32 $0xFFFFFEF7, lr;
	s5 =	simm.s32 $0xFFFFFFFF;
	p2 =	slt.u32 s8, $0xFFFFF086  }
0x1c: {  	p1 =	slt.u32 s9, $0xF7A;
	s5 =	simm.s32 @!p2 $0x0  }
0x1d: {  	s5 =	simm.s32 @p1 $0x1;
	p0 =	seq.s32 s7, s2  }
0x1e: {  	s7 =	smul.u32 @!p0 $0xF7A, s2;
	p2 =	seq.s32 @!p0 s5, $0x0  }
0x1f: {  	s9 =	smul.u32 $0xF7A, s1;
	s8 =	simm.s32 @!p0 $0x1BF5;
	p2 =	por !p2, p0  }
0x20: {  	[sflag:s8] =	ssyncset.s32 @!p0 $0xFFFFF086;
	s6 =	sadd.s32 @!p0 s3, s7;
	s7 =	simm.s32 @!p0 $0x108  }
0x21: {  	s3 =	sadd.s32 s3, s9;
	s6 =	sadd.s32 @!p0 $0x88, s6;
	s7 =	simm.s32 @p2 $0x1082  }
0x22: {  	[simem:s7], [sflag:s8] =	dma.local @!p0 [hbm:s6], $0xF7A  }
0x23: {  	s9 =	sor.u32 $0xD0000000, s2;
	s6 =	simm.s32 $0x108;
	_ =	swait.ge @!p0 [sflag:s8], $0x0  }
0x24: {  	s3 =	sadd.s32 $0x88, s3;
	s6 =	simm.s32 @!p1 $0x1082;
	[sflag:s4] =	ssyncset.s32 $0xFFFFF086  }
0x25: {  	[simem:s6], [sflag:s4] =	dma.local [hbm:s3], $0xF7A  }
0x26: {  	[smem:$0x3FA0] =	sst s1;
	(tag) =	ssettag s2;
	_ =	strace s9  }
0x27: {  	s1 =	sld [smem:$0x3FB0]  }
0x28: {  	s2 =	sld [smem:$0x3FB1]  }
0x29: {  	s4 =	sld [smem:$0x3FB3]  }
0x2a: {  	p0 =	seq.s32 s5, $0x0;
	s5 =	sld [smem:$0x3FB4]  }
0x2b: {  	s6 =	sld [smem:$0x3FB5]  }
0x2c: {  	s7 =	sld [smem:$0x3FB6]  }
0x2d: {  	s3 =	simm.s32 $0x108;
	s8 =	sld [smem:$0x3FB7]  }
0x2e: {  	s3 =	simm.s32 @!p0 $0x1082;
	s9 =	sld [smem:$0x3FB8]  }
0x2f: {  	lr =	sadd.s32 s0, s3;
	s0 =	sld [smem:$0x3FAF]  }
0x30: {  	s3 =	sld [smem:$0x3FB2]  }
0x31: {  	[smem:$0x3FBB] =	sst s10  }
0x32: {  	s10 =	sld [smem:$0x3FB9];
	_ =	sdelay $0x3  }
0x33: {  	p0 =	seq.s32 s10, $0x1;
	s10 =	sld [smem:$0x3FBB];
	_ =	sdelay $0x3  }
0x34: {  	[smem:$0x3FBB] =	sst s10  }
0x35: {  	s10 =	sld [smem:$0x3FBA];
	_ =	sdelay $0x3  }
0x36: {  	p1 =	seq.s32 s10, $0x1;
	s10 =	sld [smem:$0x3FBB];
	_ =	sdelay $0x3  }
0x37: {  	[smem:$0x3FBB] =	sst s10  }
0x38: {  	s10 =	sld [smem:$0x3FBC]  }
0x39: {  	_ = 	snop;
	(pc) =	sbr.ind lr, $3  }
0x3a: {  	_ = 	snop  }
0x3b: {  	_ = 	snop  }
0x3c: {  	p2 =	seq.s32 s10, $0x1;
	s10 =	sld [smem:$0x3FBB]  }
0x3d: {  	_ =	shalt  }
0x3e: {  	_ =	shalt  }
0x3f: {  	_ =	shalt  }
0x40: {  	_ =	shalt  }
0x41: {  	_ =	shalt  }
0x42: {  	_ =	shalt  }
0x43: {  	_ =	shalt  }
0x44: {  	_ =	shalt  }
0x45: {  	_ =	shalt  }
0x46: {  	_ =	shalt  }
0x47: {  	_ =	shalt  }
0x48: {  	_ =	shalt  }
0x49: {  	_ =	shalt  }
0x4a: {  	_ =	shalt  }
0x4b: {  	_ =	shalt  }
0x4c: {  	_ =	shalt  }
0x4d: {  	_ =	shalt  }
0x4e: {  	_ =	shalt  }
0x4f: {  	_ =	shalt  }
0x50: {  	_ =	shalt  }
0x51: {  	_ =	shalt  }
0x52: {  	_ =	shalt  }
0x53: {  	_ =	shalt  }
0x54: {  	_ =	shalt  }
0x55: {  	_ =	shalt  }
0x56: {  	_ =	shalt  }
0x57: {  	_ =	shalt  }
0x58: {  	_ =	shalt  }
0x59: {  	_ =	shalt  }
0x5a: {  	_ =	shalt  }
0x5b: {  	_ =	shalt  }
0x5c: {  	_ =	shalt  }
0x5d: {  	_ =	shalt  }
0x5e: {  	_ =	shalt  }
0x5f: {  	_ =	shalt  }
0x60: {  	_ =	shalt  }
0x61: {  	_ =	shalt  }
0x62: {  	_ =	shalt  }
0x63: {  	_ =	shalt  }
0x64: {  	_ =	shalt  }
0x65: {  	_ =	shalt  }
0x66: {  	_ =	shalt  }
0x67: {  	_ =	shalt  }
0x68: {  	_ =	shalt  }
0x69: {  	_ =	shalt  }
0x6a: {  	_ =	shalt  }
0x6b: {  	_ =	shalt  }
0x6c: {  	_ =	shalt  }
0x6d: {  	_ =	shalt  }
0x6e: {  	_ =	shalt  }
0x6f: {  	_ =	shalt  }
0x70: {  	_ =	shalt  }
0x71: {  	_ =	shalt  }
0x72: {  	_ =	shalt  }
0x73: {  	_ =	shalt  }
0x74: {  	_ =	shalt  }
0x75: {  	_ =	shalt  }
0x76: {  	_ =	shalt  }
0x77: {  	_ =	shalt  }
0x78: {  	_ =	shalt  }
0x79: {  	_ =	shalt  }
0x7a: {  	_ =	shalt  }
0x7b: {  	_ =	shalt  }
0x7c: {  	_ =	shalt  }
0x7d: {  	_ =	shalt  }
0x7e: {  	_ =	shalt  }
0x7f: {  	_ =	shalt  }
0x80: {  	_ =	shalt  }
0x81: {  	_ =	shalt  }
0x82: {  	_ =	shalt  }
0x83: {  	_ =	shalt  }
0x84: {  	_ =	shalt  }
0x85: {  	_ =	shalt  }
0x86: {  	_ =	shalt  }
0x87: {  	_ =	shalt  }
.Lfunc_end0:
.L_simem_size_0:
called_computation_lowered:
.L_overlay_start_0:
0x88: {  	s2 =	sld [smem:$0x3FD9]  }
0x89: {  	s3 =	sld [smem:$0x3FFE];
	_ =	sdelay $0x1  }
0x8a: {  	s1 =	srdreg.scid  }
0x8b: {  	s0 =	sand.u32 $0x1, s1  }
0x8c: {  	s14 =	sshll.u32 s0, $0xA;
	s2 =	sadd.s32 s3, s2  }
0x8d: {  	s2 =	sadd.s32 s2, s14  }
0x8e: {  	[smem:$0x3FC7] =	sst s2  }
0x8f: {  	_ = 	snop  }
0x90: {  	s2 =	sld [smem:$0x3FD0];
	_ =	sdelay $0x2  }
0x91: {  	s4 =	simm.s32 $0xA;
	s5 =	simm.s32 $0x10;
	s15 =	sld [smem:$0x3FC9]  }
0x92: {  	[smem:s5], [sflag:s4] =	dma.local [hbm:s2], $0x1  }
0x93: {  	_ =	swait.eq [sflag:s4], $0x1  }
0x94: {  	[sflag:s4] =	ssyncset.done $0x0  }
0x95: {  	s16 =	sld [smem:$0x10];
	[sflag:s4] =	ssyncadd.s32 $0xFFFFFFFF  }
0x96: {  	s17 =	sld [smem:$0x11];
	(tm) =	ssettm $0x1  }
0x97: {  	s18 =	sld [smem:$0x3FFB];
	_ =	sdelay $0x3  }
0x98: {  	_ =	strace s18  }
0x99: {  	s5 =	sld [smem:$0x3FFC];
	_ =	sdelay $0x3  }
0x9a: {  	_ =	strace s5  }
0x9b: {  	s5 =	sld [smem:$0x3FFD];
	_ =	sdelay $0x3  }
0x9c: {  	_ =	strace s5  }
0x9d: {  	_ =	strace $0x8FFFFFFF  }
0x9e: {  	s19 =	sld [smem:$0x3FDB];
	_ =	sdelay $0x1  }
0x9f: {  	s6 =	simm.s32 $_scs_section_size  }
0xa0: {  	s7 =	simm.s32 $_size__tile_overlayer_lowered;
	s8 =	simm.s32 $_tile_overlayer_lowered  }
0xa1: {  	s22 =	simm.s32 $0x1BFF;
	s21 =	sshll.u32 s8, $0x1;
	s5 =	sadd.s32 s6, s19  }
0xa2: {  	s9 =	simm.s32 $0x0;
	s20 =	sshll.u32 s7, $0x1;
	s7 =	sadd.s32 s21, s5  }
0xa3: {  	[timem:s9], [sflag:s22] =	dma.local [hbm:s7], s20  }
0xa4: {  	_ =	swait.ge [sflag:s22], s20  }
0xa5: {  	s6 =	ssub.s32 $0x0, s20;
	[sflag:s22] =	ssyncset.done $0x0  }
0xa6: {  	[sflag:s22] =	ssyncadd.s32 s6;
	_ =	sdelay $0x1  }
0xa7: {  	s23 =	simm.s32 $0x1B8B  }
0xa8: {  	_ =	swait.ge [sflag:s23], $0x1  }
0xa9: {  	[sflag:s23] =	ssyncset.done $0x0  }
0xaa: {  	s25 =	simm.s32 $0x1B8E;
	s24 =	sld [smem:$0x3FFE];
	[sflag:s23] =	ssyncadd.s32 $0xFFFFFFFF  }
0xab: {  	s26 =	simm.s32 $execute0_lowered;
	[smem:$0x3FD2] =	sst s25  }
0xac: {  	s7 =	sshll.u32 s26, $0x1;
	_ =	strace $0x80000046;
	[dreg:$0x1] =	wrdreg $0xFFFFFFFF  }
0xad: {  	s28 =	simm.s32 $_size_execute0_lowered;
	s5 =	sadd.s32 s5, s7;
	[dreg:$0x0] =	wrdreg $0x0  }
0xae: {  	s7 =	sshll.u32 s28, $0x1;
	[dreg:$0x2] =	wrdreg s5  }
0xaf: {  	[dreg:$0x3] =	wrdreg s7  }
0xb0: {  	[dreg:$0x4] =	wrdreg $0xC0  }
0xb1: {  	_ =	task [dreg:s9], $0x5FFFF  }
0xb2: {  	[dreg:$0x1] =	wrdreg $0xFFFFFFFF  }
0xb3: {  	[dreg:$0x0] =	wrdreg $0x60  }
0xb4: {  	[dreg:$0x2] =	wrdreg s15  }
0xb5: {  	[dreg:$0x3] =	wrdreg s24  }
0xb6: {  	[dreg:$0x4] =	wrdreg s17  }
0xb7: {  	[dreg:$0x5] =	wrdreg s16  }
0xb8: {  	[dreg:$0x6] =	wrdreg $0x9  }
0xb9: {  	_ =	task.clear_ibuf [dreg:s9], $0x7FFFF;
	_ =	strace $0x90000046  }
0xba: {  	s29 =	simm.s32 $0x9;
	_ =	strace $0x80000048  }
0xbb: {  	_ =	swait.ge [sflag:s29], $0x1  }
0xbc: {  	[sflag:s29] =	ssyncadd.s32 $0xFFFFFFFF  }
0xbd: {  	_ =	strace $0x90000048  }
0xbe: {  	_ =	sfence  }
0xbf: {  	s30 =	sld [smem:$0x0];
	_ =	sdelay $0x2  }
0xc0: {  	s31 =	sshll.u32 s1, $0xD;
	s1 =	sshrl.u32 s1, $0x2  }
0xc1: {  	s3 =	sand.u32 $0x4000, s31;
	s1 =	sadd.s32 s1, s30  }
0xc2: {  	s0 =	sor.u32 s3, s0;
	s1 =	sshll.u32 s1, $0x11  }
0xc3: {  	s0 =	sor.u32 s1, s0  }
0xc4: {  	s0 =	sadd.s32 $0x8F2B, s0  }
0xc5: {  	[sflag:s0] =	ssyncadd.remote.s32 $0x1  }
0xc6: {  	_ =	sfence.sel $0xFFFF  }
0xc7: {  	[dreg:$0x0] =	wrdreg $0xFFFFFFFF;
	(pc) =	sbr.abs _section_cstart, $3  }
0xc8: {  	[dreg:$0x1] =	wrdreg $0xFFFFFFFF  }
0xc9: {  	_ =	task.clear_ibuf [dreg:s9], $0x2FFFF;
	_ =	strace $0x9FFFFFFF  }
0xca: {  	(tm) =	ssettm $0x7FFFFFFF  }
0xcb: {  	_ =	shalt  }
tec
execute0_lowered:
.L_overlay_start_1:
0x0: {  	(tag) =	ssettag $0x1  }
0x1: {  	s1 =	rddreg [dreg:$0x0]  }
0x2: {  	s0 =	rddreg [dreg:$0x1]  }
0x3: {  	s3 =	rddreg [dreg:$0x2]  }
0x4: {  	s2 =	rddreg [dreg:$0x3];
	s4 =	srdreg.scid  }
0x5: {  	s11 =	stileid.u32;
	s14 =	simm.s32 $0x5;
	s18 =	simm.s32 $0x8400  }
0x6: {  	s19 =	simm.s32 $0xB400;
	s20 =	simm.s32 $0xE400;
	s28 =	simm.s32 $0x2  }
0x7: {  	s29 =	simm.s32 $0x3;
	s30 =	simm.s32 $0x4;
	s31 =	simm.s32 $0x0  }
0x8: {  	s6 =	sand.u32 $0x1, s4;
	s5 =	sshll.u32 s11, $0x1;
	s4 =	simm.s32 $0x0  }
0x9: {  	s23 =	sshll.u32 s11, $0xE;
	s7 =	sor.u32 s6, s5;
	s21 =	ssub.s32 $0x2, s6  }
0xa: {  	[smem:$0x7FF] =	sst s4;
	s24 =	sshll.u32 s6, $0xD;
	s8 =	sshll.u32 s7, $0x5  }
0xb: {  	s9 =	sshrl.u32 s21, $0x1;
	_ =	strace $0x80000047;
	s25 =	sshll.u32 s7, $0xA  }
0xc: {  	s12 =	sor.u32 s24, s23;
	s23 =	simm.s32 $0x40000;
	s24 =	simm.s32 $0x400  }
0xd: {  	s0 =	sadd.s32 s8, s0;
	s10 =	ssub.s32 s21, s9;
	s8 =	sadd.s32 s1, s25  }
0xe: {  	s26 =	sor.u32 $0x180000, s12;
	s21 =	simm.s32 $0x11400;
	s25 =	simm.s32 $0x4400  }
.Ltmp0:
0xf: {  	s22 =	sadd.s32 $0x600, s0;
	s6 =	sadd.s32 $0xA00, s0;
	(pc) =	sbr.rel .LBB2_1-.Ltmp0, $4  }
0x10: {  	s0 =	sadd.s32 $0xE00, s0;
	s9 =	sadd.s32 $0x10000, s8;
	[dreg:$0x5] =	wrdreg s22  }
0x11: {  	s10 =	smax.u32 s10, $0x1;
	[dreg:$0x6] =	wrdreg s0;
	s0 =	sshrl.u32 s26, $0x3  }
0x12: {  	s11 =	sadd.s32 s0, s1;
	s0 =	sor.u32 $0x100000, s12;
	s12 =	sshrl.u32 s12, $0x3  }
0x13: {  	v0 =	vimm.f32 $0.0e+00;
	s22 =	simm.s32 $0x2000;
	s26 =	simm.s32 $0x1;
	s13 =	sadd.s32 s12, s2  }
.LBB2_8:
0x14: {  	s31 =	sadd.s32 $0x1, s31  }
0x15: {  	_ =	swait.ge [sflag:s29], $0x4000;
	p0 =	sne.s32 s31, s10  }
.Ltmp1:
0x16: {  	[sflag:s29] =	ssyncset.done $0x0;
	(pc) =	sbr.rel @!p0 .LBB2_9-.Ltmp1, $4  }
0x17: {  	[sflag:s29] =	ssyncadd.s32 $0xFFFFC000  }
0x18: {  	_ =	swait.ge [sflag:s30], $0x4000  }
0x19: {  	[sflag:s30] =	ssyncset.done $0x0  }
0x1a: {  	[sflag:s30] =	ssyncadd.s32 $0xFFFFC000  }
.LBB2_1:
0x1b: {  	s2 =	rddreg [dreg:$0x5]  }
0x1c: {  	[tilespmem:s4], [sflag:$0x5] =	stream.linear.gather [hbm4b:s2+s4], $0x100, $0x38;
	[tilespmem:$0x14400] =	vst v63  }
0x1d: {  	_ =	swait.ge [sflag:s14], $0x100  }
0x1e: {  	[sflag:s14] =	ssyncset.done $0x0  }
0x1f: {  	s15 =	simm.s32 $0x100;
	[sflag:s14] =	ssyncadd.s32 $0xFFFFFF00  }
0x20: {  	[tilespmem:s15], [sflag:$0x5] =	stream.linear.gather [hbm4b:s6+s4], $0x100, $0x38;
	[tilespmem:$0x14400] =	vst v63  }
0x21: {  	_ =	swait.ge [sflag:s14], $0x100  }
0x22: {  	[sflag:s14] =	ssyncset.done $0x0  }
0x23: {  	s5 =	simm.s32 $0x200;
	s16 =	rddreg [dreg:$0x6];
	[sflag:s14] =	ssyncadd.s32 $0xFFFFFF00  }
0x24: {  	[tilespmem:s5], [sflag:$0x5] =	stream.linear.gather [hbm4b:s16+s4], $0x100, $0x38;
	[tilespmem:$0x14400] =	vst v63  }
0x25: {  	_ =	swait.ge [sflag:s14], $0x100  }
0x26: {  	[sflag:s14] =	ssyncset.done $0x0  }
0x27: {  	s17 =	simm.s32 $0x300;
	[sflag:s14] =	ssyncadd.s32 $0xFFFFFF00  }
0x28: {  	[tilespmem:s17], [sflag:$0x5] =	stream.linear.gather [hbm4b:s6+s4], $0x100, $0x38;
	[tilespmem:$0x14400] =	vst v63  }
0x29: {  	_ =	swait.ge [sflag:s14], $0x100  }
0x2a: {  	[sflag:s14] =	ssyncset.done $0x0  }
0x2b: {  	[sflag:s14] =	ssyncadd.s32 $0xFFFFFF00  }
0x2c: {  	[tilespmem:s18], [sflag:$0x5] =	stream.linear.gather [hbm4b:s3+s4], $0x3000, $0x38;
	[tilespmem:$0x14400] =	vst v63  }
0x2d: {  	_ =	swait.ge [sflag:s14], $0x3000  }
0x2e: {  	[sflag:s14] =	ssyncset.done $0x0  }
0x2f: {  	[sflag:s14] =	ssyncadd.s32 $0xFFFFD000  }
0x30: {  	[tilespmem:s19], [sflag:$0x5] =	stream.linear.gather [hbm4b:s3+s4], $0x3000, $0x38;
	[tilespmem:$0x14400] =	vst v63  }
0x31: {  	_ =	swait.ge [sflag:s14], $0x3000  }
0x32: {  	[sflag:s14] =	ssyncset.done $0x0  }
0x33: {  	[sflag:s14] =	ssyncadd.s32 $0xFFFFD000  }
0x34: {  	[tilespmem:s20], [sflag:$0x5] =	stream.linear.gather [hbm4b:s3+s4], $0x3000, $0x38;
	[tilespmem:$0x14400] =	vst v63  }
0x35: {  	_ =	swait.ge [sflag:s14], $0x3000  }
0x36: {  	[sflag:s14] =	ssyncset.done $0x0  }
0x37: {  	[sflag:s14] =	ssyncadd.s32 $0xFFFFD000  }
0x38: {  	[tilespmem:s21], [sflag:$0x5] =	stream.linear.gather [hbm4b:s3+s4], $0x3000, $0x38;
	[tilespmem:$0x14400] =	vst v63  }
0x39: {  	_ =	swait.ge [sflag:s14], $0x3000  }
0x3a: {  	[sflag:s14] =	ssyncset.done $0x0  }
0x3b: {  	[sflag:s14] =	ssyncadd.s32 $0xFFFFD000  }
0x3c: {  	[tilespmem:s24], [sflag:$0x1] =	stream.strided.gather [hbm4b:s8+s22], $0x4000, s23, s22, $0x38;
	[tilespmem:$0x14400] =	vst v63  }
0x3d: {  	s12 =	smov.u32 s0;
	s2 =	simm.s32 $0x0  }
0x3e: {  	[tilespmem:s25], [sflag:$0x2] =	stream.strided.gather [hbm4b:s9+s22], $0x4000, s23, s22, $0x38;
	[tilespmem:$0x14400] =	vst v63  }
.LBB2_2:
0x3f: {  	p0 =	seq.s32 s2, $0x0  }
.Ltmp2:
0x40: {  	_ = 	snop;
	(pc) =	sbr.rel @p0 .LBB2_4-.Ltmp2, $1  }
0x41: {  	_ =	sdelay $0x3  }
0x42: {  	_ =	swait.ge [sflag:s29], $0x4000  }
0x43: {  	[sflag:s29] =	ssyncset.done $0x0  }
0x44: {  	[sflag:s29] =	ssyncadd.s32 $0xFFFFC000  }
0x45: {  	v1 =	vld [tilespmem:$0x200]  }
0x46: {  	v2 =	vld [tilespmem:$0x300];
	_ =	sdelay $0x4  }
0x47: {  	v3 =	vshll.u32 v1, $0x9;
	v4 =	vshll.u32 v2, $0x3  }
0x48: {  	v1 =	vshll.u32 v1, $0x7;
	v3 =	vand.u32 $0xFFFFF000, v3;
	v4 =	vand.u32 $0xFFFFFC00, v4  }
0x49: {  	v1 =	vand.u32 $0x380, v1;
	v3 =	vadd.s32 v3, v4  }
0x4a: {  	v2 =	vand.u32 $0x7F, v2;
	v1 =	vor.u32 v1, v3  }
0x4b: {  	v1 =	vor.u32 v2, v1;
	_ =	sdelay $0x4  }
0x4c: {  	[tilespmem:v1+s18+$0x0] =	vst.idx.msk $0xffff, v0  }
0x4d: {  	v1 =	vld [tilespmem:$0x210]  }
0x4e: {  	v2 =	vld [tilespmem:$0x310];
	_ =	sdelay $0x4  }
0x4f: {  	v3 =	vshll.u32 v1, $0x9;
	v33 =	vshll.u32 v2, $0x3  }
0x50: {  	v1 =	vshll.u32 v1, $0x7;
	v3 =	vand.u32 $0xFFFFF000, v3;
	v4 =	vand.u32 $0xFFFFFC00, v33  }
0x51: {  	v1 =	vand.u32 $0x380, v1;
	v3 =	vadd.s32 v3, v4  }
0x52: {  	v2 =	vand.u32 $0x7F, v2;
	v1 =	vor.u32 v1, v3  }
0x53: {  	v1 =	vor.u32 v2, v1;
	_ =	sdelay $0x4  }
0x54: {  	[tilespmem:v1+s18+$0x0] =	vst.idx.msk $0xffff, v0  }
0x55: {  	v1 =	vld [tilespmem:$0x220]  }
0x56: {  	v2 =	vld [tilespmem:$0x320];
	_ =	sdelay $0x4  }
0x57: {  	v3 =	vshll.u32 v1, $0x9;
	v34 =	vshll.u32 v2, $0x3  }
0x58: {  	v1 =	vshll.u32 v1, $0x7;
	v3 =	vand.u32 $0xFFFFF000, v3;
	v4 =	vand.u32 $0xFFFFFC00, v34  }
0x59: {  	v1 =	vand.u32 $0x380, v1;
	v3 =	vadd.s32 v3, v4  }
0x5a: {  	v2 =	vand.u32 $0x7F, v2;
	v1 =	vor.u32 v1, v3  }
0x5b: {  	v1 =	vor.u32 v2, v1;
	_ =	sdelay $0x4  }
0x5c: {  	[tilespmem:v1+s18+$0x0] =	vst.idx.msk $0xffff, v0  }
0x5d: {  	v1 =	vld [tilespmem:$0x230]  }
0x5e: {  	v2 =	vld [tilespmem:$0x330];
	_ =	sdelay $0x4  }
0x5f: {  	v3 =	vshll.u32 v1, $0x9;
	v35 =	vshll.u32 v2, $0x3  }
0x60: {  	v1 =	vshll.u32 v1, $0x7;
	v3 =	vand.u32 $0xFFFFF000, v3;
	v4 =	vand.u32 $0xFFFFFC00, v35  }
0x61: {  	v1 =	vand.u32 $0x380, v1;
	v3 =	vadd.s32 v3, v4  }
0x62: {  	v2 =	vand.u32 $0x7F, v2;
	v1 =	vor.u32 v1, v3  }
0x63: {  	v1 =	vor.u32 v2, v1;
	_ =	sdelay $0x4  }
0x64: {  	[tilespmem:v1+s18+$0x0] =	vst.idx.msk $0xffff, v0  }
0x65: {  	v1 =	vld [tilespmem:$0x240]  }
0x66: {  	v2 =	vld [tilespmem:$0x340];
	_ =	sdelay $0x4  }
0x67: {  	v3 =	vshll.u32 v1, $0x9;
	v36 =	vshll.u32 v2, $0x3  }
0x68: {  	v1 =	vshll.u32 v1, $0x7;
	v3 =	vand.u32 $0xFFFFF000, v3;
	v4 =	vand.u32 $0xFFFFFC00, v36  }
0x69: {  	v1 =	vand.u32 $0x380, v1;
	v3 =	vadd.s32 v3, v4  }
0x6a: {  	v2 =	vand.u32 $0x7F, v2;
	v1 =	vor.u32 v1, v3  }
0x6b: {  	v1 =	vor.u32 v2, v1;
	_ =	sdelay $0x4  }
0x6c: {  	[tilespmem:v1+s18+$0x0] =	vst.idx.msk $0xffff, v0  }
0x6d: {  	v1 =	vld [tilespmem:$0x250]  }
0x6e: {  	v2 =	vld [tilespmem:$0x350];
	_ =	sdelay $0x4  }
0x6f: {  	v3 =	vshll.u32 v1, $0x9;
	v37 =	vshll.u32 v2, $0x3  }
0x70: {  	v1 =	vshll.u32 v1, $0x7;
	v3 =	vand.u32 $0xFFFFF000, v3;
	v4 =	vand.u32 $0xFFFFFC00, v37  }
0x71: {  	v1 =	vand.u32 $0x380, v1;
	v3 =	vadd.s32 v3, v4  }
0x72: {  	v2 =	vand.u32 $0x7F, v2;
	v1 =	vor.u32 v1, v3  }
0x73: {  	v1 =	vor.u32 v2, v1;
	_ =	sdelay $0x4  }
0x74: {  	[tilespmem:v1+s18+$0x0] =	vst.idx.msk $0xffff, v0  }
0x75: {  	v1 =	vld [tilespmem:$0x260]  }
0x76: {  	v2 =	vld [tilespmem:$0x360];
	_ =	sdelay $0x4  }
0x77: {  	v3 =	vshll.u32 v1, $0x9;
	v38 =	vshll.u32 v2, $0x3  }
0x78: {  	v1 =	vshll.u32 v1, $0x7;
	v3 =	vand.u32 $0xFFFFF000, v3;
	v4 =	vand.u32 $0xFFFFFC00, v38  }
0x79: {  	v1 =	vand.u32 $0x380, v1;
	v3 =	vadd.s32 v3, v4  }
0x7a: {  	v2 =	vand.u32 $0x7F, v2;
	v1 =	vor.u32 v1, v3  }
0x7b: {  	v1 =	vor.u32 v2, v1;
	_ =	sdelay $0x4  }
0x7c: {  	[tilespmem:v1+s18+$0x0] =	vst.idx.msk $0xffff, v0  }
0x7d: {  	v1 =	vld [tilespmem:$0x270]  }
0x7e: {  	v2 =	vld [tilespmem:$0x370];
	_ =	sdelay $0x4  }
0x7f: {  	v3 =	vshll.u32 v1, $0x9;
	v39 =	vshll.u32 v2, $0x3  }
0x80: {  	v1 =	vshll.u32 v1, $0x7;
	v3 =	vand.u32 $0xFFFFF000, v3;
	v4 =	vand.u32 $0xFFFFFC00, v39  }
0x81: {  	v1 =	vand.u32 $0x380, v1;
	v3 =	vadd.s32 v3, v4  }
0x82: {  	v2 =	vand.u32 $0x7F, v2;
	v1 =	vor.u32 v1, v3  }
0x83: {  	v1 =	vor.u32 v2, v1;
	_ =	sdelay $0x4  }
0x84: {  	[tilespmem:v1+s18+$0x0] =	vst.idx.msk $0xffff, v0  }
0x85: {  	v1 =	vld [tilespmem:$0x280]  }
0x86: {  	v2 =	vld [tilespmem:$0x380];
	_ =	sdelay $0x4  }
0x87: {  	v3 =	vshll.u32 v1, $0x9;
	v40 =	vshll.u32 v2, $0x3  }
0x88: {  	v1 =	vshll.u32 v1, $0x7;
	v3 =	vand.u32 $0xFFFFF000, v3;
	v4 =	vand.u32 $0xFFFFFC00, v40  }
0x89: {  	v1 =	vand.u32 $0x380, v1;
	v3 =	vadd.s32 v3, v4  }
0x8a: {  	v2 =	vand.u32 $0x7F, v2;
	v1 =	vor.u32 v1, v3  }
0x8b: {  	v1 =	vor.u32 v2, v1;
	_ =	sdelay $0x4  }
0x8c: {  	[tilespmem:v1+s18+$0x0] =	vst.idx.msk $0xffff, v0  }
0x8d: {  	v1 =	vld [tilespmem:$0x290]  }
0x8e: {  	v2 =	vld [tilespmem:$0x390];
	_ =	sdelay $0x4  }
0x8f: {  	v3 =	vshll.u32 v1, $0x9;
	v41 =	vshll.u32 v2, $0x3  }
0x90: {  	v1 =	vshll.u32 v1, $0x7;
	v3 =	vand.u32 $0xFFFFF000, v3;
	v4 =	vand.u32 $0xFFFFFC00, v41  }
0x91: {  	v1 =	vand.u32 $0x380, v1;
	v3 =	vadd.s32 v3, v4  }
0x92: {  	v2 =	vand.u32 $0x7F, v2;
	v1 =	vor.u32 v1, v3  }
0x93: {  	v1 =	vor.u32 v2, v1;
	_ =	sdelay $0x4  }
0x94: {  	[tilespmem:v1+s18+$0x0] =	vst.idx.msk $0xffff, v0  }
0x95: {  	v1 =	vld [tilespmem:$0x2A0]  }
0x96: {  	v2 =	vld [tilespmem:$0x3A0];
	_ =	sdelay $0x4  }
0x97: {  	v3 =	vshll.u32 v1, $0x9;
	v42 =	vshll.u32 v2, $0x3  }
0x98: {  	v1 =	vshll.u32 v1, $0x7;
	v3 =	vand.u32 $0xFFFFF000, v3;
	v4 =	vand.u32 $0xFFFFFC00, v42  }
0x99: {  	v1 =	vand.u32 $0x380, v1;
	v3 =	vadd.s32 v3, v4  }
0x9a: {  	v2 =	vand.u32 $0x7F, v2;
	v1 =	vor.u32 v1, v3  }
0x9b: {  	v1 =	vor.u32 v2, v1;
	_ =	sdelay $0x4  }
0x9c: {  	[tilespmem:v1+s18+$0x0] =	vst.idx.msk $0xffff, v0  }
0x9d: {  	v1 =	vld [tilespmem:$0x2B0]  }
0x9e: {  	v2 =	vld [tilespmem:$0x3B0];
	_ =	sdelay $0x4  }
0x9f: {  	v3 =	vshll.u32 v1, $0x9;
	v43 =	vshll.u32 v2, $0x3  }
0xa0: {  	v1 =	vshll.u32 v1, $0x7;
	v3 =	vand.u32 $0xFFFFF000, v3;
	v4 =	vand.u32 $0xFFFFFC00, v43  }
0xa1: {  	v1 =	vand.u32 $0x380, v1;
	v3 =	vadd.s32 v3, v4  }
0xa2: {  	v2 =	vand.u32 $0x7F, v2;
	v1 =	vor.u32 v1, v3  }
0xa3: {  	v1 =	vor.u32 v2, v1;
	_ =	sdelay $0x4  }
0xa4: {  	[tilespmem:v1+s18+$0x0] =	vst.idx.msk $0xffff, v0  }
0xa5: {  	v1 =	vld [tilespmem:$0x2C0]  }
0xa6: {  	v2 =	vld [tilespmem:$0x3C0];
	_ =	sdelay $0x4  }
0xa7: {  	v3 =	vshll.u32 v1, $0x9;
	v44 =	vshll.u32 v2, $0x3  }
0xa8: {  	v1 =	vshll.u32 v1, $0x7;
	v3 =	vand.u32 $0xFFFFF000, v3;
	v4 =	vand.u32 $0xFFFFFC00, v44  }
0xa9: {  	v1 =	vand.u32 $0x380, v1;
	v3 =	vadd.s32 v3, v4  }
0xaa: {  	v2 =	vand.u32 $0x7F, v2;
	v1 =	vor.u32 v1, v3  }
0xab: {  	v1 =	vor.u32 v2, v1;
	_ =	sdelay $0x4  }
0xac: {  	[tilespmem:v1+s18+$0x0] =	vst.idx.msk $0xffff, v0  }
0xad: {  	v1 =	vld [tilespmem:$0x2D0]  }
0xae: {  	v2 =	vld [tilespmem:$0x3D0];
	_ =	sdelay $0x4  }
0xaf: {  	v3 =	vshll.u32 v1, $0x9;
	v45 =	vshll.u32 v2, $0x3  }
0xb0: {  	v1 =	vshll.u32 v1, $0x7;
	v3 =	vand.u32 $0xFFFFF000, v3;
	v4 =	vand.u32 $0xFFFFFC00, v45  }
0xb1: {  	v1 =	vand.u32 $0x380, v1;
	v3 =	vadd.s32 v3, v4  }
0xb2: {  	v2 =	vand.u32 $0x7F, v2;
	v1 =	vor.u32 v1, v3  }
0xb3: {  	v1 =	vor.u32 v2, v1;
	_ =	sdelay $0x4  }
0xb4: {  	[tilespmem:v1+s18+$0x0] =	vst.idx.msk $0xffff, v0  }
0xb5: {  	v1 =	vld [tilespmem:$0x2E0]  }
0xb6: {  	v2 =	vld [tilespmem:$0x3E0];
	_ =	sdelay $0x4  }
0xb7: {  	v3 =	vshll.u32 v1, $0x9;
	v46 =	vshll.u32 v2, $0x3  }
0xb8: {  	v1 =	vshll.u32 v1, $0x7;
	v3 =	vand.u32 $0xFFFFF000, v3;
	v4 =	vand.u32 $0xFFFFFC00, v46  }
0xb9: {  	v1 =	vand.u32 $0x380, v1;
	v3 =	vadd.s32 v3, v4  }
0xba: {  	v2 =	vand.u32 $0x7F, v2;
	v1 =	vor.u32 v1, v3  }
0xbb: {  	v1 =	vor.u32 v2, v1;
	_ =	sdelay $0x4  }
0xbc: {  	[tilespmem:v1+s18+$0x0] =	vst.idx.msk $0xffff, v0  }
0xbd: {  	v1 =	vld [tilespmem:$0x2F0]  }
0xbe: {  	v2 =	vld [tilespmem:$0x3F0];
	_ =	sdelay $0x4  }
0xbf: {  	v3 =	vshll.u32 v1, $0x9;
	v47 =	vshll.u32 v2, $0x3  }
0xc0: {  	v1 =	vshll.u32 v1, $0x7;
	v3 =	vand.u32 $0xFFFFF000, v3;
	v4 =	vand.u32 $0xFFFFFC00, v47  }
0xc1: {  	v1 =	vand.u32 $0x380, v1;
	v3 =	vadd.s32 v3, v4  }
0xc2: {  	v2 =	vand.u32 $0x7F, v2;
	v1 =	vor.u32 v1, v3  }
0xc3: {  	v1 =	vor.u32 v2, v1;
	_ =	sdelay $0x4  }
0xc4: {  	[tilespmem:v1+s18+$0x0] =	vst.idx.msk $0xffff, v0  }
0xc5: {  	v1 =	vld [tilespmem:$0x200];
	_ =	sdelay $0x1  }
0xc6: {  	v2 =	vld [tilespmem:$0x300];
	_ =	sdelay $0x2  }
0xc7: {  	v3 =	vshll.u32 v1, $0x9;
	v1 =	vshll.u32 v1, $0x7  }
0xc8: {  	v3 =	vand.u32 $0xFFFFF000, v3;
	v1 =	vand.u32 $0x380, v1  }
0xc9: {  	v48 =	vand.u32 $0x7F, v2;
	v2 =	vshll.u32 v2, $0x3;
	v1 =	vor.u32 v1, v3  }
0xca: {  	v2 =	vand.u32 $0xFFFFFC00, v2;
	v1 =	vor.u32 v48, v1  }
0xcb: {  	v1 =	vadd.s32 v2, v1  }
0xcc: {  	v1 =	vadd.s32 $0x3000, v1;
	_ =	sdelay $0x4  }
0xcd: {  	[tilespmem:v1+s18+$0x0] =	vst.idx.msk $0xffff, v0  }
0xce: {  	v1 =	vld [tilespmem:$0x210];
	_ =	sdelay $0x1  }
0xcf: {  	v2 =	vld [tilespmem:$0x310];
	_ =	sdelay $0x2  }
0xd0: {  	v3 =	vshll.u32 v1, $0x9;
	v1 =	vshll.u32 v1, $0x7  }
0xd1: {  	v3 =	vand.u32 $0xFFFFF000, v3;
	v1 =	vand.u32 $0x380, v1  }
0xd2: {  	v49 =	vand.u32 $0x7F, v2;
	v2 =	vshll.u32 v2, $0x3;
	v1 =	vor.u32 v1, v3  }
0xd3: {  	v2 =	vand.u32 $0xFFFFFC00, v2;
	v1 =	vor.u32 v49, v1  }
0xd4: {  	v1 =	vadd.s32 v2, v1  }
0xd5: {  	v1 =	vadd.s32 $0x3000, v1;
	_ =	sdelay $0x4  }
0xd6: {  	[tilespmem:v1+s18+$0x0] =	vst.idx.msk $0xffff, v0  }
0xd7: {  	v1 =	vld [tilespmem:$0x220];
	_ =	sdelay $0x1  }
0xd8: {  	v2 =	vld [tilespmem:$0x320];
	_ =	sdelay $0x2  }
0xd9: {  	v3 =	vshll.u32 v1, $0x9;
	v1 =	vshll.u32 v1, $0x7  }
0xda: {  	v3 =	vand.u32 $0xFFFFF000, v3;
	v1 =	vand.u32 $0x380, v1  }
0xdb: {  	v50 =	vand.u32 $0x7F, v2;
	v2 =	vshll.u32 v2, $0x3;
	v1 =	vor.u32 v1, v3  }
0xdc: {  	v2 =	vand.u32 $0xFFFFFC00, v2;
	v1 =	vor.u32 v50, v1  }
0xdd: {  	v1 =	vadd.s32 v2, v1  }
0xde: {  	v1 =	vadd.s32 $0x3000, v1;
	_ =	sdelay $0x4  }
0xdf: {  	[tilespmem:v1+s18+$0x0] =	vst.idx.msk $0xffff, v0  }
0xe0: {  	v1 =	vld [tilespmem:$0x230];
	_ =	sdelay $0x1  }
0xe1: {  	v2 =	vld [tilespmem:$0x330];
	_ =	sdelay $0x2  }
0xe2: {  	v3 =	vshll.u32 v1, $0x9;
	v1 =	vshll.u32 v1, $0x7  }
0xe3: {  	v3 =	vand.u32 $0xFFFFF000, v3;
	v1 =	vand.u32 $0x380, v1  }
0xe4: {  	v51 =	vand.u32 $0x7F, v2;
	v2 =	vshll.u32 v2, $0x3;
	v1 =	vor.u32 v1, v3  }
0xe5: {  	v2 =	vand.u32 $0xFFFFFC00, v2;
	v1 =	vor.u32 v51, v1  }
0xe6: {  	v1 =	vadd.s32 v2, v1  }
0xe7: {  	v1 =	vadd.s32 $0x3000, v1;
	_ =	sdelay $0x4  }
0xe8: {  	[tilespmem:v1+s18+$0x0] =	vst.idx.msk $0xffff, v0  }
0xe9: {  	v1 =	vld [tilespmem:$0x240];
	_ =	sdelay $0x1  }
0xea: {  	v2 =	vld [tilespmem:$0x340];
	_ =	sdelay $0x2  }
0xeb: {  	v3 =	vshll.u32 v1, $0x9;
	v1 =	vshll.u32 v1, $0x7  }
0xec: {  	v3 =	vand.u32 $0xFFFFF000, v3;
	v1 =	vand.u32 $0x380, v1  }
0xed: {  	v52 =	vand.u32 $0x7F, v2;
	v2 =	vshll.u32 v2, $0x3;
	v1 =	vor.u32 v1, v3  }
0xee: {  	v2 =	vand.u32 $0xFFFFFC00, v2;
	v1 =	vor.u32 v52, v1  }
0xef: {  	v1 =	vadd.s32 v2, v1  }
0xf0: {  	v1 =	vadd.s32 $0x3000, v1;
	_ =	sdelay $0x4  }
0xf1: {  	[tilespmem:v1+s18+$0x0] =	vst.idx.msk $0xffff, v0  }
0xf2: {  	v1 =	vld [tilespmem:$0x250];
	_ =	sdelay $0x1  }
0xf3: {  	v2 =	vld [tilespmem:$0x350];
	_ =	sdelay $0x2  }
0xf4: {  	v3 =	vshll.u32 v1, $0x9;
	v1 =	vshll.u32 v1, $0x7  }
0xf5: {  	v3 =	vand.u32 $0xFFFFF000, v3;
	v1 =	vand.u32 $0x380, v1  }
0xf6: {  	v53 =	vand.u32 $0x7F, v2;
	v2 =	vshll.u32 v2, $0x3;
	v1 =	vor.u32 v1, v3  }
0xf7: {  	v2 =	vand.u32 $0xFFFFFC00, v2;
	v1 =	vor.u32 v53, v1  }
0xf8: {  	v1 =	vadd.s32 v2, v1  }
0xf9: {  	v1 =	vadd.s32 $0x3000, v1;
	_ =	sdelay $0x4  }
0xfa: {  	[tilespmem:v1+s18+$0x0] =	vst.idx.msk $0xffff, v0  }
0xfb: {  	v1 =	vld [tilespmem:$0x260];
	_ =	sdelay $0x1  }
0xfc: {  	v2 =	vld [tilespmem:$0x360];
	_ =	sdelay $0x2  }
0xfd: {  	v3 =	vshll.u32 v1, $0x9;
	v1 =	vshll.u32 v1, $0x7  }
0xfe: {  	v3 =	vand.u32 $0xFFFFF000, v3;
	v1 =	vand.u32 $0x380, v1  }
0xff: {  	v54 =	vand.u32 $0x7F, v2;
	v2 =	vshll.u32 v2, $0x3;
	v1 =	vor.u32 v1, v3  }
0x100: {  	v2 =	vand.u32 $0xFFFFFC00, v2;
	v1 =	vor.u32 v54, v1  }
0x101: {  	v1 =	vadd.s32 v2, v1  }
0x102: {  	v1 =	vadd.s32 $0x3000, v1;
	_ =	sdelay $0x4  }
0x103: {  	[tilespmem:v1+s18+$0x0] =	vst.idx.msk $0xffff, v0  }
0x104: {  	v1 =	vld [tilespmem:$0x270];
	_ =	sdelay $0x1  }
0x105: {  	v2 =	vld [tilespmem:$0x370];
	_ =	sdelay $0x2  }
0x106: {  	v3 =	vshll.u32 v1, $0x9;
	v1 =	vshll.u32 v1, $0x7  }
0x107: {  	v3 =	vand.u32 $0xFFFFF000, v3;
	v1 =	vand.u32 $0x380, v1  }
0x108: {  	v55 =	vand.u32 $0x7F, v2;
	v2 =	vshll.u32 v2, $0x3;
	v1 =	vor.u32 v1, v3  }
0x109: {  	v2 =	vand.u32 $0xFFFFFC00, v2;
	v1 =	vor.u32 v55, v1  }
0x10a: {  	v1 =	vadd.s32 v2, v1  }
0x10b: {  	v1 =	vadd.s32 $0x3000, v1;
	_ =	sdelay $0x4  }
0x10c: {  	[tilespmem:v1+s18+$0x0] =	vst.idx.msk $0xffff, v0  }
0x10d: {  	v1 =	vld [tilespmem:$0x280];
	_ =	sdelay $0x1  }
0x10e: {  	v2 =	vld [tilespmem:$0x380];
	_ =	sdelay $0x2  }
0x10f: {  	v3 =	vshll.u32 v1, $0x9;
	v1 =	vshll.u32 v1, $0x7  }
0x110: {  	v3 =	vand.u32 $0xFFFFF000, v3;
	v1 =	vand.u32 $0x380, v1  }
0x111: {  	v56 =	vand.u32 $0x7F, v2;
	v2 =	vshll.u32 v2, $0x3;
	v1 =	vor.u32 v1, v3  }
0x112: {  	v2 =	vand.u32 $0xFFFFFC00, v2;
	v1 =	vor.u32 v56, v1  }
0x113: {  	v1 =	vadd.s32 v2, v1  }
0x114: {  	v1 =	vadd.s32 $0x3000, v1;
	_ =	sdelay $0x4  }
0x115: {  	[tilespmem:v1+s18+$0x0] =	vst.idx.msk $0xffff, v0  }
0x116: {  	v1 =	vld [tilespmem:$0x290];
	_ =	sdelay $0x1  }
0x117: {  	v2 =	vld [tilespmem:$0x390];
	_ =	sdelay $0x2  }
0x118: {  	v3 =	vshll.u32 v1, $0x9;
	v1 =	vshll.u32 v1, $0x7  }
0x119: {  	v3 =	vand.u32 $0xFFFFF000, v3;
	v1 =	vand.u32 $0x380, v1  }
0x11a: {  	v57 =	vand.u32 $0x7F, v2;
	v2 =	vshll.u32 v2, $0x3;
	v1 =	vor.u32 v1, v3  }
0x11b: {  	v2 =	vand.u32 $0xFFFFFC00, v2;
	v1 =	vor.u32 v57, v1  }
0x11c: {  	v1 =	vadd.s32 v2, v1  }
0x11d: {  	v1 =	vadd.s32 $0x3000, v1;
	_ =	sdelay $0x4  }
0x11e: {  	[tilespmem:v1+s18+$0x0] =	vst.idx.msk $0xffff, v0  }
0x11f: {  	v1 =	vld [tilespmem:$0x2A0];
	_ =	sdelay $0x1  }
0x120: {  	v2 =	vld [tilespmem:$0x3A0];
	_ =	sdelay $0x2  }
0x121: {  	v3 =	vshll.u32 v1, $0x9;
	v1 =	vshll.u32 v1, $0x7  }
0x122: {  	v3 =	vand.u32 $0xFFFFF000, v3;
	v1 =	vand.u32 $0x380, v1  }
0x123: {  	v58 =	vand.u32 $0x7F, v2;
	v2 =	vshll.u32 v2, $0x3;
	v1 =	vor.u32 v1, v3  }
0x124: {  	v2 =	vand.u32 $0xFFFFFC00, v2;
	v1 =	vor.u32 v58, v1  }
0x125: {  	v1 =	vadd.s32 v2, v1  }
0x126: {  	v1 =	vadd.s32 $0x3000, v1;
	_ =	sdelay $0x4  }
0x127: {  	[tilespmem:v1+s18+$0x0] =	vst.idx.msk $0xffff, v0  }
0x128: {  	v1 =	vld [tilespmem:$0x2B0];
	_ =	sdelay $0x1  }
0x129: {  	v2 =	vld [tilespmem:$0x3B0];
	_ =	sdelay $0x2  }
0x12a: {  	v3 =	vshll.u32 v1, $0x9;
	v1 =	vshll.u32 v1, $0x7  }
0x12b: {  	v3 =	vand.u32 $0xFFFFF000, v3;
	v1 =	vand.u32 $0x380, v1  }
0x12c: {  	v59 =	vand.u32 $0x7F, v2;
	v2 =	vshll.u32 v2, $0x3;
	v1 =	vor.u32 v1, v3  }
0x12d: {  	v2 =	vand.u32 $0xFFFFFC00, v2;
	v1 =	vor.u32 v59, v1  }
0x12e: {  	v1 =	vadd.s32 v2, v1  }
0x12f: {  	v1 =	vadd.s32 $0x3000, v1;
	_ =	sdelay $0x4  }
0x130: {  	[tilespmem:v1+s18+$0x0] =	vst.idx.msk $0xffff, v0  }
0x131: {  	v1 =	vld [tilespmem:$0x2C0];
	_ =	sdelay $0x1  }
0x132: {  	v2 =	vld [tilespmem:$0x3C0];
	_ =	sdelay $0x2  }
0x133: {  	v3 =	vshll.u32 v1, $0x9;
	v1 =	vshll.u32 v1, $0x7  }
0x134: {  	v3 =	vand.u32 $0xFFFFF000, v3;
	v1 =	vand.u32 $0x380, v1  }
0x135: {  	v60 =	vand.u32 $0x7F, v2;
	v2 =	vshll.u32 v2, $0x3;
	v1 =	vor.u32 v1, v3  }
0x136: {  	v2 =	vand.u32 $0xFFFFFC00, v2;
	v1 =	vor.u32 v60, v1  }
0x137: {  	v1 =	vadd.s32 v2, v1  }
0x138: {  	v1 =	vadd.s32 $0x3000, v1;
	_ =	sdelay $0x4  }
0x139: {  	[tilespmem:v1+s18+$0x0] =	vst.idx.msk $0xffff, v0  }
0x13a: {  	v1 =	vld [tilespmem:$0x2D0];
	_ =	sdelay $0x1  }
0x13b: {  	v2 =	vld [tilespmem:$0x3D0];
	_ =	sdelay $0x2  }
0x13c: {  	v3 =	vshll.u32 v1, $0x9;
	v1 =	vshll.u32 v1, $0x7  }
0x13d: {  	v3 =	vand.u32 $0xFFFFF000, v3;
	v1 =	vand.u32 $0x380, v1  }
0x13e: {  	v61 =	vand.u32 $0x7F, v2;
	v2 =	vshll.u32 v2, $0x3;
	v1 =	vor.u32 v1, v3  }
0x13f: {  	v2 =	vand.u32 $0xFFFFFC00, v2;
	v1 =	vor.u32 v61, v1  }
0x140: {  	v1 =	vadd.s32 v2, v1  }
0x141: {  	v1 =	vadd.s32 $0x3000, v1;
	_ =	sdelay $0x4  }
0x142: {  	[tilespmem:v1+s18+$0x0] =	vst.idx.msk $0xffff, v0  }
0x143: {  	v1 =	vld [tilespmem:$0x2E0];
	_ =	sdelay $0x1  }
0x144: {  	v2 =	vld [tilespmem:$0x3E0];
	_ =	sdelay $0x2  }
0x145: {  	v3 =	vshll.u32 v1, $0x9;
	v1 =	vshll.u32 v1, $0x7  }
0x146: {  	v3 =	vand.u32 $0xFFFFF000, v3;
	v1 =	vand.u32 $0x380, v1  }
0x147: {  	v62 =	vand.u32 $0x7F, v2;
	v2 =	vshll.u32 v2, $0x3;
	v1 =	vor.u32 v1, v3  }
0x148: {  	v2 =	vand.u32 $0xFFFFFC00, v2;
	v1 =	vor.u32 v62, v1  }
0x149: {  	v1 =	vadd.s32 v2, v1  }
0x14a: {  	v1 =	vadd.s32 $0x3000, v1;
	_ =	sdelay $0x4  }
0x14b: {  	[tilespmem:v1+s18+$0x0] =	vst.idx.msk $0xffff, v0  }
0x14c: {  	v1 =	vld [tilespmem:$0x2F0];
	_ =	sdelay $0x1  }
0x14d: {  	v2 =	vld [tilespmem:$0x3F0];
	_ =	sdelay $0x2  }
0x14e: {  	v3 =	vshll.u32 v1, $0x9;
	v1 =	vshll.u32 v1, $0x7  }
0x14f: {  	v3 =	vand.u32 $0xFFFFF000, v3;
	v1 =	vand.u32 $0x380, v1  }
0x150: {  	v63 =	vand.u32 $0x7F, v2;
	v2 =	vshll.u32 v2, $0x3;
	v1 =	vor.u32 v1, v3  }
0x151: {  	v2 =	vand.u32 $0xFFFFFC00, v2;
	v1 =	vor.u32 v63, v1  }
0x152: {  	v1 =	vadd.s32 v2, v1  }
0x153: {  	v1 =	vadd.s32 $0x3000, v1;
	_ =	sdelay $0x4  }
0x154: {  	[tilespmem:v1+s18+$0x0] =	vst.idx.msk $0xffff, v0  }
.LBB2_4:
0x155: {  	_ =	swait.ge [sflag:s26], $0x4000  }
0x156: {  	[sflag:s26] =	ssyncset.done $0x0  }
0x157: {  	[sflag:s26] =	ssyncadd.s32 $0xFFFFC000  }
0x158: {  	v1 =	vld [tilespmem:$0x0]  }
0x159: {  	v2 =	vld [tilespmem:$0x100];
	_ =	sdelay $0x3  }
0x15a: {  	v3 =	vld [tilespmem:$0x200]  }
0x15b: {  	v6 =	vld [tilespmem:$0x300];
	v4 =	vshll.u32 v1, $0x9;
	v5 =	vshll.u32 v2, $0x3  }
0x15c: {  	v1 =	vshll.u32 v1, $0x7;
	v4 =	vand.u32 $0xFFFFF000, v4;
	v5 =	vand.u32 $0xFFFFFC00, v5  }
0x15d: {  	v1 =	vand.u32 $0x380, v1;
	v4 =	vadd.s32 v4, v5  }
0x15e: {  	v2 =	vand.u32 $0x7F, v2;
	v1 =	vor.u32 v1, v4  }
0x15f: {  	v1 =	vor.u32 v2, v1  }
0x160: {  	v49 =	vshll.u32 v6, $0x3;
	v2 =	vshll.u32 v3, $0x9  }
0x161: {  	v4 =	vand.u32 $0xFFFFFC00, v49;
	v3 =	vshll.u32 v3, $0x7;
	v2 =	vand.u32 $0xFFFFF000, v2  }
0x162: {  	v3 =	vand.u32 $0x380, v3;
	v2 =	vadd.s32 v2, v4  }
0x163: {  	v50 =	vand.u32 $0x7F, v6;
	v2 =	vor.u32 v3, v2  }
0x164: {  	v2 =	vor.u32 v50, v2;
	v1 =	vld.idx.msk [tilespmem:v1+s24+$0x0], $0xffff;
	_ =	sdelay $0x4  }
0x165: {  	[tilespmem:v2+s18+$0x0] =	vst.idx.msk $0xffff, v1  }
0x166: {  	v1 =	vld [tilespmem:$0x10]  }
0x167: {  	v2 =	vld [tilespmem:$0x110];
	_ =	sdelay $0x3  }
0x168: {  	v3 =	vld [tilespmem:$0x210]  }
0x169: {  	v53 =	vld [tilespmem:$0x310];
	v51 =	vshll.u32 v1, $0x9;
	v52 =	vshll.u32 v2, $0x3  }
0x16a: {  	v1 =	vshll.u32 v1, $0x7;
	v4 =	vand.u32 $0xFFFFF000, v51;
	v5 =	vand.u32 $0xFFFFFC00, v52  }
0x16b: {  	v1 =	vand.u32 $0x380, v1;
	v4 =	vadd.s32 v4, v5  }
0x16c: {  	v2 =	vand.u32 $0x7F, v2;
	v1 =	vor.u32 v1, v4  }
0x16d: {  	v1 =	vor.u32 v2, v1  }
0x16e: {  	v54 =	vshll.u32 v53, $0x3;
	v2 =	vshll.u32 v3, $0x9  }
0x16f: {  	v4 =	vand.u32 $0xFFFFFC00, v54;
	v3 =	vshll.u32 v3, $0x7;
	v2 =	vand.u32 $0xFFFFF000, v2  }
0x170: {  	v3 =	vand.u32 $0x380, v3;
	v2 =	vadd.s32 v2, v4  }
0x171: {  	v55 =	vand.u32 $0x7F, v53;
	v2 =	vor.u32 v3, v2  }
0x172: {  	v2 =	vor.u32 v55, v2;
	v1 =	vld.idx.msk [tilespmem:v1+s24+$0x0], $0xffff;
	_ =	sdelay $0x4  }
0x173: {  	[tilespmem:v2+s18+$0x0] =	vst.idx.msk $0xffff, v1  }
0x174: {  	v1 =	vld [tilespmem:$0x20]  }
0x175: {  	v2 =	vld [tilespmem:$0x120];
	_ =	sdelay $0x3  }
0x176: {  	v3 =	vld [tilespmem:$0x220]  }
0x177: {  	v58 =	vld [tilespmem:$0x320];
	v56 =	vshll.u32 v1, $0x9;
	v57 =	vshll.u32 v2, $0x3  }
0x178: {  	v1 =	vshll.u32 v1, $0x7;
	v4 =	vand.u32 $0xFFFFF000, v56;
	v5 =	vand.u32 $0xFFFFFC00, v57  }
0x179: {  	v1 =	vand.u32 $0x380, v1;
	v4 =	vadd.s32 v4, v5  }
0x17a: {  	v2 =	vand.u32 $0x7F, v2;
	v1 =	vor.u32 v1, v4  }
0x17b: {  	v1 =	vor.u32 v2, v1  }
0x17c: {  	v59 =	vshll.u32 v58, $0x3;
	v2 =	vshll.u32 v3, $0x9  }
0x17d: {  	v4 =	vand.u32 $0xFFFFFC00, v59;
	v3 =	vshll.u32 v3, $0x7;
	v2 =	vand.u32 $0xFFFFF000, v2  }
0x17e: {  	v3 =	vand.u32 $0x380, v3;
	v2 =	vadd.s32 v2, v4  }
0x17f: {  	v60 =	vand.u32 $0x7F, v58;
	v2 =	vor.u32 v3, v2  }
0x180: {  	v2 =	vor.u32 v60, v2;
	v1 =	vld.idx.msk [tilespmem:v1+s24+$0x0], $0xffff;
	_ =	sdelay $0x4  }
0x181: {  	[tilespmem:v2+s18+$0x0] =	vst.idx.msk $0xffff, v1  }
0x182: {  	v1 =	vld [tilespmem:$0x30]  }
0x183: {  	v2 =	vld [tilespmem:$0x130];
	_ =	sdelay $0x3  }
0x184: {  	v3 =	vld [tilespmem:$0x230]  }
0x185: {  	v63 =	vld [tilespmem:$0x330];
	v61 =	vshll.u32 v1, $0x9;
	v62 =	vshll.u32 v2, $0x3  }
0x186: {  	v1 =	vshll.u32 v1, $0x7;
	v4 =	vand.u32 $0xFFFFF000, v61;
	v5 =	vand.u32 $0xFFFFFC00, v62  }
0x187: {  	v1 =	vand.u32 $0x380, v1;
	v4 =	vadd.s32 v4, v5  }
0x188: {  	v2 =	vand.u32 $0x7F, v2;
	v1 =	vor.u32 v1, v4  }
0x189: {  	v1 =	vor.u32 v2, v1  }
0x18a: {  	v9 =	vshll.u32 v63, $0x3;
	v2 =	vshll.u32 v3, $0x9  }
0x18b: {  	v4 =	vand.u32 $0xFFFFFC00, v9;
	v3 =	vshll.u32 v3, $0x7;
	v2 =	vand.u32 $0xFFFFF000, v2  }
0x18c: {  	v3 =	vand.u32 $0x380, v3;
	v2 =	vadd.s32 v2, v4  }
0x18d: {  	v10 =	vand.u32 $0x7F, v63;
	v2 =	vor.u32 v3, v2  }
0x18e: {  	v2 =	vor.u32 v10, v2;
	v1 =	vld.idx.msk [tilespmem:v1+s24+$0x0], $0xffff;
	_ =	sdelay $0x4  }
0x18f: {  	[tilespmem:v2+s18+$0x0] =	vst.idx.msk $0xffff, v1  }
0x190: {  	v1 =	vld [tilespmem:$0x40]  }
0x191: {  	v2 =	vld [tilespmem:$0x140];
	_ =	sdelay $0x3  }
0x192: {  	v3 =	vld [tilespmem:$0x240]  }
0x193: {  	v13 =	vld [tilespmem:$0x340];
	v11 =	vshll.u32 v1, $0x9;
	v12 =	vshll.u32 v2, $0x3  }
0x194: {  	v1 =	vshll.u32 v1, $0x7;
	v4 =	vand.u32 $0xFFFFF000, v11;
	v5 =	vand.u32 $0xFFFFFC00, v12  }
0x195: {  	v1 =	vand.u32 $0x380, v1;
	v4 =	vadd.s32 v4, v5  }
0x196: {  	v2 =	vand.u32 $0x7F, v2;
	v1 =	vor.u32 v1, v4  }
0x197: {  	v1 =	vor.u32 v2, v1  }
0x198: {  	v14 =	vshll.u32 v13, $0x3;
	v2 =	vshll.u32 v3, $0x9  }
0x199: {  	v4 =	vand.u32 $0xFFFFFC00, v14;
	v3 =	vshll.u32 v3, $0x7;
	v2 =	vand.u32 $0xFFFFF000, v2  }
0x19a: {  	v3 =	vand.u32 $0x380, v3;
	v2 =	vadd.s32 v2, v4  }
0x19b: {  	v15 =	vand.u32 $0x7F, v13;
	v2 =	vor.u32 v3, v2  }
0x19c: {  	v2 =	vor.u32 v15, v2;
	v1 =	vld.idx.msk [tilespmem:v1+s24+$0x0], $0xffff;
	_ =	sdelay $0x4  }
0x19d: {  	[tilespmem:v2+s18+$0x0] =	vst.idx.msk $0xffff, v1  }
0x19e: {  	v1 =	vld [tilespmem:$0x50]  }
0x19f: {  	v2 =	vld [tilespmem:$0x150];
	_ =	sdelay $0x3  }
0x1a0: {  	v3 =	vld [tilespmem:$0x250]  }
0x1a1: {  	v18 =	vld [tilespmem:$0x350];
	v16 =	vshll.u32 v1, $0x9;
	v17 =	vshll.u32 v2, $0x3  }
0x1a2: {  	v1 =	vshll.u32 v1, $0x7;
	v4 =	vand.u32 $0xFFFFF000, v16;
	v5 =	vand.u32 $0xFFFFFC00, v17  }
0x1a3: {  	v1 =	vand.u32 $0x380, v1;
	v4 =	vadd.s32 v4, v5  }
0x1a4: {  	v2 =	vand.u32 $0x7F, v2;
	v1 =	vor.u32 v1, v4  }
0x1a5: {  	v1 =	vor.u32 v2, v1  }
0x1a6: {  	v19 =	vshll.u32 v18, $0x3;
	v2 =	vshll.u32 v3, $0x9  }
0x1a7: {  	v4 =	vand.u32 $0xFFFFFC00, v19;
	v3 =	vshll.u32 v3, $0x7;
	v2 =	vand.u32 $0xFFFFF000, v2  }
0x1a8: {  	v3 =	vand.u32 $0x380, v3;
	v2 =	vadd.s32 v2, v4  }
0x1a9: {  	v20 =	vand.u32 $0x7F, v18;
	v2 =	vor.u32 v3, v2  }
0x1aa: {  	v2 =	vor.u32 v20, v2;
	v1 =	vld.idx.msk [tilespmem:v1+s24+$0x0], $0xffff;
	_ =	sdelay $0x4  }
0x1ab: {  	[tilespmem:v2+s18+$0x0] =	vst.idx.msk $0xffff, v1  }
0x1ac: {  	v1 =	vld [tilespmem:$0x60]  }
0x1ad: {  	v2 =	vld [tilespmem:$0x160];
	_ =	sdelay $0x3  }
0x1ae: {  	v3 =	vld [tilespmem:$0x260]  }
0x1af: {  	v23 =	vld [tilespmem:$0x360];
	v21 =	vshll.u32 v1, $0x9;
	v22 =	vshll.u32 v2, $0x3  }
0x1b0: {  	v1 =	vshll.u32 v1, $0x7;
	v4 =	vand.u32 $0xFFFFF000, v21;
	v5 =	vand.u32 $0xFFFFFC00, v22  }
0x1b1: {  	v1 =	vand.u32 $0x380, v1;
	v4 =	vadd.s32 v4, v5  }
0x1b2: {  	v2 =	vand.u32 $0x7F, v2;
	v1 =	vor.u32 v1, v4  }
0x1b3: {  	v1 =	vor.u32 v2, v1  }
0x1b4: {  	v24 =	vshll.u32 v23, $0x3;
	v2 =	vshll.u32 v3, $0x9  }
0x1b5: {  	v4 =	vand.u32 $0xFFFFFC00, v24;
	v3 =	vshll.u32 v3, $0x7;
	v2 =	vand.u32 $0xFFFFF000, v2  }
0x1b6: {  	v3 =	vand.u32 $0x380, v3;
	v2 =	vadd.s32 v2, v4  }
0x1b7: {  	v25 =	vand.u32 $0x7F, v23;
	v2 =	vor.u32 v3, v2  }
0x1b8: {  	v2 =	vor.u32 v25, v2;
	v1 =	vld.idx.msk [tilespmem:v1+s24+$0x0], $0xffff;
	_ =	sdelay $0x4  }
0x1b9: {  	[tilespmem:v2+s18+$0x0] =	vst.idx.msk $0xffff, v1  }
0x1ba: {  	v1 =	vld [tilespmem:$0x70]  }
0x1bb: {  	v2 =	vld [tilespmem:$0x170];
	_ =	sdelay $0x3  }
0x1bc: {  	v3 =	vld [tilespmem:$0x270]  }
0x1bd: {  	v28 =	vld [tilespmem:$0x370];
	v26 =	vshll.u32 v1, $0x9;
	v27 =	vshll.u32 v2, $0x3  }
0x1be: {  	v1 =	vshll.u32 v1, $0x7;
	v4 =	vand.u32 $0xFFFFF000, v26;
	v5 =	vand.u32 $0xFFFFFC00, v27  }
0x1bf: {  	v1 =	vand.u32 $0x380, v1;
	v4 =	vadd.s32 v4, v5  }
0x1c0: {  	v2 =	vand.u32 $0x7F, v2;
	v1 =	vor.u32 v1, v4  }
0x1c1: {  	v1 =	vor.u32 v2, v1  }
0x1c2: {  	v29 =	vshll.u32 v28, $0x3;
	v2 =	vshll.u32 v3, $0x9  }
0x1c3: {  	v4 =	vand.u32 $0xFFFFFC00, v29;
	v3 =	vshll.u32 v3, $0x7;
	v2 =	vand.u32 $0xFFFFF000, v2  }
0x1c4: {  	v3 =	vand.u32 $0x380, v3;
	v2 =	vadd.s32 v2, v4  }
0x1c5: {  	v30 =	vand.u32 $0x7F, v28;
	v2 =	vor.u32 v3, v2  }
0x1c6: {  	v2 =	vor.u32 v30, v2;
	v1 =	vld.idx.msk [tilespmem:v1+s24+$0x0], $0xffff;
	_ =	sdelay $0x4  }
0x1c7: {  	[tilespmem:v2+s18+$0x0] =	vst.idx.msk $0xffff, v1  }
0x1c8: {  	v1 =	vld [tilespmem:$0x80]  }
0x1c9: {  	v2 =	vld [tilespmem:$0x180];
	_ =	sdelay $0x3  }
0x1ca: {  	v3 =	vld [tilespmem:$0x280]  }
0x1cb: {  	v33 =	vld [tilespmem:$0x380];
	v31 =	vshll.u32 v1, $0x9;
	v32 =	vshll.u32 v2, $0x3  }
0x1cc: {  	v1 =	vshll.u32 v1, $0x7;
	v4 =	vand.u32 $0xFFFFF000, v31;
	v5 =	vand.u32 $0xFFFFFC00, v32  }
0x1cd: {  	v1 =	vand.u32 $0x380, v1;
	v4 =	vadd.s32 v4, v5  }
0x1ce: {  	v2 =	vand.u32 $0x7F, v2;
	v1 =	vor.u32 v1, v4  }
0x1cf: {  	v1 =	vor.u32 v2, v1  }
0x1d0: {  	v34 =	vshll.u32 v33, $0x3;
	v2 =	vshll.u32 v3, $0x9  }
0x1d1: {  	v4 =	vand.u32 $0xFFFFFC00, v34;
	v3 =	vshll.u32 v3, $0x7;
	v2 =	vand.u32 $0xFFFFF000, v2  }
0x1d2: {  	v3 =	vand.u32 $0x380, v3;
	v2 =	vadd.s32 v2, v4  }
0x1d3: {  	v35 =	vand.u32 $0x7F, v33;
	v2 =	vor.u32 v3, v2  }
0x1d4: {  	v2 =	vor.u32 v35, v2;
	v1 =	vld.idx.msk [tilespmem:v1+s24+$0x0], $0xffff;
	_ =	sdelay $0x4  }
0x1d5: {  	[tilespmem:v2+s18+$0x0] =	vst.idx.msk $0xffff, v1  }
0x1d6: {  	v1 =	vld [tilespmem:$0x90]  }
0x1d7: {  	v2 =	vld [tilespmem:$0x190];
	_ =	sdelay $0x3  }
0x1d8: {  	v3 =	vld [tilespmem:$0x290]  }
0x1d9: {  	v38 =	vld [tilespmem:$0x390];
	v36 =	vshll.u32 v1, $0x9;
	v37 =	vshll.u32 v2, $0x3  }
0x1da: {  	v1 =	vshll.u32 v1, $0x7;
	v4 =	vand.u32 $0xFFFFF000, v36;
	v5 =	vand.u32 $0xFFFFFC00, v37  }
0x1db: {  	v1 =	vand.u32 $0x380, v1;
	v4 =	vadd.s32 v4, v5  }
0x1dc: {  	v2 =	vand.u32 $0x7F, v2;
	v1 =	vor.u32 v1, v4  }
0x1dd: {  	v1 =	vor.u32 v2, v1  }
0x1de: {  	v39 =	vshll.u32 v38, $0x3;
	v2 =	vshll.u32 v3, $0x9  }
0x1df: {  	v4 =	vand.u32 $0xFFFFFC00, v39;
	v3 =	vshll.u32 v3, $0x7;
	v2 =	vand.u32 $0xFFFFF000, v2  }
0x1e0: {  	v3 =	vand.u32 $0x380, v3;
	v2 =	vadd.s32 v2, v4  }
0x1e1: {  	v40 =	vand.u32 $0x7F, v38;
	v2 =	vor.u32 v3, v2  }
0x1e2: {  	v2 =	vor.u32 v40, v2;
	v1 =	vld.idx.msk [tilespmem:v1+s24+$0x0], $0xffff;
	_ =	sdelay $0x4  }
0x1e3: {  	[tilespmem:v2+s18+$0x0] =	vst.idx.msk $0xffff, v1  }
0x1e4: {  	v1 =	vld [tilespmem:$0xA0]  }
0x1e5: {  	v2 =	vld [tilespmem:$0x1A0];
	_ =	sdelay $0x3  }
0x1e6: {  	v3 =	vld [tilespmem:$0x2A0]  }
0x1e7: {  	v43 =	vld [tilespmem:$0x3A0];
	v41 =	vshll.u32 v1, $0x9;
	v42 =	vshll.u32 v2, $0x3  }
0x1e8: {  	v1 =	vshll.u32 v1, $0x7;
	v4 =	vand.u32 $0xFFFFF000, v41;
	v5 =	vand.u32 $0xFFFFFC00, v42  }
0x1e9: {  	v1 =	vand.u32 $0x380, v1;
	v4 =	vadd.s32 v4, v5  }
0x1ea: {  	v2 =	vand.u32 $0x7F, v2;
	v1 =	vor.u32 v1, v4  }
0x1eb: {  	v1 =	vor.u32 v2, v1  }
0x1ec: {  	v44 =	vshll.u32 v43, $0x3;
	v2 =	vshll.u32 v3, $0x9  }
0x1ed: {  	v4 =	vand.u32 $0xFFFFFC00, v44;
	v3 =	vshll.u32 v3, $0x7;
	v2 =	vand.u32 $0xFFFFF000, v2  }
0x1ee: {  	v3 =	vand.u32 $0x380, v3;
	v2 =	vadd.s32 v2, v4  }
0x1ef: {  	v45 =	vand.u32 $0x7F, v43;
	v2 =	vor.u32 v3, v2  }
0x1f0: {  	v2 =	vor.u32 v45, v2;
	v1 =	vld.idx.msk [tilespmem:v1+s24+$0x0], $0xffff;
	_ =	sdelay $0x4  }
0x1f1: {  	[tilespmem:v2+s18+$0x0] =	vst.idx.msk $0xffff, v1  }
0x1f2: {  	v1 =	vld [tilespmem:$0xB0]  }
0x1f3: {  	v2 =	vld [tilespmem:$0x1B0];
	_ =	sdelay $0x3  }
0x1f4: {  	v3 =	vld [tilespmem:$0x2B0]  }
0x1f5: {  	v48 =	vld [tilespmem:$0x3B0];
	v46 =	vshll.u32 v1, $0x9;
	v47 =	vshll.u32 v2, $0x3  }
0x1f6: {  	v1 =	vshll.u32 v1, $0x7;
	v4 =	vand.u32 $0xFFFFF000, v46;
	v5 =	vand.u32 $0xFFFFFC00, v47  }
0x1f7: {  	v1 =	vand.u32 $0x380, v1;
	v4 =	vadd.s32 v4, v5  }
0x1f8: {  	v2 =	vand.u32 $0x7F, v2;
	v1 =	vor.u32 v1, v4  }
0x1f9: {  	v1 =	vor.u32 v2, v1  }
0x1fa: {  	v49 =	vshll.u32 v48, $0x3;
	v2 =	vshll.u32 v3, $0x9  }
0x1fb: {  	v4 =	vand.u32 $0xFFFFFC00, v49;
	v3 =	vshll.u32 v3, $0x7;
	v2 =	vand.u32 $0xFFFFF000, v2  }
0x1fc: {  	v3 =	vand.u32 $0x380, v3;
	v2 =	vadd.s32 v2, v4  }
0x1fd: {  	v50 =	vand.u32 $0x7F, v48;
	v2 =	vor.u32 v3, v2  }
0x1fe: {  	v2 =	vor.u32 v50, v2;
	v1 =	vld.idx.msk [tilespmem:v1+s24+$0x0], $0xffff;
	_ =	sdelay $0x4  }
0x1ff: {  	[tilespmem:v2+s18+$0x0] =	vst.idx.msk $0xffff, v1  }
0x200: {  	v1 =	vld [tilespmem:$0xC0]  }
0x201: {  	v2 =	vld [tilespmem:$0x1C0];
	_ =	sdelay $0x3  }
0x202: {  	v3 =	vld [tilespmem:$0x2C0]  }
0x203: {  	v53 =	vld [tilespmem:$0x3C0];
	v51 =	vshll.u32 v1, $0x9;
	v52 =	vshll.u32 v2, $0x3  }
0x204: {  	v1 =	vshll.u32 v1, $0x7;
	v4 =	vand.u32 $0xFFFFF000, v51;
	v5 =	vand.u32 $0xFFFFFC00, v52  }
0x205: {  	v1 =	vand.u32 $0x380, v1;
	v4 =	vadd.s32 v4, v5  }
0x206: {  	v2 =	vand.u32 $0x7F, v2;
	v1 =	vor.u32 v1, v4  }
0x207: {  	v1 =	vor.u32 v2, v1  }
0x208: {  	v54 =	vshll.u32 v53, $0x3;
	v2 =	vshll.u32 v3, $0x9  }
0x209: {  	v4 =	vand.u32 $0xFFFFFC00, v54;
	v3 =	vshll.u32 v3, $0x7;
	v2 =	vand.u32 $0xFFFFF000, v2  }
0x20a: {  	v3 =	vand.u32 $0x380, v3;
	v2 =	vadd.s32 v2, v4  }
0x20b: {  	v55 =	vand.u32 $0x7F, v53;
	v2 =	vor.u32 v3, v2  }
0x20c: {  	v2 =	vor.u32 v55, v2;
	v1 =	vld.idx.msk [tilespmem:v1+s24+$0x0], $0xffff;
	_ =	sdelay $0x4  }
0x20d: {  	[tilespmem:v2+s18+$0x0] =	vst.idx.msk $0xffff, v1  }
0x20e: {  	v1 =	vld [tilespmem:$0xD0]  }
0x20f: {  	v2 =	vld [tilespmem:$0x1D0];
	_ =	sdelay $0x3  }
0x210: {  	v3 =	vld [tilespmem:$0x2D0]  }
0x211: {  	v58 =	vld [tilespmem:$0x3D0];
	v56 =	vshll.u32 v1, $0x9;
	v57 =	vshll.u32 v2, $0x3  }
0x212: {  	v1 =	vshll.u32 v1, $0x7;
	v4 =	vand.u32 $0xFFFFF000, v56;
	v5 =	vand.u32 $0xFFFFFC00, v57  }
0x213: {  	v1 =	vand.u32 $0x380, v1;
	v4 =	vadd.s32 v4, v5  }
0x214: {  	v2 =	vand.u32 $0x7F, v2;
	v1 =	vor.u32 v1, v4  }
0x215: {  	v1 =	vor.u32 v2, v1  }
0x216: {  	v59 =	vshll.u32 v58, $0x3;
	v2 =	vshll.u32 v3, $0x9  }
0x217: {  	v4 =	vand.u32 $0xFFFFFC00, v59;
	v3 =	vshll.u32 v3, $0x7;
	v2 =	vand.u32 $0xFFFFF000, v2  }
0x218: {  	v3 =	vand.u32 $0x380, v3;
	v2 =	vadd.s32 v2, v4  }
0x219: {  	v60 =	vand.u32 $0x7F, v58;
	v2 =	vor.u32 v3, v2  }
0x21a: {  	v2 =	vor.u32 v60, v2;
	v1 =	vld.idx.msk [tilespmem:v1+s24+$0x0], $0xffff;
	_ =	sdelay $0x4  }
0x21b: {  	[tilespmem:v2+s18+$0x0] =	vst.idx.msk $0xffff, v1  }
0x21c: {  	v1 =	vld [tilespmem:$0xE0]  }
0x21d: {  	v2 =	vld [tilespmem:$0x1E0];
	_ =	sdelay $0x3  }
0x21e: {  	v3 =	vld [tilespmem:$0x2E0]  }
0x21f: {  	v63 =	vld [tilespmem:$0x3E0];
	v61 =	vshll.u32 v1, $0x9;
	v62 =	vshll.u32 v2, $0x3  }
0x220: {  	v1 =	vshll.u32 v1, $0x7;
	v4 =	vand.u32 $0xFFFFF000, v61;
	v5 =	vand.u32 $0xFFFFFC00, v62  }
0x221: {  	v1 =	vand.u32 $0x380, v1;
	v4 =	vadd.s32 v4, v5  }
0x222: {  	v2 =	vand.u32 $0x7F, v2;
	v1 =	vor.u32 v1, v4  }
0x223: {  	v1 =	vor.u32 v2, v1  }
0x224: {  	v9 =	vshll.u32 v63, $0x3;
	v2 =	vshll.u32 v3, $0x9  }
0x225: {  	v4 =	vand.u32 $0xFFFFFC00, v9;
	v3 =	vshll.u32 v3, $0x7;
	v2 =	vand.u32 $0xFFFFF000, v2  }
0x226: {  	v3 =	vand.u32 $0x380, v3;
	v2 =	vadd.s32 v2, v4  }
0x227: {  	v10 =	vand.u32 $0x7F, v63;
	v2 =	vor.u32 v3, v2  }
0x228: {  	v2 =	vor.u32 v10, v2;
	v1 =	vld.idx.msk [tilespmem:v1+s24+$0x0], $0xffff;
	_ =	sdelay $0x4  }
0x229: {  	[tilespmem:v2+s18+$0x0] =	vst.idx.msk $0xffff, v1  }
0x22a: {  	v1 =	vld [tilespmem:$0xF0]  }
0x22b: {  	v2 =	vld [tilespmem:$0x1F0];
	_ =	sdelay $0x3  }
0x22c: {  	v3 =	vld [tilespmem:$0x2F0]  }
0x22d: {  	v13 =	vld [tilespmem:$0x3F0];
	v11 =	vshll.u32 v1, $0x9;
	v12 =	vshll.u32 v2, $0x3  }
0x22e: {  	v1 =	vshll.u32 v1, $0x7;
	v4 =	vand.u32 $0xFFFFF000, v11;
	v5 =	vand.u32 $0xFFFFFC00, v12  }
0x22f: {  	v1 =	vand.u32 $0x380, v1;
	v4 =	vadd.s32 v4, v5  }
0x230: {  	v2 =	vand.u32 $0x7F, v2;
	v1 =	vor.u32 v1, v4  }
0x231: {  	v1 =	vor.u32 v2, v1  }
0x232: {  	v14 =	vshll.u32 v13, $0x3;
	v2 =	vshll.u32 v3, $0x9  }
0x233: {  	v4 =	vand.u32 $0xFFFFFC00, v14;
	v3 =	vshll.u32 v3, $0x7;
	v2 =	vand.u32 $0xFFFFF000, v2  }
0x234: {  	v3 =	vand.u32 $0x380, v3;
	v2 =	vadd.s32 v2, v4  }
0x235: {  	v15 =	vand.u32 $0x7F, v13;
	v2 =	vor.u32 v3, v2  }
0x236: {  	v2 =	vor.u32 v15, v2;
	v1 =	vld.idx.msk [tilespmem:v1+s24+$0x0], $0xffff;
	_ =	sdelay $0x4  }
0x237: {  	[tilespmem:v2+s18+$0x0] =	vst.idx.msk $0xffff, v1  }
0x238: {  	v1 =	vld [tilespmem:$0x0];
	_ =	sdelay $0x1  }
0x239: {  	v2 =	vld [tilespmem:$0x100];
	_ =	sdelay $0x2  }
0x23a: {  	v16 =	vld [tilespmem:$0x200];
	v3 =	vshll.u32 v1, $0x9;
	v1 =	vshll.u32 v1, $0x7  }
0x23b: {  	v3 =	vand.u32 $0xFFFFF000, v3;
	v1 =	vand.u32 $0x380, v1  }
0x23c: {  	v17 =	vand.u32 $0x7F, v2;
	v2 =	vshll.u32 v2, $0x3;
	v1 =	vor.u32 v1, v3;
	v3 =	vld [tilespmem:$0x300]  }
0x23d: {  	v2 =	vand.u32 $0xFFFFFC00, v2;
	v1 =	vor.u32 v17, v1  }
0x23e: {  	v1 =	vadd.s32 v2, v1  }
0x23f: {  	v4 =	vshll.u32 v16, $0x7;
	v2 =	vshll.u32 v16, $0x9;
	v1 =	vadd.s32 $0x2000, v1  }
0x240: {  	v4 =	vand.u32 $0x380, v4;
	v2 =	vand.u32 $0xFFFFF000, v2  }
0x241: {  	v2 =	vor.u32 v4, v2;
	v18 =	vand.u32 $0x7F, v3;
	v3 =	vshll.u32 v3, $0x3  }
0x242: {  	v3 =	vand.u32 $0xFFFFFC00, v3;
	v2 =	vor.u32 v18, v2  }
0x243: {  	v2 =	vadd.s32 v3, v2  }
0x244: {  	v1 =	vld.idx.msk [tilespmem:v1+s24+$0x0], $0xffff;
	v2 =	vadd.s32 $0x3000, v2;
	_ =	sdelay $0x4  }
0x245: {  	[tilespmem:v2+s18+$0x0] =	vst.idx.msk $0xffff, v1  }
0x246: {  	v1 =	vld [tilespmem:$0x10];
	_ =	sdelay $0x1  }
0x247: {  	v2 =	vld [tilespmem:$0x110];
	_ =	sdelay $0x2  }
0x248: {  	v19 =	vld [tilespmem:$0x210];
	v3 =	vshll.u32 v1, $0x9;
	v1 =	vshll.u32 v1, $0x7  }
0x249: {  	v3 =	vand.u32 $0xFFFFF000, v3;
	v1 =	vand.u32 $0x380, v1  }
0x24a: {  	v20 =	vand.u32 $0x7F, v2;
	v2 =	vshll.u32 v2, $0x3;
	v1 =	vor.u32 v1, v3;
	v3 =	vld [tilespmem:$0x310]  }
0x24b: {  	v2 =	vand.u32 $0xFFFFFC00, v2;
	v1 =	vor.u32 v20, v1  }
0x24c: {  	v1 =	vadd.s32 v2, v1  }
0x24d: {  	v4 =	vshll.u32 v19, $0x7;
	v2 =	vshll.u32 v19, $0x9;
	v1 =	vadd.s32 $0x2000, v1  }
0x24e: {  	v4 =	vand.u32 $0x380, v4;
	v2 =	vand.u32 $0xFFFFF000, v2  }
0x24f: {  	v2 =	vor.u32 v4, v2;
	v21 =	vand.u32 $0x7F, v3;
	v3 =	vshll.u32 v3, $0x3  }
0x250: {  	v3 =	vand.u32 $0xFFFFFC00, v3;
	v2 =	vor.u32 v21, v2  }
0x251: {  	v2 =	vadd.s32 v3, v2  }
0x252: {  	v1 =	vld.idx.msk [tilespmem:v1+s24+$0x0], $0xffff;
	v2 =	vadd.s32 $0x3000, v2;
	_ =	sdelay $0x4  }
0x253: {  	[tilespmem:v2+s18+$0x0] =	vst.idx.msk $0xffff, v1  }
0x254: {  	v1 =	vld [tilespmem:$0x20];
	_ =	sdelay $0x1  }
0x255: {  	v2 =	vld [tilespmem:$0x120];
	_ =	sdelay $0x2  }
0x256: {  	v22 =	vld [tilespmem:$0x220];
	v3 =	vshll.u32 v1, $0x9;
	v1 =	vshll.u32 v1, $0x7  }
0x257: {  	v3 =	vand.u32 $0xFFFFF000, v3;
	v1 =	vand.u32 $0x380, v1  }
0x258: {  	v23 =	vand.u32 $0x7F, v2;
	v2 =	vshll.u32 v2, $0x3;
	v1 =	vor.u32 v1, v3;
	v3 =	vld [tilespmem:$0x320]  }
0x259: {  	v2 =	vand.u32 $0xFFFFFC00, v2;
	v1 =	vor.u32 v23, v1  }
0x25a: {  	v1 =	vadd.s32 v2, v1  }
0x25b: {  	v4 =	vshll.u32 v22, $0x7;
	v2 =	vshll.u32 v22, $0x9;
	v1 =	vadd.s32 $0x2000, v1  }
0x25c: {  	v4 =	vand.u32 $0x380, v4;
	v2 =	vand.u32 $0xFFFFF000, v2  }
0x25d: {  	v2 =	vor.u32 v4, v2;
	v24 =	vand.u32 $0x7F, v3;
	v3 =	vshll.u32 v3, $0x3  }
0x25e: {  	v3 =	vand.u32 $0xFFFFFC00, v3;
	v2 =	vor.u32 v24, v2  }
0x25f: {  	v2 =	vadd.s32 v3, v2  }
0x260: {  	v1 =	vld.idx.msk [tilespmem:v1+s24+$0x0], $0xffff;
	v2 =	vadd.s32 $0x3000, v2;
	_ =	sdelay $0x4  }
0x261: {  	[tilespmem:v2+s18+$0x0] =	vst.idx.msk $0xffff, v1  }
0x262: {  	v1 =	vld [tilespmem:$0x30];
	_ =	sdelay $0x1  }
0x263: {  	v2 =	vld [tilespmem:$0x130];
	_ =	sdelay $0x2  }
0x264: {  	v25 =	vld [tilespmem:$0x230];
	v3 =	vshll.u32 v1, $0x9;
	v1 =	vshll.u32 v1, $0x7  }
0x265: {  	v3 =	vand.u32 $0xFFFFF000, v3;
	v1 =	vand.u32 $0x380, v1  }
0x266: {  	v26 =	vand.u32 $0x7F, v2;
	v2 =	vshll.u32 v2, $0x3;
	v1 =	vor.u32 v1, v3;
	v3 =	vld [tilespmem:$0x330]  }
0x267: {  	v2 =	vand.u32 $0xFFFFFC00, v2;
	v1 =	vor.u32 v26, v1  }
0x268: {  	v1 =	vadd.s32 v2, v1  }
0x269: {  	v4 =	vshll.u32 v25, $0x7;
	v2 =	vshll.u32 v25, $0x9;
	v1 =	vadd.s32 $0x2000, v1  }
0x26a: {  	v4 =	vand.u32 $0x380, v4;
	v2 =	vand.u32 $0xFFFFF000, v2  }
0x26b: {  	v2 =	vor.u32 v4, v2;
	v27 =	vand.u32 $0x7F, v3;
	v3 =	vshll.u32 v3, $0x3  }
0x26c: {  	v3 =	vand.u32 $0xFFFFFC00, v3;
	v2 =	vor.u32 v27, v2  }
0x26d: {  	v2 =	vadd.s32 v3, v2  }
0x26e: {  	v1 =	vld.idx.msk [tilespmem:v1+s24+$0x0], $0xffff;
	v2 =	vadd.s32 $0x3000, v2;
	_ =	sdelay $0x4  }
0x26f: {  	[tilespmem:v2+s18+$0x0] =	vst.idx.msk $0xffff, v1  }
0x270: {  	v1 =	vld [tilespmem:$0x40];
	_ =	sdelay $0x1  }
0x271: {  	v2 =	vld [tilespmem:$0x140];
	_ =	sdelay $0x2  }
0x272: {  	v28 =	vld [tilespmem:$0x240];
	v3 =	vshll.u32 v1, $0x9;
	v1 =	vshll.u32 v1, $0x7  }
0x273: {  	v3 =	vand.u32 $0xFFFFF000, v3;
	v1 =	vand.u32 $0x380, v1  }
0x274: {  	v29 =	vand.u32 $0x7F, v2;
	v2 =	vshll.u32 v2, $0x3;
	v1 =	vor.u32 v1, v3;
	v3 =	vld [tilespmem:$0x340]  }
0x275: {  	v2 =	vand.u32 $0xFFFFFC00, v2;
	v1 =	vor.u32 v29, v1  }
0x276: {  	v1 =	vadd.s32 v2, v1  }
0x277: {  	v4 =	vshll.u32 v28, $0x7;
	v2 =	vshll.u32 v28, $0x9;
	v1 =	vadd.s32 $0x2000, v1  }
0x278: {  	v4 =	vand.u32 $0x380, v4;
	v2 =	vand.u32 $0xFFFFF000, v2  }
0x279: {  	v2 =	vor.u32 v4, v2;
	v30 =	vand.u32 $0x7F, v3;
	v3 =	vshll.u32 v3, $0x3  }
0x27a: {  	v3 =	vand.u32 $0xFFFFFC00, v3;
	v2 =	vor.u32 v30, v2  }
0x27b: {  	v2 =	vadd.s32 v3, v2  }
0x27c: {  	v1 =	vld.idx.msk [tilespmem:v1+s24+$0x0], $0xffff;
	v2 =	vadd.s32 $0x3000, v2;
	_ =	sdelay $0x4  }
0x27d: {  	[tilespmem:v2+s18+$0x0] =	vst.idx.msk $0xffff, v1  }
0x27e: {  	v1 =	vld [tilespmem:$0x50];
	_ =	sdelay $0x1  }
0x27f: {  	v2 =	vld [tilespmem:$0x150];
	_ =	sdelay $0x2  }
0x280: {  	v31 =	vld [tilespmem:$0x250];
	v3 =	vshll.u32 v1, $0x9;
	v1 =	vshll.u32 v1, $0x7  }
0x281: {  	v3 =	vand.u32 $0xFFFFF000, v3;
	v1 =	vand.u32 $0x380, v1  }
0x282: {  	v32 =	vand.u32 $0x7F, v2;
	v2 =	vshll.u32 v2, $0x3;
	v1 =	vor.u32 v1, v3;
	v3 =	vld [tilespmem:$0x350]  }
0x283: {  	v2 =	vand.u32 $0xFFFFFC00, v2;
	v1 =	vor.u32 v32, v1  }
0x284: {  	v1 =	vadd.s32 v2, v1  }
0x285: {  	v4 =	vshll.u32 v31, $0x7;
	v2 =	vshll.u32 v31, $0x9;
	v1 =	vadd.s32 $0x2000, v1  }
0x286: {  	v4 =	vand.u32 $0x380, v4;
	v2 =	vand.u32 $0xFFFFF000, v2  }
0x287: {  	v2 =	vor.u32 v4, v2;
	v33 =	vand.u32 $0x7F, v3;
	v3 =	vshll.u32 v3, $0x3  }
0x288: {  	v3 =	vand.u32 $0xFFFFFC00, v3;
	v2 =	vor.u32 v33, v2  }
0x289: {  	v2 =	vadd.s32 v3, v2  }
0x28a: {  	v1 =	vld.idx.msk [tilespmem:v1+s24+$0x0], $0xffff;
	v2 =	vadd.s32 $0x3000, v2;
	_ =	sdelay $0x4  }
0x28b: {  	[tilespmem:v2+s18+$0x0] =	vst.idx.msk $0xffff, v1  }
0x28c: {  	v1 =	vld [tilespmem:$0x60];
	_ =	sdelay $0x1  }
0x28d: {  	v2 =	vld [tilespmem:$0x160];
	_ =	sdelay $0x2  }
0x28e: {  	v34 =	vld [tilespmem:$0x260];
	v3 =	vshll.u32 v1, $0x9;
	v1 =	vshll.u32 v1, $0x7  }
0x28f: {  	v3 =	vand.u32 $0xFFFFF000, v3;
	v1 =	vand.u32 $0x380, v1  }
0x290: {  	v35 =	vand.u32 $0x7F, v2;
	v2 =	vshll.u32 v2, $0x3;
	v1 =	vor.u32 v1, v3;
	v3 =	vld [tilespmem:$0x360]  }
0x291: {  	v2 =	vand.u32 $0xFFFFFC00, v2;
	v1 =	vor.u32 v35, v1  }
0x292: {  	v1 =	vadd.s32 v2, v1  }
0x293: {  	v4 =	vshll.u32 v34, $0x7;
	v2 =	vshll.u32 v34, $0x9;
	v1 =	vadd.s32 $0x2000, v1  }
0x294: {  	v4 =	vand.u32 $0x380, v4;
	v2 =	vand.u32 $0xFFFFF000, v2  }
0x295: {  	v2 =	vor.u32 v4, v2;
	v36 =	vand.u32 $0x7F, v3;
	v3 =	vshll.u32 v3, $0x3  }
0x296: {  	v3 =	vand.u32 $0xFFFFFC00, v3;
	v2 =	vor.u32 v36, v2  }
0x297: {  	v2 =	vadd.s32 v3, v2  }
0x298: {  	v1 =	vld.idx.msk [tilespmem:v1+s24+$0x0], $0xffff;
	v2 =	vadd.s32 $0x3000, v2;
	_ =	sdelay $0x4  }
0x299: {  	[tilespmem:v2+s18+$0x0] =	vst.idx.msk $0xffff, v1  }
0x29a: {  	v1 =	vld [tilespmem:$0x70];
	_ =	sdelay $0x1  }
0x29b: {  	v2 =	vld [tilespmem:$0x170];
	_ =	sdelay $0x2  }
0x29c: {  	v37 =	vld [tilespmem:$0x270];
	v3 =	vshll.u32 v1, $0x9;
	v1 =	vshll.u32 v1, $0x7  }
0x29d: {  	v3 =	vand.u32 $0xFFFFF000, v3;
	v1 =	vand.u32 $0x380, v1  }
0x29e: {  	v38 =	vand.u32 $0x7F, v2;
	v2 =	vshll.u32 v2, $0x3;
	v1 =	vor.u32 v1, v3;
	v3 =	vld [tilespmem:$0x370]  }
0x29f: {  	v2 =	vand.u32 $0xFFFFFC00, v2;
	v1 =	vor.u32 v38, v1  }
0x2a0: {  	v1 =	vadd.s32 v2, v1  }
0x2a1: {  	v4 =	vshll.u32 v37, $0x7;
	v2 =	vshll.u32 v37, $0x9;
	v1 =	vadd.s32 $0x2000, v1  }
0x2a2: {  	v4 =	vand.u32 $0x380, v4;
	v2 =	vand.u32 $0xFFFFF000, v2  }
0x2a3: {  	v2 =	vor.u32 v4, v2;
	v39 =	vand.u32 $0x7F, v3;
	v3 =	vshll.u32 v3, $0x3  }
0x2a4: {  	v3 =	vand.u32 $0xFFFFFC00, v3;
	v2 =	vor.u32 v39, v2  }
0x2a5: {  	v2 =	vadd.s32 v3, v2  }
0x2a6: {  	v1 =	vld.idx.msk [tilespmem:v1+s24+$0x0], $0xffff;
	v2 =	vadd.s32 $0x3000, v2;
	_ =	sdelay $0x4  }
0x2a7: {  	[tilespmem:v2+s18+$0x0] =	vst.idx.msk $0xffff, v1  }
0x2a8: {  	v1 =	vld [tilespmem:$0x80];
	_ =	sdelay $0x1  }
0x2a9: {  	v2 =	vld [tilespmem:$0x180];
	_ =	sdelay $0x2  }
0x2aa: {  	v40 =	vld [tilespmem:$0x280];
	v3 =	vshll.u32 v1, $0x9;
	v1 =	vshll.u32 v1, $0x7  }
0x2ab: {  	v3 =	vand.u32 $0xFFFFF000, v3;
	v1 =	vand.u32 $0x380, v1  }
0x2ac: {  	v41 =	vand.u32 $0x7F, v2;
	v2 =	vshll.u32 v2, $0x3;
	v1 =	vor.u32 v1, v3;
	v3 =	vld [tilespmem:$0x380]  }
0x2ad: {  	v2 =	vand.u32 $0xFFFFFC00, v2;
	v1 =	vor.u32 v41, v1  }
0x2ae: {  	v1 =	vadd.s32 v2, v1  }
0x2af: {  	v4 =	vshll.u32 v40, $0x7;
	v2 =	vshll.u32 v40, $0x9;
	v1 =	vadd.s32 $0x2000, v1  }
0x2b0: {  	v4 =	vand.u32 $0x380, v4;
	v2 =	vand.u32 $0xFFFFF000, v2  }
0x2b1: {  	v2 =	vor.u32 v4, v2;
	v42 =	vand.u32 $0x7F, v3;
	v3 =	vshll.u32 v3, $0x3  }
0x2b2: {  	v3 =	vand.u32 $0xFFFFFC00, v3;
	v2 =	vor.u32 v42, v2  }
0x2b3: {  	v2 =	vadd.s32 v3, v2  }
0x2b4: {  	v1 =	vld.idx.msk [tilespmem:v1+s24+$0x0], $0xffff;
	v2 =	vadd.s32 $0x3000, v2;
	_ =	sdelay $0x4  }
0x2b5: {  	[tilespmem:v2+s18+$0x0] =	vst.idx.msk $0xffff, v1  }
0x2b6: {  	v1 =	vld [tilespmem:$0x90];
	_ =	sdelay $0x1  }
0x2b7: {  	v2 =	vld [tilespmem:$0x190];
	_ =	sdelay $0x2  }
0x2b8: {  	v43 =	vld [tilespmem:$0x290];
	v3 =	vshll.u32 v1, $0x9;
	v1 =	vshll.u32 v1, $0x7  }
0x2b9: {  	v3 =	vand.u32 $0xFFFFF000, v3;
	v1 =	vand.u32 $0x380, v1  }
0x2ba: {  	v44 =	vand.u32 $0x7F, v2;
	v2 =	vshll.u32 v2, $0x3;
	v1 =	vor.u32 v1, v3;
	v3 =	vld [tilespmem:$0x390]  }
0x2bb: {  	v2 =	vand.u32 $0xFFFFFC00, v2;
	v1 =	vor.u32 v44, v1  }
0x2bc: {  	v1 =	vadd.s32 v2, v1  }
0x2bd: {  	v4 =	vshll.u32 v43, $0x7;
	v2 =	vshll.u32 v43, $0x9;
	v1 =	vadd.s32 $0x2000, v1  }
0x2be: {  	v4 =	vand.u32 $0x380, v4;
	v2 =	vand.u32 $0xFFFFF000, v2  }
0x2bf: {  	v2 =	vor.u32 v4, v2;
	v45 =	vand.u32 $0x7F, v3;
	v3 =	vshll.u32 v3, $0x3  }
0x2c0: {  	v3 =	vand.u32 $0xFFFFFC00, v3;
	v2 =	vor.u32 v45, v2  }
0x2c1: {  	v2 =	vadd.s32 v3, v2  }
0x2c2: {  	v1 =	vld.idx.msk [tilespmem:v1+s24+$0x0], $0xffff;
	v2 =	vadd.s32 $0x3000, v2;
	_ =	sdelay $0x4  }
0x2c3: {  	[tilespmem:v2+s18+$0x0] =	vst.idx.msk $0xffff, v1  }
0x2c4: {  	v1 =	vld [tilespmem:$0xA0];
	_ =	sdelay $0x1  }
0x2c5: {  	v2 =	vld [tilespmem:$0x1A0];
	_ =	sdelay $0x2  }
0x2c6: {  	v46 =	vld [tilespmem:$0x2A0];
	v3 =	vshll.u32 v1, $0x9;
	v1 =	vshll.u32 v1, $0x7  }
0x2c7: {  	v3 =	vand.u32 $0xFFFFF000, v3;
	v1 =	vand.u32 $0x380, v1  }
0x2c8: {  	v47 =	vand.u32 $0x7F, v2;
	v2 =	vshll.u32 v2, $0x3;
	v1 =	vor.u32 v1, v3;
	v3 =	vld [tilespmem:$0x3A0]  }
0x2c9: {  	v2 =	vand.u32 $0xFFFFFC00, v2;
	v1 =	vor.u32 v47, v1  }
0x2ca: {  	v1 =	vadd.s32 v2, v1  }
0x2cb: {  	v4 =	vshll.u32 v46, $0x7;
	v2 =	vshll.u32 v46, $0x9;
	v1 =	vadd.s32 $0x2000, v1  }
0x2cc: {  	v4 =	vand.u32 $0x380, v4;
	v2 =	vand.u32 $0xFFFFF000, v2  }
0x2cd: {  	v2 =	vor.u32 v4, v2;
	v48 =	vand.u32 $0x7F, v3;
	v3 =	vshll.u32 v3, $0x3  }
0x2ce: {  	v3 =	vand.u32 $0xFFFFFC00, v3;
	v2 =	vor.u32 v48, v2  }
0x2cf: {  	v2 =	vadd.s32 v3, v2  }
0x2d0: {  	v1 =	vld.idx.msk [tilespmem:v1+s24+$0x0], $0xffff;
	v2 =	vadd.s32 $0x3000, v2;
	_ =	sdelay $0x4  }
0x2d1: {  	[tilespmem:v2+s18+$0x0] =	vst.idx.msk $0xffff, v1  }
0x2d2: {  	v1 =	vld [tilespmem:$0xB0];
	_ =	sdelay $0x1  }
0x2d3: {  	v2 =	vld [tilespmem:$0x1B0];
	_ =	sdelay $0x2  }
0x2d4: {  	v49 =	vld [tilespmem:$0x2B0];
	v3 =	vshll.u32 v1, $0x9;
	v1 =	vshll.u32 v1, $0x7  }
0x2d5: {  	v3 =	vand.u32 $0xFFFFF000, v3;
	v1 =	vand.u32 $0x380, v1  }
0x2d6: {  	v50 =	vand.u32 $0x7F, v2;
	v2 =	vshll.u32 v2, $0x3;
	v1 =	vor.u32 v1, v3;
	v3 =	vld [tilespmem:$0x3B0]  }
0x2d7: {  	v2 =	vand.u32 $0xFFFFFC00, v2;
	v1 =	vor.u32 v50, v1  }
0x2d8: {  	v1 =	vadd.s32 v2, v1  }
0x2d9: {  	v4 =	vshll.u32 v49, $0x7;
	v2 =	vshll.u32 v49, $0x9;
	v1 =	vadd.s32 $0x2000, v1  }
0x2da: {  	v4 =	vand.u32 $0x380, v4;
	v2 =	vand.u32 $0xFFFFF000, v2  }
0x2db: {  	v2 =	vor.u32 v4, v2;
	v51 =	vand.u32 $0x7F, v3;
	v3 =	vshll.u32 v3, $0x3  }
0x2dc: {  	v3 =	vand.u32 $0xFFFFFC00, v3;
	v2 =	vor.u32 v51, v2  }
0x2dd: {  	v2 =	vadd.s32 v3, v2  }
0x2de: {  	v1 =	vld.idx.msk [tilespmem:v1+s24+$0x0], $0xffff;
	v2 =	vadd.s32 $0x3000, v2;
	_ =	sdelay $0x4  }
0x2df: {  	[tilespmem:v2+s18+$0x0] =	vst.idx.msk $0xffff, v1  }
0x2e0: {  	v1 =	vld [tilespmem:$0xC0];
	_ =	sdelay $0x1  }
0x2e1: {  	v2 =	vld [tilespmem:$0x1C0];
	_ =	sdelay $0x2  }
0x2e2: {  	v52 =	vld [tilespmem:$0x2C0];
	v3 =	vshll.u32 v1, $0x9;
	v1 =	vshll.u32 v1, $0x7  }
0x2e3: {  	v3 =	vand.u32 $0xFFFFF000, v3;
	v1 =	vand.u32 $0x380, v1  }
0x2e4: {  	v53 =	vand.u32 $0x7F, v2;
	v2 =	vshll.u32 v2, $0x3;
	v1 =	vor.u32 v1, v3;
	v3 =	vld [tilespmem:$0x3C0]  }
0x2e5: {  	v2 =	vand.u32 $0xFFFFFC00, v2;
	v1 =	vor.u32 v53, v1  }
0x2e6: {  	v1 =	vadd.s32 v2, v1  }
0x2e7: {  	v4 =	vshll.u32 v52, $0x7;
	v2 =	vshll.u32 v52, $0x9;
	v1 =	vadd.s32 $0x2000, v1  }
0x2e8: {  	v4 =	vand.u32 $0x380, v4;
	v2 =	vand.u32 $0xFFFFF000, v2  }
0x2e9: {  	v2 =	vor.u32 v4, v2;
	v54 =	vand.u32 $0x7F, v3;
	v3 =	vshll.u32 v3, $0x3  }
0x2ea: {  	v3 =	vand.u32 $0xFFFFFC00, v3;
	v2 =	vor.u32 v54, v2  }
0x2eb: {  	v2 =	vadd.s32 v3, v2  }
0x2ec: {  	v1 =	vld.idx.msk [tilespmem:v1+s24+$0x0], $0xffff;
	v2 =	vadd.s32 $0x3000, v2;
	_ =	sdelay $0x4  }
0x2ed: {  	[tilespmem:v2+s18+$0x0] =	vst.idx.msk $0xffff, v1  }
0x2ee: {  	v1 =	vld [tilespmem:$0xD0];
	_ =	sdelay $0x1  }
0x2ef: {  	v2 =	vld [tilespmem:$0x1D0];
	_ =	sdelay $0x2  }
0x2f0: {  	v55 =	vld [tilespmem:$0x2D0];
	v3 =	vshll.u32 v1, $0x9;
	v1 =	vshll.u32 v1, $0x7  }
0x2f1: {  	v3 =	vand.u32 $0xFFFFF000, v3;
	v1 =	vand.u32 $0x380, v1  }
0x2f2: {  	v56 =	vand.u32 $0x7F, v2;
	v2 =	vshll.u32 v2, $0x3;
	v1 =	vor.u32 v1, v3;
	v3 =	vld [tilespmem:$0x3D0]  }
0x2f3: {  	v2 =	vand.u32 $0xFFFFFC00, v2;
	v1 =	vor.u32 v56, v1  }
0x2f4: {  	v1 =	vadd.s32 v2, v1  }
0x2f5: {  	v4 =	vshll.u32 v55, $0x7;
	v2 =	vshll.u32 v55, $0x9;
	v1 =	vadd.s32 $0x2000, v1  }
0x2f6: {  	v4 =	vand.u32 $0x380, v4;
	v2 =	vand.u32 $0xFFFFF000, v2  }
0x2f7: {  	v2 =	vor.u32 v4, v2;
	v57 =	vand.u32 $0x7F, v3;
	v3 =	vshll.u32 v3, $0x3  }
0x2f8: {  	v3 =	vand.u32 $0xFFFFFC00, v3;
	v2 =	vor.u32 v57, v2  }
0x2f9: {  	v2 =	vadd.s32 v3, v2  }
0x2fa: {  	v1 =	vld.idx.msk [tilespmem:v1+s24+$0x0], $0xffff;
	v2 =	vadd.s32 $0x3000, v2;
	_ =	sdelay $0x4  }
0x2fb: {  	[tilespmem:v2+s18+$0x0] =	vst.idx.msk $0xffff, v1  }
0x2fc: {  	v1 =	vld [tilespmem:$0xE0];
	_ =	sdelay $0x1  }
0x2fd: {  	v2 =	vld [tilespmem:$0x1E0];
	_ =	sdelay $0x2  }
0x2fe: {  	v58 =	vld [tilespmem:$0x2E0];
	v3 =	vshll.u32 v1, $0x9;
	v1 =	vshll.u32 v1, $0x7  }
0x2ff: {  	v3 =	vand.u32 $0xFFFFF000, v3;
	v1 =	vand.u32 $0x380, v1  }
0x300: {  	v59 =	vand.u32 $0x7F, v2;
	v2 =	vshll.u32 v2, $0x3;
	v1 =	vor.u32 v1, v3;
	v3 =	vld [tilespmem:$0x3E0]  }
0x301: {  	v2 =	vand.u32 $0xFFFFFC00, v2;
	v1 =	vor.u32 v59, v1  }
0x302: {  	v1 =	vadd.s32 v2, v1  }
0x303: {  	v4 =	vshll.u32 v58, $0x7;
	v2 =	vshll.u32 v58, $0x9;
	v1 =	vadd.s32 $0x2000, v1  }
0x304: {  	v4 =	vand.u32 $0x380, v4;
	v2 =	vand.u32 $0xFFFFF000, v2  }
0x305: {  	v2 =	vor.u32 v4, v2;
	v60 =	vand.u32 $0x7F, v3;
	v3 =	vshll.u32 v3, $0x3  }
0x306: {  	v3 =	vand.u32 $0xFFFFFC00, v3;
	v2 =	vor.u32 v60, v2  }
0x307: {  	v2 =	vadd.s32 v3, v2  }
0x308: {  	v1 =	vld.idx.msk [tilespmem:v1+s24+$0x0], $0xffff;
	v2 =	vadd.s32 $0x3000, v2;
	_ =	sdelay $0x4  }
0x309: {  	[tilespmem:v2+s18+$0x0] =	vst.idx.msk $0xffff, v1  }
0x30a: {  	v1 =	vld [tilespmem:$0xF0];
	_ =	sdelay $0x1  }
0x30b: {  	v2 =	vld [tilespmem:$0x1F0];
	_ =	sdelay $0x2  }
0x30c: {  	v61 =	vld [tilespmem:$0x2F0];
	v3 =	vshll.u32 v1, $0x9;
	v1 =	vshll.u32 v1, $0x7  }
0x30d: {  	v3 =	vand.u32 $0xFFFFF000, v3;
	v1 =	vand.u32 $0x380, v1  }
0x30e: {  	v62 =	vand.u32 $0x7F, v2;
	v2 =	vshll.u32 v2, $0x3;
	v1 =	vor.u32 v1, v3;
	v3 =	vld [tilespmem:$0x3F0]  }
0x30f: {  	v2 =	vand.u32 $0xFFFFFC00, v2;
	v1 =	vor.u32 v62, v1  }
0x310: {  	v1 =	vadd.s32 v2, v1  }
0x311: {  	v4 =	vshll.u32 v61, $0x7;
	v2 =	vshll.u32 v61, $0x9;
	v1 =	vadd.s32 $0x2000, v1  }
0x312: {  	v4 =	vand.u32 $0x380, v4;
	v2 =	vand.u32 $0xFFFFF000, v2  }
0x313: {  	v2 =	vor.u32 v4, v2;
	v63 =	vand.u32 $0x7F, v3;
	v3 =	vshll.u32 v3, $0x3  }
0x314: {  	v3 =	vand.u32 $0xFFFFFC00, v3;
	v2 =	vor.u32 v63, v2  }
0x315: {  	v2 =	vadd.s32 v3, v2  }
0x316: {  	v1 =	vld.idx.msk [tilespmem:v1+s24+$0x0], $0xffff;
	v2 =	vadd.s32 $0x3000, v2;
	_ =	sdelay $0x2  }
0x317: {  	p0 =	seq.s32 s2, $0x1E0000  }
0x318: {  	p1 =	seq.s32 @!p0 s2, $0x0  }
0x319: {  	s15 =	sadd.s32 s2, s13;
	p1 =	por p0, !p1;
	[tilespmem:v2+s18+$0x0] =	vst.idx.msk $0xffff, v1  }
0x31a: {  	[hbm4b:s15+s4] =	stream.linear.scatter [tilespmem:s18], [sflag:$0x3], $0x2000, $0x38;
	[tilespmem:$0x14400] =	vst v63  }
.Ltmp3:
0x31b: {  	s16 =	sadd.s32 $0x8000, s15;
	(pc) =	sbr.rel @!p1 .LBB2_6-.Ltmp3, $4  }
0x31c: {  	[hbm4b:s16+s4] =	stream.linear.scatter [tilespmem:s19], [sflag:$0x3], $0x2000, $0x38;
	[tilespmem:$0x14400] =	vst v63  }
0x31d: {  	s17 =	simm.s32 @!p0 $0x2000;
	s16 =	sshrl.u32 @!p0 s12, $0x3  }
0x31e: {  	s5 =	simm.s32 @!p0 $0x40000;
	s7 =	simm.s32 @!p0 $0x400;
	s16 =	sadd.s32 @!p0 s1, s16  }
0x31f: {  	[tilespmem:s7], [sflag:$0x1] =	stream.strided.gather @!p0 [hbm4b:s16+s17], $0x4000, s5, s17, $0x38;
	[tilespmem:$0x14400] =	vst v63  }
0x320: {  	_ =	swait.ge [sflag:s30], $0x4000  }
0x321: {  	[sflag:s30] =	ssyncset.done $0x0  }
0x322: {  	[sflag:s30] =	ssyncadd.s32 $0xFFFFC000  }
0x323: {  	v1 =	vld [tilespmem:$0x200]  }
0x324: {  	v2 =	vld [tilespmem:$0x300];
	_ =	sdelay $0x4  }
0x325: {  	v3 =	vshll.u32 v1, $0x9;
	v4 =	vshll.u32 v2, $0x3  }
0x326: {  	v1 =	vshll.u32 v1, $0x7;
	v3 =	vand.u32 $0xFFFFF000, v3;
	v4 =	vand.u32 $0xFFFFFC00, v4  }
0x327: {  	v1 =	vand.u32 $0x380, v1;
	v3 =	vadd.s32 v3, v4  }
0x328: {  	v2 =	vand.u32 $0x7F, v2;
	v1 =	vor.u32 v1, v3  }
0x329: {  	v1 =	vor.u32 v2, v1;
	_ =	sdelay $0x4  }
0x32a: {  	[tilespmem:v1+s20+$0x0] =	vst.idx.msk $0xffff, v0  }
0x32b: {  	v1 =	vld [tilespmem:$0x210]  }
0x32c: {  	v2 =	vld [tilespmem:$0x310];
	_ =	sdelay $0x4  }
0x32d: {  	v3 =	vshll.u32 v1, $0x9;
	v33 =	vshll.u32 v2, $0x3  }
0x32e: {  	v1 =	vshll.u32 v1, $0x7;
	v3 =	vand.u32 $0xFFFFF000, v3;
	v4 =	vand.u32 $0xFFFFFC00, v33  }
0x32f: {  	v1 =	vand.u32 $0x380, v1;
	v3 =	vadd.s32 v3, v4  }
0x330: {  	v2 =	vand.u32 $0x7F, v2;
	v1 =	vor.u32 v1, v3  }
0x331: {  	v1 =	vor.u32 v2, v1;
	_ =	sdelay $0x4  }
0x332: {  	[tilespmem:v1+s20+$0x0] =	vst.idx.msk $0xffff, v0  }
0x333: {  	v1 =	vld [tilespmem:$0x220]  }
0x334: {  	v2 =	vld [tilespmem:$0x320];
	_ =	sdelay $0x4  }
0x335: {  	v3 =	vshll.u32 v1, $0x9;
	v34 =	vshll.u32 v2, $0x3  }
0x336: {  	v1 =	vshll.u32 v1, $0x7;
	v3 =	vand.u32 $0xFFFFF000, v3;
	v4 =	vand.u32 $0xFFFFFC00, v34  }
0x337: {  	v1 =	vand.u32 $0x380, v1;
	v3 =	vadd.s32 v3, v4  }
0x338: {  	v2 =	vand.u32 $0x7F, v2;
	v1 =	vor.u32 v1, v3  }
0x339: {  	v1 =	vor.u32 v2, v1;
	_ =	sdelay $0x4  }
0x33a: {  	[tilespmem:v1+s20+$0x0] =	vst.idx.msk $0xffff, v0  }
0x33b: {  	v1 =	vld [tilespmem:$0x230]  }
0x33c: {  	v2 =	vld [tilespmem:$0x330];
	_ =	sdelay $0x4  }
0x33d: {  	v3 =	vshll.u32 v1, $0x9;
	v35 =	vshll.u32 v2, $0x3  }
0x33e: {  	v1 =	vshll.u32 v1, $0x7;
	v3 =	vand.u32 $0xFFFFF000, v3;
	v4 =	vand.u32 $0xFFFFFC00, v35  }
0x33f: {  	v1 =	vand.u32 $0x380, v1;
	v3 =	vadd.s32 v3, v4  }
0x340: {  	v2 =	vand.u32 $0x7F, v2;
	v1 =	vor.u32 v1, v3  }
0x341: {  	v1 =	vor.u32 v2, v1;
	_ =	sdelay $0x4  }
0x342: {  	[tilespmem:v1+s20+$0x0] =	vst.idx.msk $0xffff, v0  }
0x343: {  	v1 =	vld [tilespmem:$0x240]  }
0x344: {  	v2 =	vld [tilespmem:$0x340];
	_ =	sdelay $0x4  }
0x345: {  	v3 =	vshll.u32 v1, $0x9;
	v36 =	vshll.u32 v2, $0x3  }
0x346: {  	v1 =	vshll.u32 v1, $0x7;
	v3 =	vand.u32 $0xFFFFF000, v3;
	v4 =	vand.u32 $0xFFFFFC00, v36  }
0x347: {  	v1 =	vand.u32 $0x380, v1;
	v3 =	vadd.s32 v3, v4  }
0x348: {  	v2 =	vand.u32 $0x7F, v2;
	v1 =	vor.u32 v1, v3  }
0x349: {  	v1 =	vor.u32 v2, v1;
	_ =	sdelay $0x4  }
0x34a: {  	[tilespmem:v1+s20+$0x0] =	vst.idx.msk $0xffff, v0  }
0x34b: {  	v1 =	vld [tilespmem:$0x250]  }
0x34c: {  	v2 =	vld [tilespmem:$0x350];
	_ =	sdelay $0x4  }
0x34d: {  	v3 =	vshll.u32 v1, $0x9;
	v37 =	vshll.u32 v2, $0x3  }
0x34e: {  	v1 =	vshll.u32 v1, $0x7;
	v3 =	vand.u32 $0xFFFFF000, v3;
	v4 =	vand.u32 $0xFFFFFC00, v37  }
0x34f: {  	v1 =	vand.u32 $0x380, v1;
	v3 =	vadd.s32 v3, v4  }
0x350: {  	v2 =	vand.u32 $0x7F, v2;
	v1 =	vor.u32 v1, v3  }
0x351: {  	v1 =	vor.u32 v2, v1;
	_ =	sdelay $0x4  }
0x352: {  	[tilespmem:v1+s20+$0x0] =	vst.idx.msk $0xffff, v0  }
0x353: {  	v1 =	vld [tilespmem:$0x260]  }
0x354: {  	v2 =	vld [tilespmem:$0x360];
	_ =	sdelay $0x4  }
0x355: {  	v3 =	vshll.u32 v1, $0x9;
	v38 =	vshll.u32 v2, $0x3  }
0x356: {  	v1 =	vshll.u32 v1, $0x7;
	v3 =	vand.u32 $0xFFFFF000, v3;
	v4 =	vand.u32 $0xFFFFFC00, v38  }
0x357: {  	v1 =	vand.u32 $0x380, v1;
	v3 =	vadd.s32 v3, v4  }
0x358: {  	v2 =	vand.u32 $0x7F, v2;
	v1 =	vor.u32 v1, v3  }
0x359: {  	v1 =	vor.u32 v2, v1;
	_ =	sdelay $0x4  }
0x35a: {  	[tilespmem:v1+s20+$0x0] =	vst.idx.msk $0xffff, v0  }
0x35b: {  	v1 =	vld [tilespmem:$0x270]  }
0x35c: {  	v2 =	vld [tilespmem:$0x370];
	_ =	sdelay $0x4  }
0x35d: {  	v3 =	vshll.u32 v1, $0x9;
	v39 =	vshll.u32 v2, $0x3  }
0x35e: {  	v1 =	vshll.u32 v1, $0x7;
	v3 =	vand.u32 $0xFFFFF000, v3;
	v4 =	vand.u32 $0xFFFFFC00, v39  }
0x35f: {  	v1 =	vand.u32 $0x380, v1;
	v3 =	vadd.s32 v3, v4  }
0x360: {  	v2 =	vand.u32 $0x7F, v2;
	v1 =	vor.u32 v1, v3  }
0x361: {  	v1 =	vor.u32 v2, v1;
	_ =	sdelay $0x4  }
0x362: {  	[tilespmem:v1+s20+$0x0] =	vst.idx.msk $0xffff, v0  }
0x363: {  	v1 =	vld [tilespmem:$0x280]  }
0x364: {  	v2 =	vld [tilespmem:$0x380];
	_ =	sdelay $0x4  }
0x365: {  	v3 =	vshll.u32 v1, $0x9;
	v40 =	vshll.u32 v2, $0x3  }
0x366: {  	v1 =	vshll.u32 v1, $0x7;
	v3 =	vand.u32 $0xFFFFF000, v3;
	v4 =	vand.u32 $0xFFFFFC00, v40  }
0x367: {  	v1 =	vand.u32 $0x380, v1;
	v3 =	vadd.s32 v3, v4  }
0x368: {  	v2 =	vand.u32 $0x7F, v2;
	v1 =	vor.u32 v1, v3  }
0x369: {  	v1 =	vor.u32 v2, v1;
	_ =	sdelay $0x4  }
0x36a: {  	[tilespmem:v1+s20+$0x0] =	vst.idx.msk $0xffff, v0  }
0x36b: {  	v1 =	vld [tilespmem:$0x290]  }
0x36c: {  	v2 =	vld [tilespmem:$0x390];
	_ =	sdelay $0x4  }
0x36d: {  	v3 =	vshll.u32 v1, $0x9;
	v41 =	vshll.u32 v2, $0x3  }
0x36e: {  	v1 =	vshll.u32 v1, $0x7;
	v3 =	vand.u32 $0xFFFFF000, v3;
	v4 =	vand.u32 $0xFFFFFC00, v41  }
0x36f: {  	v1 =	vand.u32 $0x380, v1;
	v3 =	vadd.s32 v3, v4  }
0x370: {  	v2 =	vand.u32 $0x7F, v2;
	v1 =	vor.u32 v1, v3  }
0x371: {  	v1 =	vor.u32 v2, v1;
	_ =	sdelay $0x4  }
0x372: {  	[tilespmem:v1+s20+$0x0] =	vst.idx.msk $0xffff, v0  }
0x373: {  	v1 =	vld [tilespmem:$0x2A0]  }
0x374: {  	v2 =	vld [tilespmem:$0x3A0];
	_ =	sdelay $0x4  }
0x375: {  	v3 =	vshll.u32 v1, $0x9;
	v42 =	vshll.u32 v2, $0x3  }
0x376: {  	v1 =	vshll.u32 v1, $0x7;
	v3 =	vand.u32 $0xFFFFF000, v3;
	v4 =	vand.u32 $0xFFFFFC00, v42  }
0x377: {  	v1 =	vand.u32 $0x380, v1;
	v3 =	vadd.s32 v3, v4  }
0x378: {  	v2 =	vand.u32 $0x7F, v2;
	v1 =	vor.u32 v1, v3  }
0x379: {  	v1 =	vor.u32 v2, v1;
	_ =	sdelay $0x4  }
0x37a: {  	[tilespmem:v1+s20+$0x0] =	vst.idx.msk $0xffff, v0  }
0x37b: {  	v1 =	vld [tilespmem:$0x2B0]  }
0x37c: {  	v2 =	vld [tilespmem:$0x3B0];
	_ =	sdelay $0x4  }
0x37d: {  	v3 =	vshll.u32 v1, $0x9;
	v43 =	vshll.u32 v2, $0x3  }
0x37e: {  	v1 =	vshll.u32 v1, $0x7;
	v3 =	vand.u32 $0xFFFFF000, v3;
	v4 =	vand.u32 $0xFFFFFC00, v43  }
0x37f: {  	v1 =	vand.u32 $0x380, v1;
	v3 =	vadd.s32 v3, v4  }
0x380: {  	v2 =	vand.u32 $0x7F, v2;
	v1 =	vor.u32 v1, v3  }
0x381: {  	v1 =	vor.u32 v2, v1;
	_ =	sdelay $0x4  }
0x382: {  	[tilespmem:v1+s20+$0x0] =	vst.idx.msk $0xffff, v0  }
0x383: {  	v1 =	vld [tilespmem:$0x2C0]  }
0x384: {  	v2 =	vld [tilespmem:$0x3C0];
	_ =	sdelay $0x4  }
0x385: {  	v3 =	vshll.u32 v1, $0x9;
	v44 =	vshll.u32 v2, $0x3  }
0x386: {  	v1 =	vshll.u32 v1, $0x7;
	v3 =	vand.u32 $0xFFFFF000, v3;
	v4 =	vand.u32 $0xFFFFFC00, v44  }
0x387: {  	v1 =	vand.u32 $0x380, v1;
	v3 =	vadd.s32 v3, v4  }
0x388: {  	v2 =	vand.u32 $0x7F, v2;
	v1 =	vor.u32 v1, v3  }
0x389: {  	v1 =	vor.u32 v2, v1;
	_ =	sdelay $0x4  }
0x38a: {  	[tilespmem:v1+s20+$0x0] =	vst.idx.msk $0xffff, v0  }
0x38b: {  	v1 =	vld [tilespmem:$0x2D0]  }
0x38c: {  	v2 =	vld [tilespmem:$0x3D0];
	_ =	sdelay $0x4  }
0x38d: {  	v3 =	vshll.u32 v1, $0x9;
	v45 =	vshll.u32 v2, $0x3  }
0x38e: {  	v1 =	vshll.u32 v1, $0x7;
	v3 =	vand.u32 $0xFFFFF000, v3;
	v4 =	vand.u32 $0xFFFFFC00, v45  }
0x38f: {  	v1 =	vand.u32 $0x380, v1;
	v3 =	vadd.s32 v3, v4  }
0x390: {  	v2 =	vand.u32 $0x7F, v2;
	v1 =	vor.u32 v1, v3  }
0x391: {  	v1 =	vor.u32 v2, v1;
	_ =	sdelay $0x4  }
0x392: {  	[tilespmem:v1+s20+$0x0] =	vst.idx.msk $0xffff, v0  }
0x393: {  	v1 =	vld [tilespmem:$0x2E0]  }
0x394: {  	v2 =	vld [tilespmem:$0x3E0];
	_ =	sdelay $0x4  }
0x395: {  	v3 =	vshll.u32 v1, $0x9;
	v46 =	vshll.u32 v2, $0x3  }
0x396: {  	v1 =	vshll.u32 v1, $0x7;
	v3 =	vand.u32 $0xFFFFF000, v3;
	v4 =	vand.u32 $0xFFFFFC00, v46  }
0x397: {  	v1 =	vand.u32 $0x380, v1;
	v3 =	vadd.s32 v3, v4  }
0x398: {  	v2 =	vand.u32 $0x7F, v2;
	v1 =	vor.u32 v1, v3  }
0x399: {  	v1 =	vor.u32 v2, v1;
	_ =	sdelay $0x4  }
0x39a: {  	[tilespmem:v1+s20+$0x0] =	vst.idx.msk $0xffff, v0  }
0x39b: {  	v1 =	vld [tilespmem:$0x2F0]  }
0x39c: {  	v2 =	vld [tilespmem:$0x3F0];
	_ =	sdelay $0x4  }
0x39d: {  	v3 =	vshll.u32 v1, $0x9;
	v47 =	vshll.u32 v2, $0x3  }
0x39e: {  	v1 =	vshll.u32 v1, $0x7;
	v3 =	vand.u32 $0xFFFFF000, v3;
	v4 =	vand.u32 $0xFFFFFC00, v47  }
0x39f: {  	v1 =	vand.u32 $0x380, v1;
	v3 =	vadd.s32 v3, v4  }
0x3a0: {  	v2 =	vand.u32 $0x7F, v2;
	v1 =	vor.u32 v1, v3  }
0x3a1: {  	v1 =	vor.u32 v2, v1;
	_ =	sdelay $0x4  }
0x3a2: {  	[tilespmem:v1+s20+$0x0] =	vst.idx.msk $0xffff, v0  }
0x3a3: {  	v1 =	vld [tilespmem:$0x200];
	_ =	sdelay $0x1  }
0x3a4: {  	v2 =	vld [tilespmem:$0x300];
	_ =	sdelay $0x2  }
0x3a5: {  	v3 =	vshll.u32 v1, $0x9;
	v1 =	vshll.u32 v1, $0x7  }
0x3a6: {  	v3 =	vand.u32 $0xFFFFF000, v3;
	v1 =	vand.u32 $0x380, v1  }
0x3a7: {  	v48 =	vand.u32 $0x7F, v2;
	v2 =	vshll.u32 v2, $0x3;
	v1 =	vor.u32 v1, v3  }
0x3a8: {  	v2 =	vand.u32 $0xFFFFFC00, v2;
	v1 =	vor.u32 v48, v1  }
0x3a9: {  	v1 =	vadd.s32 v2, v1  }
0x3aa: {  	v1 =	vadd.s32 $0x3000, v1;
	_ =	sdelay $0x4  }
0x3ab: {  	[tilespmem:v1+s20+$0x0] =	vst.idx.msk $0xffff, v0  }
0x3ac: {  	v1 =	vld [tilespmem:$0x210];
	_ =	sdelay $0x1  }
0x3ad: {  	v2 =	vld [tilespmem:$0x310];
	_ =	sdelay $0x2  }
0x3ae: {  	v3 =	vshll.u32 v1, $0x9;
	v1 =	vshll.u32 v1, $0x7  }
0x3af: {  	v3 =	vand.u32 $0xFFFFF000, v3;
	v1 =	vand.u32 $0x380, v1  }
0x3b0: {  	v49 =	vand.u32 $0x7F, v2;
	v2 =	vshll.u32 v2, $0x3;
	v1 =	vor.u32 v1, v3  }
0x3b1: {  	v2 =	vand.u32 $0xFFFFFC00, v2;
	v1 =	vor.u32 v49, v1  }
0x3b2: {  	v1 =	vadd.s32 v2, v1  }
0x3b3: {  	v1 =	vadd.s32 $0x3000, v1;
	_ =	sdelay $0x4  }
0x3b4: {  	[tilespmem:v1+s20+$0x0] =	vst.idx.msk $0xffff, v0  }
0x3b5: {  	v1 =	vld [tilespmem:$0x220];
	_ =	sdelay $0x1  }
0x3b6: {  	v2 =	vld [tilespmem:$0x320];
	_ =	sdelay $0x2  }
0x3b7: {  	v3 =	vshll.u32 v1, $0x9;
	v1 =	vshll.u32 v1, $0x7  }
0x3b8: {  	v3 =	vand.u32 $0xFFFFF000, v3;
	v1 =	vand.u32 $0x380, v1  }
0x3b9: {  	v50 =	vand.u32 $0x7F, v2;
	v2 =	vshll.u32 v2, $0x3;
	v1 =	vor.u32 v1, v3  }
0x3ba: {  	v2 =	vand.u32 $0xFFFFFC00, v2;
	v1 =	vor.u32 v50, v1  }
0x3bb: {  	v1 =	vadd.s32 v2, v1  }
0x3bc: {  	v1 =	vadd.s32 $0x3000, v1;
	_ =	sdelay $0x4  }
0x3bd: {  	[tilespmem:v1+s20+$0x0] =	vst.idx.msk $0xffff, v0  }
0x3be: {  	v1 =	vld [tilespmem:$0x230];
	_ =	sdelay $0x1  }
0x3bf: {  	v2 =	vld [tilespmem:$0x330];
	_ =	sdelay $0x2  }
0x3c0: {  	v3 =	vshll.u32 v1, $0x9;
	v1 =	vshll.u32 v1, $0x7  }
0x3c1: {  	v3 =	vand.u32 $0xFFFFF000, v3;
	v1 =	vand.u32 $0x380, v1  }
0x3c2: {  	v51 =	vand.u32 $0x7F, v2;
	v2 =	vshll.u32 v2, $0x3;
	v1 =	vor.u32 v1, v3  }
0x3c3: {  	v2 =	vand.u32 $0xFFFFFC00, v2;
	v1 =	vor.u32 v51, v1  }
0x3c4: {  	v1 =	vadd.s32 v2, v1  }
0x3c5: {  	v1 =	vadd.s32 $0x3000, v1;
	_ =	sdelay $0x4  }
0x3c6: {  	[tilespmem:v1+s20+$0x0] =	vst.idx.msk $0xffff, v0  }
0x3c7: {  	v1 =	vld [tilespmem:$0x240];
	_ =	sdelay $0x1  }
0x3c8: {  	v2 =	vld [tilespmem:$0x340];
	_ =	sdelay $0x2  }
0x3c9: {  	v3 =	vshll.u32 v1, $0x9;
	v1 =	vshll.u32 v1, $0x7  }
0x3ca: {  	v3 =	vand.u32 $0xFFFFF000, v3;
	v1 =	vand.u32 $0x380, v1  }
0x3cb: {  	v52 =	vand.u32 $0x7F, v2;
	v2 =	vshll.u32 v2, $0x3;
	v1 =	vor.u32 v1, v3  }
0x3cc: {  	v2 =	vand.u32 $0xFFFFFC00, v2;
	v1 =	vor.u32 v52, v1  }
0x3cd: {  	v1 =	vadd.s32 v2, v1  }
0x3ce: {  	v1 =	vadd.s32 $0x3000, v1;
	_ =	sdelay $0x4  }
0x3cf: {  	[tilespmem:v1+s20+$0x0] =	vst.idx.msk $0xffff, v0  }
0x3d0: {  	v1 =	vld [tilespmem:$0x250];
	_ =	sdelay $0x1  }
0x3d1: {  	v2 =	vld [tilespmem:$0x350];
	_ =	sdelay $0x2  }
0x3d2: {  	v3 =	vshll.u32 v1, $0x9;
	v1 =	vshll.u32 v1, $0x7  }
0x3d3: {  	v3 =	vand.u32 $0xFFFFF000, v3;
	v1 =	vand.u32 $0x380, v1  }
0x3d4: {  	v53 =	vand.u32 $0x7F, v2;
	v2 =	vshll.u32 v2, $0x3;
	v1 =	vor.u32 v1, v3  }
0x3d5: {  	v2 =	vand.u32 $0xFFFFFC00, v2;
	v1 =	vor.u32 v53, v1  }
0x3d6: {  	v1 =	vadd.s32 v2, v1  }
0x3d7: {  	v1 =	vadd.s32 $0x3000, v1;
	_ =	sdelay $0x4  }
0x3d8: {  	[tilespmem:v1+s20+$0x0] =	vst.idx.msk $0xffff, v0  }
0x3d9: {  	v1 =	vld [tilespmem:$0x260];
	_ =	sdelay $0x1  }
0x3da: {  	v2 =	vld [tilespmem:$0x360];
	_ =	sdelay $0x2  }
0x3db: {  	v3 =	vshll.u32 v1, $0x9;
	v1 =	vshll.u32 v1, $0x7  }
0x3dc: {  	v3 =	vand.u32 $0xFFFFF000, v3;
	v1 =	vand.u32 $0x380, v1  }
0x3dd: {  	v54 =	vand.u32 $0x7F, v2;
	v2 =	vshll.u32 v2, $0x3;
	v1 =	vor.u32 v1, v3  }
0x3de: {  	v2 =	vand.u32 $0xFFFFFC00, v2;
	v1 =	vor.u32 v54, v1  }
0x3df: {  	v1 =	vadd.s32 v2, v1  }
0x3e0: {  	v1 =	vadd.s32 $0x3000, v1;
	_ =	sdelay $0x4  }
0x3e1: {  	[tilespmem:v1+s20+$0x0] =	vst.idx.msk $0xffff, v0  }
0x3e2: {  	v1 =	vld [tilespmem:$0x270];
	_ =	sdelay $0x1  }
0x3e3: {  	v2 =	vld [tilespmem:$0x370];
	_ =	sdelay $0x2  }
0x3e4: {  	v3 =	vshll.u32 v1, $0x9;
	v1 =	vshll.u32 v1, $0x7  }
0x3e5: {  	v3 =	vand.u32 $0xFFFFF000, v3;
	v1 =	vand.u32 $0x380, v1  }
0x3e6: {  	v55 =	vand.u32 $0x7F, v2;
	v2 =	vshll.u32 v2, $0x3;
	v1 =	vor.u32 v1, v3  }
0x3e7: {  	v2 =	vand.u32 $0xFFFFFC00, v2;
	v1 =	vor.u32 v55, v1  }
0x3e8: {  	v1 =	vadd.s32 v2, v1  }
0x3e9: {  	v1 =	vadd.s32 $0x3000, v1;
	_ =	sdelay $0x4  }
0x3ea: {  	[tilespmem:v1+s20+$0x0] =	vst.idx.msk $0xffff, v0  }
0x3eb: {  	v1 =	vld [tilespmem:$0x280];
	_ =	sdelay $0x1  }
0x3ec: {  	v2 =	vld [tilespmem:$0x380];
	_ =	sdelay $0x2  }
0x3ed: {  	v3 =	vshll.u32 v1, $0x9;
	v1 =	vshll.u32 v1, $0x7  }
0x3ee: {  	v3 =	vand.u32 $0xFFFFF000, v3;
	v1 =	vand.u32 $0x380, v1  }
0x3ef: {  	v56 =	vand.u32 $0x7F, v2;
	v2 =	vshll.u32 v2, $0x3;
	v1 =	vor.u32 v1, v3  }
0x3f0: {  	v2 =	vand.u32 $0xFFFFFC00, v2;
	v1 =	vor.u32 v56, v1  }
0x3f1: {  	v1 =	vadd.s32 v2, v1  }
0x3f2: {  	v1 =	vadd.s32 $0x3000, v1;
	_ =	sdelay $0x4  }
0x3f3: {  	[tilespmem:v1+s20+$0x0] =	vst.idx.msk $0xffff, v0  }
0x3f4: {  	v1 =	vld [tilespmem:$0x290];
	_ =	sdelay $0x1  }
0x3f5: {  	v2 =	vld [tilespmem:$0x390];
	_ =	sdelay $0x2  }
0x3f6: {  	v3 =	vshll.u32 v1, $0x9;
	v1 =	vshll.u32 v1, $0x7  }
0x3f7: {  	v3 =	vand.u32 $0xFFFFF000, v3;
	v1 =	vand.u32 $0x380, v1  }
0x3f8: {  	v57 =	vand.u32 $0x7F, v2;
	v2 =	vshll.u32 v2, $0x3;
	v1 =	vor.u32 v1, v3  }
0x3f9: {  	v2 =	vand.u32 $0xFFFFFC00, v2;
	v1 =	vor.u32 v57, v1  }
0x3fa: {  	v1 =	vadd.s32 v2, v1  }
0x3fb: {  	v1 =	vadd.s32 $0x3000, v1;
	_ =	sdelay $0x4  }
0x3fc: {  	[tilespmem:v1+s20+$0x0] =	vst.idx.msk $0xffff, v0  }
0x3fd: {  	v1 =	vld [tilespmem:$0x2A0];
	_ =	sdelay $0x1  }
0x3fe: {  	v2 =	vld [tilespmem:$0x3A0];
	_ =	sdelay $0x2  }
0x3ff: {  	v3 =	vshll.u32 v1, $0x9;
	v1 =	vshll.u32 v1, $0x7  }
0x400: {  	v3 =	vand.u32 $0xFFFFF000, v3;
	v1 =	vand.u32 $0x380, v1  }
0x401: {  	v58 =	vand.u32 $0x7F, v2;
	v2 =	vshll.u32 v2, $0x3;
	v1 =	vor.u32 v1, v3  }
0x402: {  	v2 =	vand.u32 $0xFFFFFC00, v2;
	v1 =	vor.u32 v58, v1  }
0x403: {  	v1 =	vadd.s32 v2, v1  }
0x404: {  	v1 =	vadd.s32 $0x3000, v1;
	_ =	sdelay $0x4  }
0x405: {  	[tilespmem:v1+s20+$0x0] =	vst.idx.msk $0xffff, v0  }
0x406: {  	v1 =	vld [tilespmem:$0x2B0];
	_ =	sdelay $0x1  }
0x407: {  	v2 =	vld [tilespmem:$0x3B0];
	_ =	sdelay $0x2  }
0x408: {  	v3 =	vshll.u32 v1, $0x9;
	v1 =	vshll.u32 v1, $0x7  }
0x409: {  	v3 =	vand.u32 $0xFFFFF000, v3;
	v1 =	vand.u32 $0x380, v1  }
0x40a: {  	v59 =	vand.u32 $0x7F, v2;
	v2 =	vshll.u32 v2, $0x3;
	v1 =	vor.u32 v1, v3  }
0x40b: {  	v2 =	vand.u32 $0xFFFFFC00, v2;
	v1 =	vor.u32 v59, v1  }
0x40c: {  	v1 =	vadd.s32 v2, v1  }
0x40d: {  	v1 =	vadd.s32 $0x3000, v1;
	_ =	sdelay $0x4  }
0x40e: {  	[tilespmem:v1+s20+$0x0] =	vst.idx.msk $0xffff, v0  }
0x40f: {  	v1 =	vld [tilespmem:$0x2C0];
	_ =	sdelay $0x1  }
0x410: {  	v2 =	vld [tilespmem:$0x3C0];
	_ =	sdelay $0x2  }
0x411: {  	v3 =	vshll.u32 v1, $0x9;
	v1 =	vshll.u32 v1, $0x7  }
0x412: {  	v3 =	vand.u32 $0xFFFFF000, v3;
	v1 =	vand.u32 $0x380, v1  }
0x413: {  	v60 =	vand.u32 $0x7F, v2;
	v2 =	vshll.u32 v2, $0x3;
	v1 =	vor.u32 v1, v3  }
0x414: {  	v2 =	vand.u32 $0xFFFFFC00, v2;
	v1 =	vor.u32 v60, v1  }
0x415: {  	v1 =	vadd.s32 v2, v1  }
0x416: {  	v1 =	vadd.s32 $0x3000, v1;
	_ =	sdelay $0x4  }
0x417: {  	[tilespmem:v1+s20+$0x0] =	vst.idx.msk $0xffff, v0  }
0x418: {  	v1 =	vld [tilespmem:$0x2D0];
	_ =	sdelay $0x1  }
0x419: {  	v2 =	vld [tilespmem:$0x3D0];
	_ =	sdelay $0x2  }
0x41a: {  	v3 =	vshll.u32 v1, $0x9;
	v1 =	vshll.u32 v1, $0x7  }
0x41b: {  	v3 =	vand.u32 $0xFFFFF000, v3;
	v1 =	vand.u32 $0x380, v1  }
0x41c: {  	v61 =	vand.u32 $0x7F, v2;
	v2 =	vshll.u32 v2, $0x3;
	v1 =	vor.u32 v1, v3  }
0x41d: {  	v2 =	vand.u32 $0xFFFFFC00, v2;
	v1 =	vor.u32 v61, v1  }
0x41e: {  	v1 =	vadd.s32 v2, v1  }
0x41f: {  	v1 =	vadd.s32 $0x3000, v1;
	_ =	sdelay $0x4  }
0x420: {  	[tilespmem:v1+s20+$0x0] =	vst.idx.msk $0xffff, v0  }
0x421: {  	v1 =	vld [tilespmem:$0x2E0];
	_ =	sdelay $0x1  }
0x422: {  	v2 =	vld [tilespmem:$0x3E0];
	_ =	sdelay $0x2  }
0x423: {  	v3 =	vshll.u32 v1, $0x9;
	v1 =	vshll.u32 v1, $0x7  }
0x424: {  	v3 =	vand.u32 $0xFFFFF000, v3;
	v1 =	vand.u32 $0x380, v1  }
0x425: {  	v62 =	vand.u32 $0x7F, v2;
	v2 =	vshll.u32 v2, $0x3;
	v1 =	vor.u32 v1, v3  }
0x426: {  	v2 =	vand.u32 $0xFFFFFC00, v2;
	v1 =	vor.u32 v62, v1  }
0x427: {  	v1 =	vadd.s32 v2, v1  }
0x428: {  	v1 =	vadd.s32 $0x3000, v1;
	_ =	sdelay $0x4  }
0x429: {  	[tilespmem:v1+s20+$0x0] =	vst.idx.msk $0xffff, v0  }
0x42a: {  	v1 =	vld [tilespmem:$0x2F0];
	_ =	sdelay $0x1  }
0x42b: {  	v2 =	vld [tilespmem:$0x3F0];
	_ =	sdelay $0x2  }
0x42c: {  	v3 =	vshll.u32 v1, $0x9;
	v1 =	vshll.u32 v1, $0x7  }
0x42d: {  	v3 =	vand.u32 $0xFFFFF000, v3;
	v1 =	vand.u32 $0x380, v1  }
0x42e: {  	v63 =	vand.u32 $0x7F, v2;
	v2 =	vshll.u32 v2, $0x3;
	v1 =	vor.u32 v1, v3  }
0x42f: {  	v2 =	vand.u32 $0xFFFFFC00, v2;
	v1 =	vor.u32 v63, v1  }
0x430: {  	v1 =	vadd.s32 v2, v1  }
0x431: {  	v1 =	vadd.s32 $0x3000, v1;
	_ =	sdelay $0x4  }
0x432: {  	[tilespmem:v1+s20+$0x0] =	vst.idx.msk $0xffff, v0  }
.LBB2_6:
0x433: {  	_ =	swait.ge [sflag:s28], $0x4000  }
0x434: {  	[sflag:s28] =	ssyncset.done $0x0  }
0x435: {  	[sflag:s28] =	ssyncadd.s32 $0xFFFFC000  }
0x436: {  	v1 =	vld [tilespmem:$0x0]  }
0x437: {  	v2 =	vld [tilespmem:$0x100];
	_ =	sdelay $0x3  }
0x438: {  	v3 =	vld [tilespmem:$0x200]  }
0x439: {  	v6 =	vld [tilespmem:$0x300];
	v4 =	vshll.u32 v1, $0x9;
	v5 =	vshll.u32 v2, $0x3  }
0x43a: {  	v1 =	vshll.u32 v1, $0x7;
	v4 =	vand.u32 $0xFFFFF000, v4;
	v5 =	vand.u32 $0xFFFFFC00, v5  }
0x43b: {  	v1 =	vand.u32 $0x380, v1;
	v4 =	vadd.s32 v4, v5  }
0x43c: {  	v2 =	vand.u32 $0x7F, v2;
	v1 =	vor.u32 v1, v4  }
0x43d: {  	v1 =	vor.u32 v2, v1  }
0x43e: {  	v49 =	vshll.u32 v6, $0x3;
	v2 =	vshll.u32 v3, $0x9  }
0x43f: {  	v4 =	vand.u32 $0xFFFFFC00, v49;
	v3 =	vshll.u32 v3, $0x7;
	v2 =	vand.u32 $0xFFFFF000, v2  }
0x440: {  	v3 =	vand.u32 $0x380, v3;
	v2 =	vadd.s32 v2, v4  }
0x441: {  	v50 =	vand.u32 $0x7F, v6;
	v2 =	vor.u32 v3, v2  }
0x442: {  	v2 =	vor.u32 v50, v2;
	v1 =	vld.idx.msk [tilespmem:v1+s25+$0x0], $0xffff;
	_ =	sdelay $0x4  }
0x443: {  	[tilespmem:v2+s20+$0x0] =	vst.idx.msk $0xffff, v1  }
0x444: {  	v1 =	vld [tilespmem:$0x10]  }
0x445: {  	v2 =	vld [tilespmem:$0x110];
	_ =	sdelay $0x3  }
0x446: {  	v3 =	vld [tilespmem:$0x210]  }
0x447: {  	v53 =	vld [tilespmem:$0x310];
	v51 =	vshll.u32 v1, $0x9;
	v52 =	vshll.u32 v2, $0x3  }
0x448: {  	v1 =	vshll.u32 v1, $0x7;
	v4 =	vand.u32 $0xFFFFF000, v51;
	v5 =	vand.u32 $0xFFFFFC00, v52  }
0x449: {  	v1 =	vand.u32 $0x380, v1;
	v4 =	vadd.s32 v4, v5  }
0x44a: {  	v2 =	vand.u32 $0x7F, v2;
	v1 =	vor.u32 v1, v4  }
0x44b: {  	v1 =	vor.u32 v2, v1  }
0x44c: {  	v54 =	vshll.u32 v53, $0x3;
	v2 =	vshll.u32 v3, $0x9  }
0x44d: {  	v4 =	vand.u32 $0xFFFFFC00, v54;
	v3 =	vshll.u32 v3, $0x7;
	v2 =	vand.u32 $0xFFFFF000, v2  }
0x44e: {  	v3 =	vand.u32 $0x380, v3;
	v2 =	vadd.s32 v2, v4  }
0x44f: {  	v55 =	vand.u32 $0x7F, v53;
	v2 =	vor.u32 v3, v2  }
0x450: {  	v2 =	vor.u32 v55, v2;
	v1 =	vld.idx.msk [tilespmem:v1+s25+$0x0], $0xffff;
	_ =	sdelay $0x4  }
0x451: {  	[tilespmem:v2+s20+$0x0] =	vst.idx.msk $0xffff, v1  }
0x452: {  	v1 =	vld [tilespmem:$0x20]  }
0x453: {  	v2 =	vld [tilespmem:$0x120];
	_ =	sdelay $0x3  }
0x454: {  	v3 =	vld [tilespmem:$0x220]  }
0x455: {  	v58 =	vld [tilespmem:$0x320];
	v56 =	vshll.u32 v1, $0x9;
	v57 =	vshll.u32 v2, $0x3  }
0x456: {  	v1 =	vshll.u32 v1, $0x7;
	v4 =	vand.u32 $0xFFFFF000, v56;
	v5 =	vand.u32 $0xFFFFFC00, v57  }
0x457: {  	v1 =	vand.u32 $0x380, v1;
	v4 =	vadd.s32 v4, v5  }
0x458: {  	v2 =	vand.u32 $0x7F, v2;
	v1 =	vor.u32 v1, v4  }
0x459: {  	v1 =	vor.u32 v2, v1  }
0x45a: {  	v59 =	vshll.u32 v58, $0x3;
	v2 =	vshll.u32 v3, $0x9  }
0x45b: {  	v4 =	vand.u32 $0xFFFFFC00, v59;
	v3 =	vshll.u32 v3, $0x7;
	v2 =	vand.u32 $0xFFFFF000, v2  }
0x45c: {  	v3 =	vand.u32 $0x380, v3;
	v2 =	vadd.s32 v2, v4  }
0x45d: {  	v60 =	vand.u32 $0x7F, v58;
	v2 =	vor.u32 v3, v2  }
0x45e: {  	v2 =	vor.u32 v60, v2;
	v1 =	vld.idx.msk [tilespmem:v1+s25+$0x0], $0xffff;
	_ =	sdelay $0x4  }
0x45f: {  	[tilespmem:v2+s20+$0x0] =	vst.idx.msk $0xffff, v1  }
0x460: {  	v1 =	vld [tilespmem:$0x30]  }
0x461: {  	v2 =	vld [tilespmem:$0x130];
	_ =	sdelay $0x3  }
0x462: {  	v3 =	vld [tilespmem:$0x230]  }
0x463: {  	v63 =	vld [tilespmem:$0x330];
	v61 =	vshll.u32 v1, $0x9;
	v62 =	vshll.u32 v2, $0x3  }
0x464: {  	v1 =	vshll.u32 v1, $0x7;
	v4 =	vand.u32 $0xFFFFF000, v61;
	v5 =	vand.u32 $0xFFFFFC00, v62  }
0x465: {  	v1 =	vand.u32 $0x380, v1;
	v4 =	vadd.s32 v4, v5  }
0x466: {  	v2 =	vand.u32 $0x7F, v2;
	v1 =	vor.u32 v1, v4  }
0x467: {  	v1 =	vor.u32 v2, v1  }
0x468: {  	v9 =	vshll.u32 v63, $0x3;
	v2 =	vshll.u32 v3, $0x9  }
0x469: {  	v4 =	vand.u32 $0xFFFFFC00, v9;
	v3 =	vshll.u32 v3, $0x7;
	v2 =	vand.u32 $0xFFFFF000, v2  }
0x46a: {  	v3 =	vand.u32 $0x380, v3;
	v2 =	vadd.s32 v2, v4  }
0x46b: {  	v10 =	vand.u32 $0x7F, v63;
	v2 =	vor.u32 v3, v2  }
0x46c: {  	v2 =	vor.u32 v10, v2;
	v1 =	vld.idx.msk [tilespmem:v1+s25+$0x0], $0xffff;
	_ =	sdelay $0x4  }
0x46d: {  	[tilespmem:v2+s20+$0x0] =	vst.idx.msk $0xffff, v1  }
0x46e: {  	v1 =	vld [tilespmem:$0x40]  }
0x46f: {  	v2 =	vld [tilespmem:$0x140];
	_ =	sdelay $0x3  }
0x470: {  	v3 =	vld [tilespmem:$0x240]  }
0x471: {  	v13 =	vld [tilespmem:$0x340];
	v11 =	vshll.u32 v1, $0x9;
	v12 =	vshll.u32 v2, $0x3  }
0x472: {  	v1 =	vshll.u32 v1, $0x7;
	v4 =	vand.u32 $0xFFFFF000, v11;
	v5 =	vand.u32 $0xFFFFFC00, v12  }
0x473: {  	v1 =	vand.u32 $0x380, v1;
	v4 =	vadd.s32 v4, v5  }
0x474: {  	v2 =	vand.u32 $0x7F, v2;
	v1 =	vor.u32 v1, v4  }
0x475: {  	v1 =	vor.u32 v2, v1  }
0x476: {  	v14 =	vshll.u32 v13, $0x3;
	v2 =	vshll.u32 v3, $0x9  }
0x477: {  	v4 =	vand.u32 $0xFFFFFC00, v14;
	v3 =	vshll.u32 v3, $0x7;
	v2 =	vand.u32 $0xFFFFF000, v2  }
0x478: {  	v3 =	vand.u32 $0x380, v3;
	v2 =	vadd.s32 v2, v4  }
0x479: {  	v15 =	vand.u32 $0x7F, v13;
	v2 =	vor.u32 v3, v2  }
0x47a: {  	v2 =	vor.u32 v15, v2;
	v1 =	vld.idx.msk [tilespmem:v1+s25+$0x0], $0xffff;
	_ =	sdelay $0x4  }
0x47b: {  	[tilespmem:v2+s20+$0x0] =	vst.idx.msk $0xffff, v1  }
0x47c: {  	v1 =	vld [tilespmem:$0x50]  }
0x47d: {  	v2 =	vld [tilespmem:$0x150];
	_ =	sdelay $0x3  }
0x47e: {  	v3 =	vld [tilespmem:$0x250]  }
0x47f: {  	v18 =	vld [tilespmem:$0x350];
	v16 =	vshll.u32 v1, $0x9;
	v17 =	vshll.u32 v2, $0x3  }
0x480: {  	v1 =	vshll.u32 v1, $0x7;
	v4 =	vand.u32 $0xFFFFF000, v16;
	v5 =	vand.u32 $0xFFFFFC00, v17  }
0x481: {  	v1 =	vand.u32 $0x380, v1;
	v4 =	vadd.s32 v4, v5  }
0x482: {  	v2 =	vand.u32 $0x7F, v2;
	v1 =	vor.u32 v1, v4  }
0x483: {  	v1 =	vor.u32 v2, v1  }
0x484: {  	v19 =	vshll.u32 v18, $0x3;
	v2 =	vshll.u32 v3, $0x9  }
0x485: {  	v4 =	vand.u32 $0xFFFFFC00, v19;
	v3 =	vshll.u32 v3, $0x7;
	v2 =	vand.u32 $0xFFFFF000, v2  }
0x486: {  	v3 =	vand.u32 $0x380, v3;
	v2 =	vadd.s32 v2, v4  }
0x487: {  	v20 =	vand.u32 $0x7F, v18;
	v2 =	vor.u32 v3, v2  }
0x488: {  	v2 =	vor.u32 v20, v2;
	v1 =	vld.idx.msk [tilespmem:v1+s25+$0x0], $0xffff;
	_ =	sdelay $0x4  }
0x489: {  	[tilespmem:v2+s20+$0x0] =	vst.idx.msk $0xffff, v1  }
0x48a: {  	v1 =	vld [tilespmem:$0x60]  }
0x48b: {  	v2 =	vld [tilespmem:$0x160];
	_ =	sdelay $0x3  }
0x48c: {  	v3 =	vld [tilespmem:$0x260]  }
0x48d: {  	v23 =	vld [tilespmem:$0x360];
	v21 =	vshll.u32 v1, $0x9;
	v22 =	vshll.u32 v2, $0x3  }
0x48e: {  	v1 =	vshll.u32 v1, $0x7;
	v4 =	vand.u32 $0xFFFFF000, v21;
	v5 =	vand.u32 $0xFFFFFC00, v22  }
0x48f: {  	v1 =	vand.u32 $0x380, v1;
	v4 =	vadd.s32 v4, v5  }
0x490: {  	v2 =	vand.u32 $0x7F, v2;
	v1 =	vor.u32 v1, v4  }
0x491: {  	v1 =	vor.u32 v2, v1  }
0x492: {  	v24 =	vshll.u32 v23, $0x3;
	v2 =	vshll.u32 v3, $0x9  }
0x493: {  	v4 =	vand.u32 $0xFFFFFC00, v24;
	v3 =	vshll.u32 v3, $0x7;
	v2 =	vand.u32 $0xFFFFF000, v2  }
0x494: {  	v3 =	vand.u32 $0x380, v3;
	v2 =	vadd.s32 v2, v4  }
0x495: {  	v25 =	vand.u32 $0x7F, v23;
	v2 =	vor.u32 v3, v2  }
0x496: {  	v2 =	vor.u32 v25, v2;
	v1 =	vld.idx.msk [tilespmem:v1+s25+$0x0], $0xffff;
	_ =	sdelay $0x4  }
0x497: {  	[tilespmem:v2+s20+$0x0] =	vst.idx.msk $0xffff, v1  }
0x498: {  	v1 =	vld [tilespmem:$0x70]  }
0x499: {  	v2 =	vld [tilespmem:$0x170];
	_ =	sdelay $0x3  }
0x49a: {  	v3 =	vld [tilespmem:$0x270]  }
0x49b: {  	v28 =	vld [tilespmem:$0x370];
	v26 =	vshll.u32 v1, $0x9;
	v27 =	vshll.u32 v2, $0x3  }
0x49c: {  	v1 =	vshll.u32 v1, $0x7;
	v4 =	vand.u32 $0xFFFFF000, v26;
	v5 =	vand.u32 $0xFFFFFC00, v27  }
0x49d: {  	v1 =	vand.u32 $0x380, v1;
	v4 =	vadd.s32 v4, v5  }
0x49e: {  	v2 =	vand.u32 $0x7F, v2;
	v1 =	vor.u32 v1, v4  }
0x49f: {  	v1 =	vor.u32 v2, v1  }
0x4a0: {  	v29 =	vshll.u32 v28, $0x3;
	v2 =	vshll.u32 v3, $0x9  }
0x4a1: {  	v4 =	vand.u32 $0xFFFFFC00, v29;
	v3 =	vshll.u32 v3, $0x7;
	v2 =	vand.u32 $0xFFFFF000, v2  }
0x4a2: {  	v3 =	vand.u32 $0x380, v3;
	v2 =	vadd.s32 v2, v4  }
0x4a3: {  	v30 =	vand.u32 $0x7F, v28;
	v2 =	vor.u32 v3, v2  }
0x4a4: {  	v2 =	vor.u32 v30, v2;
	v1 =	vld.idx.msk [tilespmem:v1+s25+$0x0], $0xffff;
	_ =	sdelay $0x4  }
0x4a5: {  	[tilespmem:v2+s20+$0x0] =	vst.idx.msk $0xffff, v1  }
0x4a6: {  	v1 =	vld [tilespmem:$0x80]  }
0x4a7: {  	v2 =	vld [tilespmem:$0x180];
	_ =	sdelay $0x3  }
0x4a8: {  	v3 =	vld [tilespmem:$0x280]  }
0x4a9: {  	v33 =	vld [tilespmem:$0x380];
	v31 =	vshll.u32 v1, $0x9;
	v32 =	vshll.u32 v2, $0x3  }
0x4aa: {  	v1 =	vshll.u32 v1, $0x7;
	v4 =	vand.u32 $0xFFFFF000, v31;
	v5 =	vand.u32 $0xFFFFFC00, v32  }
0x4ab: {  	v1 =	vand.u32 $0x380, v1;
	v4 =	vadd.s32 v4, v5  }
0x4ac: {  	v2 =	vand.u32 $0x7F, v2;
	v1 =	vor.u32 v1, v4  }
0x4ad: {  	v1 =	vor.u32 v2, v1  }
0x4ae: {  	v34 =	vshll.u32 v33, $0x3;
	v2 =	vshll.u32 v3, $0x9  }
0x4af: {  	v4 =	vand.u32 $0xFFFFFC00, v34;
	v3 =	vshll.u32 v3, $0x7;
	v2 =	vand.u32 $0xFFFFF000, v2  }
0x4b0: {  	v3 =	vand.u32 $0x380, v3;
	v2 =	vadd.s32 v2, v4  }
0x4b1: {  	v35 =	vand.u32 $0x7F, v33;
	v2 =	vor.u32 v3, v2  }
0x4b2: {  	v2 =	vor.u32 v35, v2;
	v1 =	vld.idx.msk [tilespmem:v1+s25+$0x0], $0xffff;
	_ =	sdelay $0x4  }
0x4b3: {  	[tilespmem:v2+s20+$0x0] =	vst.idx.msk $0xffff, v1  }
0x4b4: {  	v1 =	vld [tilespmem:$0x90]  }
0x4b5: {  	v2 =	vld [tilespmem:$0x190];
	_ =	sdelay $0x3  }
0x4b6: {  	v3 =	vld [tilespmem:$0x290]  }
0x4b7: {  	v38 =	vld [tilespmem:$0x390];
	v36 =	vshll.u32 v1, $0x9;
	v37 =	vshll.u32 v2, $0x3  }
0x4b8: {  	v1 =	vshll.u32 v1, $0x7;
	v4 =	vand.u32 $0xFFFFF000, v36;
	v5 =	vand.u32 $0xFFFFFC00, v37  }
0x4b9: {  	v1 =	vand.u32 $0x380, v1;
	v4 =	vadd.s32 v4, v5  }
0x4ba: {  	v2 =	vand.u32 $0x7F, v2;
	v1 =	vor.u32 v1, v4  }
0x4bb: {  	v1 =	vor.u32 v2, v1  }
0x4bc: {  	v39 =	vshll.u32 v38, $0x3;
	v2 =	vshll.u32 v3, $0x9  }
0x4bd: {  	v4 =	vand.u32 $0xFFFFFC00, v39;
	v3 =	vshll.u32 v3, $0x7;
	v2 =	vand.u32 $0xFFFFF000, v2  }
0x4be: {  	v3 =	vand.u32 $0x380, v3;
	v2 =	vadd.s32 v2, v4  }
0x4bf: {  	v40 =	vand.u32 $0x7F, v38;
	v2 =	vor.u32 v3, v2  }
0x4c0: {  	v2 =	vor.u32 v40, v2;
	v1 =	vld.idx.msk [tilespmem:v1+s25+$0x0], $0xffff;
	_ =	sdelay $0x4  }
0x4c1: {  	[tilespmem:v2+s20+$0x0] =	vst.idx.msk $0xffff, v1  }
0x4c2: {  	v1 =	vld [tilespmem:$0xA0]  }
0x4c3: {  	v2 =	vld [tilespmem:$0x1A0];
	_ =	sdelay $0x3  }
0x4c4: {  	v3 =	vld [tilespmem:$0x2A0]  }
0x4c5: {  	v43 =	vld [tilespmem:$0x3A0];
	v41 =	vshll.u32 v1, $0x9;
	v42 =	vshll.u32 v2, $0x3  }
0x4c6: {  	v1 =	vshll.u32 v1, $0x7;
	v4 =	vand.u32 $0xFFFFF000, v41;
	v5 =	vand.u32 $0xFFFFFC00, v42  }
0x4c7: {  	v1 =	vand.u32 $0x380, v1;
	v4 =	vadd.s32 v4, v5  }
0x4c8: {  	v2 =	vand.u32 $0x7F, v2;
	v1 =	vor.u32 v1, v4  }
0x4c9: {  	v1 =	vor.u32 v2, v1  }
0x4ca: {  	v44 =	vshll.u32 v43, $0x3;
	v2 =	vshll.u32 v3, $0x9  }
0x4cb: {  	v4 =	vand.u32 $0xFFFFFC00, v44;
	v3 =	vshll.u32 v3, $0x7;
	v2 =	vand.u32 $0xFFFFF000, v2  }
0x4cc: {  	v3 =	vand.u32 $0x380, v3;
	v2 =	vadd.s32 v2, v4  }
0x4cd: {  	v45 =	vand.u32 $0x7F, v43;
	v2 =	vor.u32 v3, v2  }
0x4ce: {  	v2 =	vor.u32 v45, v2;
	v1 =	vld.idx.msk [tilespmem:v1+s25+$0x0], $0xffff;
	_ =	sdelay $0x4  }
0x4cf: {  	[tilespmem:v2+s20+$0x0] =	vst.idx.msk $0xffff, v1  }
0x4d0: {  	v1 =	vld [tilespmem:$0xB0]  }
0x4d1: {  	v2 =	vld [tilespmem:$0x1B0];
	_ =	sdelay $0x3  }
0x4d2: {  	v3 =	vld [tilespmem:$0x2B0]  }
0x4d3: {  	v48 =	vld [tilespmem:$0x3B0];
	v46 =	vshll.u32 v1, $0x9;
	v47 =	vshll.u32 v2, $0x3  }
0x4d4: {  	v1 =	vshll.u32 v1, $0x7;
	v4 =	vand.u32 $0xFFFFF000, v46;
	v5 =	vand.u32 $0xFFFFFC00, v47  }
0x4d5: {  	v1 =	vand.u32 $0x380, v1;
	v4 =	vadd.s32 v4, v5  }
0x4d6: {  	v2 =	vand.u32 $0x7F, v2;
	v1 =	vor.u32 v1, v4  }
0x4d7: {  	v1 =	vor.u32 v2, v1  }
0x4d8: {  	v49 =	vshll.u32 v48, $0x3;
	v2 =	vshll.u32 v3, $0x9  }
0x4d9: {  	v4 =	vand.u32 $0xFFFFFC00, v49;
	v3 =	vshll.u32 v3, $0x7;
	v2 =	vand.u32 $0xFFFFF000, v2  }
0x4da: {  	v3 =	vand.u32 $0x380, v3;
	v2 =	vadd.s32 v2, v4  }
0x4db: {  	v50 =	vand.u32 $0x7F, v48;
	v2 =	vor.u32 v3, v2  }
0x4dc: {  	v2 =	vor.u32 v50, v2;
	v1 =	vld.idx.msk [tilespmem:v1+s25+$0x0], $0xffff;
	_ =	sdelay $0x4  }
0x4dd: {  	[tilespmem:v2+s20+$0x0] =	vst.idx.msk $0xffff, v1  }
0x4de: {  	v1 =	vld [tilespmem:$0xC0]  }
0x4df: {  	v2 =	vld [tilespmem:$0x1C0];
	_ =	sdelay $0x3  }
0x4e0: {  	v3 =	vld [tilespmem:$0x2C0]  }
0x4e1: {  	v53 =	vld [tilespmem:$0x3C0];
	v51 =	vshll.u32 v1, $0x9;
	v52 =	vshll.u32 v2, $0x3  }
0x4e2: {  	v1 =	vshll.u32 v1, $0x7;
	v4 =	vand.u32 $0xFFFFF000, v51;
	v5 =	vand.u32 $0xFFFFFC00, v52  }
0x4e3: {  	v1 =	vand.u32 $0x380, v1;
	v4 =	vadd.s32 v4, v5  }
0x4e4: {  	v2 =	vand.u32 $0x7F, v2;
	v1 =	vor.u32 v1, v4  }
0x4e5: {  	v1 =	vor.u32 v2, v1  }
0x4e6: {  	v54 =	vshll.u32 v53, $0x3;
	v2 =	vshll.u32 v3, $0x9  }
0x4e7: {  	v4 =	vand.u32 $0xFFFFFC00, v54;
	v3 =	vshll.u32 v3, $0x7;
	v2 =	vand.u32 $0xFFFFF000, v2  }
0x4e8: {  	v3 =	vand.u32 $0x380, v3;
	v2 =	vadd.s32 v2, v4  }
0x4e9: {  	v55 =	vand.u32 $0x7F, v53;
	v2 =	vor.u32 v3, v2  }
0x4ea: {  	v2 =	vor.u32 v55, v2;
	v1 =	vld.idx.msk [tilespmem:v1+s25+$0x0], $0xffff;
	_ =	sdelay $0x4  }
0x4eb: {  	[tilespmem:v2+s20+$0x0] =	vst.idx.msk $0xffff, v1  }
0x4ec: {  	v1 =	vld [tilespmem:$0xD0]  }
0x4ed: {  	v2 =	vld [tilespmem:$0x1D0];
	_ =	sdelay $0x3  }
0x4ee: {  	v3 =	vld [tilespmem:$0x2D0]  }
0x4ef: {  	v58 =	vld [tilespmem:$0x3D0];
	v56 =	vshll.u32 v1, $0x9;
	v57 =	vshll.u32 v2, $0x3  }
0x4f0: {  	v1 =	vshll.u32 v1, $0x7;
	v4 =	vand.u32 $0xFFFFF000, v56;
	v5 =	vand.u32 $0xFFFFFC00, v57  }
0x4f1: {  	v1 =	vand.u32 $0x380, v1;
	v4 =	vadd.s32 v4, v5  }
0x4f2: {  	v2 =	vand.u32 $0x7F, v2;
	v1 =	vor.u32 v1, v4  }
0x4f3: {  	v1 =	vor.u32 v2, v1  }
0x4f4: {  	v59 =	vshll.u32 v58, $0x3;
	v2 =	vshll.u32 v3, $0x9  }
0x4f5: {  	v4 =	vand.u32 $0xFFFFFC00, v59;
	v3 =	vshll.u32 v3, $0x7;
	v2 =	vand.u32 $0xFFFFF000, v2  }
0x4f6: {  	v3 =	vand.u32 $0x380, v3;
	v2 =	vadd.s32 v2, v4  }
0x4f7: {  	v60 =	vand.u32 $0x7F, v58;
	v2 =	vor.u32 v3, v2  }
0x4f8: {  	v2 =	vor.u32 v60, v2;
	v1 =	vld.idx.msk [tilespmem:v1+s25+$0x0], $0xffff;
	_ =	sdelay $0x4  }
0x4f9: {  	[tilespmem:v2+s20+$0x0] =	vst.idx.msk $0xffff, v1  }
0x4fa: {  	v1 =	vld [tilespmem:$0xE0]  }
0x4fb: {  	v2 =	vld [tilespmem:$0x1E0];
	_ =	sdelay $0x3  }
0x4fc: {  	v3 =	vld [tilespmem:$0x2E0]  }
0x4fd: {  	v63 =	vld [tilespmem:$0x3E0];
	v61 =	vshll.u32 v1, $0x9;
	v62 =	vshll.u32 v2, $0x3  }
0x4fe: {  	v1 =	vshll.u32 v1, $0x7;
	v4 =	vand.u32 $0xFFFFF000, v61;
	v5 =	vand.u32 $0xFFFFFC00, v62  }
0x4ff: {  	v1 =	vand.u32 $0x380, v1;
	v4 =	vadd.s32 v4, v5  }
0x500: {  	v2 =	vand.u32 $0x7F, v2;
	v1 =	vor.u32 v1, v4  }
0x501: {  	v1 =	vor.u32 v2, v1  }
0x502: {  	v9 =	vshll.u32 v63, $0x3;
	v2 =	vshll.u32 v3, $0x9  }
0x503: {  	v4 =	vand.u32 $0xFFFFFC00, v9;
	v3 =	vshll.u32 v3, $0x7;
	v2 =	vand.u32 $0xFFFFF000, v2  }
0x504: {  	v3 =	vand.u32 $0x380, v3;
	v2 =	vadd.s32 v2, v4  }
0x505: {  	v10 =	vand.u32 $0x7F, v63;
	v2 =	vor.u32 v3, v2  }
0x506: {  	v2 =	vor.u32 v10, v2;
	v1 =	vld.idx.msk [tilespmem:v1+s25+$0x0], $0xffff;
	_ =	sdelay $0x4  }
0x507: {  	[tilespmem:v2+s20+$0x0] =	vst.idx.msk $0xffff, v1  }
0x508: {  	v1 =	vld [tilespmem:$0xF0]  }
0x509: {  	v2 =	vld [tilespmem:$0x1F0];
	_ =	sdelay $0x3  }
0x50a: {  	v3 =	vld [tilespmem:$0x2F0]  }
0x50b: {  	v13 =	vld [tilespmem:$0x3F0];
	v11 =	vshll.u32 v1, $0x9;
	v12 =	vshll.u32 v2, $0x3  }
0x50c: {  	v1 =	vshll.u32 v1, $0x7;
	v4 =	vand.u32 $0xFFFFF000, v11;
	v5 =	vand.u32 $0xFFFFFC00, v12  }
0x50d: {  	v1 =	vand.u32 $0x380, v1;
	v4 =	vadd.s32 v4, v5  }
0x50e: {  	v2 =	vand.u32 $0x7F, v2;
	v1 =	vor.u32 v1, v4  }
0x50f: {  	v1 =	vor.u32 v2, v1  }
0x510: {  	v14 =	vshll.u32 v13, $0x3;
	v2 =	vshll.u32 v3, $0x9  }
0x511: {  	v4 =	vand.u32 $0xFFFFFC00, v14;
	v3 =	vshll.u32 v3, $0x7;
	v2 =	vand.u32 $0xFFFFF000, v2  }
0x512: {  	v3 =	vand.u32 $0x380, v3;
	v2 =	vadd.s32 v2, v4  }
0x513: {  	v15 =	vand.u32 $0x7F, v13;
	v2 =	vor.u32 v3, v2  }
0x514: {  	v2 =	vor.u32 v15, v2;
	v1 =	vld.idx.msk [tilespmem:v1+s25+$0x0], $0xffff;
	_ =	sdelay $0x4  }
0x515: {  	[tilespmem:v2+s20+$0x0] =	vst.idx.msk $0xffff, v1  }
0x516: {  	v1 =	vld [tilespmem:$0x0];
	_ =	sdelay $0x1  }
0x517: {  	v2 =	vld [tilespmem:$0x100];
	_ =	sdelay $0x2  }
0x518: {  	v16 =	vld [tilespmem:$0x200];
	v3 =	vshll.u32 v1, $0x9;
	v1 =	vshll.u32 v1, $0x7  }
0x519: {  	v3 =	vand.u32 $0xFFFFF000, v3;
	v1 =	vand.u32 $0x380, v1  }
0x51a: {  	v17 =	vand.u32 $0x7F, v2;
	v2 =	vshll.u32 v2, $0x3;
	v1 =	vor.u32 v1, v3;
	v3 =	vld [tilespmem:$0x300]  }
0x51b: {  	v2 =	vand.u32 $0xFFFFFC00, v2;
	v1 =	vor.u32 v17, v1  }
0x51c: {  	v1 =	vadd.s32 v2, v1  }
0x51d: {  	v4 =	vshll.u32 v16, $0x7;
	v2 =	vshll.u32 v16, $0x9;
	v1 =	vadd.s32 $0x2000, v1  }
0x51e: {  	v4 =	vand.u32 $0x380, v4;
	v2 =	vand.u32 $0xFFFFF000, v2  }
0x51f: {  	v2 =	vor.u32 v4, v2;
	v18 =	vand.u32 $0x7F, v3;
	v3 =	vshll.u32 v3, $0x3  }
0x520: {  	v3 =	vand.u32 $0xFFFFFC00, v3;
	v2 =	vor.u32 v18, v2  }
0x521: {  	v2 =	vadd.s32 v3, v2  }
0x522: {  	v1 =	vld.idx.msk [tilespmem:v1+s25+$0x0], $0xffff;
	v2 =	vadd.s32 $0x3000, v2;
	_ =	sdelay $0x4  }
0x523: {  	[tilespmem:v2+s20+$0x0] =	vst.idx.msk $0xffff, v1  }
0x524: {  	v1 =	vld [tilespmem:$0x10];
	_ =	sdelay $0x1  }
0x525: {  	v2 =	vld [tilespmem:$0x110];
	_ =	sdelay $0x2  }
0x526: {  	v19 =	vld [tilespmem:$0x210];
	v3 =	vshll.u32 v1, $0x9;
	v1 =	vshll.u32 v1, $0x7  }
0x527: {  	v3 =	vand.u32 $0xFFFFF000, v3;
	v1 =	vand.u32 $0x380, v1  }
0x528: {  	v20 =	vand.u32 $0x7F, v2;
	v2 =	vshll.u32 v2, $0x3;
	v1 =	vor.u32 v1, v3;
	v3 =	vld [tilespmem:$0x310]  }
0x529: {  	v2 =	vand.u32 $0xFFFFFC00, v2;
	v1 =	vor.u32 v20, v1  }
0x52a: {  	v1 =	vadd.s32 v2, v1  }
0x52b: {  	v4 =	vshll.u32 v19, $0x7;
	v2 =	vshll.u32 v19, $0x9;
	v1 =	vadd.s32 $0x2000, v1  }
0x52c: {  	v4 =	vand.u32 $0x380, v4;
	v2 =	vand.u32 $0xFFFFF000, v2  }
0x52d: {  	v2 =	vor.u32 v4, v2;
	v21 =	vand.u32 $0x7F, v3;
	v3 =	vshll.u32 v3, $0x3  }
0x52e: {  	v3 =	vand.u32 $0xFFFFFC00, v3;
	v2 =	vor.u32 v21, v2  }
0x52f: {  	v2 =	vadd.s32 v3, v2  }
0x530: {  	v1 =	vld.idx.msk [tilespmem:v1+s25+$0x0], $0xffff;
	v2 =	vadd.s32 $0x3000, v2;
	_ =	sdelay $0x4  }
0x531: {  	[tilespmem:v2+s20+$0x0] =	vst.idx.msk $0xffff, v1  }
0x532: {  	v1 =	vld [tilespmem:$0x20];
	_ =	sdelay $0x1  }
0x533: {  	v2 =	vld [tilespmem:$0x120];
	_ =	sdelay $0x2  }
0x534: {  	v22 =	vld [tilespmem:$0x220];
	v3 =	vshll.u32 v1, $0x9;
	v1 =	vshll.u32 v1, $0x7  }
0x535: {  	v3 =	vand.u32 $0xFFFFF000, v3;
	v1 =	vand.u32 $0x380, v1  }
0x536: {  	v23 =	vand.u32 $0x7F, v2;
	v2 =	vshll.u32 v2, $0x3;
	v1 =	vor.u32 v1, v3;
	v3 =	vld [tilespmem:$0x320]  }
0x537: {  	v2 =	vand.u32 $0xFFFFFC00, v2;
	v1 =	vor.u32 v23, v1  }
0x538: {  	v1 =	vadd.s32 v2, v1  }
0x539: {  	v4 =	vshll.u32 v22, $0x7;
	v2 =	vshll.u32 v22, $0x9;
	v1 =	vadd.s32 $0x2000, v1  }
0x53a: {  	v4 =	vand.u32 $0x380, v4;
	v2 =	vand.u32 $0xFFFFF000, v2  }
0x53b: {  	v2 =	vor.u32 v4, v2;
	v24 =	vand.u32 $0x7F, v3;
	v3 =	vshll.u32 v3, $0x3  }
0x53c: {  	v3 =	vand.u32 $0xFFFFFC00, v3;
	v2 =	vor.u32 v24, v2  }
0x53d: {  	v2 =	vadd.s32 v3, v2  }
0x53e: {  	v1 =	vld.idx.msk [tilespmem:v1+s25+$0x0], $0xffff;
	v2 =	vadd.s32 $0x3000, v2;
	_ =	sdelay $0x4  }
0x53f: {  	[tilespmem:v2+s20+$0x0] =	vst.idx.msk $0xffff, v1  }
0x540: {  	v1 =	vld [tilespmem:$0x30];
	_ =	sdelay $0x1  }
0x541: {  	v2 =	vld [tilespmem:$0x130];
	_ =	sdelay $0x2  }
0x542: {  	v25 =	vld [tilespmem:$0x230];
	v3 =	vshll.u32 v1, $0x9;
	v1 =	vshll.u32 v1, $0x7  }
0x543: {  	v3 =	vand.u32 $0xFFFFF000, v3;
	v1 =	vand.u32 $0x380, v1  }
0x544: {  	v26 =	vand.u32 $0x7F, v2;
	v2 =	vshll.u32 v2, $0x3;
	v1 =	vor.u32 v1, v3;
	v3 =	vld [tilespmem:$0x330]  }
0x545: {  	v2 =	vand.u32 $0xFFFFFC00, v2;
	v1 =	vor.u32 v26, v1  }
0x546: {  	v1 =	vadd.s32 v2, v1  }
0x547: {  	v4 =	vshll.u32 v25, $0x7;
	v2 =	vshll.u32 v25, $0x9;
	v1 =	vadd.s32 $0x2000, v1  }
0x548: {  	v4 =	vand.u32 $0x380, v4;
	v2 =	vand.u32 $0xFFFFF000, v2  }
0x549: {  	v2 =	vor.u32 v4, v2;
	v27 =	vand.u32 $0x7F, v3;
	v3 =	vshll.u32 v3, $0x3  }
0x54a: {  	v3 =	vand.u32 $0xFFFFFC00, v3;
	v2 =	vor.u32 v27, v2  }
0x54b: {  	v2 =	vadd.s32 v3, v2  }
0x54c: {  	v1 =	vld.idx.msk [tilespmem:v1+s25+$0x0], $0xffff;
	v2 =	vadd.s32 $0x3000, v2;
	_ =	sdelay $0x4  }
0x54d: {  	[tilespmem:v2+s20+$0x0] =	vst.idx.msk $0xffff, v1  }
0x54e: {  	v1 =	vld [tilespmem:$0x40];
	_ =	sdelay $0x1  }
0x54f: {  	v2 =	vld [tilespmem:$0x140];
	_ =	sdelay $0x2  }
0x550: {  	v28 =	vld [tilespmem:$0x240];
	v3 =	vshll.u32 v1, $0x9;
	v1 =	vshll.u32 v1, $0x7  }
0x551: {  	v3 =	vand.u32 $0xFFFFF000, v3;
	v1 =	vand.u32 $0x380, v1  }
0x552: {  	v29 =	vand.u32 $0x7F, v2;
	v2 =	vshll.u32 v2, $0x3;
	v1 =	vor.u32 v1, v3;
	v3 =	vld [tilespmem:$0x340]  }
0x553: {  	v2 =	vand.u32 $0xFFFFFC00, v2;
	v1 =	vor.u32 v29, v1  }
0x554: {  	v1 =	vadd.s32 v2, v1  }
0x555: {  	v4 =	vshll.u32 v28, $0x7;
	v2 =	vshll.u32 v28, $0x9;
	v1 =	vadd.s32 $0x2000, v1  }
0x556: {  	v4 =	vand.u32 $0x380, v4;
	v2 =	vand.u32 $0xFFFFF000, v2  }
0x557: {  	v2 =	vor.u32 v4, v2;
	v30 =	vand.u32 $0x7F, v3;
	v3 =	vshll.u32 v3, $0x3  }
0x558: {  	v3 =	vand.u32 $0xFFFFFC00, v3;
	v2 =	vor.u32 v30, v2  }
0x559: {  	v2 =	vadd.s32 v3, v2  }
0x55a: {  	v1 =	vld.idx.msk [tilespmem:v1+s25+$0x0], $0xffff;
	v2 =	vadd.s32 $0x3000, v2;
	_ =	sdelay $0x4  }
0x55b: {  	[tilespmem:v2+s20+$0x0] =	vst.idx.msk $0xffff, v1  }
0x55c: {  	v1 =	vld [tilespmem:$0x50];
	_ =	sdelay $0x1  }
0x55d: {  	v2 =	vld [tilespmem:$0x150];
	_ =	sdelay $0x2  }
0x55e: {  	v31 =	vld [tilespmem:$0x250];
	v3 =	vshll.u32 v1, $0x9;
	v1 =	vshll.u32 v1, $0x7  }
0x55f: {  	v3 =	vand.u32 $0xFFFFF000, v3;
	v1 =	vand.u32 $0x380, v1  }
0x560: {  	v32 =	vand.u32 $0x7F, v2;
	v2 =	vshll.u32 v2, $0x3;
	v1 =	vor.u32 v1, v3;
	v3 =	vld [tilespmem:$0x350]  }
0x561: {  	v2 =	vand.u32 $0xFFFFFC00, v2;
	v1 =	vor.u32 v32, v1  }
0x562: {  	v1 =	vadd.s32 v2, v1  }
0x563: {  	v4 =	vshll.u32 v31, $0x7;
	v2 =	vshll.u32 v31, $0x9;
	v1 =	vadd.s32 $0x2000, v1  }
0x564: {  	v4 =	vand.u32 $0x380, v4;
	v2 =	vand.u32 $0xFFFFF000, v2  }
0x565: {  	v2 =	vor.u32 v4, v2;
	v33 =	vand.u32 $0x7F, v3;
	v3 =	vshll.u32 v3, $0x3  }
0x566: {  	v3 =	vand.u32 $0xFFFFFC00, v3;
	v2 =	vor.u32 v33, v2  }
0x567: {  	v2 =	vadd.s32 v3, v2  }
0x568: {  	v1 =	vld.idx.msk [tilespmem:v1+s25+$0x0], $0xffff;
	v2 =	vadd.s32 $0x3000, v2;
	_ =	sdelay $0x4  }
0x569: {  	[tilespmem:v2+s20+$0x0] =	vst.idx.msk $0xffff, v1  }
0x56a: {  	v1 =	vld [tilespmem:$0x60];
	_ =	sdelay $0x1  }
0x56b: {  	v2 =	vld [tilespmem:$0x160];
	_ =	sdelay $0x2  }
0x56c: {  	v34 =	vld [tilespmem:$0x260];
	v3 =	vshll.u32 v1, $0x9;
	v1 =	vshll.u32 v1, $0x7  }
0x56d: {  	v3 =	vand.u32 $0xFFFFF000, v3;
	v1 =	vand.u32 $0x380, v1  }
0x56e: {  	v35 =	vand.u32 $0x7F, v2;
	v2 =	vshll.u32 v2, $0x3;
	v1 =	vor.u32 v1, v3;
	v3 =	vld [tilespmem:$0x360]  }
0x56f: {  	v2 =	vand.u32 $0xFFFFFC00, v2;
	v1 =	vor.u32 v35, v1  }
0x570: {  	v1 =	vadd.s32 v2, v1  }
0x571: {  	v4 =	vshll.u32 v34, $0x7;
	v2 =	vshll.u32 v34, $0x9;
	v1 =	vadd.s32 $0x2000, v1  }
0x572: {  	v4 =	vand.u32 $0x380, v4;
	v2 =	vand.u32 $0xFFFFF000, v2  }
0x573: {  	v2 =	vor.u32 v4, v2;
	v36 =	vand.u32 $0x7F, v3;
	v3 =	vshll.u32 v3, $0x3  }
0x574: {  	v3 =	vand.u32 $0xFFFFFC00, v3;
	v2 =	vor.u32 v36, v2  }
0x575: {  	v2 =	vadd.s32 v3, v2  }
0x576: {  	v1 =	vld.idx.msk [tilespmem:v1+s25+$0x0], $0xffff;
	v2 =	vadd.s32 $0x3000, v2;
	_ =	sdelay $0x4  }
0x577: {  	[tilespmem:v2+s20+$0x0] =	vst.idx.msk $0xffff, v1  }
0x578: {  	v1 =	vld [tilespmem:$0x70];
	_ =	sdelay $0x1  }
0x579: {  	v2 =	vld [tilespmem:$0x170];
	_ =	sdelay $0x2  }
0x57a: {  	v37 =	vld [tilespmem:$0x270];
	v3 =	vshll.u32 v1, $0x9;
	v1 =	vshll.u32 v1, $0x7  }
0x57b: {  	v3 =	vand.u32 $0xFFFFF000, v3;
	v1 =	vand.u32 $0x380, v1  }
0x57c: {  	v38 =	vand.u32 $0x7F, v2;
	v2 =	vshll.u32 v2, $0x3;
	v1 =	vor.u32 v1, v3;
	v3 =	vld [tilespmem:$0x370]  }
0x57d: {  	v2 =	vand.u32 $0xFFFFFC00, v2;
	v1 =	vor.u32 v38, v1  }
0x57e: {  	v1 =	vadd.s32 v2, v1  }
0x57f: {  	v4 =	vshll.u32 v37, $0x7;
	v2 =	vshll.u32 v37, $0x9;
	v1 =	vadd.s32 $0x2000, v1  }
0x580: {  	v4 =	vand.u32 $0x380, v4;
	v2 =	vand.u32 $0xFFFFF000, v2  }
0x581: {  	v2 =	vor.u32 v4, v2;
	v39 =	vand.u32 $0x7F, v3;
	v3 =	vshll.u32 v3, $0x3  }
0x582: {  	v3 =	vand.u32 $0xFFFFFC00, v3;
	v2 =	vor.u32 v39, v2  }
0x583: {  	v2 =	vadd.s32 v3, v2  }
0x584: {  	v1 =	vld.idx.msk [tilespmem:v1+s25+$0x0], $0xffff;
	v2 =	vadd.s32 $0x3000, v2;
	_ =	sdelay $0x4  }
0x585: {  	[tilespmem:v2+s20+$0x0] =	vst.idx.msk $0xffff, v1  }
0x586: {  	v1 =	vld [tilespmem:$0x80];
	_ =	sdelay $0x1  }
0x587: {  	v2 =	vld [tilespmem:$0x180];
	_ =	sdelay $0x2  }
0x588: {  	v40 =	vld [tilespmem:$0x280];
	v3 =	vshll.u32 v1, $0x9;
	v1 =	vshll.u32 v1, $0x7  }
0x589: {  	v3 =	vand.u32 $0xFFFFF000, v3;
	v1 =	vand.u32 $0x380, v1  }
0x58a: {  	v41 =	vand.u32 $0x7F, v2;
	v2 =	vshll.u32 v2, $0x3;
	v1 =	vor.u32 v1, v3;
	v3 =	vld [tilespmem:$0x380]  }
0x58b: {  	v2 =	vand.u32 $0xFFFFFC00, v2;
	v1 =	vor.u32 v41, v1  }
0x58c: {  	v1 =	vadd.s32 v2, v1  }
0x58d: {  	v4 =	vshll.u32 v40, $0x7;
	v2 =	vshll.u32 v40, $0x9;
	v1 =	vadd.s32 $0x2000, v1  }
0x58e: {  	v4 =	vand.u32 $0x380, v4;
	v2 =	vand.u32 $0xFFFFF000, v2  }
0x58f: {  	v2 =	vor.u32 v4, v2;
	v42 =	vand.u32 $0x7F, v3;
	v3 =	vshll.u32 v3, $0x3  }
0x590: {  	v3 =	vand.u32 $0xFFFFFC00, v3;
	v2 =	vor.u32 v42, v2  }
0x591: {  	v2 =	vadd.s32 v3, v2  }
0x592: {  	v1 =	vld.idx.msk [tilespmem:v1+s25+$0x0], $0xffff;
	v2 =	vadd.s32 $0x3000, v2;
	_ =	sdelay $0x4  }
0x593: {  	[tilespmem:v2+s20+$0x0] =	vst.idx.msk $0xffff, v1  }
0x594: {  	v1 =	vld [tilespmem:$0x90];
	_ =	sdelay $0x1  }
0x595: {  	v2 =	vld [tilespmem:$0x190];
	_ =	sdelay $0x2  }
0x596: {  	v43 =	vld [tilespmem:$0x290];
	v3 =	vshll.u32 v1, $0x9;
	v1 =	vshll.u32 v1, $0x7  }
0x597: {  	v3 =	vand.u32 $0xFFFFF000, v3;
	v1 =	vand.u32 $0x380, v1  }
0x598: {  	v44 =	vand.u32 $0x7F, v2;
	v2 =	vshll.u32 v2, $0x3;
	v1 =	vor.u32 v1, v3;
	v3 =	vld [tilespmem:$0x390]  }
0x599: {  	v2 =	vand.u32 $0xFFFFFC00, v2;
	v1 =	vor.u32 v44, v1  }
0x59a: {  	v1 =	vadd.s32 v2, v1  }
0x59b: {  	v4 =	vshll.u32 v43, $0x7;
	v2 =	vshll.u32 v43, $0x9;
	v1 =	vadd.s32 $0x2000, v1  }
0x59c: {  	v4 =	vand.u32 $0x380, v4;
	v2 =	vand.u32 $0xFFFFF000, v2  }
0x59d: {  	v2 =	vor.u32 v4, v2;
	v45 =	vand.u32 $0x7F, v3;
	v3 =	vshll.u32 v3, $0x3  }
0x59e: {  	v3 =	vand.u32 $0xFFFFFC00, v3;
	v2 =	vor.u32 v45, v2  }
0x59f: {  	v2 =	vadd.s32 v3, v2  }
0x5a0: {  	v1 =	vld.idx.msk [tilespmem:v1+s25+$0x0], $0xffff;
	v2 =	vadd.s32 $0x3000, v2;
	_ =	sdelay $0x4  }
0x5a1: {  	[tilespmem:v2+s20+$0x0] =	vst.idx.msk $0xffff, v1  }
0x5a2: {  	v1 =	vld [tilespmem:$0xA0];
	_ =	sdelay $0x1  }
0x5a3: {  	v2 =	vld [tilespmem:$0x1A0];
	_ =	sdelay $0x2  }
0x5a4: {  	v46 =	vld [tilespmem:$0x2A0];
	v3 =	vshll.u32 v1, $0x9;
	v1 =	vshll.u32 v1, $0x7  }
0x5a5: {  	v3 =	vand.u32 $0xFFFFF000, v3;
	v1 =	vand.u32 $0x380, v1  }
0x5a6: {  	v47 =	vand.u32 $0x7F, v2;
	v2 =	vshll.u32 v2, $0x3;
	v1 =	vor.u32 v1, v3;
	v3 =	vld [tilespmem:$0x3A0]  }
0x5a7: {  	v2 =	vand.u32 $0xFFFFFC00, v2;
	v1 =	vor.u32 v47, v1  }
0x5a8: {  	v1 =	vadd.s32 v2, v1  }
0x5a9: {  	v4 =	vshll.u32 v46, $0x7;
	v2 =	vshll.u32 v46, $0x9;
	v1 =	vadd.s32 $0x2000, v1  }
0x5aa: {  	v4 =	vand.u32 $0x380, v4;
	v2 =	vand.u32 $0xFFFFF000, v2  }
0x5ab: {  	v2 =	vor.u32 v4, v2;
	v48 =	vand.u32 $0x7F, v3;
	v3 =	vshll.u32 v3, $0x3  }
0x5ac: {  	v3 =	vand.u32 $0xFFFFFC00, v3;
	v2 =	vor.u32 v48, v2  }
0x5ad: {  	v2 =	vadd.s32 v3, v2  }
0x5ae: {  	v1 =	vld.idx.msk [tilespmem:v1+s25+$0x0], $0xffff;
	v2 =	vadd.s32 $0x3000, v2;
	_ =	sdelay $0x4  }
0x5af: {  	[tilespmem:v2+s20+$0x0] =	vst.idx.msk $0xffff, v1  }
0x5b0: {  	v1 =	vld [tilespmem:$0xB0];
	_ =	sdelay $0x1  }
0x5b1: {  	v2 =	vld [tilespmem:$0x1B0];
	_ =	sdelay $0x2  }
0x5b2: {  	v49 =	vld [tilespmem:$0x2B0];
	v3 =	vshll.u32 v1, $0x9;
	v1 =	vshll.u32 v1, $0x7  }
0x5b3: {  	v3 =	vand.u32 $0xFFFFF000, v3;
	v1 =	vand.u32 $0x380, v1  }
0x5b4: {  	v50 =	vand.u32 $0x7F, v2;
	v2 =	vshll.u32 v2, $0x3;
	v1 =	vor.u32 v1, v3;
	v3 =	vld [tilespmem:$0x3B0]  }
0x5b5: {  	v2 =	vand.u32 $0xFFFFFC00, v2;
	v1 =	vor.u32 v50, v1  }
0x5b6: {  	v1 =	vadd.s32 v2, v1  }
0x5b7: {  	v4 =	vshll.u32 v49, $0x7;
	v2 =	vshll.u32 v49, $0x9;
	v1 =	vadd.s32 $0x2000, v1  }
0x5b8: {  	v4 =	vand.u32 $0x380, v4;
	v2 =	vand.u32 $0xFFFFF000, v2  }
0x5b9: {  	v2 =	vor.u32 v4, v2;
	v51 =	vand.u32 $0x7F, v3;
	v3 =	vshll.u32 v3, $0x3  }
0x5ba: {  	v3 =	vand.u32 $0xFFFFFC00, v3;
	v2 =	vor.u32 v51, v2  }
0x5bb: {  	v2 =	vadd.s32 v3, v2  }
0x5bc: {  	v1 =	vld.idx.msk [tilespmem:v1+s25+$0x0], $0xffff;
	v2 =	vadd.s32 $0x3000, v2;
	_ =	sdelay $0x4  }
0x5bd: {  	[tilespmem:v2+s20+$0x0] =	vst.idx.msk $0xffff, v1  }
0x5be: {  	v1 =	vld [tilespmem:$0xC0];
	_ =	sdelay $0x1  }
0x5bf: {  	v2 =	vld [tilespmem:$0x1C0];
	_ =	sdelay $0x2  }
0x5c0: {  	v52 =	vld [tilespmem:$0x2C0];
	v3 =	vshll.u32 v1, $0x9;
	v1 =	vshll.u32 v1, $0x7  }
0x5c1: {  	v3 =	vand.u32 $0xFFFFF000, v3;
	v1 =	vand.u32 $0x380, v1  }
0x5c2: {  	v53 =	vand.u32 $0x7F, v2;
	v2 =	vshll.u32 v2, $0x3;
	v1 =	vor.u32 v1, v3;
	v3 =	vld [tilespmem:$0x3C0]  }
0x5c3: {  	v2 =	vand.u32 $0xFFFFFC00, v2;
	v1 =	vor.u32 v53, v1  }
0x5c4: {  	v1 =	vadd.s32 v2, v1  }
0x5c5: {  	v4 =	vshll.u32 v52, $0x7;
	v2 =	vshll.u32 v52, $0x9;
	v1 =	vadd.s32 $0x2000, v1  }
0x5c6: {  	v4 =	vand.u32 $0x380, v4;
	v2 =	vand.u32 $0xFFFFF000, v2  }
0x5c7: {  	v2 =	vor.u32 v4, v2;
	v54 =	vand.u32 $0x7F, v3;
	v3 =	vshll.u32 v3, $0x3  }
0x5c8: {  	v3 =	vand.u32 $0xFFFFFC00, v3;
	v2 =	vor.u32 v54, v2  }
0x5c9: {  	v2 =	vadd.s32 v3, v2  }
0x5ca: {  	v1 =	vld.idx.msk [tilespmem:v1+s25+$0x0], $0xffff;
	v2 =	vadd.s32 $0x3000, v2;
	_ =	sdelay $0x4  }
0x5cb: {  	[tilespmem:v2+s20+$0x0] =	vst.idx.msk $0xffff, v1  }
0x5cc: {  	v1 =	vld [tilespmem:$0xD0];
	_ =	sdelay $0x1  }
0x5cd: {  	v2 =	vld [tilespmem:$0x1D0];
	_ =	sdelay $0x2  }
0x5ce: {  	v55 =	vld [tilespmem:$0x2D0];
	v3 =	vshll.u32 v1, $0x9;
	v1 =	vshll.u32 v1, $0x7  }
0x5cf: {  	v3 =	vand.u32 $0xFFFFF000, v3;
	v1 =	vand.u32 $0x380, v1  }
0x5d0: {  	v56 =	vand.u32 $0x7F, v2;
	v2 =	vshll.u32 v2, $0x3;
	v1 =	vor.u32 v1, v3;
	v3 =	vld [tilespmem:$0x3D0]  }
0x5d1: {  	v2 =	vand.u32 $0xFFFFFC00, v2;
	v1 =	vor.u32 v56, v1  }
0x5d2: {  	v1 =	vadd.s32 v2, v1  }
0x5d3: {  	v4 =	vshll.u32 v55, $0x7;
	v2 =	vshll.u32 v55, $0x9;
	v1 =	vadd.s32 $0x2000, v1  }
0x5d4: {  	v4 =	vand.u32 $0x380, v4;
	v2 =	vand.u32 $0xFFFFF000, v2  }
0x5d5: {  	v2 =	vor.u32 v4, v2;
	v57 =	vand.u32 $0x7F, v3;
	v3 =	vshll.u32 v3, $0x3  }
0x5d6: {  	v3 =	vand.u32 $0xFFFFFC00, v3;
	v2 =	vor.u32 v57, v2  }
0x5d7: {  	v2 =	vadd.s32 v3, v2  }
0x5d8: {  	v1 =	vld.idx.msk [tilespmem:v1+s25+$0x0], $0xffff;
	v2 =	vadd.s32 $0x3000, v2;
	_ =	sdelay $0x4  }
0x5d9: {  	[tilespmem:v2+s20+$0x0] =	vst.idx.msk $0xffff, v1  }
0x5da: {  	v1 =	vld [tilespmem:$0xE0];
	_ =	sdelay $0x1  }
0x5db: {  	v2 =	vld [tilespmem:$0x1E0];
	_ =	sdelay $0x2  }
0x5dc: {  	v58 =	vld [tilespmem:$0x2E0];
	v3 =	vshll.u32 v1, $0x9;
	v1 =	vshll.u32 v1, $0x7  }
0x5dd: {  	v3 =	vand.u32 $0xFFFFF000, v3;
	v1 =	vand.u32 $0x380, v1  }
0x5de: {  	v59 =	vand.u32 $0x7F, v2;
	v2 =	vshll.u32 v2, $0x3;
	v1 =	vor.u32 v1, v3;
	v3 =	vld [tilespmem:$0x3E0]  }
0x5df: {  	v2 =	vand.u32 $0xFFFFFC00, v2;
	v1 =	vor.u32 v59, v1  }
0x5e0: {  	v1 =	vadd.s32 v2, v1  }
0x5e1: {  	v4 =	vshll.u32 v58, $0x7;
	v2 =	vshll.u32 v58, $0x9;
	v1 =	vadd.s32 $0x2000, v1  }
0x5e2: {  	v4 =	vand.u32 $0x380, v4;
	v2 =	vand.u32 $0xFFFFF000, v2  }
0x5e3: {  	v2 =	vor.u32 v4, v2;
	v60 =	vand.u32 $0x7F, v3;
	v3 =	vshll.u32 v3, $0x3  }
0x5e4: {  	v3 =	vand.u32 $0xFFFFFC00, v3;
	v2 =	vor.u32 v60, v2  }
0x5e5: {  	v2 =	vadd.s32 v3, v2  }
0x5e6: {  	v1 =	vld.idx.msk [tilespmem:v1+s25+$0x0], $0xffff;
	v2 =	vadd.s32 $0x3000, v2;
	_ =	sdelay $0x4  }
0x5e7: {  	[tilespmem:v2+s20+$0x0] =	vst.idx.msk $0xffff, v1  }
0x5e8: {  	v1 =	vld [tilespmem:$0xF0];
	_ =	sdelay $0x1  }
0x5e9: {  	v2 =	vld [tilespmem:$0x1F0];
	_ =	sdelay $0x2  }
0x5ea: {  	v61 =	vld [tilespmem:$0x2F0];
	v3 =	vshll.u32 v1, $0x9;
	v1 =	vshll.u32 v1, $0x7  }
0x5eb: {  	v3 =	vand.u32 $0xFFFFF000, v3;
	v1 =	vand.u32 $0x380, v1  }
0x5ec: {  	v62 =	vand.u32 $0x7F, v2;
	v2 =	vshll.u32 v2, $0x3;
	v1 =	vor.u32 v1, v3;
	v3 =	vld [tilespmem:$0x3F0]  }
0x5ed: {  	v2 =	vand.u32 $0xFFFFFC00, v2;
	v1 =	vor.u32 v62, v1  }
0x5ee: {  	v1 =	vadd.s32 v2, v1  }
0x5ef: {  	v4 =	vshll.u32 v61, $0x7;
	v2 =	vshll.u32 v61, $0x9;
	v1 =	vadd.s32 $0x2000, v1  }
0x5f0: {  	v4 =	vand.u32 $0x380, v4;
	v2 =	vand.u32 $0xFFFFF000, v2  }
0x5f1: {  	v2 =	vor.u32 v4, v2;
	v63 =	vand.u32 $0x7F, v3;
	v3 =	vshll.u32 v3, $0x3  }
0x5f2: {  	v3 =	vand.u32 $0xFFFFFC00, v3;
	v2 =	vor.u32 v63, v2  }
0x5f3: {  	v2 =	vadd.s32 v3, v2  }
0x5f4: {  	v1 =	vld.idx.msk [tilespmem:v1+s25+$0x0], $0xffff;
	v2 =	vadd.s32 $0x3000, v2;
	_ =	sdelay $0x3  }
.Ltmp4:
0x5f5: {  	_ = 	snop;
	(pc) =	sbr.rel @p0 .LBB2_8-.Ltmp4, $4  }
0x5f6: {  	s5 =	sadd.s32 $0x10000, s15;
	[tilespmem:v2+s20+$0x0] =	vst.idx.msk $0xffff, v1  }
0x5f7: {  	[hbm4b:s5+s4] =	stream.linear.scatter [tilespmem:s20], [sflag:$0x4], $0x2000, $0x38;
	[tilespmem:$0x14400] =	vst v63  }
0x5f8: {  	s5 =	sadd.s32 $0x8000, s5  }
0x5f9: {  	[hbm4b:s5+s4] =	stream.linear.scatter [tilespmem:s21], [sflag:$0x4], $0x2000, $0x38;
	[tilespmem:$0x14400] =	vst v63  }
.Ltmp5:
0x5fa: {  	(pc) =	sbr.rel .LBB2_2-.Ltmp5, $3  }
0x5fb: {  	_ =	sdelay $0x1  }
0x5fc: {  	s5 =	sadd.s32 s2, s11;
	s2 =	sadd.s32 $0x20000, s2;
	s12 =	sadd.s32 $0x100000, s12  }
0x5fd: {  	[tilespmem:s25], [sflag:$0x2] =	stream.strided.gather [hbm4b:s5+s22], $0x4000, s23, s22, $0x38;
	[tilespmem:$0x14400] =	vst v63  }
.LBB2_9:
0x5fe: {  	_ =	sfence.sel $0x180000  }
0x5ff: {  	[bflag:$0x0] =	sbarrier.arrive $0xFFFF  }
0x600: {  	_ =	strace $0x90000047  }
0x601: {  	s0 =	stileid.u32;
	[bflag:$0x2] =	sbarrier.arrive $0xFFFF  }
0x602: {  	p0 =	sne.s32 s0, $0x0;
	s0 =	rddreg [dreg:$0x4]  }
0x603: {  	s0 =	sadd.s32 @!p0 $0x100000, s0  }
0x604: {  	[sflag:s0] =	ssyncadd.tile.s32 @!p0 $0x1;
	_ =	shalt  }
.Lfunc_end2:
_tile_overlayer_lowered:
.L_overlay_start_2:
0x605: {  	(tag) =	ssettag $0x2  }
0x606: {  	s0 =	rddreg [dreg:$0x0];
	s2 =	stileid.u32  }
0x607: {  	s1 =	rddreg [dreg:$0x1];
	p0 =	sne.s32 s2, $0x0  }
0x608: {  	s3 =	rddreg [dreg:$0x2];
	[bflag:$0x3] =	sbarrier.arrive $0xFFFF;
	s2 =	simm.s32 @!p0 $0x1C05  }
0x609: {  	[timem:s3], [sflag:s2] =	dma.local @!p0 [hbm:s0], s1  }
0x60a: {  	s0 =	simm.s32 @!p0 $0x5  }
0x60b: {  	_ =	swait.ge @!p0 [sflag:s0], s1  }
0x60c: {  	s1 =	ssub.s32 @!p0 $0x0, s1;
	[sflag:s0] =	ssyncset.done @!p0 $0x0  }
0x60d: {  	[sflag:s0] =	ssyncadd.s32 @!p0 s1  }
0x60e: {  	[bflag:$0x3] =	sbarrier.arrive $0xFFFF  }
0x60f: {  	_ =	shalt  }

</sc_bundles>
